<compile_context>
chip_gen: v7x
topology: tpu7x:2x2x1
jax: 0.10.2.dev20260603
libtpu: 0.0.44.dev20260713+nightly
codegen_flags: <defaults>
</compile_context>

<pallas_src>
import functools
import math

import jax
import jax.numpy as jnp
from jax import lax
from jax.experimental import pallas as pl
from jax.experimental.pallas import tpu as pltpu
from jax.experimental.pallas import tpu_sc as plsc

_LANES = 16


def _build_sc_embed(B, S, V, D, MAXS, NC, NS):
    NW = NC * NS
    pos_per_w = S // NW
    P = 8
    n_chunks = pos_per_w // P
    vecs_per_row = D // _LANES
    scale = math.sqrt(float(D))
    mesh = plsc.VectorSubcoreMesh(core_axis_name="c", subcore_axis_name="s")

    NBUF = 3

    @functools.partial(
        pl.kernel,
        out_type=jax.ShapeDtypeStruct((B, S, D), jnp.float32),
        mesh=mesh,
        scratch_types=[
            pltpu.VMEM((B, pos_per_w), jnp.int32),
            pltpu.VMEM((NBUF, B * P, D), jnp.float32),
            pltpu.VMEM((NBUF, P, D), jnp.float32),
        ] + [pltpu.SemaphoreType.DMA] * (2 * NBUF),
    )
    def sc_embed(x_hbm, table_hbm, pe_hbm, out_hbm, idx_v, rows_v, pe_v,
                 *sems):
        wid = lax.axis_index("s") * NC + lax.axis_index("c")
        pos_base = wid * pos_per_w
        gsems = sems[:NBUF]
        ssems = sems[NBUF:]

        pltpu.sync_copy(x_hbm.at[:, pl.ds(pos_base, pos_per_w)], idx_v)

        def gather_descs(c, buf):
            descs = []
            for b in range(B):
                descs.append((
                    table_hbm.at[idx_v.at[b, pl.ds(c * P, P)]],
                    rows_v.at[buf, pl.ds(b * P, P)],
                    gsems[buf]))
            descs.append((
                pe_hbm.at[0, pl.ds(pos_base + c * P, P)],
                pe_v.at[buf],
                gsems[buf]))
            return descs

        def store_descs(c, buf):
            return [(rows_v.at[buf, pl.ds(b * P, P)],
                     out_hbm.at[b, pl.ds(pos_base + c * P, P)],
                     ssems[buf])
                    for b in range(B)]

        for c0 in range(NBUF - 1):
            for src, dst, sem in gather_descs(c0, c0):
                pltpu.async_copy(src, dst, sem)

        n_t = (n_chunks - 1) // NBUF

        def compute_chunk(k):
            def vec_body(i, k=k):
                p = i // vecs_per_row
                j = i - p * vecs_per_row
                sl = pl.ds(j * _LANES, _LANES)
                pv = pe_v[k, p, sl]
                for b in range(B):
                    r = b * P + p
                    rows_v[k, r, sl] = rows_v[k, r, sl] * scale + pv

            plsc.parallel_loop(0, P * vecs_per_row, unroll=4)(vec_body)

        def round_body(t, carry):
            for k in range(NBUF):
                c = t * NBUF + k
                kprev = (k + NBUF - 1) % NBUF

                for src, dst, sem in gather_descs(c, k):
                    pltpu.make_async_copy(src, dst, sem).wait()
                compute_chunk(k)

                def _wait_prev_store(c=c, kprev=kprev):
                    for src, dst, sem in store_descs(c - 1, kprev):
                        pltpu.make_async_copy(src, dst, sem).wait()

                def _issue_next(c=c, kprev=kprev):
                    for src, dst, sem in gather_descs(c + NBUF - 1, kprev):
                        pltpu.async_copy(src, dst, sem)

                if k == 0:
                    pl.when(t >= 1)(_wait_prev_store)
                else:
                    _wait_prev_store()
                t_lim = -(-(n_chunks - k - NBUF + 1) // NBUF)
                if t_lim >= n_t:
                    _issue_next()
                else:
                    pl.when(t < t_lim)(_issue_next)

                for src, dst, sem in store_descs(c, k):
                    pltpu.async_copy(src, dst, sem)
            return carry

        lax.fori_loop(0, n_t, round_body, 0)
        for c in range(NBUF * n_t, n_chunks):
            k = c % NBUF
            for src, dst, sem in gather_descs(c, k):
                pltpu.make_async_copy(src, dst, sem).wait()
            compute_chunk(k)
            for src, dst, sem in store_descs(c, k):
                pltpu.async_copy(src, dst, sem)
        for c in range(NBUF * n_t - 1, n_chunks):
            for src, dst, sem in store_descs(c, c % NBUF):
                pltpu.make_async_copy(src, dst, sem).wait()

    return sc_embed


@jax.jit
def kernel(x, table, pe):
    B, S = x.shape
    V, D = table.shape
    info = plsc.get_sparse_core_info()
    sc_embed = _build_sc_embed(B, S, V, D, pe.shape[1],
                               info.num_cores, info.num_subcores)
    x32 = x.astype(jnp.int32)
    return sc_embed(x32, table, pe)

# --- scband reference (transcript-rebuilt; emitter-appended) ---
"""Pipeline reference for scband-positional-embedding-82111184764939 (READ-ONLY COPY).

The authoritative reference and input builder live on the scoring server;
editing this copy changes nothing except your own understanding.
"""

import jax, jax.numpy as jnp
import numpy as np

VOCAB = 100000
D_MODEL = 1024
MAX_SEQ = 8192
B = 4
S = 4096


def _make_pe():
    pe = jnp.zeros((MAX_SEQ, D_MODEL), dtype=jnp.float32)
    position = jnp.arange(0, MAX_SEQ, dtype=jnp.float32)[:, None]
    step = jnp.arange(0, D_MODEL, 2, dtype=jnp.float32)
    scale = -jnp.log(jnp.float32(10000.0)) / D_MODEL
    div_term = jnp.exp(step * scale)
    pe = pe.at[:, 0::2].set(jnp.sin(position * div_term))
    pe = pe.at[:, 1::2].set(jnp.cos(position * div_term))
    return pe[None, :, :]


def setup_inputs(seed: int = 0) -> dict:
    key = jax.random.key(seed)
    k1, k2 = jax.random.split(key)
    x = jax.random.randint(k1, (B, S), 0, VOCAB, dtype=jnp.int64)
    table = jax.random.normal(k2, (VOCAB, D_MODEL), dtype=jnp.float32)
    pe = _make_pe()
    return {"x": x, "table": table, "pe": pe}


def reference(x, table, pe):
    scale = jnp.sqrt(jnp.float32(D_MODEL))
    tokens = jnp.take(table, x, axis=0) * scale
    return tokens + pe[:, : x.shape[1], :]

if __name__ == "__main__":
    import jax
    _d = setup_inputs()
    print(jax.jit(kernel)(*tuple(_d.values())))

</pallas_src>

<mosaic_0001>
#map = affine_map<(d0, d1) -> (0, 0)>
#map1 = affine_map<(d0, d1) -> (0, 0, 0)>
module attributes {stable_mosaic.version = 14 : i64} {
  func.func @sc_embed(%arg0: i32, %arg1: i32, %arg2: memref<4x4096xi32, #tpu.memory_space<hbm>>, %arg3: memref<100000x1024xf32, #tpu.memory_space<hbm>>, %arg4: memref<1x8192x1024xf32, #tpu.memory_space<hbm>>, %arg5: memref<4x4096x1024xf32, #tpu.memory_space<hbm>>, %arg6: memref<4x128xi32, #tpu.memory_space<vmem>>, %arg7: memref<3x32x1024xf32, #tpu.memory_space<vmem>>, %arg8: memref<3x8x1024xf32, #tpu.memory_space<vmem>>, %arg9: memref<!tpu.dma_semaphore, #tpu.memory_space<semaphore_mem>>, %arg10: memref<!tpu.dma_semaphore, #tpu.memory_space<semaphore_mem>>, %arg11: memref<!tpu.dma_semaphore, #tpu.memory_space<semaphore_mem>>, %arg12: memref<!tpu.dma_semaphore, #tpu.memory_space<semaphore_mem>>, %arg13: memref<!tpu.dma_semaphore, #tpu.memory_space<semaphore_mem>>, %arg14: memref<!tpu.dma_semaphore, #tpu.memory_space<semaphore_mem>>) attributes {dimension_semantics = [#tpu.dimension_semantics<core_parallel>, #tpu.dimension_semantics<subcore_parallel>], iteration_bounds = array<i64: 2, 16>, scalar_prefetch = 0 : i64, scratch_operands = 9 : i64, tpu.core_type = #tpu.core_type<sc_vector_subcore>, window_params = [{transform_indices = #map}, {transform_indices = #map}, {transform_indices = #map1}, {transform_indices = #map1}]} {
    %mul3A = arith.constant 2 : i32
    %mul3A_0 = arith.muli %arg1, %mul3A : i32
    %add3A = arith.addi %mul3A_0, %arg0 : i32
    %mul3A_1 = arith.constant 128 : i32
    %mul3A_2 = arith.muli %add3A, %mul3A_1 : i32
    "tpu.region"() ({
      %run_scoped3A = tpu.sem_alloc : memref<!tpu.dma_semaphore, #tpu.memory_space<semaphore_mem>>
      %dma_start3A_422 = arith.constant 0 : i32
      %dma_start3A_423 = tpu.memref_slice %arg2[%dma_start3A_422, %mul3A_2] : memref<4x4096xi32, #tpu.memory_space<hbm>> -> memref<4x128xi32, #tpu.memory_space<hbm>>
      %dma_start3A_424 = arith.constant 0 : i32
      %dma_start3A_425 = tpu.memref_slice %arg2[%dma_start3A_424, %mul3A_2] : memref<4x4096xi32, #tpu.memory_space<hbm>> -> memref<4x128xi32, #tpu.memory_space<hbm>>
      tpu.enqueue_dma source(%dma_start3A_425 : memref<4x128xi32, #tpu.memory_space<hbm>>) target(%arg6 : memref<4x128xi32, #tpu.memory_space<vmem>>) target_semaphore(%run_scoped3A : memref<!tpu.dma_semaphore, #tpu.memory_space<semaphore_mem>>)
      %dma_wait3A_426 = arith.constant 0 : i32
      %dma_wait3A_427 = tpu.memref_slice %arg2[%dma_wait3A_426, %mul3A_2] : memref<4x4096xi32, #tpu.memory_space<hbm>> -> memref<4x128xi32, #tpu.memory_space<hbm>>
      %dma_wait3A_428 = arith.constant 0 : i32
      %dma_wait3A_429 = tpu.memref_slice %arg2[%dma_wait3A_428, %mul3A_2] : memref<4x4096xi32, #tpu.memory_space<hbm>> -> memref<4x128xi32, #tpu.memory_space<hbm>>
      tpu.wait_dma2 semaphore(%run_scoped3A : memref<!tpu.dma_semaphore, #tpu.memory_space<semaphore_mem>>) src(%dma_wait3A_429 : memref<4x128xi32, #tpu.memory_space<hbm>>) dst(%arg6 : memref<4x128xi32, #tpu.memory_space<vmem>>)
      tpu.yield
    }) : () -> ()
    %add3A_3 = arith.constant 0 : i32
    %add3A_4 = arith.addi %mul3A_2, %add3A_3 : i32
    %dma_start3A = arith.constant 0 : i32
    %dma_start3A_5 = arith.constant 0 : i32
    %dma_start3A_6 = arith.constant 0 : i32
    %dma_start3A_7 = arith.constant 0 : i32
    %dma_start3A_8 = tpu.memref_slice %arg7[%dma_start3A_5, %dma_start3A_6, %dma_start3A_7] : memref<3x32x1024xf32, #tpu.memory_space<vmem>> -> memref<1x8x1024xf32, #tpu.memory_space<vmem>>
    %dma_start3A_9 = tpu.memref_squeeze %dma_start3A_8 : memref<1x8x1024xf32, #tpu.memory_space<vmem>> -> memref<8x1024xf32, #tpu.memory_space<vmem>>
    %dma_start3A_10 = arith.constant 0 : i32
    %dma_start3A_11 = tpu.memref_slice %arg6[%dma_start3A, %dma_start3A_10] : memref<4x128xi32, #tpu.memory_space<vmem>> -> memref<1x8xi32, #tpu.memory_space<vmem>>
    %dma_start3A_12 = tpu.memref_squeeze %dma_start3A_11 : memref<1x8xi32, #tpu.memory_space<vmem>> -> memref<8xi32, #tpu.memory_space<vmem>>
    %dma_start3A_13 = arith.constant 0 : i32
    %dma_start3A_14 = arith.constant 0 : i32
    %dma_start3A_15 = tpu.memref_slice %arg3[%dma_start3A_13, %dma_start3A_14] : memref<100000x1024xf32, #tpu.memory_space<hbm>> -> memref<100000x1024xf32, #tpu.memory_space<hbm>>
    tpu.enqueue_indirect_dma source(%dma_start3A_15 : memref<100000x1024xf32, #tpu.memory_space<hbm>>) target(%dma_start3A_9 : memref<8x1024xf32, #tpu.memory_space<vmem>>) offsets(%dma_start3A_12 : memref<8xi32, #tpu.memory_space<vmem>>) semaphore(%arg9 : memref<!tpu.dma_semaphore, #tpu.memory_space<semaphore_mem>>)
    %dma_start3A_16 = arith.constant 1 : i32
    %dma_start3A_17 = arith.constant 0 : i32
    %dma_start3A_18 = arith.constant 8 : i32
    %dma_start3A_19 = arith.constant 0 : i32
    %dma_start3A_20 = tpu.memref_slice %arg7[%dma_start3A_17, %dma_start3A_18, %dma_start3A_19] : memref<3x32x1024xf32, #tpu.memory_space<vmem>> -> memref<1x8x1024xf32, #tpu.memory_space<vmem>>
    %dma_start3A_21 = tpu.memref_squeeze %dma_start3A_20 : memref<1x8x1024xf32, #tpu.memory_space<vmem>> -> memref<8x1024xf32, #tpu.memory_space<vmem>>
    %dma_start3A_22 = arith.constant 0 : i32
    %dma_start3A_23 = tpu.memref_slice %arg6[%dma_start3A_16, %dma_start3A_22] : memref<4x128xi32, #tpu.memory_space<vmem>> -> memref<1x8xi32, #tpu.memory_space<vmem>>
    %dma_start3A_24 = tpu.memref_squeeze %dma_start3A_23 : memref<1x8xi32, #tpu.memory_space<vmem>> -> memref<8xi32, #tpu.memory_space<vmem>>
    %dma_start3A_25 = arith.constant 0 : i32
    %dma_start3A_26 = arith.constant 0 : i32
    %dma_start3A_27 = tpu.memref_slice %arg3[%dma_start3A_25, %dma_start3A_26] : memref<100000x1024xf32, #tpu.memory_space<hbm>> -> memref<100000x1024xf32, #tpu.memory_space<hbm>>
    tpu.enqueue_indirect_dma source(%dma_start3A_27 : memref<100000x1024xf32, #tpu.memory_space<hbm>>) target(%dma_start3A_21 : memref<8x1024xf32, #tpu.memory_space<vmem>>) offsets(%dma_start3A_24 : memref<8xi32, #tpu.memory_space<vmem>>) semaphore(%arg9 : memref<!tpu.dma_semaphore, #tpu.memory_space<semaphore_mem>>)
    %dma_start3A_28 = arith.constant 2 : i32
    %dma_start3A_29 = arith.constant 0 : i32
    %dma_start3A_30 = arith.constant 16 : i32
    %dma_start3A_31 = arith.constant 0 : i32
    %dma_start3A_32 = tpu.memref_slice %arg7[%dma_start3A_29, %dma_start3A_30, %dma_start3A_31] : memref<3x32x1024xf32, #tpu.memory_space<vmem>> -> memref<1x8x1024xf32, #tpu.memory_space<vmem>>
    %dma_start3A_33 = tpu.memref_squeeze %dma_start3A_32 : memref<1x8x1024xf32, #tpu.memory_space<vmem>> -> memref<8x1024xf32, #tpu.memory_space<vmem>>
    %dma_start3A_34 = arith.constant 0 : i32
    %dma_start3A_35 = tpu.memref_slice %arg6[%dma_start3A_28, %dma_start3A_34] : memref<4x128xi32, #tpu.memory_space<vmem>> -> memref<1x8xi32, #tpu.memory_space<vmem>>
    %dma_start3A_36 = tpu.memref_squeeze %dma_start3A_35 : memref<1x8xi32, #tpu.memory_space<vmem>> -> memref<8xi32, #tpu.memory_space<vmem>>
    %dma_start3A_37 = arith.constant 0 : i32
    %dma_start3A_38 = arith.constant 0 : i32
    %dma_start3A_39 = tpu.memref_slice %arg3[%dma_start3A_37, %dma_start3A_38] : memref<100000x1024xf32, #tpu.memory_space<hbm>> -> memref<100000x1024xf32, #tpu.memory_space<hbm>>
    tpu.enqueue_indirect_dma source(%dma_start3A_39 : memref<100000x1024xf32, #tpu.memory_space<hbm>>) target(%dma_start3A_33 : memref<8x1024xf32, #tpu.memory_space<vmem>>) offsets(%dma_start3A_36 : memref<8xi32, #tpu.memory_space<vmem>>) semaphore(%arg9 : memref<!tpu.dma_semaphore, #tpu.memory_space<semaphore_mem>>)
    %dma_start3A_40 = arith.constant 3 : i32
    %dma_start3A_41 = arith.constant 0 : i32
    %dma_start3A_42 = arith.constant 24 : i32
    %dma_start3A_43 = arith.constant 0 : i32
    %dma_start3A_44 = tpu.memref_slice %arg7[%dma_start3A_41, %dma_start3A_42, %dma_start3A_43] : memref<3x32x1024xf32, #tpu.memory_space<vmem>> -> memref<1x8x1024xf32, #tpu.memory_space<vmem>>
    %dma_start3A_45 = tpu.memref_squeeze %dma_start3A_44 : memref<1x8x1024xf32, #tpu.memory_space<vmem>> -> memref<8x1024xf32, #tpu.memory_space<vmem>>
    %dma_start3A_46 = arith.constant 0 : i32
    %dma_start3A_47 = tpu.memref_slice %arg6[%dma_start3A_40, %dma_start3A_46] : memref<4x128xi32, #tpu.memory_space<vmem>> -> memref<1x8xi32, #tpu.memory_space<vmem>>
    %dma_start3A_48 = tpu.memref_squeeze %dma_start3A_47 : memref<1x8xi32, #tpu.memory_space<vmem>> -> memref<8xi32, #tpu.memory_space<vmem>>
    %dma_start3A_49 = arith.constant 0 : i32
    %dma_start3A_50 = arith.constant 0 : i32
    %dma_start3A_51 = tpu.memref_slice %arg3[%dma_start3A_49, %dma_start3A_50] : memref<100000x1024xf32, #tpu.memory_space<hbm>> -> memref<100000x1024xf32, #tpu.memory_space<hbm>>
    tpu.enqueue_indirect_dma source(%dma_start3A_51 : memref<100000x1024xf32, #tpu.memory_space<hbm>>) target(%dma_start3A_45 : memref<8x1024xf32, #tpu.memory_space<vmem>>) offsets(%dma_start3A_48 : memref<8xi32, #tpu.memory_space<vmem>>) semaphore(%arg9 : memref<!tpu.dma_semaphore, #tpu.memory_space<semaphore_mem>>)
    %dma_start3A_52 = arith.constant 0 : i32
    %dma_start3A_53 = arith.constant 0 : i32
    %dma_start3A_54 = arith.constant 0 : i32
    %dma_start3A_55 = arith.constant 0 : i32
    %dma_start3A_56 = tpu.memref_slice %arg8[%dma_start3A_53, %dma_start3A_54, %dma_start3A_55] : memref<3x8x1024xf32, #tpu.memory_space<vmem>> -> memref<1x8x1024xf32, #tpu.memory_space<vmem>>
    %dma_start3A_57 = tpu.memref_squeeze %dma_start3A_56 : memref<1x8x1024xf32, #tpu.memory_space<vmem>> -> memref<8x1024xf32, #tpu.memory_space<vmem>>
    %dma_start3A_58 = arith.constant 0 : i32
    %dma_start3A_59 = tpu.memref_slice %arg4[%dma_start3A_52, %add3A_4, %dma_start3A_58] : memref<1x8192x1024xf32, #tpu.memory_space<hbm>> -> memref<1x8x1024xf32, #tpu.memory_space<hbm>>
    %dma_start3A_60 = tpu.memref_squeeze %dma_start3A_59 : memref<1x8x1024xf32, #tpu.memory_space<hbm>> -> memref<8x1024xf32, #tpu.memory_space<hbm>>
    %dma_start3A_61 = arith.constant 0 : i32
    %dma_start3A_62 = arith.constant 0 : i32
    %dma_start3A_63 = tpu.memref_slice %arg8[%dma_start3A_53, %dma_start3A_61, %dma_start3A_62] : memref<3x8x1024xf32, #tpu.memory_space<vmem>> -> memref<1x8x1024xf32, #tpu.memory_space<vmem>>
    %dma_start3A_64 = tpu.memref_squeeze %dma_start3A_63 : memref<1x8x1024xf32, #tpu.memory_space<vmem>> -> memref<8x1024xf32, #tpu.memory_space<vmem>>
    %dma_start3A_65 = arith.constant 0 : i32
    %dma_start3A_66 = tpu.memref_slice %arg4[%dma_start3A_52, %add3A_4, %dma_start3A_65] : memref<1x8192x1024xf32, #tpu.memory_space<hbm>> -> memref<1x8x1024xf32, #tpu.memory_space<hbm>>
    %dma_start3A_67 = tpu.memref_squeeze %dma_start3A_66 : memref<1x8x1024xf32, #tpu.memory_space<hbm>> -> memref<8x1024xf32, #tpu.memory_space<hbm>>
    tpu.enqueue_dma source(%dma_start3A_67 : memref<8x1024xf32, #tpu.memory_space<hbm>>) target(%dma_start3A_64 : memref<8x1024xf32, #tpu.memory_space<vmem>>) target_semaphore(%arg9 : memref<!tpu.dma_semaphore, #tpu.memory_space<semaphore_mem>>)
    %add3A_68 = arith.constant 8 : i32
    %add3A_69 = arith.addi %mul3A_2, %add3A_68 : i32
    %dma_start3A_70 = arith.constant 0 : i32
    %dma_start3A_71 = arith.constant 1 : i32
    %dma_start3A_72 = arith.constant 0 : i32
    %dma_start3A_73 = arith.constant 0 : i32
    %dma_start3A_74 = tpu.memref_slice %arg7[%dma_start3A_71, %dma_start3A_72, %dma_start3A_73] : memref<3x32x1024xf32, #tpu.memory_space<vmem>> -> memref<1x8x1024xf32, #tpu.memory_space<vmem>>
    %dma_start3A_75 = tpu.memref_squeeze %dma_start3A_74 : memref<1x8x1024xf32, #tpu.memory_space<vmem>> -> memref<8x1024xf32, #tpu.memory_space<vmem>>
    %dma_start3A_76 = arith.constant 8 : i32
    %dma_start3A_77 = tpu.memref_slice %arg6[%dma_start3A_70, %dma_start3A_76] : memref<4x128xi32, #tpu.memory_space<vmem>> -> memref<1x8xi32, #tpu.memory_space<vmem>>
    %dma_start3A_78 = tpu.memref_squeeze %dma_start3A_77 : memref<1x8xi32, #tpu.memory_space<vmem>> -> memref<8xi32, #tpu.memory_space<vmem>>
    %dma_start3A_79 = arith.constant 0 : i32
    %dma_start3A_80 = arith.constant 0 : i32
    %dma_start3A_81 = tpu.memref_slice %arg3[%dma_start3A_79, %dma_start3A_80] : memref<100000x1024xf32, #tpu.memory_space<hbm>> -> memref<100000x1024xf32, #tpu.memory_space<hbm>>
    tpu.enqueue_indirect_dma source(%dma_start3A_81 : memref<100000x1024xf32, #tpu.memory_space<hbm>>) target(%dma_start3A_75 : memref<8x1024xf32, #tpu.memory_space<vmem>>) offsets(%dma_start3A_78 : memref<8xi32, #tpu.memory_space<vmem>>) semaphore(%arg10 : memref<!tpu.dma_semaphore, #tpu.memory_space<semaphore_mem>>)
    %dma_start3A_82 = arith.constant 1 : i32
    %dma_start3A_83 = arith.constant 1 : i32
    %dma_start3A_84 = arith.constant 8 : i32
    %dma_start3A_85 = arith.constant 0 : i32
    %dma_start3A_86 = tpu.memref_slice %arg7[%dma_start3A_83, %dma_start3A_84, %dma_start3A_85] : memref<3x32x1024xf32, #tpu.memory_space<vmem>> -> memref<1x8x1024xf32, #tpu.memory_space<vmem>>
    %dma_start3A_87 = tpu.memref_squeeze %dma_start3A_86 : memref<1x8x1024xf32, #tpu.memory_space<vmem>> -> memref<8x1024xf32, #tpu.memory_space<vmem>>
    %dma_start3A_88 = arith.constant 8 : i32
    %dma_start3A_89 = tpu.memref_slice %arg6[%dma_start3A_82, %dma_start3A_88] : memref<4x128xi32, #tpu.memory_space<vmem>> -> memref<1x8xi32, #tpu.memory_space<vmem>>
    %dma_start3A_90 = tpu.memref_squeeze %dma_start3A_89 : memref<1x8xi32, #tpu.memory_space<vmem>> -> memref<8xi32, #tpu.memory_space<vmem>>
    %dma_start3A_91 = arith.constant 0 : i32
    %dma_start3A_92 = arith.constant 0 : i32
    %dma_start3A_93 = tpu.memref_slice %arg3[%dma_start3A_91, %dma_start3A_92] : memref<100000x1024xf32, #tpu.memory_space<hbm>> -> memref<100000x1024xf32, #tpu.memory_space<hbm>>
    tpu.enqueue_indirect_dma source(%dma_start3A_93 : memref<100000x1024xf32, #tpu.memory_space<hbm>>) target(%dma_start3A_87 : memref<8x1024xf32, #tpu.memory_space<vmem>>) offsets(%dma_start3A_90 : memref<8xi32, #tpu.memory_space<vmem>>) semaphore(%arg10 : memref<!tpu.dma_semaphore, #tpu.memory_space<semaphore_mem>>)
    %dma_start3A_94 = arith.constant 2 : i32
    %dma_start3A_95 = arith.constant 1 : i32
    %dma_start3A_96 = arith.constant 16 : i32
    %dma_start3A_97 = arith.constant 0 : i32
    %dma_start3A_98 = tpu.memref_slice %arg7[%dma_start3A_95, %dma_start3A_96, %dma_start3A_97] : memref<3x32x1024xf32, #tpu.memory_space<vmem>> -> memref<1x8x1024xf32, #tpu.memory_space<vmem>>
    %dma_start3A_99 = tpu.memref_squeeze %dma_start3A_98 : memref<1x8x1024xf32, #tpu.memory_space<vmem>> -> memref<8x1024xf32, #tpu.memory_space<vmem>>
    %dma_start3A_100 = arith.constant 8 : i32
    %dma_start3A_101 = tpu.memref_slice %arg6[%dma_start3A_94, %dma_start3A_100] : memref<4x128xi32, #tpu.memory_space<vmem>> -> memref<1x8xi32, #tpu.memory_space<vmem>>
    %dma_start3A_102 = tpu.memref_squeeze %dma_start3A_101 : memref<1x8xi32, #tpu.memory_space<vmem>> -> memref<8xi32, #tpu.memory_space<vmem>>
    %dma_start3A_103 = arith.constant 0 : i32
    %dma_start3A_104 = arith.constant 0 : i32
    %dma_start3A_105 = tpu.memref_slice %arg3[%dma_start3A_103, %dma_start3A_104] : memref<100000x1024xf32, #tpu.memory_space<hbm>> -> memref<100000x1024xf32, #tpu.memory_space<hbm>>
    tpu.enqueue_indirect_dma source(%dma_start3A_105 : memref<100000x1024xf32, #tpu.memory_space<hbm>>) target(%dma_start3A_99 : memref<8x1024xf32, #tpu.memory_space<vmem>>) offsets(%dma_start3A_102 : memref<8xi32, #tpu.memory_space<vmem>>) semaphore(%arg10 : memref<!tpu.dma_semaphore, #tpu.memory_space<semaphore_mem>>)
    %dma_start3A_106 = arith.constant 3 : i32
    %dma_start3A_107 = arith.constant 1 : i32
    %dma_start3A_108 = arith.constant 24 : i32
    %dma_start3A_109 = arith.constant 0 : i32
    %dma_start3A_110 = tpu.memref_slice %arg7[%dma_start3A_107, %dma_start3A_108, %dma_start3A_109] : memref<3x32x1024xf32, #tpu.memory_space<vmem>> -> memref<1x8x1024xf32, #tpu.memory_space<vmem>>
    %dma_start3A_111 = tpu.memref_squeeze %dma_start3A_110 : memref<1x8x1024xf32, #tpu.memory_space<vmem>> -> memref<8x1024xf32, #tpu.memory_space<vmem>>
    %dma_start3A_112 = arith.constant 8 : i32
    %dma_start3A_113 = tpu.memref_slice %arg6[%dma_start3A_106, %dma_start3A_112] : memref<4x128xi32, #tpu.memory_space<vmem>> -> memref<1x8xi32, #tpu.memory_space<vmem>>
    %dma_start3A_114 = tpu.memref_squeeze %dma_start3A_113 : memref<1x8xi32, #tpu.memory_space<vmem>> -> memref<8xi32, #tpu.memory_space<vmem>>
    %dma_start3A_115 = arith.constant 0 : i32
    %dma_start3A_116 = arith.constant 0 : i32
    %dma_start3A_117 = tpu.memref_slice %arg3[%dma_start3A_115, %dma_start3A_116] : memref<100000x1024xf32, #tpu.memory_space<hbm>> -> memref<100000x1024xf32, #tpu.memory_space<hbm>>
    tpu.enqueue_indirect_dma source(%dma_start3A_117 : memref<100000x1024xf32, #tpu.memory_space<hbm>>) target(%dma_start3A_111 : memref<8x1024xf32, #tpu.memory_space<vmem>>) offsets(%dma_start3A_114 : memref<8xi32, #tpu.memory_space<vmem>>) semaphore(%arg10 : memref<!tpu.dma_semaphore, #tpu.memory_space<semaphore_mem>>)
    %dma_start3A_118 = arith.constant 0 : i32
    %dma_start3A_119 = arith.constant 1 : i32
    %dma_start3A_120 = arith.constant 0 : i32
    %dma_start3A_121 = arith.constant 0 : i32
    %dma_start3A_122 = tpu.memref_slice %arg8[%dma_start3A_119, %dma_start3A_120, %dma_start3A_121] : memref<3x8x1024xf32, #tpu.memory_space<vmem>> -> memref<1x8x1024xf32, #tpu.memory_space<vmem>>
    %dma_start3A_123 = tpu.memref_squeeze %dma_start3A_122 : memref<1x8x1024xf32, #tpu.memory_space<vmem>> -> memref<8x1024xf32, #tpu.memory_space<vmem>>
    %dma_start3A_124 = arith.constant 0 : i32
    %dma_start3A_125 = tpu.memref_slice %arg4[%dma_start3A_118, %add3A_69, %dma_start3A_124] : memref<1x8192x1024xf32, #tpu.memory_space<hbm>> -> memref<1x8x1024xf32, #tpu.memory_space<hbm>>
    %dma_start3A_126 = tpu.memref_squeeze %dma_start3A_125 : memref<1x8x1024xf32, #tpu.memory_space<hbm>> -> memref<8x1024xf32, #tpu.memory_space<hbm>>
    %dma_start3A_127 = arith.constant 0 : i32
    %dma_start3A_128 = arith.constant 0 : i32
    %dma_start3A_129 = tpu.memref_slice %arg8[%dma_start3A_119, %dma_start3A_127, %dma_start3A_128] : memref<3x8x1024xf32, #tpu.memory_space<vmem>> -> memref<1x8x1024xf32, #tpu.memory_space<vmem>>
    %dma_start3A_130 = tpu.memref_squeeze %dma_start3A_129 : memref<1x8x1024xf32, #tpu.memory_space<vmem>> -> memref<8x1024xf32, #tpu.memory_space<vmem>>
    %dma_start3A_131 = arith.constant 0 : i32
    %dma_start3A_132 = tpu.memref_slice %arg4[%dma_start3A_118, %add3A_69, %dma_start3A_131] : memref<1x8192x1024xf32, #tpu.memory_space<hbm>> -> memref<1x8x1024xf32, #tpu.memory_space<hbm>>
    %dma_start3A_133 = tpu.memref_squeeze %dma_start3A_132 : memref<1x8x1024xf32, #tpu.memory_space<hbm>> -> memref<8x1024xf32, #tpu.memory_space<hbm>>
    tpu.enqueue_dma source(%dma_start3A_133 : memref<8x1024xf32, #tpu.memory_space<hbm>>) target(%dma_start3A_130 : memref<8x1024xf32, #tpu.memory_space<vmem>>) target_semaphore(%arg10 : memref<!tpu.dma_semaphore, #tpu.memory_space<semaphore_mem>>)
    %scan3A = arith.constant 0 : i32
    %scan3A_134 = arith.constant 0 : i32
    %scan3A_135 = arith.constant 5 : i32
    %scan3A_136 = arith.addi %scan3A_134, %scan3A_135 : i32
    %scan3A_137 = arith.constant 1 : i32
    scf.for %scan3A_422 = %scan3A_134 to %scan3A_136 step %scan3A_137  : i32 {
      %mul3A_423 = arith.constant 3 : i32
      %mul3A_424 = arith.muli %scan3A_422, %mul3A_423 : i32
      %add3A_425 = arith.constant 0 : i32
      %add3A_426 = arith.addi %mul3A_424, %add3A_425 : i32
      %mul3A_427 = arith.constant 8 : i32
      %mul3A_428 = arith.muli %add3A_426, %mul3A_427 : i32
      %mul3A_429 = arith.constant 8 : i32
      %mul3A_430 = arith.muli %add3A_426, %mul3A_429 : i32
      %mul3A_431 = arith.constant 8 : i32
      %mul3A_432 = arith.muli %add3A_426, %mul3A_431 : i32
      %mul3A_433 = arith.constant 8 : i32
      %mul3A_434 = arith.muli %add3A_426, %mul3A_433 : i32
      %mul3A_435 = arith.constant 8 : i32
      %mul3A_436 = arith.muli %add3A_426, %mul3A_435 : i32
      %add3A_437 = arith.addi %mul3A_2, %mul3A_436 : i32
      %dma_wait3A_438 = arith.constant 0 : i32
      %dma_wait3A_439 = arith.constant 0 : i32
      %dma_wait3A_440 = arith.constant 0 : i32
      %dma_wait3A_441 = arith.constant 0 : i32
      %dma_wait3A_442 = tpu.memref_slice %arg7[%dma_wait3A_439, %dma_wait3A_440, %dma_wait3A_441] : memref<3x32x1024xf32, #tpu.memory_space<vmem>> -> memref<1x8x1024xf32, #tpu.memory_space<vmem>>
      %dma_wait3A_443 = tpu.memref_squeeze %dma_wait3A_442 : memref<1x8x1024xf32, #tpu.memory_space<vmem>> -> memref<8x1024xf32, #tpu.memory_space<vmem>>
      %dma_wait3A_444 = tpu.memref_slice %arg6[%dma_wait3A_438, %mul3A_428] : memref<4x128xi32, #tpu.memory_space<vmem>> -> memref<1x8xi32, #tpu.memory_space<vmem>>
      %dma_wait3A_445 = tpu.memref_squeeze %dma_wait3A_444 : memref<1x8xi32, #tpu.memory_space<vmem>> -> memref<8xi32, #tpu.memory_space<vmem>>
      %dma_wait3A_446 = arith.constant 0 : i32
      %dma_wait3A_447 = arith.constant 0 : i32
      %dma_wait3A_448 = tpu.memref_slice %arg3[%dma_wait3A_446, %dma_wait3A_447] : memref<100000x1024xf32, #tpu.memory_space<hbm>> -> memref<100000x1024xf32, #tpu.memory_space<hbm>>
      tpu.wait_indirect_dma semaphore(%arg9 : memref<!tpu.dma_semaphore, #tpu.memory_space<semaphore_mem>>) src(%dma_wait3A_448 : memref<100000x1024xf32, #tpu.memory_space<hbm>>) dst(%dma_wait3A_443 : memref<8x1024xf32, #tpu.memory_space<vmem>>)
      %dma_wait3A_449 = arith.constant 1 : i32
      %dma_wait3A_450 = arith.constant 0 : i32
      %dma_wait3A_451 = arith.constant 8 : i32
      %dma_wait3A_452 = arith.constant 0 : i32
      %dma_wait3A_453 = tpu.memref_slice %arg7[%dma_wait3A_450, %dma_wait3A_451, %dma_wait3A_452] : memref<3x32x1024xf32, #tpu.memory_space<vmem>> -> memref<1x8x1024xf32, #tpu.memory_space<vmem>>
      %dma_wait3A_454 = tpu.memref_squeeze %dma_wait3A_453 : memref<1x8x1024xf32, #tpu.memory_space<vmem>> -> memref<8x1024xf32, #tpu.memory_space<vmem>>
      %dma_wait3A_455 = tpu.memref_slice %arg6[%dma_wait3A_449, %mul3A_430] : memref<4x128xi32, #tpu.memory_space<vmem>> -> memref<1x8xi32, #tpu.memory_space<vmem>>
      %dma_wait3A_456 = tpu.memref_squeeze %dma_wait3A_455 : memref<1x8xi32, #tpu.memory_space<vmem>> -> memref<8xi32, #tpu.memory_space<vmem>>
      %dma_wait3A_457 = arith.constant 0 : i32
      %dma_wait3A_458 = arith.constant 0 : i32
      %dma_wait3A_459 = tpu.memref_slice %arg3[%dma_wait3A_457, %dma_wait3A_458] : memref<100000x1024xf32, #tpu.memory_space<hbm>> -> memref<100000x1024xf32, #tpu.memory_space<hbm>>
      tpu.wait_indirect_dma semaphore(%arg9 : memref<!tpu.dma_semaphore, #tpu.memory_space<semaphore_mem>>) src(%dma_wait3A_459 : memref<100000x1024xf32, #tpu.memory_space<hbm>>) dst(%dma_wait3A_454 : memref<8x1024xf32, #tpu.memory_space<vmem>>)
      %dma_wait3A_460 = arith.constant 2 : i32
      %dma_wait3A_461 = arith.constant 0 : i32
      %dma_wait3A_462 = arith.constant 16 : i32
      %dma_wait3A_463 = arith.constant 0 : i32
      %dma_wait3A_464 = tpu.memref_slice %arg7[%dma_wait3A_461, %dma_wait3A_462, %dma_wait3A_463] : memref<3x32x1024xf32, #tpu.memory_space<vmem>> -> memref<1x8x1024xf32, #tpu.memory_space<vmem>>
      %dma_wait3A_465 = tpu.memref_squeeze %dma_wait3A_464 : memref<1x8x1024xf32, #tpu.memory_space<vmem>> -> memref<8x1024xf32, #tpu.memory_space<vmem>>
      %dma_wait3A_466 = tpu.memref_slice %arg6[%dma_wait3A_460, %mul3A_432] : memref<4x128xi32, #tpu.memory_space<vmem>> -> memref<1x8xi32, #tpu.memory_space<vmem>>
      %dma_wait3A_467 = tpu.memref_squeeze %dma_wait3A_466 : memref<1x8xi32, #tpu.memory_space<vmem>> -> memref<8xi32, #tpu.memory_space<vmem>>
      %dma_wait3A_468 = arith.constant 0 : i32
      %dma_wait3A_469 = arith.constant 0 : i32
      %dma_wait3A_470 = tpu.memref_slice %arg3[%dma_wait3A_468, %dma_wait3A_469] : memref<100000x1024xf32, #tpu.memory_space<hbm>> -> memref<100000x1024xf32, #tpu.memory_space<hbm>>
      tpu.wait_indirect_dma semaphore(%arg9 : memref<!tpu.dma_semaphore, #tpu.memory_space<semaphore_mem>>) src(%dma_wait3A_470 : memref<100000x1024xf32, #tpu.memory_space<hbm>>) dst(%dma_wait3A_465 : memref<8x1024xf32, #tpu.memory_space<vmem>>)
      %dma_wait3A_471 = arith.constant 3 : i32
      %dma_wait3A_472 = arith.constant 0 : i32
      %dma_wait3A_473 = arith.constant 24 : i32
      %dma_wait3A_474 = arith.constant 0 : i32
      %dma_wait3A_475 = tpu.memref_slice %arg7[%dma_wait3A_472, %dma_wait3A_473, %dma_wait3A_474] : memref<3x32x1024xf32, #tpu.memory_space<vmem>> -> memref<1x8x1024xf32, #tpu.memory_space<vmem>>
      %dma_wait3A_476 = tpu.memref_squeeze %dma_wait3A_475 : memref<1x8x1024xf32, #tpu.memory_space<vmem>> -> memref<8x1024xf32, #tpu.memory_space<vmem>>
      %dma_wait3A_477 = tpu.memref_slice %arg6[%dma_wait3A_471, %mul3A_434] : memref<4x128xi32, #tpu.memory_space<vmem>> -> memref<1x8xi32, #tpu.memory_space<vmem>>
      %dma_wait3A_478 = tpu.memref_squeeze %dma_wait3A_477 : memref<1x8xi32, #tpu.memory_space<vmem>> -> memref<8xi32, #tpu.memory_space<vmem>>
      %dma_wait3A_479 = arith.constant 0 : i32
      %dma_wait3A_480 = arith.constant 0 : i32
      %dma_wait3A_481 = tpu.memref_slice %arg3[%dma_wait3A_479, %dma_wait3A_480] : memref<100000x1024xf32, #tpu.memory_space<hbm>> -> memref<100000x1024xf32, #tpu.memory_space<hbm>>
      tpu.wait_indirect_dma semaphore(%arg9 : memref<!tpu.dma_semaphore, #tpu.memory_space<semaphore_mem>>) src(%dma_wait3A_481 : memref<100000x1024xf32, #tpu.memory_space<hbm>>) dst(%dma_wait3A_476 : memref<8x1024xf32, #tpu.memory_space<vmem>>)
      %dma_wait3A_482 = arith.constant 0 : i32
      %dma_wait3A_483 = arith.constant 0 : i32
      %dma_wait3A_484 = arith.constant 0 : i32
      %dma_wait3A_485 = arith.constant 0 : i32
      %dma_wait3A_486 = tpu.memref_slice %arg8[%dma_wait3A_483, %dma_wait3A_484, %dma_wait3A_485] : memref<3x8x1024xf32, #tpu.memory_space<vmem>> -> memref<1x8x1024xf32, #tpu.memory_space<vmem>>
      %dma_wait3A_487 = tpu.memref_squeeze %dma_wait3A_486 : memref<1x8x1024xf32, #tpu.memory_space<vmem>> -> memref<8x1024xf32, #tpu.memory_space<vmem>>
      %dma_wait3A_488 = arith.constant 0 : i32
      %dma_wait3A_489 = tpu.memref_slice %arg4[%dma_wait3A_482, %add3A_437, %dma_wait3A_488] : memref<1x8192x1024xf32, #tpu.memory_space<hbm>> -> memref<1x8x1024xf32, #tpu.memory_space<hbm>>
      %dma_wait3A_490 = tpu.memref_squeeze %dma_wait3A_489 : memref<1x8x1024xf32, #tpu.memory_space<hbm>> -> memref<8x1024xf32, #tpu.memory_space<hbm>>
      %dma_wait3A_491 = arith.constant 0 : i32
      %dma_wait3A_492 = arith.constant 0 : i32
      %dma_wait3A_493 = tpu.memref_slice %arg8[%dma_wait3A_483, %dma_wait3A_491, %dma_wait3A_492] : memref<3x8x1024xf32, #tpu.memory_space<vmem>> -> memref<1x8x1024xf32, #tpu.memory_space<vmem>>
      %dma_wait3A_494 = tpu.memref_squeeze %dma_wait3A_493 : memref<1x8x1024xf32, #tpu.memory_space<vmem>> -> memref<8x1024xf32, #tpu.memory_space<vmem>>
      %dma_wait3A_495 = arith.constant 0 : i32
      %dma_wait3A_496 = tpu.memref_slice %arg4[%dma_wait3A_482, %add3A_437, %dma_wait3A_495] : memref<1x8192x1024xf32, #tpu.memory_space<hbm>> -> memref<1x8x1024xf32, #tpu.memory_space<hbm>>
      %dma_wait3A_497 = tpu.memref_squeeze %dma_wait3A_496 : memref<1x8x1024xf32, #tpu.memory_space<hbm>> -> memref<8x1024xf32, #tpu.memory_space<hbm>>
      tpu.wait_dma2 semaphore(%arg9 : memref<!tpu.dma_semaphore, #tpu.memory_space<semaphore_mem>>) src(%dma_wait3A_497 : memref<8x1024xf32, #tpu.memory_space<hbm>>) dst(%dma_wait3A_494 : memref<8x1024xf32, #tpu.memory_space<vmem>>)
      %parallel_loop3A_498 = arith.constant 0 : i32
      %parallel_loop3A_499 = arith.constant 512 : i32
      %parallel_loop3A_500 = arith.constant 1 : i32
      scf.for %parallel_loop3A_1196 = %parallel_loop3A_498 to %parallel_loop3A_499 step %parallel_loop3A_500  : i32 {
        %parallel_loop3A_1197 = arith.constant 64 : i32
        %parallel_loop3A_1198 = arith.divsi %parallel_loop3A_1196, %parallel_loop3A_1197 : i32
        %parallel_loop3A_1199 = arith.constant 0 : i32
        %parallel_loop3A_1200 = arith.cmpi sgt, %parallel_loop3A_1196, %parallel_loop3A_1199 : i32
        %parallel_loop3A_1201 = arith.extui %parallel_loop3A_1200 : i1 to i32
        %parallel_loop3A_1202 = arith.constant 0 : i32
        %parallel_loop3A_1203 = arith.cmpi slt, %parallel_loop3A_1196, %parallel_loop3A_1202 : i32
        %parallel_loop3A_1204 = arith.extui %parallel_loop3A_1203 : i1 to i32
        %parallel_loop3A_1205 = arith.subi %parallel_loop3A_1201, %parallel_loop3A_1204 : i32
        %parallel_loop3A_1206 = arith.constant 0 : i32
        %parallel_loop3A_1207 = arith.cmpi sgt, %parallel_loop3A_1197, %parallel_loop3A_1206 : i32
        %parallel_loop3A_1208 = arith.extui %parallel_loop3A_1207 : i1 to i32
        %parallel_loop3A_1209 = arith.constant 0 : i32
        %parallel_loop3A_1210 = arith.cmpi slt, %parallel_loop3A_1197, %parallel_loop3A_1209 : i32
        %parallel_loop3A_1211 = arith.extui %parallel_loop3A_1210 : i1 to i32
        %parallel_loop3A_1212 = arith.subi %parallel_loop3A_1208, %parallel_loop3A_1211 : i32
        %parallel_loop3A_1213 = arith.cmpi ne, %parallel_loop3A_1205, %parallel_loop3A_1212 : i32
        %parallel_loop3A_1214 = arith.remsi %parallel_loop3A_1196, %parallel_loop3A_1197 : i32
        %parallel_loop3A_1215 = arith.constant 0 : i32
        %parallel_loop3A_1216 = arith.cmpi ne, %parallel_loop3A_1214, %parallel_loop3A_1215 : i32
        %parallel_loop3A_1217 = arith.andi %parallel_loop3A_1213, %parallel_loop3A_1216 : i1
        %parallel_loop3A_1218 = arith.constant 1 : i32
        %parallel_loop3A_1219 = arith.subi %parallel_loop3A_1198, %parallel_loop3A_1218 : i32
        %parallel_loop3A_1220 = arith.select %parallel_loop3A_1217, %parallel_loop3A_1219, %parallel_loop3A_1198 : i32
        %parallel_loop3A_1221 = arith.constant 64 : i32
        %parallel_loop3A_1222 = arith.muli %parallel_loop3A_1220, %parallel_loop3A_1221 : i32
        %parallel_loop3A_1223 = arith.subi %parallel_loop3A_1196, %parallel_loop3A_1222 : i32
        %parallel_loop3A_1224 = arith.constant 16 : i32
        %parallel_loop3A_1225 = arith.muli %parallel_loop3A_1223, %parallel_loop3A_1224 : i32
        %parallel_loop3A_1226 = arith.constant 0 : i32
        %parallel_loop3A_1227 = arith.index_cast %parallel_loop3A_1226 : i32 to index
        %parallel_loop3A_1228 = arith.index_cast %parallel_loop3A_1220 : i32 to index
        %parallel_loop3A_1229 = arith.index_cast %parallel_loop3A_1225 : i32 to index
        %parallel_loop3A_1230 = tpu.vector_load %arg8[%parallel_loop3A_1227, %parallel_loop3A_1228, %parallel_loop3A_1229] {strides = array<i32>} : memref<3x8x1024xf32, #tpu.memory_space<vmem>>, vector<1x1x16xf32>,
        %parallel_loop3A_1231 = vector.shape_cast %parallel_loop3A_1230 : vector<1x1x16xf32> to vector<16xf32>
        %parallel_loop3A_1232 = arith.constant 0 : i32
        %parallel_loop3A_1233 = arith.addi %parallel_loop3A_1232, %parallel_loop3A_1220 : i32
        %parallel_loop3A_1234 = arith.constant 0 : i32
        %parallel_loop3A_1235 = arith.index_cast %parallel_loop3A_1234 : i32 to index
        %parallel_loop3A_1236 = arith.index_cast %parallel_loop3A_1233 : i32 to index
        %parallel_loop3A_1237 = arith.index_cast %parallel_loop3A_1225 : i32 to index
        %parallel_loop3A_1238 = tpu.vector_load %arg7[%parallel_loop3A_1235, %parallel_loop3A_1236, %parallel_loop3A_1237] {strides = array<i32>} : memref<3x32x1024xf32, #tpu.memory_space<vmem>>, vector<1x1x16xf32>,
        %parallel_loop3A_1239 = vector.shape_cast %parallel_loop3A_1238 : vector<1x1x16xf32> to vector<16xf32>
        %parallel_loop3A_1240 = arith.constant 3.200000e+01 : f32
        %parallel_loop3A_1241 = vector.broadcast %parallel_loop3A_1240 : f32 to vector<16xf32>
        %parallel_loop3A_1242 = arith.mulf %parallel_loop3A_1239, %parallel_loop3A_1241 : vector<16xf32>
        %parallel_loop3A_1243 = arith.addf %parallel_loop3A_1242, %parallel_loop3A_1231 : vector<16xf32>
        %parallel_loop3A_1244 = arith.constant 0 : i32
        %parallel_loop3A_1245 = arith.index_cast %parallel_loop3A_1244 : i32 to index
        %parallel_loop3A_1246 = arith.index_cast %parallel_loop3A_1233 : i32 to index
        %parallel_loop3A_1247 = arith.index_cast %parallel_loop3A_1225 : i32 to index
        %parallel_loop3A_1248 = tpu.vector_load %arg7[%parallel_loop3A_1245, %parallel_loop3A_1246, %parallel_loop3A_1247] {strides = array<i32>} : memref<3x32x1024xf32, #tpu.memory_space<vmem>>, vector<1x1x16xf32>,
        %parallel_loop3A_1249 = vector.shape_cast %parallel_loop3A_1248 : vector<1x1x16xf32> to vector<16xf32>
        %parallel_loop3A_1250 = vector.shape_cast %parallel_loop3A_1243 : vector<16xf32> to vector<1x1x16xf32>
        tpu.vector_store %arg7[%parallel_loop3A_1245, %parallel_loop3A_1246, %parallel_loop3A_1247], %parallel_loop3A_1250 {strides = array<i32>} : memref<3x32x1024xf32, #tpu.memory_space<vmem>>, vector<1x1x16xf32>,
        %parallel_loop3A_1251 = arith.constant 8 : i32
        %parallel_loop3A_1252 = arith.addi %parallel_loop3A_1251, %parallel_loop3A_1220 : i32
        %parallel_loop3A_1253 = arith.constant 0 : i32
        %parallel_loop3A_1254 = arith.index_cast %parallel_loop3A_1253 : i32 to index
        %parallel_loop3A_1255 = arith.index_cast %parallel_loop3A_1252 : i32 to index
        %parallel_loop3A_1256 = arith.index_cast %parallel_loop3A_1225 : i32 to index
        %parallel_loop3A_1257 = tpu.vector_load %arg7[%parallel_loop3A_1254, %parallel_loop3A_1255, %parallel_loop3A_1256] {strides = array<i32>} : memref<3x32x1024xf32, #tpu.memory_space<vmem>>, vector<1x1x16xf32>,
        %parallel_loop3A_1258 = vector.shape_cast %parallel_loop3A_1257 : vector<1x1x16xf32> to vector<16xf32>
        %parallel_loop3A_1259 = arith.constant 3.200000e+01 : f32
        %parallel_loop3A_1260 = vector.broadcast %parallel_loop3A_1259 : f32 to vector<16xf32>
        %parallel_loop3A_1261 = arith.mulf %parallel_loop3A_1258, %parallel_loop3A_1260 : vector<16xf32>
        %parallel_loop3A_1262 = arith.addf %parallel_loop3A_1261, %parallel_loop3A_1231 : vector<16xf32>
        %parallel_loop3A_1263 = arith.constant 0 : i32
        %parallel_loop3A_1264 = arith.index_cast %parallel_loop3A_1263 : i32 to index
        %parallel_loop3A_1265 = arith.index_cast %parallel_loop3A_1252 : i32 to index
        %parallel_loop3A_1266 = arith.index_cast %parallel_loop3A_1225 : i32 to index
        %parallel_loop3A_1267 = tpu.vector_load %arg7[%parallel_loop3A_1264, %parallel_loop3A_1265, %parallel_loop3A_1266] {strides = array<i32>} : memref<3x32x1024xf32, #tpu.memory_space<vmem>>, vector<1x1x16xf32>,
        %parallel_loop3A_1268 = vector.shape_cast %parallel_loop3A_1267 : vector<1x1x16xf32> to vector<16xf32>
        %parallel_loop3A_1269 = vector.shape_cast %parallel_loop3A_1262 : vector<16xf32> to vector<1x1x16xf32>
        tpu.vector_store %arg7[%parallel_loop3A_1264, %parallel_loop3A_1265, %parallel_loop3A_1266], %parallel_loop3A_1269 {strides = array<i32>} : memref<3x32x1024xf32, #tpu.memory_space<vmem>>, vector<1x1x16xf32>,
        %parallel_loop3A_1270 = arith.constant 16 : i32
        %parallel_loop3A_1271 = arith.addi %parallel_loop3A_1270, %parallel_loop3A_1220 : i32
        %parallel_loop3A_1272 = arith.constant 0 : i32
        %parallel_loop3A_1273 = arith.index_cast %parallel_loop3A_1272 : i32 to index
        %parallel_loop3A_1274 = arith.index_cast %parallel_loop3A_1271 : i32 to index
        %parallel_loop3A_1275 = arith.index_cast %parallel_loop3A_1225 : i32 to index
        %parallel_loop3A_1276 = tpu.vector_load %arg7[%parallel_loop3A_1273, %parallel_loop3A_1274, %parallel_loop3A_1275] {strides = array<i32>} : memref<3x32x1024xf32, #tpu.memory_space<vmem>>, vector<1x1x16xf32>,
        %parallel_loop3A_1277 = vector.shape_cast %parallel_loop3A_1276 : vector<1x1x16xf32> to vector<16xf32>
        %parallel_loop3A_1278 = arith.constant 3.200000e+01 : f32
        %parallel_loop3A_1279 = vector.broadcast %parallel_loop3A_1278 : f32 to vector<16xf32>
        %parallel_loop3A_1280 = arith.mulf %parallel_loop3A_1277, %parallel_loop3A_1279 : vector<16xf32>
        %parallel_loop3A_1281 = arith.addf %parallel_loop3A_1280, %parallel_loop3A_1231 : vector<16xf32>
        %parallel_loop3A_1282 = arith.constant 0 : i32
        %parallel_loop3A_1283 = arith.index_cast %parallel_loop3A_1282 : i32 to index
        %parallel_loop3A_1284 = arith.index_cast %parallel_loop3A_1271 : i32 to index
        %parallel_loop3A_1285 = arith.index_cast %parallel_loop3A_1225 : i32 to index
        %parallel_loop3A_1286 = tpu.vector_load %arg7[%parallel_loop3A_1283, %parallel_loop3A_1284, %parallel_loop3A_1285] {strides = array<i32>} : memref<3x32x1024xf32, #tpu.memory_space<vmem>>, vector<1x1x16xf32>,
        %parallel_loop3A_1287 = vector.shape_cast %parallel_loop3A_1286 : vector<1x1x16xf32> to vector<16xf32>
        %parallel_loop3A_1288 = vector.shape_cast %parallel_loop3A_1281 : vector<16xf32> to vector<1x1x16xf32>
        tpu.vector_store %arg7[%parallel_loop3A_1283, %parallel_loop3A_1284, %parallel_loop3A_1285], %parallel_loop3A_1288 {strides = array<i32>} : memref<3x32x1024xf32, #tpu.memory_space<vmem>>, vector<1x1x16xf32>,
        %parallel_loop3A_1289 = arith.constant 24 : i32
        %parallel_loop3A_1290 = arith.addi %parallel_loop3A_1289, %parallel_loop3A_1220 : i32
        %parallel_loop3A_1291 = arith.constant 0 : i32
        %parallel_loop3A_1292 = arith.index_cast %parallel_loop3A_1291 : i32 to index
        %parallel_loop3A_1293 = arith.index_cast %parallel_loop3A_1290 : i32 to index
        %parallel_loop3A_1294 = arith.index_cast %parallel_loop3A_1225 : i32 to index
        %parallel_loop3A_1295 = tpu.vector_load %arg7[%parallel_loop3A_1292, %parallel_loop3A_1293, %parallel_loop3A_1294] {strides = array<i32>} : memref<3x32x1024xf32, #tpu.memory_space<vmem>>, vector<1x1x16xf32>,
        %parallel_loop3A_1296 = vector.shape_cast %parallel_loop3A_1295 : vector<1x1x16xf32> to vector<16xf32>
        %parallel_loop3A_1297 = arith.constant 3.200000e+01 : f32
        %parallel_loop3A_1298 = vector.broadcast %parallel_loop3A_1297 : f32 to vector<16xf32>
        %parallel_loop3A_1299 = arith.mulf %parallel_loop3A_1296, %parallel_loop3A_1298 : vector<16xf32>
        %parallel_loop3A_1300 = arith.addf %parallel_loop3A_1299, %parallel_loop3A_1231 : vector<16xf32>
        %parallel_loop3A_1301 = arith.constant 0 : i32
        %parallel_loop3A_1302 = arith.index_cast %parallel_loop3A_1301 : i32 to index
        %parallel_loop3A_1303 = arith.index_cast %parallel_loop3A_1290 : i32 to index
        %parallel_loop3A_1304 = arith.index_cast %parallel_loop3A_1225 : i32 to index
        %parallel_loop3A_1305 = tpu.vector_load %arg7[%parallel_loop3A_1302, %parallel_loop3A_1303, %parallel_loop3A_1304] {strides = array<i32>} : memref<3x32x1024xf32, #tpu.memory_space<vmem>>, vector<1x1x16xf32>,
        %parallel_loop3A_1306 = vector.shape_cast %parallel_loop3A_1305 : vector<1x1x16xf32> to vector<16xf32>
        %parallel_loop3A_1307 = vector.shape_cast %parallel_loop3A_1300 : vector<16xf32> to vector<1x1x16xf32>
        tpu.vector_store %arg7[%parallel_loop3A_1302, %parallel_loop3A_1303, %parallel_loop3A_1304], %parallel_loop3A_1307 {strides = array<i32>} : memref<3x32x1024xf32, #tpu.memory_space<vmem>>, vector<1x1x16xf32>,
      } {sc.loop_unroll_factor = 4 : i64, sc.parallel_access}
      %ge3A = arith.constant 1 : i32
      %ge3A_501 = arith.cmpi sge, %scan3A_422, %ge3A : i32
      %convert_element_type3A = arith.extui %ge3A_501 : i1 to i32
      %cond3A = arith.constant 0 : i32
      %cond3A_502 = arith.cmpi ne, %convert_element_type3A, %cond3A : i32
      scf.if %cond3A_502 {
        %sub3A_1196 = arith.constant 1 : i32
        %sub3A_1197 = arith.subi %add3A_426, %sub3A_1196 : i32
        %mul3A_1198 = arith.constant 8 : i32
        %mul3A_1199 = arith.muli %sub3A_1197, %mul3A_1198 : i32
        %add3A_1200 = arith.addi %mul3A_2, %mul3A_1199 : i32
        %mul3A_1201 = arith.constant 8 : i32
        %mul3A_1202 = arith.muli %sub3A_1197, %mul3A_1201 : i32
        %add3A_1203 = arith.addi %mul3A_2, %mul3A_1202 : i32
        %mul3A_1204 = arith.constant 8 : i32
        %mul3A_1205 = arith.muli %sub3A_1197, %mul3A_1204 : i32
        %add3A_1206 = arith.addi %mul3A_2, %mul3A_1205 : i32
        %mul3A_1207 = arith.constant 8 : i32
        %mul3A_1208 = arith.muli %sub3A_1197, %mul3A_1207 : i32
        %add3A_1209 = arith.addi %mul3A_2, %mul3A_1208 : i32
        %dma_wait3A_1210 = arith.constant 2 : i32
        %dma_wait3A_1211 = arith.constant 0 : i32
        %dma_wait3A_1212 = arith.constant 0 : i32
        %dma_wait3A_1213 = arith.constant 0 : i32
        %dma_wait3A_1214 = tpu.memref_slice %arg7[%dma_wait3A_1210, %dma_wait3A_1212, %dma_wait3A_1213] : memref<3x32x1024xf32, #tpu.memory_space<vmem>> -> memref<1x8x1024xf32, #tpu.memory_space<vmem>>
        %dma_wait3A_1215 = tpu.memref_squeeze %dma_wait3A_1214 : memref<1x8x1024xf32, #tpu.memory_space<vmem>> -> memref<8x1024xf32, #tpu.memory_space<vmem>>
        %dma_wait3A_1216 = arith.constant 0 : i32
        %dma_wait3A_1217 = tpu.memref_slice %arg5[%dma_wait3A_1211, %add3A_1200, %dma_wait3A_1216] : memref<4x4096x1024xf32, #tpu.memory_space<hbm>> -> memref<1x8x1024xf32, #tpu.memory_space<hbm>>
        %dma_wait3A_1218 = tpu.memref_squeeze %dma_wait3A_1217 : memref<1x8x1024xf32, #tpu.memory_space<hbm>> -> memref<8x1024xf32, #tpu.memory_space<hbm>>
        %dma_wait3A_1219 = arith.constant 0 : i32
        %dma_wait3A_1220 = tpu.memref_slice %arg5[%dma_wait3A_1211, %add3A_1200, %dma_wait3A_1219] : memref<4x4096x1024xf32, #tpu.memory_space<hbm>> -> memref<1x8x1024xf32, #tpu.memory_space<hbm>>
        %dma_wait3A_1221 = tpu.memref_squeeze %dma_wait3A_1220 : memref<1x8x1024xf32, #tpu.memory_space<hbm>> -> memref<8x1024xf32, #tpu.memory_space<hbm>>
        %dma_wait3A_1222 = arith.constant 0 : i32
        %dma_wait3A_1223 = arith.constant 0 : i32
        %dma_wait3A_1224 = tpu.memref_slice %arg7[%dma_wait3A_1210, %dma_wait3A_1222, %dma_wait3A_1223] : memref<3x32x1024xf32, #tpu.memory_space<vmem>> -> memref<1x8x1024xf32, #tpu.memory_space<vmem>>
        %dma_wait3A_1225 = tpu.memref_squeeze %dma_wait3A_1224 : memref<1x8x1024xf32, #tpu.memory_space<vmem>> -> memref<8x1024xf32, #tpu.memory_space<vmem>>
        tpu.wait_dma2 semaphore(%arg14 : memref<!tpu.dma_semaphore, #tpu.memory_space<semaphore_mem>>) src(%dma_wait3A_1225 : memref<8x1024xf32, #tpu.memory_space<vmem>>) dst(%dma_wait3A_1221 : memref<8x1024xf32, #tpu.memory_space<hbm>>)
        %dma_wait3A_1226 = arith.constant 2 : i32
        %dma_wait3A_1227 = arith.constant 1 : i32
        %dma_wait3A_1228 = arith.constant 8 : i32
        %dma_wait3A_1229 = arith.constant 0 : i32
        %dma_wait3A_1230 = tpu.memref_slice %arg7[%dma_wait3A_1226, %dma_wait3A_1228, %dma_wait3A_1229] : memref<3x32x1024xf32, #tpu.memory_space<vmem>> -> memref<1x8x1024xf32, #tpu.memory_space<vmem>>
        %dma_wait3A_1231 = tpu.memref_squeeze %dma_wait3A_1230 : memref<1x8x1024xf32, #tpu.memory_space<vmem>> -> memref<8x1024xf32, #tpu.memory_space<vmem>>
        %dma_wait3A_1232 = arith.constant 0 : i32
        %dma_wait3A_1233 = tpu.memref_slice %arg5[%dma_wait3A_1227, %add3A_1203, %dma_wait3A_1232] : memref<4x4096x1024xf32, #tpu.memory_space<hbm>> -> memref<1x8x1024xf32, #tpu.memory_space<hbm>>
        %dma_wait3A_1234 = tpu.memref_squeeze %dma_wait3A_1233 : memref<1x8x1024xf32, #tpu.memory_space<hbm>> -> memref<8x1024xf32, #tpu.memory_space<hbm>>
        %dma_wait3A_1235 = arith.constant 0 : i32
        %dma_wait3A_1236 = tpu.memref_slice %arg5[%dma_wait3A_1227, %add3A_1203, %dma_wait3A_1235] : memref<4x4096x1024xf32, #tpu.memory_space<hbm>> -> memref<1x8x1024xf32, #tpu.memory_space<hbm>>
        %dma_wait3A_1237 = tpu.memref_squeeze %dma_wait3A_1236 : memref<1x8x1024xf32, #tpu.memory_space<hbm>> -> memref<8x1024xf32, #tpu.memory_space<hbm>>
        %dma_wait3A_1238 = arith.constant 8 : i32
        %dma_wait3A_1239 = arith.constant 0 : i32
        %dma_wait3A_1240 = tpu.memref_slice %arg7[%dma_wait3A_1226, %dma_wait3A_1238, %dma_wait3A_1239] : memref<3x32x1024xf32, #tpu.memory_space<vmem>> -> memref<1x8x1024xf32, #tpu.memory_space<vmem>>
        %dma_wait3A_1241 = tpu.memref_squeeze %dma_wait3A_1240 : memref<1x8x1024xf32, #tpu.memory_space<vmem>> -> memref<8x1024xf32, #tpu.memory_space<vmem>>
        tpu.wait_dma2 semaphore(%arg14 : memref<!tpu.dma_semaphore, #tpu.memory_space<semaphore_mem>>) src(%dma_wait3A_1241 : memref<8x1024xf32, #tpu.memory_space<vmem>>) dst(%dma_wait3A_1237 : memref<8x1024xf32, #tpu.memory_space<hbm>>)
        %dma_wait3A_1242 = arith.constant 2 : i32
        %dma_wait3A_1243 = arith.constant 2 : i32
        %dma_wait3A_1244 = arith.constant 16 : i32
        %dma_wait3A_1245 = arith.constant 0 : i32
        %dma_wait3A_1246 = tpu.memref_slice %arg7[%dma_wait3A_1242, %dma_wait3A_1244, %dma_wait3A_1245] : memref<3x32x1024xf32, #tpu.memory_space<vmem>> -> memref<1x8x1024xf32, #tpu.memory_space<vmem>>
        %dma_wait3A_1247 = tpu.memref_squeeze %dma_wait3A_1246 : memref<1x8x1024xf32, #tpu.memory_space<vmem>> -> memref<8x1024xf32, #tpu.memory_space<vmem>>
        %dma_wait3A_1248 = arith.constant 0 : i32
        %dma_wait3A_1249 = tpu.memref_slice %arg5[%dma_wait3A_1243, %add3A_1206, %dma_wait3A_1248] : memref<4x4096x1024xf32, #tpu.memory_space<hbm>> -> memref<1x8x1024xf32, #tpu.memory_space<hbm>>
        %dma_wait3A_1250 = tpu.memref_squeeze %dma_wait3A_1249 : memref<1x8x1024xf32, #tpu.memory_space<hbm>> -> memref<8x1024xf32, #tpu.memory_space<hbm>>
        %dma_wait3A_1251 = arith.constant 0 : i32
        %dma_wait3A_1252 = tpu.memref_slice %arg5[%dma_wait3A_1243, %add3A_1206, %dma_wait3A_1251] : memref<4x4096x1024xf32, #tpu.memory_space<hbm>> -> memref<1x8x1024xf32, #tpu.memory_space<hbm>>
        %dma_wait3A_1253 = tpu.memref_squeeze %dma_wait3A_1252 : memref<1x8x1024xf32, #tpu.memory_space<hbm>> -> memref<8x1024xf32, #tpu.memory_space<hbm>>
        %dma_wait3A_1254 = arith.constant 16 : i32
        %dma_wait3A_1255 = arith.constant 0 : i32
        %dma_wait3A_1256 = tpu.memref_slice %arg7[%dma_wait3A_1242, %dma_wait3A_1254, %dma_wait3A_1255] : memref<3x32x1024xf32, #tpu.memory_space<vmem>> -> memref<1x8x1024xf32, #tpu.memory_space<vmem>>
        %dma_wait3A_1257 = tpu.memref_squeeze %dma_wait3A_1256 : memref<1x8x1024xf32, #tpu.memory_space<vmem>> -> memref<8x1024xf32, #tpu.memory_space<vmem>>
        tpu.wait_dma2 semaphore(%arg14 : memref<!tpu.dma_semaphore, #tpu.memory_space<semaphore_mem>>) src(%dma_wait3A_1257 : memref<8x1024xf32, #tpu.memory_space<vmem>>) dst(%dma_wait3A_1253 : memref<8x1024xf32, #tpu.memory_space<hbm>>)
        %dma_wait3A_1258 = arith.constant 2 : i32
        %dma_wait3A_1259 = arith.constant 3 : i32
        %dma_wait3A_1260 = arith.constant 24 : i32
        %dma_wait3A_1261 = arith.constant 0 : i32
        %dma_wait3A_1262 = tpu.memref_slice %arg7[%dma_wait3A_1258, %dma_wait3A_1260, %dma_wait3A_1261] : memref<3x32x1024xf32, #tpu.memory_space<vmem>> -> memref<1x8x1024xf32, #tpu.memory_space<vmem>>
        %dma_wait3A_1263 = tpu.memref_squeeze %dma_wait3A_1262 : memref<1x8x1024xf32, #tpu.memory_space<vmem>> -> memref<8x1024xf32, #tpu.memory_space<vmem>>
        %dma_wait3A_1264 = arith.constant 0 : i32
        %dma_wait3A_1265 = tpu.memref_slice %arg5[%dma_wait3A_1259, %add3A_1209, %dma_wait3A_1264] : memref<4x4096x1024xf32, #tpu.memory_space<hbm>> -> memref<1x8x1024xf32, #tpu.memory_space<hbm>>
        %dma_wait3A_1266 = tpu.memref_squeeze %dma_wait3A_1265 : memref<1x8x1024xf32, #tpu.memory_space<hbm>> -> memref<8x1024xf32, #tpu.memory_space<hbm>>
        %dma_wait3A_1267 = arith.constant 0 : i32
        %dma_wait3A_1268 = tpu.memref_slice %arg5[%dma_wait3A_1259, %add3A_1209, %dma_wait3A_1267] : memref<4x4096x1024xf32, #tpu.memory_space<hbm>> -> memref<1x8x1024xf32, #tpu.memory_space<hbm>>
        %dma_wait3A_1269 = tpu.memref_squeeze %dma_wait3A_1268 : memref<1x8x1024xf32, #tpu.memory_space<hbm>> -> memref<8x1024xf32, #tpu.memory_space<hbm>>
        %dma_wait3A_1270 = arith.constant 24 : i32
        %dma_wait3A_1271 = arith.constant 0 : i32
        %dma_wait3A_1272 = tpu.memref_slice %arg7[%dma_wait3A_1258, %dma_wait3A_1270, %dma_wait3A_1271] : memref<3x32x1024xf32, #tpu.memory_space<vmem>> -> memref<1x8x1024xf32, #tpu.memory_space<vmem>>
        %dma_wait3A_1273 = tpu.memref_squeeze %dma_wait3A_1272 : memref<1x8x1024xf32, #tpu.memory_space<vmem>> -> memref<8x1024xf32, #tpu.memory_space<vmem>>
        tpu.wait_dma2 semaphore(%arg14 : memref<!tpu.dma_semaphore, #tpu.memory_space<semaphore_mem>>) src(%dma_wait3A_1273 : memref<8x1024xf32, #tpu.memory_space<vmem>>) dst(%dma_wait3A_1269 : memref<8x1024xf32, #tpu.memory_space<hbm>>)
      } else {
      }
      %add3A_503 = arith.constant 3 : i32
      %add3A_504 = arith.addi %add3A_426, %add3A_503 : i32
      %sub3A = arith.constant 1 : i32
      %sub3A_505 = arith.subi %add3A_504, %sub3A : i32
      %mul3A_506 = arith.constant 8 : i32
      %mul3A_507 = arith.muli %sub3A_505, %mul3A_506 : i32
      %mul3A_508 = arith.constant 8 : i32
      %mul3A_509 = arith.muli %sub3A_505, %mul3A_508 : i32
      %mul3A_510 = arith.constant 8 : i32
      %mul3A_511 = arith.muli %sub3A_505, %mul3A_510 : i32
      %mul3A_512 = arith.constant 8 : i32
      %mul3A_513 = arith.muli %sub3A_505, %mul3A_512 : i32
      %mul3A_514 = arith.constant 8 : i32
      %mul3A_515 = arith.muli %sub3A_505, %mul3A_514 : i32
      %add3A_516 = arith.addi %mul3A_2, %mul3A_515 : i32
      %dma_start3A_517 = arith.constant 0 : i32
      %dma_start3A_518 = arith.constant 2 : i32
      %dma_start3A_519 = arith.constant 0 : i32
      %dma_start3A_520 = arith.constant 0 : i32
      %dma_start3A_521 = tpu.memref_slice %arg7[%dma_start3A_518, %dma_start3A_519, %dma_start3A_520] : memref<3x32x1024xf32, #tpu.memory_space<vmem>> -> memref<1x8x1024xf32, #tpu.memory_space<vmem>>
      %dma_start3A_522 = tpu.memref_squeeze %dma_start3A_521 : memref<1x8x1024xf32, #tpu.memory_space<vmem>> -> memref<8x1024xf32, #tpu.memory_space<vmem>>
      %dma_start3A_523 = tpu.memref_slice %arg6[%dma_start3A_517, %mul3A_507] : memref<4x128xi32, #tpu.memory_space<vmem>> -> memref<1x8xi32, #tpu.memory_space<vmem>>
      %dma_start3A_524 = tpu.memref_squeeze %dma_start3A_523 : memref<1x8xi32, #tpu.memory_space<vmem>> -> memref<8xi32, #tpu.memory_space<vmem>>
      %dma_start3A_525 = arith.constant 0 : i32
      %dma_start3A_526 = arith.constant 0 : i32
      %dma_start3A_527 = tpu.memref_slice %arg3[%dma_start3A_525, %dma_start3A_526] : memref<100000x1024xf32, #tpu.memory_space<hbm>> -> memref<100000x1024xf32, #tpu.memory_space<hbm>>
      tpu.enqueue_indirect_dma source(%dma_start3A_527 : memref<100000x1024xf32, #tpu.memory_space<hbm>>) target(%dma_start3A_522 : memref<8x1024xf32, #tpu.memory_space<vmem>>) offsets(%dma_start3A_524 : memref<8xi32, #tpu.memory_space<vmem>>) semaphore(%arg11 : memref<!tpu.dma_semaphore, #tpu.memory_space<semaphore_mem>>)
      %dma_start3A_528 = arith.constant 1 : i32
      %dma_start3A_529 = arith.constant 2 : i32
      %dma_start3A_530 = arith.constant 8 : i32
      %dma_start3A_531 = arith.constant 0 : i32
      %dma_start3A_532 = tpu.memref_slice %arg7[%dma_start3A_529, %dma_start3A_530, %dma_start3A_531] : memref<3x32x1024xf32, #tpu.memory_space<vmem>> -> memref<1x8x1024xf32, #tpu.memory_space<vmem>>
      %dma_start3A_533 = tpu.memref_squeeze %dma_start3A_532 : memref<1x8x1024xf32, #tpu.memory_space<vmem>> -> memref<8x1024xf32, #tpu.memory_space<vmem>>
      %dma_start3A_534 = tpu.memref_slice %arg6[%dma_start3A_528, %mul3A_509] : memref<4x128xi32, #tpu.memory_space<vmem>> -> memref<1x8xi32, #tpu.memory_space<vmem>>
      %dma_start3A_535 = tpu.memref_squeeze %dma_start3A_534 : memref<1x8xi32, #tpu.memory_space<vmem>> -> memref<8xi32, #tpu.memory_space<vmem>>
      %dma_start3A_536 = arith.constant 0 : i32
      %dma_start3A_537 = arith.constant 0 : i32
      %dma_start3A_538 = tpu.memref_slice %arg3[%dma_start3A_536, %dma_start3A_537] : memref<100000x1024xf32, #tpu.memory_space<hbm>> -> memref<100000x1024xf32, #tpu.memory_space<hbm>>
      tpu.enqueue_indirect_dma source(%dma_start3A_538 : memref<100000x1024xf32, #tpu.memory_space<hbm>>) target(%dma_start3A_533 : memref<8x1024xf32, #tpu.memory_space<vmem>>) offsets(%dma_start3A_535 : memref<8xi32, #tpu.memory_space<vmem>>) semaphore(%arg11 : memref<!tpu.dma_semaphore, #tpu.memory_space<semaphore_mem>>)
      %dma_start3A_539 = arith.constant 2 : i32
      %dma_start3A_540 = arith.constant 2 : i32
      %dma_start3A_541 = arith.constant 16 : i32
      %dma_start3A_542 = arith.constant 0 : i32
      %dma_start3A_543 = tpu.memref_slice %arg7[%dma_start3A_540, %dma_start3A_541, %dma_start3A_542] : memref<3x32x1024xf32, #tpu.memory_space<vmem>> -> memref<1x8x1024xf32, #tpu.memory_space<vmem>>
      %dma_start3A_544 = tpu.memref_squeeze %dma_start3A_543 : memref<1x8x1024xf32, #tpu.memory_space<vmem>> -> memref<8x1024xf32, #tpu.memory_space<vmem>>
      %dma_start3A_545 = tpu.memref_slice %arg6[%dma_start3A_539, %mul3A_511] : memref<4x128xi32, #tpu.memory_space<vmem>> -> memref<1x8xi32, #tpu.memory_space<vmem>>
      %dma_start3A_546 = tpu.memref_squeeze %dma_start3A_545 : memref<1x8xi32, #tpu.memory_space<vmem>> -> memref<8xi32, #tpu.memory_space<vmem>>
      %dma_start3A_547 = arith.constant 0 : i32
      %dma_start3A_548 = arith.constant 0 : i32
      %dma_start3A_549 = tpu.memref_slice %arg3[%dma_start3A_547, %dma_start3A_548] : memref<100000x1024xf32, #tpu.memory_space<hbm>> -> memref<100000x1024xf32, #tpu.memory_space<hbm>>
      tpu.enqueue_indirect_dma source(%dma_start3A_549 : memref<100000x1024xf32, #tpu.memory_space<hbm>>) target(%dma_start3A_544 : memref<8x1024xf32, #tpu.memory_space<vmem>>) offsets(%dma_start3A_546 : memref<8xi32, #tpu.memory_space<vmem>>) semaphore(%arg11 : memref<!tpu.dma_semaphore, #tpu.memory_space<semaphore_mem>>)
      %dma_start3A_550 = arith.constant 3 : i32
      %dma_start3A_551 = arith.constant 2 : i32
      %dma_start3A_552 = arith.constant 24 : i32
      %dma_start3A_553 = arith.constant 0 : i32
      %dma_start3A_554 = tpu.memref_slice %arg7[%dma_start3A_551, %dma_start3A_552, %dma_start3A_553] : memref<3x32x1024xf32, #tpu.memory_space<vmem>> -> memref<1x8x1024xf32, #tpu.memory_space<vmem>>
      %dma_start3A_555 = tpu.memref_squeeze %dma_start3A_554 : memref<1x8x1024xf32, #tpu.memory_space<vmem>> -> memref<8x1024xf32, #tpu.memory_space<vmem>>
      %dma_start3A_556 = tpu.memref_slice %arg6[%dma_start3A_550, %mul3A_513] : memref<4x128xi32, #tpu.memory_space<vmem>> -> memref<1x8xi32, #tpu.memory_space<vmem>>
      %dma_start3A_557 = tpu.memref_squeeze %dma_start3A_556 : memref<1x8xi32, #tpu.memory_space<vmem>> -> memref<8xi32, #tpu.memory_space<vmem>>
      %dma_start3A_558 = arith.constant 0 : i32
      %dma_start3A_559 = arith.constant 0 : i32
      %dma_start3A_560 = tpu.memref_slice %arg3[%dma_start3A_558, %dma_start3A_559] : memref<100000x1024xf32, #tpu.memory_space<hbm>> -> memref<100000x1024xf32, #tpu.memory_space<hbm>>
      tpu.enqueue_indirect_dma source(%dma_start3A_560 : memref<100000x1024xf32, #tpu.memory_space<hbm>>) target(%dma_start3A_555 : memref<8x1024xf32, #tpu.memory_space<vmem>>) offsets(%dma_start3A_557 : memref<8xi32, #tpu.memory_space<vmem>>) semaphore(%arg11 : memref<!tpu.dma_semaphore, #tpu.memory_space<semaphore_mem>>)
      %dma_start3A_561 = arith.constant 0 : i32
      %dma_start3A_562 = arith.constant 2 : i32
      %dma_start3A_563 = arith.constant 0 : i32
      %dma_start3A_564 = arith.constant 0 : i32
      %dma_start3A_565 = tpu.memref_slice %arg8[%dma_start3A_562, %dma_start3A_563, %dma_start3A_564] : memref<3x8x1024xf32, #tpu.memory_space<vmem>> -> memref<1x8x1024xf32, #tpu.memory_space<vmem>>
      %dma_start3A_566 = tpu.memref_squeeze %dma_start3A_565 : memref<1x8x1024xf32, #tpu.memory_space<vmem>> -> memref<8x1024xf32, #tpu.memory_space<vmem>>
      %dma_start3A_567 = arith.constant 0 : i32
      %dma_start3A_568 = tpu.memref_slice %arg4[%dma_start3A_561, %add3A_516, %dma_start3A_567] : memref<1x8192x1024xf32, #tpu.memory_space<hbm>> -> memref<1x8x1024xf32, #tpu.memory_space<hbm>>
      %dma_start3A_569 = tpu.memref_squeeze %dma_start3A_568 : memref<1x8x1024xf32, #tpu.memory_space<hbm>> -> memref<8x1024xf32, #tpu.memory_space<hbm>>
      %dma_start3A_570 = arith.constant 0 : i32
      %dma_start3A_571 = arith.constant 0 : i32
      %dma_start3A_572 = tpu.memref_slice %arg8[%dma_start3A_562, %dma_start3A_570, %dma_start3A_571] : memref<3x8x1024xf32, #tpu.memory_space<vmem>> -> memref<1x8x1024xf32, #tpu.memory_space<vmem>>
      %dma_start3A_573 = tpu.memref_squeeze %dma_start3A_572 : memref<1x8x1024xf32, #tpu.memory_space<vmem>> -> memref<8x1024xf32, #tpu.memory_space<vmem>>
      %dma_start3A_574 = arith.constant 0 : i32
      %dma_start3A_575 = tpu.memref_slice %arg4[%dma_start3A_561, %add3A_516, %dma_start3A_574] : memref<1x8192x1024xf32, #tpu.memory_space<hbm>> -> memref<1x8x1024xf32, #tpu.memory_space<hbm>>
      %dma_start3A_576 = tpu.memref_squeeze %dma_start3A_575 : memref<1x8x1024xf32, #tpu.memory_space<hbm>> -> memref<8x1024xf32, #tpu.memory_space<hbm>>
      tpu.enqueue_dma source(%dma_start3A_576 : memref<8x1024xf32, #tpu.memory_space<hbm>>) target(%dma_start3A_573 : memref<8x1024xf32, #tpu.memory_space<vmem>>) target_semaphore(%arg11 : memref<!tpu.dma_semaphore, #tpu.memory_space<semaphore_mem>>)
      %mul3A_577 = arith.constant 8 : i32
      %mul3A_578 = arith.muli %add3A_426, %mul3A_577 : i32
      %add3A_579 = arith.addi %mul3A_2, %mul3A_578 : i32
      %mul3A_580 = arith.constant 8 : i32
      %mul3A_581 = arith.muli %add3A_426, %mul3A_580 : i32
      %add3A_582 = arith.addi %mul3A_2, %mul3A_581 : i32
      %mul3A_583 = arith.constant 8 : i32
      %mul3A_584 = arith.muli %add3A_426, %mul3A_583 : i32
      %add3A_585 = arith.addi %mul3A_2, %mul3A_584 : i32
      %mul3A_586 = arith.constant 8 : i32
      %mul3A_587 = arith.muli %add3A_426, %mul3A_586 : i32
      %add3A_588 = arith.addi %mul3A_2, %mul3A_587 : i32
      %dma_start3A_589 = arith.constant 0 : i32
      %dma_start3A_590 = arith.constant 0 : i32
      %dma_start3A_591 = arith.constant 0 : i32
      %dma_start3A_592 = arith.constant 0 : i32
      %dma_start3A_593 = tpu.memref_slice %arg7[%dma_start3A_589, %dma_start3A_591, %dma_start3A_592] : memref<3x32x1024xf32, #tpu.memory_space<vmem>> -> memref<1x8x1024xf32, #tpu.memory_space<vmem>>
      %dma_start3A_594 = tpu.memref_squeeze %dma_start3A_593 : memref<1x8x1024xf32, #tpu.memory_space<vmem>> -> memref<8x1024xf32, #tpu.memory_space<vmem>>
      %dma_start3A_595 = arith.constant 0 : i32
      %dma_start3A_596 = tpu.memref_slice %arg5[%dma_start3A_590, %add3A_579, %dma_start3A_595] : memref<4x4096x1024xf32, #tpu.memory_space<hbm>> -> memref<1x8x1024xf32, #tpu.memory_space<hbm>>
      %dma_start3A_597 = tpu.memref_squeeze %dma_start3A_596 : memref<1x8x1024xf32, #tpu.memory_space<hbm>> -> memref<8x1024xf32, #tpu.memory_space<hbm>>
      %dma_start3A_598 = arith.constant 0 : i32
      %dma_start3A_599 = tpu.memref_slice %arg5[%dma_start3A_590, %add3A_579, %dma_start3A_598] : memref<4x4096x1024xf32, #tpu.memory_space<hbm>> -> memref<1x8x1024xf32, #tpu.memory_space<hbm>>
      %dma_start3A_600 = tpu.memref_squeeze %dma_start3A_599 : memref<1x8x1024xf32, #tpu.memory_space<hbm>> -> memref<8x1024xf32, #tpu.memory_space<hbm>>
      %dma_start3A_601 = arith.constant 0 : i32
      %dma_start3A_602 = arith.constant 0 : i32
      %dma_start3A_603 = tpu.memref_slice %arg7[%dma_start3A_589, %dma_start3A_601, %dma_start3A_602] : memref<3x32x1024xf32, #tpu.memory_space<vmem>> -> memref<1x8x1024xf32, #tpu.memory_space<vmem>>
      %dma_start3A_604 = tpu.memref_squeeze %dma_start3A_603 : memref<1x8x1024xf32, #tpu.memory_space<vmem>> -> memref<8x1024xf32, #tpu.memory_space<vmem>>
      tpu.enqueue_dma source(%dma_start3A_604 : memref<8x1024xf32, #tpu.memory_space<vmem>>) target(%dma_start3A_600 : memref<8x1024xf32, #tpu.memory_space<hbm>>) target_semaphore(%arg12 : memref<!tpu.dma_semaphore, #tpu.memory_space<semaphore_mem>>)
      %dma_start3A_605 = arith.constant 0 : i32
      %dma_start3A_606 = arith.constant 1 : i32
      %dma_start3A_607 = arith.constant 8 : i32
      %dma_start3A_608 = arith.constant 0 : i32
      %dma_start3A_609 = tpu.memref_slice %arg7[%dma_start3A_605, %dma_start3A_607, %dma_start3A_608] : memref<3x32x1024xf32, #tpu.memory_space<vmem>> -> memref<1x8x1024xf32, #tpu.memory_space<vmem>>
      %dma_start3A_610 = tpu.memref_squeeze %dma_start3A_609 : memref<1x8x1024xf32, #tpu.memory_space<vmem>> -> memref<8x1024xf32, #tpu.memory_space<vmem>>
      %dma_start3A_611 = arith.constant 0 : i32
      %dma_start3A_612 = tpu.memref_slice %arg5[%dma_start3A_606, %add3A_582, %dma_start3A_611] : memref<4x4096x1024xf32, #tpu.memory_space<hbm>> -> memref<1x8x1024xf32, #tpu.memory_space<hbm>>
      %dma_start3A_613 = tpu.memref_squeeze %dma_start3A_612 : memref<1x8x1024xf32, #tpu.memory_space<hbm>> -> memref<8x1024xf32, #tpu.memory_space<hbm>>
      %dma_start3A_614 = arith.constant 0 : i32
      %dma_start3A_615 = tpu.memref_slice %arg5[%dma_start3A_606, %add3A_582, %dma_start3A_614] : memref<4x4096x1024xf32, #tpu.memory_space<hbm>> -> memref<1x8x1024xf32, #tpu.memory_space<hbm>>
      %dma_start3A_616 = tpu.memref_squeeze %dma_start3A_615 : memref<1x8x1024xf32, #tpu.memory_space<hbm>> -> memref<8x1024xf32, #tpu.memory_space<hbm>>
      %dma_start3A_617 = arith.constant 8 : i32
      %dma_start3A_618 = arith.constant 0 : i32
      %dma_start3A_619 = tpu.memref_slice %arg7[%dma_start3A_605, %dma_start3A_617, %dma_start3A_618] : memref<3x32x1024xf32, #tpu.memory_space<vmem>> -> memref<1x8x1024xf32, #tpu.memory_space<vmem>>
      %dma_start3A_620 = tpu.memref_squeeze %dma_start3A_619 : memref<1x8x1024xf32, #tpu.memory_space<vmem>> -> memref<8x1024xf32, #tpu.memory_space<vmem>>
      tpu.enqueue_dma source(%dma_start3A_620 : memref<8x1024xf32, #tpu.memory_space<vmem>>) target(%dma_start3A_616 : memref<8x1024xf32, #tpu.memory_space<hbm>>) target_semaphore(%arg12 : memref<!tpu.dma_semaphore, #tpu.memory_space<semaphore_mem>>)
      %dma_start3A_621 = arith.constant 0 : i32
      %dma_start3A_622 = arith.constant 2 : i32
      %dma_start3A_623 = arith.constant 16 : i32
      %dma_start3A_624 = arith.constant 0 : i32
      %dma_start3A_625 = tpu.memref_slice %arg7[%dma_start3A_621, %dma_start3A_623, %dma_start3A_624] : memref<3x32x1024xf32, #tpu.memory_space<vmem>> -> memref<1x8x1024xf32, #tpu.memory_space<vmem>>
      %dma_start3A_626 = tpu.memref_squeeze %dma_start3A_625 : memref<1x8x1024xf32, #tpu.memory_space<vmem>> -> memref<8x1024xf32, #tpu.memory_space<vmem>>
      %dma_start3A_627 = arith.constant 0 : i32
      %dma_start3A_628 = tpu.memref_slice %arg5[%dma_start3A_622, %add3A_585, %dma_start3A_627] : memref<4x4096x1024xf32, #tpu.memory_space<hbm>> -> memref<1x8x1024xf32, #tpu.memory_space<hbm>>
      %dma_start3A_629 = tpu.memref_squeeze %dma_start3A_628 : memref<1x8x1024xf32, #tpu.memory_space<hbm>> -> memref<8x1024xf32, #tpu.memory_space<hbm>>
      %dma_start3A_630 = arith.constant 0 : i32
      %dma_start3A_631 = tpu.memref_slice %arg5[%dma_start3A_622, %add3A_585, %dma_start3A_630] : memref<4x4096x1024xf32, #tpu.memory_space<hbm>> -> memref<1x8x1024xf32, #tpu.memory_space<hbm>>
      %dma_start3A_632 = tpu.memref_squeeze %dma_start3A_631 : memref<1x8x1024xf32, #tpu.memory_space<hbm>> -> memref<8x1024xf32, #tpu.memory_space<hbm>>
      %dma_start3A_633 = arith.constant 16 : i32
      %dma_start3A_634 = arith.constant 0 : i32
      %dma_start3A_635 = tpu.memref_slice %arg7[%dma_start3A_621, %dma_start3A_633, %dma_start3A_634] : memref<3x32x1024xf32, #tpu.memory_space<vmem>> -> memref<1x8x1024xf32, #tpu.memory_space<vmem>>
      %dma_start3A_636 = tpu.memref_squeeze %dma_start3A_635 : memref<1x8x1024xf32, #tpu.memory_space<vmem>> -> memref<8x1024xf32, #tpu.memory_space<vmem>>
      tpu.enqueue_dma source(%dma_start3A_636 : memref<8x1024xf32, #tpu.memory_space<vmem>>) target(%dma_start3A_632 : memref<8x1024xf32, #tpu.memory_space<hbm>>) target_semaphore(%arg12 : memref<!tpu.dma_semaphore, #tpu.memory_space<semaphore_mem>>)
      %dma_start3A_637 = arith.constant 0 : i32
      %dma_start3A_638 = arith.constant 3 : i32
      %dma_start3A_639 = arith.constant 24 : i32
      %dma_start3A_640 = arith.constant 0 : i32
      %dma_start3A_641 = tpu.memref_slice %arg7[%dma_start3A_637, %dma_start3A_639, %dma_start3A_640] : memref<3x32x1024xf32, #tpu.memory_space<vmem>> -> memref<1x8x1024xf32, #tpu.memory_space<vmem>>
      %dma_start3A_642 = tpu.memref_squeeze %dma_start3A_641 : memref<1x8x1024xf32, #tpu.memory_space<vmem>> -> memref<8x1024xf32, #tpu.memory_space<vmem>>
      %dma_start3A_643 = arith.constant 0 : i32
      %dma_start3A_644 = tpu.memref_slice %arg5[%dma_start3A_638, %add3A_588, %dma_start3A_643] : memref<4x4096x1024xf32, #tpu.memory_space<hbm>> -> memref<1x8x1024xf32, #tpu.memory_space<hbm>>
      %dma_start3A_645 = tpu.memref_squeeze %dma_start3A_644 : memref<1x8x1024xf32, #tpu.memory_space<hbm>> -> memref<8x1024xf32, #tpu.memory_space<hbm>>
      %dma_start3A_646 = arith.constant 0 : i32
      %dma_start3A_647 = tpu.memref_slice %arg5[%dma_start3A_638, %add3A_588, %dma_start3A_646] : memref<4x4096x1024xf32, #tpu.memory_space<hbm>> -> memref<1x8x1024xf32, #tpu.memory_space<hbm>>
      %dma_start3A_648 = tpu.memref_squeeze %dma_start3A_647 : memref<1x8x1024xf32, #tpu.memory_space<hbm>> -> memref<8x1024xf32, #tpu.memory_space<hbm>>
      %dma_start3A_649 = arith.constant 24 : i32
      %dma_start3A_650 = arith.constant 0 : i32
      %dma_start3A_651 = tpu.memref_slice %arg7[%dma_start3A_637, %dma_start3A_649, %dma_start3A_650] : memref<3x32x1024xf32, #tpu.memory_space<vmem>> -> memref<1x8x1024xf32, #tpu.memory_space<vmem>>
      %dma_start3A_652 = tpu.memref_squeeze %dma_start3A_651 : memref<1x8x1024xf32, #tpu.memory_space<vmem>> -> memref<8x1024xf32, #tpu.memory_space<vmem>>
      tpu.enqueue_dma source(%dma_start3A_652 : memref<8x1024xf32, #tpu.memory_space<vmem>>) target(%dma_start3A_648 : memref<8x1024xf32, #tpu.memory_space<hbm>>) target_semaphore(%arg12 : memref<!tpu.dma_semaphore, #tpu.memory_space<semaphore_mem>>)
      %mul3A_653 = arith.constant 3 : i32
      %mul3A_654 = arith.muli %scan3A_422, %mul3A_653 : i32
      %add3A_655 = arith.constant 1 : i32
      %add3A_656 = arith.addi %mul3A_654, %add3A_655 : i32
      %mul3A_657 = arith.constant 8 : i32
      %mul3A_658 = arith.muli %add3A_656, %mul3A_657 : i32
      %mul3A_659 = arith.constant 8 : i32
      %mul3A_660 = arith.muli %add3A_656, %mul3A_659 : i32
      %mul3A_661 = arith.constant 8 : i32
      %mul3A_662 = arith.muli %add3A_656, %mul3A_661 : i32
      %mul3A_663 = arith.constant 8 : i32
      %mul3A_664 = arith.muli %add3A_656, %mul3A_663 : i32
      %mul3A_665 = arith.constant 8 : i32
      %mul3A_666 = arith.muli %add3A_656, %mul3A_665 : i32
      %add3A_667 = arith.addi %mul3A_2, %mul3A_666 : i32
      %dma_wait3A_668 = arith.constant 0 : i32
      %dma_wait3A_669 = arith.constant 1 : i32
      %dma_wait3A_670 = arith.constant 0 : i32
      %dma_wait3A_671 = arith.constant 0 : i32
      %dma_wait3A_672 = tpu.memref_slice %arg7[%dma_wait3A_669, %dma_wait3A_670, %dma_wait3A_671] : memref<3x32x1024xf32, #tpu.memory_space<vmem>> -> memref<1x8x1024xf32, #tpu.memory_space<vmem>>
      %dma_wait3A_673 = tpu.memref_squeeze %dma_wait3A_672 : memref<1x8x1024xf32, #tpu.memory_space<vmem>> -> memref<8x1024xf32, #tpu.memory_space<vmem>>
      %dma_wait3A_674 = tpu.memref_slice %arg6[%dma_wait3A_668, %mul3A_658] : memref<4x128xi32, #tpu.memory_space<vmem>> -> memref<1x8xi32, #tpu.memory_space<vmem>>
      %dma_wait3A_675 = tpu.memref_squeeze %dma_wait3A_674 : memref<1x8xi32, #tpu.memory_space<vmem>> -> memref<8xi32, #tpu.memory_space<vmem>>
      %dma_wait3A_676 = arith.constant 0 : i32
      %dma_wait3A_677 = arith.constant 0 : i32
      %dma_wait3A_678 = tpu.memref_slice %arg3[%dma_wait3A_676, %dma_wait3A_677] : memref<100000x1024xf32, #tpu.memory_space<hbm>> -> memref<100000x1024xf32, #tpu.memory_space<hbm>>
      tpu.wait_indirect_dma semaphore(%arg10 : memref<!tpu.dma_semaphore, #tpu.memory_space<semaphore_mem>>) src(%dma_wait3A_678 : memref<100000x1024xf32, #tpu.memory_space<hbm>>) dst(%dma_wait3A_673 : memref<8x1024xf32, #tpu.memory_space<vmem>>)
      %dma_wait3A_679 = arith.constant 1 : i32
      %dma_wait3A_680 = arith.constant 1 : i32
      %dma_wait3A_681 = arith.constant 8 : i32
      %dma_wait3A_682 = arith.constant 0 : i32
      %dma_wait3A_683 = tpu.memref_slice %arg7[%dma_wait3A_680, %dma_wait3A_681, %dma_wait3A_682] : memref<3x32x1024xf32, #tpu.memory_space<vmem>> -> memref<1x8x1024xf32, #tpu.memory_space<vmem>>
      %dma_wait3A_684 = tpu.memref_squeeze %dma_wait3A_683 : memref<1x8x1024xf32, #tpu.memory_space<vmem>> -> memref<8x1024xf32, #tpu.memory_space<vmem>>
      %dma_wait3A_685 = tpu.memref_slice %arg6[%dma_wait3A_679, %mul3A_660] : memref<4x128xi32, #tpu.memory_space<vmem>> -> memref<1x8xi32, #tpu.memory_space<vmem>>
      %dma_wait3A_686 = tpu.memref_squeeze %dma_wait3A_685 : memref<1x8xi32, #tpu.memory_space<vmem>> -> memref<8xi32, #tpu.memory_space<vmem>>
      %dma_wait3A_687 = arith.constant 0 : i32
      %dma_wait3A_688 = arith.constant 0 : i32
      %dma_wait3A_689 = tpu.memref_slice %arg3[%dma_wait3A_687, %dma_wait3A_688] : memref<100000x1024xf32, #tpu.memory_space<hbm>> -> memref<100000x1024xf32, #tpu.memory_space<hbm>>
      tpu.wait_indirect_dma semaphore(%arg10 : memref<!tpu.dma_semaphore, #tpu.memory_space<semaphore_mem>>) src(%dma_wait3A_689 : memref<100000x1024xf32, #tpu.memory_space<hbm>>) dst(%dma_wait3A_684 : memref<8x1024xf32, #tpu.memory_space<vmem>>)
      %dma_wait3A_690 = arith.constant 2 : i32
      %dma_wait3A_691 = arith.constant 1 : i32
      %dma_wait3A_692 = arith.constant 16 : i32
      %dma_wait3A_693 = arith.constant 0 : i32
      %dma_wait3A_694 = tpu.memref_slice %arg7[%dma_wait3A_691, %dma_wait3A_692, %dma_wait3A_693] : memref<3x32x1024xf32, #tpu.memory_space<vmem>> -> memref<1x8x1024xf32, #tpu.memory_space<vmem>>
      %dma_wait3A_695 = tpu.memref_squeeze %dma_wait3A_694 : memref<1x8x1024xf32, #tpu.memory_space<vmem>> -> memref<8x1024xf32, #tpu.memory_space<vmem>>
      %dma_wait3A_696 = tpu.memref_slice %arg6[%dma_wait3A_690, %mul3A_662] : memref<4x128xi32, #tpu.memory_space<vmem>> -> memref<1x8xi32, #tpu.memory_space<vmem>>
      %dma_wait3A_697 = tpu.memref_squeeze %dma_wait3A_696 : memref<1x8xi32, #tpu.memory_space<vmem>> -> memref<8xi32, #tpu.memory_space<vmem>>
      %dma_wait3A_698 = arith.constant 0 : i32
      %dma_wait3A_699 = arith.constant 0 : i32
      %dma_wait3A_700 = tpu.memref_slice %arg3[%dma_wait3A_698, %dma_wait3A_699] : memref<100000x1024xf32, #tpu.memory_space<hbm>> -> memref<100000x1024xf32, #tpu.memory_space<hbm>>
      tpu.wait_indirect_dma semaphore(%arg10 : memref<!tpu.dma_semaphore, #tpu.memory_space<semaphore_mem>>) src(%dma_wait3A_700 : memref<100000x1024xf32, #tpu.memory_space<hbm>>) dst(%dma_wait3A_695 : memref<8x1024xf32, #tpu.memory_space<vmem>>)
      %dma_wait3A_701 = arith.constant 3 : i32
      %dma_wait3A_702 = arith.constant 1 : i32
      %dma_wait3A_703 = arith.constant 24 : i32
      %dma_wait3A_704 = arith.constant 0 : i32
      %dma_wait3A_705 = tpu.memref_slice %arg7[%dma_wait3A_702, %dma_wait3A_703, %dma_wait3A_704] : memref<3x32x1024xf32, #tpu.memory_space<vmem>> -> memref<1x8x1024xf32, #tpu.memory_space<vmem>>
      %dma_wait3A_706 = tpu.memref_squeeze %dma_wait3A_705 : memref<1x8x1024xf32, #tpu.memory_space<vmem>> -> memref<8x1024xf32, #tpu.memory_space<vmem>>
      %dma_wait3A_707 = tpu.memref_slice %arg6[%dma_wait3A_701, %mul3A_664] : memref<4x128xi32, #tpu.memory_space<vmem>> -> memref<1x8xi32, #tpu.memory_space<vmem>>
      %dma_wait3A_708 = tpu.memref_squeeze %dma_wait3A_707 : memref<1x8xi32, #tpu.memory_space<vmem>> -> memref<8xi32, #tpu.memory_space<vmem>>
      %dma_wait3A_709 = arith.constant 0 : i32
      %dma_wait3A_710 = arith.constant 0 : i32
      %dma_wait3A_711 = tpu.memref_slice %arg3[%dma_wait3A_709, %dma_wait3A_710] : memref<100000x1024xf32, #tpu.memory_space<hbm>> -> memref<100000x1024xf32, #tpu.memory_space<hbm>>
      tpu.wait_indirect_dma semaphore(%arg10 : memref<!tpu.dma_semaphore, #tpu.memory_space<semaphore_mem>>) src(%dma_wait3A_711 : memref<100000x1024xf32, #tpu.memory_space<hbm>>) dst(%dma_wait3A_706 : memref<8x1024xf32, #tpu.memory_space<vmem>>)
      %dma_wait3A_712 = arith.constant 0 : i32
      %dma_wait3A_713 = arith.constant 1 : i32
      %dma_wait3A_714 = arith.constant 0 : i32
      %dma_wait3A_715 = arith.constant 0 : i32
      %dma_wait3A_716 = tpu.memref_slice %arg8[%dma_wait3A_713, %dma_wait3A_714, %dma_wait3A_715] : memref<3x8x1024xf32, #tpu.memory_space<vmem>> -> memref<1x8x1024xf32, #tpu.memory_space<vmem>>
      %dma_wait3A_717 = tpu.memref_squeeze %dma_wait3A_716 : memref<1x8x1024xf32, #tpu.memory_space<vmem>> -> memref<8x1024xf32, #tpu.memory_space<vmem>>
      %dma_wait3A_718 = arith.constant 0 : i32
      %dma_wait3A_719 = tpu.memref_slice %arg4[%dma_wait3A_712, %add3A_667, %dma_wait3A_718] : memref<1x8192x1024xf32, #tpu.memory_space<hbm>> -> memref<1x8x1024xf32, #tpu.memory_space<hbm>>
      %dma_wait3A_720 = tpu.memref_squeeze %dma_wait3A_719 : memref<1x8x1024xf32, #tpu.memory_space<hbm>> -> memref<8x1024xf32, #tpu.memory_space<hbm>>
      %dma_wait3A_721 = arith.constant 0 : i32
      %dma_wait3A_722 = arith.constant 0 : i32
      %dma_wait3A_723 = tpu.memref_slice %arg8[%dma_wait3A_713, %dma_wait3A_721, %dma_wait3A_722] : memref<3x8x1024xf32, #tpu.memory_space<vmem>> -> memref<1x8x1024xf32, #tpu.memory_space<vmem>>
      %dma_wait3A_724 = tpu.memref_squeeze %dma_wait3A_723 : memref<1x8x1024xf32, #tpu.memory_space<vmem>> -> memref<8x1024xf32, #tpu.memory_space<vmem>>
      %dma_wait3A_725 = arith.constant 0 : i32
      %dma_wait3A_726 = tpu.memref_slice %arg4[%dma_wait3A_712, %add3A_667, %dma_wait3A_725] : memref<1x8192x1024xf32, #tpu.memory_space<hbm>> -> memref<1x8x1024xf32, #tpu.memory_space<hbm>>
      %dma_wait3A_727 = tpu.memref_squeeze %dma_wait3A_726 : memref<1x8x1024xf32, #tpu.memory_space<hbm>> -> memref<8x1024xf32, #tpu.memory_space<hbm>>
      tpu.wait_dma2 semaphore(%arg10 : memref<!tpu.dma_semaphore, #tpu.memory_space<semaphore_mem>>) src(%dma_wait3A_727 : memref<8x1024xf32, #tpu.memory_space<hbm>>) dst(%dma_wait3A_724 : memref<8x1024xf32, #tpu.memory_space<vmem>>)
      %parallel_loop3A_728 = arith.constant 0 : i32
      %parallel_loop3A_729 = arith.constant 512 : i32
      %parallel_loop3A_730 = arith.constant 1 : i32
      scf.for %parallel_loop3A_1196 = %parallel_loop3A_728 to %parallel_loop3A_729 step %parallel_loop3A_730  : i32 {
        %parallel_loop3A_1197 = arith.constant 64 : i32
        %parallel_loop3A_1198 = arith.divsi %parallel_loop3A_1196, %parallel_loop3A_1197 : i32
        %parallel_loop3A_1199 = arith.constant 0 : i32
        %parallel_loop3A_1200 = arith.cmpi sgt, %parallel_loop3A_1196, %parallel_loop3A_1199 : i32
        %parallel_loop3A_1201 = arith.extui %parallel_loop3A_1200 : i1 to i32
        %parallel_loop3A_1202 = arith.constant 0 : i32
        %parallel_loop3A_1203 = arith.cmpi slt, %parallel_loop3A_1196, %parallel_loop3A_1202 : i32
        %parallel_loop3A_1204 = arith.extui %parallel_loop3A_1203 : i1 to i32
        %parallel_loop3A_1205 = arith.subi %parallel_loop3A_1201, %parallel_loop3A_1204 : i32
        %parallel_loop3A_1206 = arith.constant 0 : i32
        %parallel_loop3A_1207 = arith.cmpi sgt, %parallel_loop3A_1197, %parallel_loop3A_1206 : i32
        %parallel_loop3A_1208 = arith.extui %parallel_loop3A_1207 : i1 to i32
        %parallel_loop3A_1209 = arith.constant 0 : i32
        %parallel_loop3A_1210 = arith.cmpi slt, %parallel_loop3A_1197, %parallel_loop3A_1209 : i32
        %parallel_loop3A_1211 = arith.extui %parallel_loop3A_1210 : i1 to i32
        %parallel_loop3A_1212 = arith.subi %parallel_loop3A_1208, %parallel_loop3A_1211 : i32
        %parallel_loop3A_1213 = arith.cmpi ne, %parallel_loop3A_1205, %parallel_loop3A_1212 : i32
        %parallel_loop3A_1214 = arith.remsi %parallel_loop3A_1196, %parallel_loop3A_1197 : i32
        %parallel_loop3A_1215 = arith.constant 0 : i32
        %parallel_loop3A_1216 = arith.cmpi ne, %parallel_loop3A_1214, %parallel_loop3A_1215 : i32
        %parallel_loop3A_1217 = arith.andi %parallel_loop3A_1213, %parallel_loop3A_1216 : i1
        %parallel_loop3A_1218 = arith.constant 1 : i32
        %parallel_loop3A_1219 = arith.subi %parallel_loop3A_1198, %parallel_loop3A_1218 : i32
        %parallel_loop3A_1220 = arith.select %parallel_loop3A_1217, %parallel_loop3A_1219, %parallel_loop3A_1198 : i32
        %parallel_loop3A_1221 = arith.constant 64 : i32
        %parallel_loop3A_1222 = arith.muli %parallel_loop3A_1220, %parallel_loop3A_1221 : i32
        %parallel_loop3A_1223 = arith.subi %parallel_loop3A_1196, %parallel_loop3A_1222 : i32
        %parallel_loop3A_1224 = arith.constant 16 : i32
        %parallel_loop3A_1225 = arith.muli %parallel_loop3A_1223, %parallel_loop3A_1224 : i32
        %parallel_loop3A_1226 = arith.constant 1 : i32
        %parallel_loop3A_1227 = arith.index_cast %parallel_loop3A_1226 : i32 to index
        %parallel_loop3A_1228 = arith.index_cast %parallel_loop3A_1220 : i32 to index
        %parallel_loop3A_1229 = arith.index_cast %parallel_loop3A_1225 : i32 to index
        %parallel_loop3A_1230 = tpu.vector_load %arg8[%parallel_loop3A_1227, %parallel_loop3A_1228, %parallel_loop3A_1229] {strides = array<i32>} : memref<3x8x1024xf32, #tpu.memory_space<vmem>>, vector<1x1x16xf32>,
        %parallel_loop3A_1231 = vector.shape_cast %parallel_loop3A_1230 : vector<1x1x16xf32> to vector<16xf32>
        %parallel_loop3A_1232 = arith.constant 0 : i32
        %parallel_loop3A_1233 = arith.addi %parallel_loop3A_1232, %parallel_loop3A_1220 : i32
        %parallel_loop3A_1234 = arith.constant 1 : i32
        %parallel_loop3A_1235 = arith.index_cast %parallel_loop3A_1234 : i32 to index
        %parallel_loop3A_1236 = arith.index_cast %parallel_loop3A_1233 : i32 to index
        %parallel_loop3A_1237 = arith.index_cast %parallel_loop3A_1225 : i32 to index
        %parallel_loop3A_1238 = tpu.vector_load %arg7[%parallel_loop3A_1235, %parallel_loop3A_1236, %parallel_loop3A_1237] {strides = array<i32>} : memref<3x32x1024xf32, #tpu.memory_space<vmem>>, vector<1x1x16xf32>,
        %parallel_loop3A_1239 = vector.shape_cast %parallel_loop3A_1238 : vector<1x1x16xf32> to vector<16xf32>
        %parallel_loop3A_1240 = arith.constant 3.200000e+01 : f32
        %parallel_loop3A_1241 = vector.broadcast %parallel_loop3A_1240 : f32 to vector<16xf32>
        %parallel_loop3A_1242 = arith.mulf %parallel_loop3A_1239, %parallel_loop3A_1241 : vector<16xf32>
        %parallel_loop3A_1243 = arith.addf %parallel_loop3A_1242, %parallel_loop3A_1231 : vector<16xf32>
        %parallel_loop3A_1244 = arith.constant 1 : i32
        %parallel_loop3A_1245 = arith.index_cast %parallel_loop3A_1244 : i32 to index
        %parallel_loop3A_1246 = arith.index_cast %parallel_loop3A_1233 : i32 to index
        %parallel_loop3A_1247 = arith.index_cast %parallel_loop3A_1225 : i32 to index
        %parallel_loop3A_1248 = tpu.vector_load %arg7[%parallel_loop3A_1245, %parallel_loop3A_1246, %parallel_loop3A_1247] {strides = array<i32>} : memref<3x32x1024xf32, #tpu.memory_space<vmem>>, vector<1x1x16xf32>,
        %parallel_loop3A_1249 = vector.shape_cast %parallel_loop3A_1248 : vector<1x1x16xf32> to vector<16xf32>
        %parallel_loop3A_1250 = vector.shape_cast %parallel_loop3A_1243 : vector<16xf32> to vector<1x1x16xf32>
        tpu.vector_store %arg7[%parallel_loop3A_1245, %parallel_loop3A_1246, %parallel_loop3A_1247], %parallel_loop3A_1250 {strides = array<i32>} : memref<3x32x1024xf32, #tpu.memory_space<vmem>>, vector<1x1x16xf32>,
        %parallel_loop3A_1251 = arith.constant 8 : i32
        %parallel_loop3A_1252 = arith.addi %parallel_loop3A_1251, %parallel_loop3A_1220 : i32
        %parallel_loop3A_1253 = arith.constant 1 : i32
        %parallel_loop3A_1254 = arith.index_cast %parallel_loop3A_1253 : i32 to index
        %parallel_loop3A_1255 = arith.index_cast %parallel_loop3A_1252 : i32 to index
        %parallel_loop3A_1256 = arith.index_cast %parallel_loop3A_1225 : i32 to index
        %parallel_loop3A_1257 = tpu.vector_load %arg7[%parallel_loop3A_1254, %parallel_loop3A_1255, %parallel_loop3A_1256] {strides = array<i32>} : memref<3x32x1024xf32, #tpu.memory_space<vmem>>, vector<1x1x16xf32>,
        %parallel_loop3A_1258 = vector.shape_cast %parallel_loop3A_1257 : vector<1x1x16xf32> to vector<16xf32>
        %parallel_loop3A_1259 = arith.constant 3.200000e+01 : f32
        %parallel_loop3A_1260 = vector.broadcast %parallel_loop3A_1259 : f32 to vector<16xf32>
        %parallel_loop3A_1261 = arith.mulf %parallel_loop3A_1258, %parallel_loop3A_1260 : vector<16xf32>
        %parallel_loop3A_1262 = arith.addf %parallel_loop3A_1261, %parallel_loop3A_1231 : vector<16xf32>
        %parallel_loop3A_1263 = arith.constant 1 : i32
        %parallel_loop3A_1264 = arith.index_cast %parallel_loop3A_1263 : i32 to index
        %parallel_loop3A_1265 = arith.index_cast %parallel_loop3A_1252 : i32 to index
        %parallel_loop3A_1266 = arith.index_cast %parallel_loop3A_1225 : i32 to index
        %parallel_loop3A_1267 = tpu.vector_load %arg7[%parallel_loop3A_1264, %parallel_loop3A_1265, %parallel_loop3A_1266] {strides = array<i32>} : memref<3x32x1024xf32, #tpu.memory_space<vmem>>, vector<1x1x16xf32>,
        %parallel_loop3A_1268 = vector.shape_cast %parallel_loop3A_1267 : vector<1x1x16xf32> to vector<16xf32>
        %parallel_loop3A_1269 = vector.shape_cast %parallel_loop3A_1262 : vector<16xf32> to vector<1x1x16xf32>
        tpu.vector_store %arg7[%parallel_loop3A_1264, %parallel_loop3A_1265, %parallel_loop3A_1266], %parallel_loop3A_1269 {strides = array<i32>} : memref<3x32x1024xf32, #tpu.memory_space<vmem>>, vector<1x1x16xf32>,
        %parallel_loop3A_1270 = arith.constant 16 : i32
        %parallel_loop3A_1271 = arith.addi %parallel_loop3A_1270, %parallel_loop3A_1220 : i32
        %parallel_loop3A_1272 = arith.constant 1 : i32
        %parallel_loop3A_1273 = arith.index_cast %parallel_loop3A_1272 : i32 to index
        %parallel_loop3A_1274 = arith.index_cast %parallel_loop3A_1271 : i32 to index
        %parallel_loop3A_1275 = arith.index_cast %parallel_loop3A_1225 : i32 to index
        %parallel_loop3A_1276 = tpu.vector_load %arg7[%parallel_loop3A_1273, %parallel_loop3A_1274, %parallel_loop3A_1275] {strides = array<i32>} : memref<3x32x1024xf32, #tpu.memory_space<vmem>>, vector<1x1x16xf32>,
        %parallel_loop3A_1277 = vector.shape_cast %parallel_loop3A_1276 : vector<1x1x16xf32> to vector<16xf32>
        %parallel_loop3A_1278 = arith.constant 3.200000e+01 : f32
        %parallel_loop3A_1279 = vector.broadcast %parallel_loop3A_1278 : f32 to vector<16xf32>
        %parallel_loop3A_1280 = arith.mulf %parallel_loop3A_1277, %parallel_loop3A_1279 : vector<16xf32>
        %parallel_loop3A_1281 = arith.addf %parallel_loop3A_1280, %parallel_loop3A_1231 : vector<16xf32>
        %parallel_loop3A_1282 = arith.constant 1 : i32
        %parallel_loop3A_1283 = arith.index_cast %parallel_loop3A_1282 : i32 to index
        %parallel_loop3A_1284 = arith.index_cast %parallel_loop3A_1271 : i32 to index
        %parallel_loop3A_1285 = arith.index_cast %parallel_loop3A_1225 : i32 to index
        %parallel_loop3A_1286 = tpu.vector_load %arg7[%parallel_loop3A_1283, %parallel_loop3A_1284, %parallel_loop3A_1285] {strides = array<i32>} : memref<3x32x1024xf32, #tpu.memory_space<vmem>>, vector<1x1x16xf32>,
        %parallel_loop3A_1287 = vector.shape_cast %parallel_loop3A_1286 : vector<1x1x16xf32> to vector<16xf32>
        %parallel_loop3A_1288 = vector.shape_cast %parallel_loop3A_1281 : vector<16xf32> to vector<1x1x16xf32>
        tpu.vector_store %arg7[%parallel_loop3A_1283, %parallel_loop3A_1284, %parallel_loop3A_1285], %parallel_loop3A_1288 {strides = array<i32>} : memref<3x32x1024xf32, #tpu.memory_space<vmem>>, vector<1x1x16xf32>,
        %parallel_loop3A_1289 = arith.constant 24 : i32
        %parallel_loop3A_1290 = arith.addi %parallel_loop3A_1289, %parallel_loop3A_1220 : i32
        %parallel_loop3A_1291 = arith.constant 1 : i32
        %parallel_loop3A_1292 = arith.index_cast %parallel_loop3A_1291 : i32 to index
        %parallel_loop3A_1293 = arith.index_cast %parallel_loop3A_1290 : i32 to index
        %parallel_loop3A_1294 = arith.index_cast %parallel_loop3A_1225 : i32 to index
        %parallel_loop3A_1295 = tpu.vector_load %arg7[%parallel_loop3A_1292, %parallel_loop3A_1293, %parallel_loop3A_1294] {strides = array<i32>} : memref<3x32x1024xf32, #tpu.memory_space<vmem>>, vector<1x1x16xf32>,
        %parallel_loop3A_1296 = vector.shape_cast %parallel_loop3A_1295 : vector<1x1x16xf32> to vector<16xf32>
        %parallel_loop3A_1297 = arith.constant 3.200000e+01 : f32
        %parallel_loop3A_1298 = vector.broadcast %parallel_loop3A_1297 : f32 to vector<16xf32>
        %parallel_loop3A_1299 = arith.mulf %parallel_loop3A_1296, %parallel_loop3A_1298 : vector<16xf32>
        %parallel_loop3A_1300 = arith.addf %parallel_loop3A_1299, %parallel_loop3A_1231 : vector<16xf32>
        %parallel_loop3A_1301 = arith.constant 1 : i32
        %parallel_loop3A_1302 = arith.index_cast %parallel_loop3A_1301 : i32 to index
        %parallel_loop3A_1303 = arith.index_cast %parallel_loop3A_1290 : i32 to index
        %parallel_loop3A_1304 = arith.index_cast %parallel_loop3A_1225 : i32 to index
        %parallel_loop3A_1305 = tpu.vector_load %arg7[%parallel_loop3A_1302, %parallel_loop3A_1303, %parallel_loop3A_1304] {strides = array<i32>} : memref<3x32x1024xf32, #tpu.memory_space<vmem>>, vector<1x1x16xf32>,
        %parallel_loop3A_1306 = vector.shape_cast %parallel_loop3A_1305 : vector<1x1x16xf32> to vector<16xf32>
        %parallel_loop3A_1307 = vector.shape_cast %parallel_loop3A_1300 : vector<16xf32> to vector<1x1x16xf32>
        tpu.vector_store %arg7[%parallel_loop3A_1302, %parallel_loop3A_1303, %parallel_loop3A_1304], %parallel_loop3A_1307 {strides = array<i32>} : memref<3x32x1024xf32, #tpu.memory_space<vmem>>, vector<1x1x16xf32>,
      } {sc.loop_unroll_factor = 4 : i64, sc.parallel_access}
      %sub3A_731 = arith.constant 1 : i32
      %sub3A_732 = arith.subi %add3A_656, %sub3A_731 : i32
      %mul3A_733 = arith.constant 8 : i32
      %mul3A_734 = arith.muli %sub3A_732, %mul3A_733 : i32
      %add3A_735 = arith.addi %mul3A_2, %mul3A_734 : i32
      %mul3A_736 = arith.constant 8 : i32
      %mul3A_737 = arith.muli %sub3A_732, %mul3A_736 : i32
      %add3A_738 = arith.addi %mul3A_2, %mul3A_737 : i32
      %mul3A_739 = arith.constant 8 : i32
      %mul3A_740 = arith.muli %sub3A_732, %mul3A_739 : i32
      %add3A_741 = arith.addi %mul3A_2, %mul3A_740 : i32
      %mul3A_742 = arith.constant 8 : i32
      %mul3A_743 = arith.muli %sub3A_732, %mul3A_742 : i32
      %add3A_744 = arith.addi %mul3A_2, %mul3A_743 : i32
      %dma_wait3A_745 = arith.constant 0 : i32
      %dma_wait3A_746 = arith.constant 0 : i32
      %dma_wait3A_747 = arith.constant 0 : i32
      %dma_wait3A_748 = arith.constant 0 : i32
      %dma_wait3A_749 = tpu.memref_slice %arg7[%dma_wait3A_745, %dma_wait3A_747, %dma_wait3A_748] : memref<3x32x1024xf32, #tpu.memory_space<vmem>> -> memref<1x8x1024xf32, #tpu.memory_space<vmem>>
      %dma_wait3A_750 = tpu.memref_squeeze %dma_wait3A_749 : memref<1x8x1024xf32, #tpu.memory_space<vmem>> -> memref<8x1024xf32, #tpu.memory_space<vmem>>
      %dma_wait3A_751 = arith.constant 0 : i32
      %dma_wait3A_752 = tpu.memref_slice %arg5[%dma_wait3A_746, %add3A_735, %dma_wait3A_751] : memref<4x4096x1024xf32, #tpu.memory_space<hbm>> -> memref<1x8x1024xf32, #tpu.memory_space<hbm>>
      %dma_wait3A_753 = tpu.memref_squeeze %dma_wait3A_752 : memref<1x8x1024xf32, #tpu.memory_space<hbm>> -> memref<8x1024xf32, #tpu.memory_space<hbm>>
      %dma_wait3A_754 = arith.constant 0 : i32
      %dma_wait3A_755 = tpu.memref_slice %arg5[%dma_wait3A_746, %add3A_735, %dma_wait3A_754] : memref<4x4096x1024xf32, #tpu.memory_space<hbm>> -> memref<1x8x1024xf32, #tpu.memory_space<hbm>>
      %dma_wait3A_756 = tpu.memref_squeeze %dma_wait3A_755 : memref<1x8x1024xf32, #tpu.memory_space<hbm>> -> memref<8x1024xf32, #tpu.memory_space<hbm>>
      %dma_wait3A_757 = arith.constant 0 : i32
      %dma_wait3A_758 = arith.constant 0 : i32
      %dma_wait3A_759 = tpu.memref_slice %arg7[%dma_wait3A_745, %dma_wait3A_757, %dma_wait3A_758] : memref<3x32x1024xf32, #tpu.memory_space<vmem>> -> memref<1x8x1024xf32, #tpu.memory_space<vmem>>
      %dma_wait3A_760 = tpu.memref_squeeze %dma_wait3A_759 : memref<1x8x1024xf32, #tpu.memory_space<vmem>> -> memref<8x1024xf32, #tpu.memory_space<vmem>>
      tpu.wait_dma2 semaphore(%arg12 : memref<!tpu.dma_semaphore, #tpu.memory_space<semaphore_mem>>) src(%dma_wait3A_760 : memref<8x1024xf32, #tpu.memory_space<vmem>>) dst(%dma_wait3A_756 : memref<8x1024xf32, #tpu.memory_space<hbm>>)
      %dma_wait3A_761 = arith.constant 0 : i32
      %dma_wait3A_762 = arith.constant 1 : i32
      %dma_wait3A_763 = arith.constant 8 : i32
      %dma_wait3A_764 = arith.constant 0 : i32
      %dma_wait3A_765 = tpu.memref_slice %arg7[%dma_wait3A_761, %dma_wait3A_763, %dma_wait3A_764] : memref<3x32x1024xf32, #tpu.memory_space<vmem>> -> memref<1x8x1024xf32, #tpu.memory_space<vmem>>
      %dma_wait3A_766 = tpu.memref_squeeze %dma_wait3A_765 : memref<1x8x1024xf32, #tpu.memory_space<vmem>> -> memref<8x1024xf32, #tpu.memory_space<vmem>>
      %dma_wait3A_767 = arith.constant 0 : i32
      %dma_wait3A_768 = tpu.memref_slice %arg5[%dma_wait3A_762, %add3A_738, %dma_wait3A_767] : memref<4x4096x1024xf32, #tpu.memory_space<hbm>> -> memref<1x8x1024xf32, #tpu.memory_space<hbm>>
      %dma_wait3A_769 = tpu.memref_squeeze %dma_wait3A_768 : memref<1x8x1024xf32, #tpu.memory_space<hbm>> -> memref<8x1024xf32, #tpu.memory_space<hbm>>
      %dma_wait3A_770 = arith.constant 0 : i32
      %dma_wait3A_771 = tpu.memref_slice %arg5[%dma_wait3A_762, %add3A_738, %dma_wait3A_770] : memref<4x4096x1024xf32, #tpu.memory_space<hbm>> -> memref<1x8x1024xf32, #tpu.memory_space<hbm>>
      %dma_wait3A_772 = tpu.memref_squeeze %dma_wait3A_771 : memref<1x8x1024xf32, #tpu.memory_space<hbm>> -> memref<8x1024xf32, #tpu.memory_space<hbm>>
      %dma_wait3A_773 = arith.constant 8 : i32
      %dma_wait3A_774 = arith.constant 0 : i32
      %dma_wait3A_775 = tpu.memref_slice %arg7[%dma_wait3A_761, %dma_wait3A_773, %dma_wait3A_774] : memref<3x32x1024xf32, #tpu.memory_space<vmem>> -> memref<1x8x1024xf32, #tpu.memory_space<vmem>>
      %dma_wait3A_776 = tpu.memref_squeeze %dma_wait3A_775 : memref<1x8x1024xf32, #tpu.memory_space<vmem>> -> memref<8x1024xf32, #tpu.memory_space<vmem>>
      tpu.wait_dma2 semaphore(%arg12 : memref<!tpu.dma_semaphore, #tpu.memory_space<semaphore_mem>>) src(%dma_wait3A_776 : memref<8x1024xf32, #tpu.memory_space<vmem>>) dst(%dma_wait3A_772 : memref<8x1024xf32, #tpu.memory_space<hbm>>)
      %dma_wait3A_777 = arith.constant 0 : i32
      %dma_wait3A_778 = arith.constant 2 : i32
      %dma_wait3A_779 = arith.constant 16 : i32
      %dma_wait3A_780 = arith.constant 0 : i32
      %dma_wait3A_781 = tpu.memref_slice %arg7[%dma_wait3A_777, %dma_wait3A_779, %dma_wait3A_780] : memref<3x32x1024xf32, #tpu.memory_space<vmem>> -> memref<1x8x1024xf32, #tpu.memory_space<vmem>>
      %dma_wait3A_782 = tpu.memref_squeeze %dma_wait3A_781 : memref<1x8x1024xf32, #tpu.memory_space<vmem>> -> memref<8x1024xf32, #tpu.memory_space<vmem>>
      %dma_wait3A_783 = arith.constant 0 : i32
      %dma_wait3A_784 = tpu.memref_slice %arg5[%dma_wait3A_778, %add3A_741, %dma_wait3A_783] : memref<4x4096x1024xf32, #tpu.memory_space<hbm>> -> memref<1x8x1024xf32, #tpu.memory_space<hbm>>
      %dma_wait3A_785 = tpu.memref_squeeze %dma_wait3A_784 : memref<1x8x1024xf32, #tpu.memory_space<hbm>> -> memref<8x1024xf32, #tpu.memory_space<hbm>>
      %dma_wait3A_786 = arith.constant 0 : i32
      %dma_wait3A_787 = tpu.memref_slice %arg5[%dma_wait3A_778, %add3A_741, %dma_wait3A_786] : memref<4x4096x1024xf32, #tpu.memory_space<hbm>> -> memref<1x8x1024xf32, #tpu.memory_space<hbm>>
      %dma_wait3A_788 = tpu.memref_squeeze %dma_wait3A_787 : memref<1x8x1024xf32, #tpu.memory_space<hbm>> -> memref<8x1024xf32, #tpu.memory_space<hbm>>
      %dma_wait3A_789 = arith.constant 16 : i32
      %dma_wait3A_790 = arith.constant 0 : i32
      %dma_wait3A_791 = tpu.memref_slice %arg7[%dma_wait3A_777, %dma_wait3A_789, %dma_wait3A_790] : memref<3x32x1024xf32, #tpu.memory_space<vmem>> -> memref<1x8x1024xf32, #tpu.memory_space<vmem>>
      %dma_wait3A_792 = tpu.memref_squeeze %dma_wait3A_791 : memref<1x8x1024xf32, #tpu.memory_space<vmem>> -> memref<8x1024xf32, #tpu.memory_space<vmem>>
      tpu.wait_dma2 semaphore(%arg12 : memref<!tpu.dma_semaphore, #tpu.memory_space<semaphore_mem>>) src(%dma_wait3A_792 : memref<8x1024xf32, #tpu.memory_space<vmem>>) dst(%dma_wait3A_788 : memref<8x1024xf32, #tpu.memory_space<hbm>>)
      %dma_wait3A_793 = arith.constant 0 : i32
      %dma_wait3A_794 = arith.constant 3 : i32
      %dma_wait3A_795 = arith.constant 24 : i32
      %dma_wait3A_796 = arith.constant 0 : i32
      %dma_wait3A_797 = tpu.memref_slice %arg7[%dma_wait3A_793, %dma_wait3A_795, %dma_wait3A_796] : memref<3x32x1024xf32, #tpu.memory_space<vmem>> -> memref<1x8x1024xf32, #tpu.memory_space<vmem>>
      %dma_wait3A_798 = tpu.memref_squeeze %dma_wait3A_797 : memref<1x8x1024xf32, #tpu.memory_space<vmem>> -> memref<8x1024xf32, #tpu.memory_space<vmem>>
      %dma_wait3A_799 = arith.constant 0 : i32
      %dma_wait3A_800 = tpu.memref_slice %arg5[%dma_wait3A_794, %add3A_744, %dma_wait3A_799] : memref<4x4096x1024xf32, #tpu.memory_space<hbm>> -> memref<1x8x1024xf32, #tpu.memory_space<hbm>>
      %dma_wait3A_801 = tpu.memref_squeeze %dma_wait3A_800 : memref<1x8x1024xf32, #tpu.memory_space<hbm>> -> memref<8x1024xf32, #tpu.memory_space<hbm>>
      %dma_wait3A_802 = arith.constant 0 : i32
      %dma_wait3A_803 = tpu.memref_slice %arg5[%dma_wait3A_794, %add3A_744, %dma_wait3A_802] : memref<4x4096x1024xf32, #tpu.memory_space<hbm>> -> memref<1x8x1024xf32, #tpu.memory_space<hbm>>
      %dma_wait3A_804 = tpu.memref_squeeze %dma_wait3A_803 : memref<1x8x1024xf32, #tpu.memory_space<hbm>> -> memref<8x1024xf32, #tpu.memory_space<hbm>>
      %dma_wait3A_805 = arith.constant 24 : i32
      %dma_wait3A_806 = arith.constant 0 : i32
      %dma_wait3A_807 = tpu.memref_slice %arg7[%dma_wait3A_793, %dma_wait3A_805, %dma_wait3A_806] : memref<3x32x1024xf32, #tpu.memory_space<vmem>> -> memref<1x8x1024xf32, #tpu.memory_space<vmem>>
      %dma_wait3A_808 = tpu.memref_squeeze %dma_wait3A_807 : memref<1x8x1024xf32, #tpu.memory_space<vmem>> -> memref<8x1024xf32, #tpu.memory_space<vmem>>
      tpu.wait_dma2 semaphore(%arg12 : memref<!tpu.dma_semaphore, #tpu.memory_space<semaphore_mem>>) src(%dma_wait3A_808 : memref<8x1024xf32, #tpu.memory_space<vmem>>) dst(%dma_wait3A_804 : memref<8x1024xf32, #tpu.memory_space<hbm>>)
      %add3A_809 = arith.constant 3 : i32
      %add3A_810 = arith.addi %add3A_656, %add3A_809 : i32
      %sub3A_811 = arith.constant 1 : i32
      %sub3A_812 = arith.subi %add3A_810, %sub3A_811 : i32
      %mul3A_813 = arith.constant 8 : i32
      %mul3A_814 = arith.muli %sub3A_812, %mul3A_813 : i32
      %mul3A_815 = arith.constant 8 : i32
      %mul3A_816 = arith.muli %sub3A_812, %mul3A_815 : i32
      %mul3A_817 = arith.constant 8 : i32
      %mul3A_818 = arith.muli %sub3A_812, %mul3A_817 : i32
      %mul3A_819 = arith.constant 8 : i32
      %mul3A_820 = arith.muli %sub3A_812, %mul3A_819 : i32
      %mul3A_821 = arith.constant 8 : i32
      %mul3A_822 = arith.muli %sub3A_812, %mul3A_821 : i32
      %add3A_823 = arith.addi %mul3A_2, %mul3A_822 : i32
      %dma_start3A_824 = arith.constant 0 : i32
      %dma_start3A_825 = arith.constant 0 : i32
      %dma_start3A_826 = arith.constant 0 : i32
      %dma_start3A_827 = arith.constant 0 : i32
      %dma_start3A_828 = tpu.memref_slice %arg7[%dma_start3A_825, %dma_start3A_826, %dma_start3A_827] : memref<3x32x1024xf32, #tpu.memory_space<vmem>> -> memref<1x8x1024xf32, #tpu.memory_space<vmem>>
      %dma_start3A_829 = tpu.memref_squeeze %dma_start3A_828 : memref<1x8x1024xf32, #tpu.memory_space<vmem>> -> memref<8x1024xf32, #tpu.memory_space<vmem>>
      %dma_start3A_830 = tpu.memref_slice %arg6[%dma_start3A_824, %mul3A_814] : memref<4x128xi32, #tpu.memory_space<vmem>> -> memref<1x8xi32, #tpu.memory_space<vmem>>
      %dma_start3A_831 = tpu.memref_squeeze %dma_start3A_830 : memref<1x8xi32, #tpu.memory_space<vmem>> -> memref<8xi32, #tpu.memory_space<vmem>>
      %dma_start3A_832 = arith.constant 0 : i32
      %dma_start3A_833 = arith.constant 0 : i32
      %dma_start3A_834 = tpu.memref_slice %arg3[%dma_start3A_832, %dma_start3A_833] : memref<100000x1024xf32, #tpu.memory_space<hbm>> -> memref<100000x1024xf32, #tpu.memory_space<hbm>>
      tpu.enqueue_indirect_dma source(%dma_start3A_834 : memref<100000x1024xf32, #tpu.memory_space<hbm>>) target(%dma_start3A_829 : memref<8x1024xf32, #tpu.memory_space<vmem>>) offsets(%dma_start3A_831 : memref<8xi32, #tpu.memory_space<vmem>>) semaphore(%arg9 : memref<!tpu.dma_semaphore, #tpu.memory_space<semaphore_mem>>)
      %dma_start3A_835 = arith.constant 1 : i32
      %dma_start3A_836 = arith.constant 0 : i32
      %dma_start3A_837 = arith.constant 8 : i32
      %dma_start3A_838 = arith.constant 0 : i32
      %dma_start3A_839 = tpu.memref_slice %arg7[%dma_start3A_836, %dma_start3A_837, %dma_start3A_838] : memref<3x32x1024xf32, #tpu.memory_space<vmem>> -> memref<1x8x1024xf32, #tpu.memory_space<vmem>>
      %dma_start3A_840 = tpu.memref_squeeze %dma_start3A_839 : memref<1x8x1024xf32, #tpu.memory_space<vmem>> -> memref<8x1024xf32, #tpu.memory_space<vmem>>
      %dma_start3A_841 = tpu.memref_slice %arg6[%dma_start3A_835, %mul3A_816] : memref<4x128xi32, #tpu.memory_space<vmem>> -> memref<1x8xi32, #tpu.memory_space<vmem>>
      %dma_start3A_842 = tpu.memref_squeeze %dma_start3A_841 : memref<1x8xi32, #tpu.memory_space<vmem>> -> memref<8xi32, #tpu.memory_space<vmem>>
      %dma_start3A_843 = arith.constant 0 : i32
      %dma_start3A_844 = arith.constant 0 : i32
      %dma_start3A_845 = tpu.memref_slice %arg3[%dma_start3A_843, %dma_start3A_844] : memref<100000x1024xf32, #tpu.memory_space<hbm>> -> memref<100000x1024xf32, #tpu.memory_space<hbm>>
      tpu.enqueue_indirect_dma source(%dma_start3A_845 : memref<100000x1024xf32, #tpu.memory_space<hbm>>) target(%dma_start3A_840 : memref<8x1024xf32, #tpu.memory_space<vmem>>) offsets(%dma_start3A_842 : memref<8xi32, #tpu.memory_space<vmem>>) semaphore(%arg9 : memref<!tpu.dma_semaphore, #tpu.memory_space<semaphore_mem>>)
      %dma_start3A_846 = arith.constant 2 : i32
      %dma_start3A_847 = arith.constant 0 : i32
      %dma_start3A_848 = arith.constant 16 : i32
      %dma_start3A_849 = arith.constant 0 : i32
      %dma_start3A_850 = tpu.memref_slice %arg7[%dma_start3A_847, %dma_start3A_848, %dma_start3A_849] : memref<3x32x1024xf32, #tpu.memory_space<vmem>> -> memref<1x8x1024xf32, #tpu.memory_space<vmem>>
      %dma_start3A_851 = tpu.memref_squeeze %dma_start3A_850 : memref<1x8x1024xf32, #tpu.memory_space<vmem>> -> memref<8x1024xf32, #tpu.memory_space<vmem>>
      %dma_start3A_852 = tpu.memref_slice %arg6[%dma_start3A_846, %mul3A_818] : memref<4x128xi32, #tpu.memory_space<vmem>> -> memref<1x8xi32, #tpu.memory_space<vmem>>
      %dma_start3A_853 = tpu.memref_squeeze %dma_start3A_852 : memref<1x8xi32, #tpu.memory_space<vmem>> -> memref<8xi32, #tpu.memory_space<vmem>>
      %dma_start3A_854 = arith.constant 0 : i32
      %dma_start3A_855 = arith.constant 0 : i32
      %dma_start3A_856 = tpu.memref_slice %arg3[%dma_start3A_854, %dma_start3A_855] : memref<100000x1024xf32, #tpu.memory_space<hbm>> -> memref<100000x1024xf32, #tpu.memory_space<hbm>>
      tpu.enqueue_indirect_dma source(%dma_start3A_856 : memref<100000x1024xf32, #tpu.memory_space<hbm>>) target(%dma_start3A_851 : memref<8x1024xf32, #tpu.memory_space<vmem>>) offsets(%dma_start3A_853 : memref<8xi32, #tpu.memory_space<vmem>>) semaphore(%arg9 : memref<!tpu.dma_semaphore, #tpu.memory_space<semaphore_mem>>)
      %dma_start3A_857 = arith.constant 3 : i32
      %dma_start3A_858 = arith.constant 0 : i32
      %dma_start3A_859 = arith.constant 24 : i32
      %dma_start3A_860 = arith.constant 0 : i32
      %dma_start3A_861 = tpu.memref_slice %arg7[%dma_start3A_858, %dma_start3A_859, %dma_start3A_860] : memref<3x32x1024xf32, #tpu.memory_space<vmem>> -> memref<1x8x1024xf32, #tpu.memory_space<vmem>>
      %dma_start3A_862 = tpu.memref_squeeze %dma_start3A_861 : memref<1x8x1024xf32, #tpu.memory_space<vmem>> -> memref<8x1024xf32, #tpu.memory_space<vmem>>
      %dma_start3A_863 = tpu.memref_slice %arg6[%dma_start3A_857, %mul3A_820] : memref<4x128xi32, #tpu.memory_space<vmem>> -> memref<1x8xi32, #tpu.memory_space<vmem>>
      %dma_start3A_864 = tpu.memref_squeeze %dma_start3A_863 : memref<1x8xi32, #tpu.memory_space<vmem>> -> memref<8xi32, #tpu.memory_space<vmem>>
      %dma_start3A_865 = arith.constant 0 : i32
      %dma_start3A_866 = arith.constant 0 : i32
      %dma_start3A_867 = tpu.memref_slice %arg3[%dma_start3A_865, %dma_start3A_866] : memref<100000x1024xf32, #tpu.memory_space<hbm>> -> memref<100000x1024xf32, #tpu.memory_space<hbm>>
      tpu.enqueue_indirect_dma source(%dma_start3A_867 : memref<100000x1024xf32, #tpu.memory_space<hbm>>) target(%dma_start3A_862 : memref<8x1024xf32, #tpu.memory_space<vmem>>) offsets(%dma_start3A_864 : memref<8xi32, #tpu.memory_space<vmem>>) semaphore(%arg9 : memref<!tpu.dma_semaphore, #tpu.memory_space<semaphore_mem>>)
      %dma_start3A_868 = arith.constant 0 : i32
      %dma_start3A_869 = arith.constant 0 : i32
      %dma_start3A_870 = arith.constant 0 : i32
      %dma_start3A_871 = arith.constant 0 : i32
      %dma_start3A_872 = tpu.memref_slice %arg8[%dma_start3A_869, %dma_start3A_870, %dma_start3A_871] : memref<3x8x1024xf32, #tpu.memory_space<vmem>> -> memref<1x8x1024xf32, #tpu.memory_space<vmem>>
      %dma_start3A_873 = tpu.memref_squeeze %dma_start3A_872 : memref<1x8x1024xf32, #tpu.memory_space<vmem>> -> memref<8x1024xf32, #tpu.memory_space<vmem>>
      %dma_start3A_874 = arith.constant 0 : i32
      %dma_start3A_875 = tpu.memref_slice %arg4[%dma_start3A_868, %add3A_823, %dma_start3A_874] : memref<1x8192x1024xf32, #tpu.memory_space<hbm>> -> memref<1x8x1024xf32, #tpu.memory_space<hbm>>
      %dma_start3A_876 = tpu.memref_squeeze %dma_start3A_875 : memref<1x8x1024xf32, #tpu.memory_space<hbm>> -> memref<8x1024xf32, #tpu.memory_space<hbm>>
      %dma_start3A_877 = arith.constant 0 : i32
      %dma_start3A_878 = arith.constant 0 : i32
      %dma_start3A_879 = tpu.memref_slice %arg8[%dma_start3A_869, %dma_start3A_877, %dma_start3A_878] : memref<3x8x1024xf32, #tpu.memory_space<vmem>> -> memref<1x8x1024xf32, #tpu.memory_space<vmem>>
      %dma_start3A_880 = tpu.memref_squeeze %dma_start3A_879 : memref<1x8x1024xf32, #tpu.memory_space<vmem>> -> memref<8x1024xf32, #tpu.memory_space<vmem>>
      %dma_start3A_881 = arith.constant 0 : i32
      %dma_start3A_882 = tpu.memref_slice %arg4[%dma_start3A_868, %add3A_823, %dma_start3A_881] : memref<1x8192x1024xf32, #tpu.memory_space<hbm>> -> memref<1x8x1024xf32, #tpu.memory_space<hbm>>
      %dma_start3A_883 = tpu.memref_squeeze %dma_start3A_882 : memref<1x8x1024xf32, #tpu.memory_space<hbm>> -> memref<8x1024xf32, #tpu.memory_space<hbm>>
      tpu.enqueue_dma source(%dma_start3A_883 : memref<8x1024xf32, #tpu.memory_space<hbm>>) target(%dma_start3A_880 : memref<8x1024xf32, #tpu.memory_space<vmem>>) target_semaphore(%arg9 : memref<!tpu.dma_semaphore, #tpu.memory_space<semaphore_mem>>)
      %mul3A_884 = arith.constant 8 : i32
      %mul3A_885 = arith.muli %add3A_656, %mul3A_884 : i32
      %add3A_886 = arith.addi %mul3A_2, %mul3A_885 : i32
      %mul3A_887 = arith.constant 8 : i32
      %mul3A_888 = arith.muli %add3A_656, %mul3A_887 : i32
      %add3A_889 = arith.addi %mul3A_2, %mul3A_888 : i32
      %mul3A_890 = arith.constant 8 : i32
      %mul3A_891 = arith.muli %add3A_656, %mul3A_890 : i32
      %add3A_892 = arith.addi %mul3A_2, %mul3A_891 : i32
      %mul3A_893 = arith.constant 8 : i32
      %mul3A_894 = arith.muli %add3A_656, %mul3A_893 : i32
      %add3A_895 = arith.addi %mul3A_2, %mul3A_894 : i32
      %dma_start3A_896 = arith.constant 1 : i32
      %dma_start3A_897 = arith.constant 0 : i32
      %dma_start3A_898 = arith.constant 0 : i32
      %dma_start3A_899 = arith.constant 0 : i32
      %dma_start3A_900 = tpu.memref_slice %arg7[%dma_start3A_896, %dma_start3A_898, %dma_start3A_899] : memref<3x32x1024xf32, #tpu.memory_space<vmem>> -> memref<1x8x1024xf32, #tpu.memory_space<vmem>>
      %dma_start3A_901 = tpu.memref_squeeze %dma_start3A_900 : memref<1x8x1024xf32, #tpu.memory_space<vmem>> -> memref<8x1024xf32, #tpu.memory_space<vmem>>
      %dma_start3A_902 = arith.constant 0 : i32
      %dma_start3A_903 = tpu.memref_slice %arg5[%dma_start3A_897, %add3A_886, %dma_start3A_902] : memref<4x4096x1024xf32, #tpu.memory_space<hbm>> -> memref<1x8x1024xf32, #tpu.memory_space<hbm>>
      %dma_start3A_904 = tpu.memref_squeeze %dma_start3A_903 : memref<1x8x1024xf32, #tpu.memory_space<hbm>> -> memref<8x1024xf32, #tpu.memory_space<hbm>>
      %dma_start3A_905 = arith.constant 0 : i32
      %dma_start3A_906 = tpu.memref_slice %arg5[%dma_start3A_897, %add3A_886, %dma_start3A_905] : memref<4x4096x1024xf32, #tpu.memory_space<hbm>> -> memref<1x8x1024xf32, #tpu.memory_space<hbm>>
      %dma_start3A_907 = tpu.memref_squeeze %dma_start3A_906 : memref<1x8x1024xf32, #tpu.memory_space<hbm>> -> memref<8x1024xf32, #tpu.memory_space<hbm>>
      %dma_start3A_908 = arith.constant 0 : i32
      %dma_start3A_909 = arith.constant 0 : i32
      %dma_start3A_910 = tpu.memref_slice %arg7[%dma_start3A_896, %dma_start3A_908, %dma_start3A_909] : memref<3x32x1024xf32, #tpu.memory_space<vmem>> -> memref<1x8x1024xf32, #tpu.memory_space<vmem>>
      %dma_start3A_911 = tpu.memref_squeeze %dma_start3A_910 : memref<1x8x1024xf32, #tpu.memory_space<vmem>> -> memref<8x1024xf32, #tpu.memory_space<vmem>>
      tpu.enqueue_dma source(%dma_start3A_911 : memref<8x1024xf32, #tpu.memory_space<vmem>>) target(%dma_start3A_907 : memref<8x1024xf32, #tpu.memory_space<hbm>>) target_semaphore(%arg13 : memref<!tpu.dma_semaphore, #tpu.memory_space<semaphore_mem>>)
      %dma_start3A_912 = arith.constant 1 : i32
      %dma_start3A_913 = arith.constant 1 : i32
      %dma_start3A_914 = arith.constant 8 : i32
      %dma_start3A_915 = arith.constant 0 : i32
      %dma_start3A_916 = tpu.memref_slice %arg7[%dma_start3A_912, %dma_start3A_914, %dma_start3A_915] : memref<3x32x1024xf32, #tpu.memory_space<vmem>> -> memref<1x8x1024xf32, #tpu.memory_space<vmem>>
      %dma_start3A_917 = tpu.memref_squeeze %dma_start3A_916 : memref<1x8x1024xf32, #tpu.memory_space<vmem>> -> memref<8x1024xf32, #tpu.memory_space<vmem>>
      %dma_start3A_918 = arith.constant 0 : i32
      %dma_start3A_919 = tpu.memref_slice %arg5[%dma_start3A_913, %add3A_889, %dma_start3A_918] : memref<4x4096x1024xf32, #tpu.memory_space<hbm>> -> memref<1x8x1024xf32, #tpu.memory_space<hbm>>
      %dma_start3A_920 = tpu.memref_squeeze %dma_start3A_919 : memref<1x8x1024xf32, #tpu.memory_space<hbm>> -> memref<8x1024xf32, #tpu.memory_space<hbm>>
      %dma_start3A_921 = arith.constant 0 : i32
      %dma_start3A_922 = tpu.memref_slice %arg5[%dma_start3A_913, %add3A_889, %dma_start3A_921] : memref<4x4096x1024xf32, #tpu.memory_space<hbm>> -> memref<1x8x1024xf32, #tpu.memory_space<hbm>>
      %dma_start3A_923 = tpu.memref_squeeze %dma_start3A_922 : memref<1x8x1024xf32, #tpu.memory_space<hbm>> -> memref<8x1024xf32, #tpu.memory_space<hbm>>
      %dma_start3A_924 = arith.constant 8 : i32
      %dma_start3A_925 = arith.constant 0 : i32
      %dma_start3A_926 = tpu.memref_slice %arg7[%dma_start3A_912, %dma_start3A_924, %dma_start3A_925] : memref<3x32x1024xf32, #tpu.memory_space<vmem>> -> memref<1x8x1024xf32, #tpu.memory_space<vmem>>
      %dma_start3A_927 = tpu.memref_squeeze %dma_start3A_926 : memref<1x8x1024xf32, #tpu.memory_space<vmem>> -> memref<8x1024xf32, #tpu.memory_space<vmem>>
      tpu.enqueue_dma source(%dma_start3A_927 : memref<8x1024xf32, #tpu.memory_space<vmem>>) target(%dma_start3A_923 : memref<8x1024xf32, #tpu.memory_space<hbm>>) target_semaphore(%arg13 : memref<!tpu.dma_semaphore, #tpu.memory_space<semaphore_mem>>)
      %dma_start3A_928 = arith.constant 1 : i32
      %dma_start3A_929 = arith.constant 2 : i32
      %dma_start3A_930 = arith.constant 16 : i32
      %dma_start3A_931 = arith.constant 0 : i32
      %dma_start3A_932 = tpu.memref_slice %arg7[%dma_start3A_928, %dma_start3A_930, %dma_start3A_931] : memref<3x32x1024xf32, #tpu.memory_space<vmem>> -> memref<1x8x1024xf32, #tpu.memory_space<vmem>>
      %dma_start3A_933 = tpu.memref_squeeze %dma_start3A_932 : memref<1x8x1024xf32, #tpu.memory_space<vmem>> -> memref<8x1024xf32, #tpu.memory_space<vmem>>
      %dma_start3A_934 = arith.constant 0 : i32
      %dma_start3A_935 = tpu.memref_slice %arg5[%dma_start3A_929, %add3A_892, %dma_start3A_934] : memref<4x4096x1024xf32, #tpu.memory_space<hbm>> -> memref<1x8x1024xf32, #tpu.memory_space<hbm>>
      %dma_start3A_936 = tpu.memref_squeeze %dma_start3A_935 : memref<1x8x1024xf32, #tpu.memory_space<hbm>> -> memref<8x1024xf32, #tpu.memory_space<hbm>>
      %dma_start3A_937 = arith.constant 0 : i32
      %dma_start3A_938 = tpu.memref_slice %arg5[%dma_start3A_929, %add3A_892, %dma_start3A_937] : memref<4x4096x1024xf32, #tpu.memory_space<hbm>> -> memref<1x8x1024xf32, #tpu.memory_space<hbm>>
      %dma_start3A_939 = tpu.memref_squeeze %dma_start3A_938 : memref<1x8x1024xf32, #tpu.memory_space<hbm>> -> memref<8x1024xf32, #tpu.memory_space<hbm>>
      %dma_start3A_940 = arith.constant 16 : i32
      %dma_start3A_941 = arith.constant 0 : i32
      %dma_start3A_942 = tpu.memref_slice %arg7[%dma_start3A_928, %dma_start3A_940, %dma_start3A_941] : memref<3x32x1024xf32, #tpu.memory_space<vmem>> -> memref<1x8x1024xf32, #tpu.memory_space<vmem>>
      %dma_start3A_943 = tpu.memref_squeeze %dma_start3A_942 : memref<1x8x1024xf32, #tpu.memory_space<vmem>> -> memref<8x1024xf32, #tpu.memory_space<vmem>>
      tpu.enqueue_dma source(%dma_start3A_943 : memref<8x1024xf32, #tpu.memory_space<vmem>>) target(%dma_start3A_939 : memref<8x1024xf32, #tpu.memory_space<hbm>>) target_semaphore(%arg13 : memref<!tpu.dma_semaphore, #tpu.memory_space<semaphore_mem>>)
      %dma_start3A_944 = arith.constant 1 : i32
      %dma_start3A_945 = arith.constant 3 : i32
      %dma_start3A_946 = arith.constant 24 : i32
      %dma_start3A_947 = arith.constant 0 : i32
      %dma_start3A_948 = tpu.memref_slice %arg7[%dma_start3A_944, %dma_start3A_946, %dma_start3A_947] : memref<3x32x1024xf32, #tpu.memory_space<vmem>> -> memref<1x8x1024xf32, #tpu.memory_space<vmem>>
      %dma_start3A_949 = tpu.memref_squeeze %dma_start3A_948 : memref<1x8x1024xf32, #tpu.memory_space<vmem>> -> memref<8x1024xf32, #tpu.memory_space<vmem>>
      %dma_start3A_950 = arith.constant 0 : i32
      %dma_start3A_951 = tpu.memref_slice %arg5[%dma_start3A_945, %add3A_895, %dma_start3A_950] : memref<4x4096x1024xf32, #tpu.memory_space<hbm>> -> memref<1x8x1024xf32, #tpu.memory_space<hbm>>
      %dma_start3A_952 = tpu.memref_squeeze %dma_start3A_951 : memref<1x8x1024xf32, #tpu.memory_space<hbm>> -> memref<8x1024xf32, #tpu.memory_space<hbm>>
      %dma_start3A_953 = arith.constant 0 : i32
      %dma_start3A_954 = tpu.memref_slice %arg5[%dma_start3A_945, %add3A_895, %dma_start3A_953] : memref<4x4096x1024xf32, #tpu.memory_space<hbm>> -> memref<1x8x1024xf32, #tpu.memory_space<hbm>>
      %dma_start3A_955 = tpu.memref_squeeze %dma_start3A_954 : memref<1x8x1024xf32, #tpu.memory_space<hbm>> -> memref<8x1024xf32, #tpu.memory_space<hbm>>
      %dma_start3A_956 = arith.constant 24 : i32
      %dma_start3A_957 = arith.constant 0 : i32
      %dma_start3A_958 = tpu.memref_slice %arg7[%dma_start3A_944, %dma_start3A_956, %dma_start3A_957] : memref<3x32x1024xf32, #tpu.memory_space<vmem>> -> memref<1x8x1024xf32, #tpu.memory_space<vmem>>
      %dma_start3A_959 = tpu.memref_squeeze %dma_start3A_958 : memref<1x8x1024xf32, #tpu.memory_space<vmem>> -> memref<8x1024xf32, #tpu.memory_space<vmem>>
      tpu.enqueue_dma source(%dma_start3A_959 : memref<8x1024xf32, #tpu.memory_space<vmem>>) target(%dma_start3A_955 : memref<8x1024xf32, #tpu.memory_space<hbm>>) target_semaphore(%arg13 : memref<!tpu.dma_semaphore, #tpu.memory_space<semaphore_mem>>)
      %mul3A_960 = arith.constant 3 : i32
      %mul3A_961 = arith.muli %scan3A_422, %mul3A_960 : i32
      %add3A_962 = arith.constant 2 : i32
      %add3A_963 = arith.addi %mul3A_961, %add3A_962 : i32
      %mul3A_964 = arith.constant 8 : i32
      %mul3A_965 = arith.muli %add3A_963, %mul3A_964 : i32
      %mul3A_966 = arith.constant 8 : i32
      %mul3A_967 = arith.muli %add3A_963, %mul3A_966 : i32
      %mul3A_968 = arith.constant 8 : i32
      %mul3A_969 = arith.muli %add3A_963, %mul3A_968 : i32
      %mul3A_970 = arith.constant 8 : i32
      %mul3A_971 = arith.muli %add3A_963, %mul3A_970 : i32
      %mul3A_972 = arith.constant 8 : i32
      %mul3A_973 = arith.muli %add3A_963, %mul3A_972 : i32
      %add3A_974 = arith.addi %mul3A_2, %mul3A_973 : i32
      %dma_wait3A_975 = arith.constant 0 : i32
      %dma_wait3A_976 = arith.constant 2 : i32
      %dma_wait3A_977 = arith.constant 0 : i32
      %dma_wait3A_978 = arith.constant 0 : i32
      %dma_wait3A_979 = tpu.memref_slice %arg7[%dma_wait3A_976, %dma_wait3A_977, %dma_wait3A_978] : memref<3x32x1024xf32, #tpu.memory_space<vmem>> -> memref<1x8x1024xf32, #tpu.memory_space<vmem>>
      %dma_wait3A_980 = tpu.memref_squeeze %dma_wait3A_979 : memref<1x8x1024xf32, #tpu.memory_space<vmem>> -> memref<8x1024xf32, #tpu.memory_space<vmem>>
      %dma_wait3A_981 = tpu.memref_slice %arg6[%dma_wait3A_975, %mul3A_965] : memref<4x128xi32, #tpu.memory_space<vmem>> -> memref<1x8xi32, #tpu.memory_space<vmem>>
      %dma_wait3A_982 = tpu.memref_squeeze %dma_wait3A_981 : memref<1x8xi32, #tpu.memory_space<vmem>> -> memref<8xi32, #tpu.memory_space<vmem>>
      %dma_wait3A_983 = arith.constant 0 : i32
      %dma_wait3A_984 = arith.constant 0 : i32
      %dma_wait3A_985 = tpu.memref_slice %arg3[%dma_wait3A_983, %dma_wait3A_984] : memref<100000x1024xf32, #tpu.memory_space<hbm>> -> memref<100000x1024xf32, #tpu.memory_space<hbm>>
      tpu.wait_indirect_dma semaphore(%arg11 : memref<!tpu.dma_semaphore, #tpu.memory_space<semaphore_mem>>) src(%dma_wait3A_985 : memref<100000x1024xf32, #tpu.memory_space<hbm>>) dst(%dma_wait3A_980 : memref<8x1024xf32, #tpu.memory_space<vmem>>)
      %dma_wait3A_986 = arith.constant 1 : i32
      %dma_wait3A_987 = arith.constant 2 : i32
      %dma_wait3A_988 = arith.constant 8 : i32
      %dma_wait3A_989 = arith.constant 0 : i32
      %dma_wait3A_990 = tpu.memref_slice %arg7[%dma_wait3A_987, %dma_wait3A_988, %dma_wait3A_989] : memref<3x32x1024xf32, #tpu.memory_space<vmem>> -> memref<1x8x1024xf32, #tpu.memory_space<vmem>>
      %dma_wait3A_991 = tpu.memref_squeeze %dma_wait3A_990 : memref<1x8x1024xf32, #tpu.memory_space<vmem>> -> memref<8x1024xf32, #tpu.memory_space<vmem>>
      %dma_wait3A_992 = tpu.memref_slice %arg6[%dma_wait3A_986, %mul3A_967] : memref<4x128xi32, #tpu.memory_space<vmem>> -> memref<1x8xi32, #tpu.memory_space<vmem>>
      %dma_wait3A_993 = tpu.memref_squeeze %dma_wait3A_992 : memref<1x8xi32, #tpu.memory_space<vmem>> -> memref<8xi32, #tpu.memory_space<vmem>>
      %dma_wait3A_994 = arith.constant 0 : i32
      %dma_wait3A_995 = arith.constant 0 : i32
      %dma_wait3A_996 = tpu.memref_slice %arg3[%dma_wait3A_994, %dma_wait3A_995] : memref<100000x1024xf32, #tpu.memory_space<hbm>> -> memref<100000x1024xf32, #tpu.memory_space<hbm>>
      tpu.wait_indirect_dma semaphore(%arg11 : memref<!tpu.dma_semaphore, #tpu.memory_space<semaphore_mem>>) src(%dma_wait3A_996 : memref<100000x1024xf32, #tpu.memory_space<hbm>>) dst(%dma_wait3A_991 : memref<8x1024xf32, #tpu.memory_space<vmem>>)
      %dma_wait3A_997 = arith.constant 2 : i32
      %dma_wait3A_998 = arith.constant 2 : i32
      %dma_wait3A_999 = arith.constant 16 : i32
      %dma_wait3A_1000 = arith.constant 0 : i32
      %dma_wait3A_1001 = tpu.memref_slice %arg7[%dma_wait3A_998, %dma_wait3A_999, %dma_wait3A_1000] : memref<3x32x1024xf32, #tpu.memory_space<vmem>> -> memref<1x8x1024xf32, #tpu.memory_space<vmem>>
      %dma_wait3A_1002 = tpu.memref_squeeze %dma_wait3A_1001 : memref<1x8x1024xf32, #tpu.memory_space<vmem>> -> memref<8x1024xf32, #tpu.memory_space<vmem>>
      %dma_wait3A_1003 = tpu.memref_slice %arg6[%dma_wait3A_997, %mul3A_969] : memref<4x128xi32, #tpu.memory_space<vmem>> -> memref<1x8xi32, #tpu.memory_space<vmem>>
      %dma_wait3A_1004 = tpu.memref_squeeze %dma_wait3A_1003 : memref<1x8xi32, #tpu.memory_space<vmem>> -> memref<8xi32, #tpu.memory_space<vmem>>
      %dma_wait3A_1005 = arith.constant 0 : i32
      %dma_wait3A_1006 = arith.constant 0 : i32
      %dma_wait3A_1007 = tpu.memref_slice %arg3[%dma_wait3A_1005, %dma_wait3A_1006] : memref<100000x1024xf32, #tpu.memory_space<hbm>> -> memref<100000x1024xf32, #tpu.memory_space<hbm>>
      tpu.wait_indirect_dma semaphore(%arg11 : memref<!tpu.dma_semaphore, #tpu.memory_space<semaphore_mem>>) src(%dma_wait3A_1007 : memref<100000x1024xf32, #tpu.memory_space<hbm>>) dst(%dma_wait3A_1002 : memref<8x1024xf32, #tpu.memory_space<vmem>>)
      %dma_wait3A_1008 = arith.constant 3 : i32
      %dma_wait3A_1009 = arith.constant 2 : i32
      %dma_wait3A_1010 = arith.constant 24 : i32
      %dma_wait3A_1011 = arith.constant 0 : i32
      %dma_wait3A_1012 = tpu.memref_slice %arg7[%dma_wait3A_1009, %dma_wait3A_1010, %dma_wait3A_1011] : memref<3x32x1024xf32, #tpu.memory_space<vmem>> -> memref<1x8x1024xf32, #tpu.memory_space<vmem>>
      %dma_wait3A_1013 = tpu.memref_squeeze %dma_wait3A_1012 : memref<1x8x1024xf32, #tpu.memory_space<vmem>> -> memref<8x1024xf32, #tpu.memory_space<vmem>>
      %dma_wait3A_1014 = tpu.memref_slice %arg6[%dma_wait3A_1008, %mul3A_971] : memref<4x128xi32, #tpu.memory_space<vmem>> -> memref<1x8xi32, #tpu.memory_space<vmem>>
      %dma_wait3A_1015 = tpu.memref_squeeze %dma_wait3A_1014 : memref<1x8xi32, #tpu.memory_space<vmem>> -> memref<8xi32, #tpu.memory_space<vmem>>
      %dma_wait3A_1016 = arith.constant 0 : i32
      %dma_wait3A_1017 = arith.constant 0 : i32
      %dma_wait3A_1018 = tpu.memref_slice %arg3[%dma_wait3A_1016, %dma_wait3A_1017] : memref<100000x1024xf32, #tpu.memory_space<hbm>> -> memref<100000x1024xf32, #tpu.memory_space<hbm>>
      tpu.wait_indirect_dma semaphore(%arg11 : memref<!tpu.dma_semaphore, #tpu.memory_space<semaphore_mem>>) src(%dma_wait3A_1018 : memref<100000x1024xf32, #tpu.memory_space<hbm>>) dst(%dma_wait3A_1013 : memref<8x1024xf32, #tpu.memory_space<vmem>>)
      %dma_wait3A_1019 = arith.constant 0 : i32
      %dma_wait3A_1020 = arith.constant 2 : i32
      %dma_wait3A_1021 = arith.constant 0 : i32
      %dma_wait3A_1022 = arith.constant 0 : i32
      %dma_wait3A_1023 = tpu.memref_slice %arg8[%dma_wait3A_1020, %dma_wait3A_1021, %dma_wait3A_1022] : memref<3x8x1024xf32, #tpu.memory_space<vmem>> -> memref<1x8x1024xf32, #tpu.memory_space<vmem>>
      %dma_wait3A_1024 = tpu.memref_squeeze %dma_wait3A_1023 : memref<1x8x1024xf32, #tpu.memory_space<vmem>> -> memref<8x1024xf32, #tpu.memory_space<vmem>>
      %dma_wait3A_1025 = arith.constant 0 : i32
      %dma_wait3A_1026 = tpu.memref_slice %arg4[%dma_wait3A_1019, %add3A_974, %dma_wait3A_1025] : memref<1x8192x1024xf32, #tpu.memory_space<hbm>> -> memref<1x8x1024xf32, #tpu.memory_space<hbm>>
      %dma_wait3A_1027 = tpu.memref_squeeze %dma_wait3A_1026 : memref<1x8x1024xf32, #tpu.memory_space<hbm>> -> memref<8x1024xf32, #tpu.memory_space<hbm>>
      %dma_wait3A_1028 = arith.constant 0 : i32
      %dma_wait3A_1029 = arith.constant 0 : i32
      %dma_wait3A_1030 = tpu.memref_slice %arg8[%dma_wait3A_1020, %dma_wait3A_1028, %dma_wait3A_1029] : memref<3x8x1024xf32, #tpu.memory_space<vmem>> -> memref<1x8x1024xf32, #tpu.memory_space<vmem>>
      %dma_wait3A_1031 = tpu.memref_squeeze %dma_wait3A_1030 : memref<1x8x1024xf32, #tpu.memory_space<vmem>> -> memref<8x1024xf32, #tpu.memory_space<vmem>>
      %dma_wait3A_1032 = arith.constant 0 : i32
      %dma_wait3A_1033 = tpu.memref_slice %arg4[%dma_wait3A_1019, %add3A_974, %dma_wait3A_1032] : memref<1x8192x1024xf32, #tpu.memory_space<hbm>> -> memref<1x8x1024xf32, #tpu.memory_space<hbm>>
      %dma_wait3A_1034 = tpu.memref_squeeze %dma_wait3A_1033 : memref<1x8x1024xf32, #tpu.memory_space<hbm>> -> memref<8x1024xf32, #tpu.memory_space<hbm>>
      tpu.wait_dma2 semaphore(%arg11 : memref<!tpu.dma_semaphore, #tpu.memory_space<semaphore_mem>>) src(%dma_wait3A_1034 : memref<8x1024xf32, #tpu.memory_space<hbm>>) dst(%dma_wait3A_1031 : memref<8x1024xf32, #tpu.memory_space<vmem>>)
      %parallel_loop3A_1035 = arith.constant 0 : i32
      %parallel_loop3A_1036 = arith.constant 512 : i32
      %parallel_loop3A_1037 = arith.constant 1 : i32
      scf.for %parallel_loop3A_1196 = %parallel_loop3A_1035 to %parallel_loop3A_1036 step %parallel_loop3A_1037  : i32 {
        %parallel_loop3A_1197 = arith.constant 64 : i32
        %parallel_loop3A_1198 = arith.divsi %parallel_loop3A_1196, %parallel_loop3A_1197 : i32
        %parallel_loop3A_1199 = arith.constant 0 : i32
        %parallel_loop3A_1200 = arith.cmpi sgt, %parallel_loop3A_1196, %parallel_loop3A_1199 : i32
        %parallel_loop3A_1201 = arith.extui %parallel_loop3A_1200 : i1 to i32
        %parallel_loop3A_1202 = arith.constant 0 : i32
        %parallel_loop3A_1203 = arith.cmpi slt, %parallel_loop3A_1196, %parallel_loop3A_1202 : i32
        %parallel_loop3A_1204 = arith.extui %parallel_loop3A_1203 : i1 to i32
        %parallel_loop3A_1205 = arith.subi %parallel_loop3A_1201, %parallel_loop3A_1204 : i32
        %parallel_loop3A_1206 = arith.constant 0 : i32
        %parallel_loop3A_1207 = arith.cmpi sgt, %parallel_loop3A_1197, %parallel_loop3A_1206 : i32
        %parallel_loop3A_1208 = arith.extui %parallel_loop3A_1207 : i1 to i32
        %parallel_loop3A_1209 = arith.constant 0 : i32
        %parallel_loop3A_1210 = arith.cmpi slt, %parallel_loop3A_1197, %parallel_loop3A_1209 : i32
        %parallel_loop3A_1211 = arith.extui %parallel_loop3A_1210 : i1 to i32
        %parallel_loop3A_1212 = arith.subi %parallel_loop3A_1208, %parallel_loop3A_1211 : i32
        %parallel_loop3A_1213 = arith.cmpi ne, %parallel_loop3A_1205, %parallel_loop3A_1212 : i32
        %parallel_loop3A_1214 = arith.remsi %parallel_loop3A_1196, %parallel_loop3A_1197 : i32
        %parallel_loop3A_1215 = arith.constant 0 : i32
        %parallel_loop3A_1216 = arith.cmpi ne, %parallel_loop3A_1214, %parallel_loop3A_1215 : i32
        %parallel_loop3A_1217 = arith.andi %parallel_loop3A_1213, %parallel_loop3A_1216 : i1
        %parallel_loop3A_1218 = arith.constant 1 : i32
        %parallel_loop3A_1219 = arith.subi %parallel_loop3A_1198, %parallel_loop3A_1218 : i32
        %parallel_loop3A_1220 = arith.select %parallel_loop3A_1217, %parallel_loop3A_1219, %parallel_loop3A_1198 : i32
        %parallel_loop3A_1221 = arith.constant 64 : i32
        %parallel_loop3A_1222 = arith.muli %parallel_loop3A_1220, %parallel_loop3A_1221 : i32
        %parallel_loop3A_1223 = arith.subi %parallel_loop3A_1196, %parallel_loop3A_1222 : i32
        %parallel_loop3A_1224 = arith.constant 16 : i32
        %parallel_loop3A_1225 = arith.muli %parallel_loop3A_1223, %parallel_loop3A_1224 : i32
        %parallel_loop3A_1226 = arith.constant 2 : i32
        %parallel_loop3A_1227 = arith.index_cast %parallel_loop3A_1226 : i32 to index
        %parallel_loop3A_1228 = arith.index_cast %parallel_loop3A_1220 : i32 to index
        %parallel_loop3A_1229 = arith.index_cast %parallel_loop3A_1225 : i32 to index
        %parallel_loop3A_1230 = tpu.vector_load %arg8[%parallel_loop3A_1227, %parallel_loop3A_1228, %parallel_loop3A_1229] {strides = array<i32>} : memref<3x8x1024xf32, #tpu.memory_space<vmem>>, vector<1x1x16xf32>,
        %parallel_loop3A_1231 = vector.shape_cast %parallel_loop3A_1230 : vector<1x1x16xf32> to vector<16xf32>
        %parallel_loop3A_1232 = arith.constant 0 : i32
        %parallel_loop3A_1233 = arith.addi %parallel_loop3A_1232, %parallel_loop3A_1220 : i32
        %parallel_loop3A_1234 = arith.constant 2 : i32
        %parallel_loop3A_1235 = arith.index_cast %parallel_loop3A_1234 : i32 to index
        %parallel_loop3A_1236 = arith.index_cast %parallel_loop3A_1233 : i32 to index
        %parallel_loop3A_1237 = arith.index_cast %parallel_loop3A_1225 : i32 to index
        %parallel_loop3A_1238 = tpu.vector_load %arg7[%parallel_loop3A_1235, %parallel_loop3A_1236, %parallel_loop3A_1237] {strides = array<i32>} : memref<3x32x1024xf32, #tpu.memory_space<vmem>>, vector<1x1x16xf32>,
        %parallel_loop3A_1239 = vector.shape_cast %parallel_loop3A_1238 : vector<1x1x16xf32> to vector<16xf32>
        %parallel_loop3A_1240 = arith.constant 3.200000e+01 : f32
        %parallel_loop3A_1241 = vector.broadcast %parallel_loop3A_1240 : f32 to vector<16xf32>
        %parallel_loop3A_1242 = arith.mulf %parallel_loop3A_1239, %parallel_loop3A_1241 : vector<16xf32>
        %parallel_loop3A_1243 = arith.addf %parallel_loop3A_1242, %parallel_loop3A_1231 : vector<16xf32>
        %parallel_loop3A_1244 = arith.constant 2 : i32
        %parallel_loop3A_1245 = arith.index_cast %parallel_loop3A_1244 : i32 to index
        %parallel_loop3A_1246 = arith.index_cast %parallel_loop3A_1233 : i32 to index
        %parallel_loop3A_1247 = arith.index_cast %parallel_loop3A_1225 : i32 to index
        %parallel_loop3A_1248 = tpu.vector_load %arg7[%parallel_loop3A_1245, %parallel_loop3A_1246, %parallel_loop3A_1247] {strides = array<i32>} : memref<3x32x1024xf32, #tpu.memory_space<vmem>>, vector<1x1x16xf32>,
        %parallel_loop3A_1249 = vector.shape_cast %parallel_loop3A_1248 : vector<1x1x16xf32> to vector<16xf32>
        %parallel_loop3A_1250 = vector.shape_cast %parallel_loop3A_1243 : vector<16xf32> to vector<1x1x16xf32>
        tpu.vector_store %arg7[%parallel_loop3A_1245, %parallel_loop3A_1246, %parallel_loop3A_1247], %parallel_loop3A_1250 {strides = array<i32>} : memref<3x32x1024xf32, #tpu.memory_space<vmem>>, vector<1x1x16xf32>,
        %parallel_loop3A_1251 = arith.constant 8 : i32
        %parallel_loop3A_1252 = arith.addi %parallel_loop3A_1251, %parallel_loop3A_1220 : i32
        %parallel_loop3A_1253 = arith.constant 2 : i32
        %parallel_loop3A_1254 = arith.index_cast %parallel_loop3A_1253 : i32 to index
        %parallel_loop3A_1255 = arith.index_cast %parallel_loop3A_1252 : i32 to index
        %parallel_loop3A_1256 = arith.index_cast %parallel_loop3A_1225 : i32 to index
        %parallel_loop3A_1257 = tpu.vector_load %arg7[%parallel_loop3A_1254, %parallel_loop3A_1255, %parallel_loop3A_1256] {strides = array<i32>} : memref<3x32x1024xf32, #tpu.memory_space<vmem>>, vector<1x1x16xf32>,
        %parallel_loop3A_1258 = vector.shape_cast %parallel_loop3A_1257 : vector<1x1x16xf32> to vector<16xf32>
        %parallel_loop3A_1259 = arith.constant 3.200000e+01 : f32
        %parallel_loop3A_1260 = vector.broadcast %parallel_loop3A_1259 : f32 to vector<16xf32>
        %parallel_loop3A_1261 = arith.mulf %parallel_loop3A_1258, %parallel_loop3A_1260 : vector<16xf32>
        %parallel_loop3A_1262 = arith.addf %parallel_loop3A_1261, %parallel_loop3A_1231 : vector<16xf32>
        %parallel_loop3A_1263 = arith.constant 2 : i32
        %parallel_loop3A_1264 = arith.index_cast %parallel_loop3A_1263 : i32 to index
        %parallel_loop3A_1265 = arith.index_cast %parallel_loop3A_1252 : i32 to index
        %parallel_loop3A_1266 = arith.index_cast %parallel_loop3A_1225 : i32 to index
        %parallel_loop3A_1267 = tpu.vector_load %arg7[%parallel_loop3A_1264, %parallel_loop3A_1265, %parallel_loop3A_1266] {strides = array<i32>} : memref<3x32x1024xf32, #tpu.memory_space<vmem>>, vector<1x1x16xf32>,
        %parallel_loop3A_1268 = vector.shape_cast %parallel_loop3A_1267 : vector<1x1x16xf32> to vector<16xf32>
        %parallel_loop3A_1269 = vector.shape_cast %parallel_loop3A_1262 : vector<16xf32> to vector<1x1x16xf32>
        tpu.vector_store %arg7[%parallel_loop3A_1264, %parallel_loop3A_1265, %parallel_loop3A_1266], %parallel_loop3A_1269 {strides = array<i32>} : memref<3x32x1024xf32, #tpu.memory_space<vmem>>, vector<1x1x16xf32>,
        %parallel_loop3A_1270 = arith.constant 16 : i32
        %parallel_loop3A_1271 = arith.addi %parallel_loop3A_1270, %parallel_loop3A_1220 : i32
        %parallel_loop3A_1272 = arith.constant 2 : i32
        %parallel_loop3A_1273 = arith.index_cast %parallel_loop3A_1272 : i32 to index
        %parallel_loop3A_1274 = arith.index_cast %parallel_loop3A_1271 : i32 to index
        %parallel_loop3A_1275 = arith.index_cast %parallel_loop3A_1225 : i32 to index
        %parallel_loop3A_1276 = tpu.vector_load %arg7[%parallel_loop3A_1273, %parallel_loop3A_1274, %parallel_loop3A_1275] {strides = array<i32>} : memref<3x32x1024xf32, #tpu.memory_space<vmem>>, vector<1x1x16xf32>,
        %parallel_loop3A_1277 = vector.shape_cast %parallel_loop3A_1276 : vector<1x1x16xf32> to vector<16xf32>
        %parallel_loop3A_1278 = arith.constant 3.200000e+01 : f32
        %parallel_loop3A_1279 = vector.broadcast %parallel_loop3A_1278 : f32 to vector<16xf32>
        %parallel_loop3A_1280 = arith.mulf %parallel_loop3A_1277, %parallel_loop3A_1279 : vector<16xf32>
        %parallel_loop3A_1281 = arith.addf %parallel_loop3A_1280, %parallel_loop3A_1231 : vector<16xf32>
        %parallel_loop3A_1282 = arith.constant 2 : i32
        %parallel_loop3A_1283 = arith.index_cast %parallel_loop3A_1282 : i32 to index
        %parallel_loop3A_1284 = arith.index_cast %parallel_loop3A_1271 : i32 to index
        %parallel_loop3A_1285 = arith.index_cast %parallel_loop3A_1225 : i32 to index
        %parallel_loop3A_1286 = tpu.vector_load %arg7[%parallel_loop3A_1283, %parallel_loop3A_1284, %parallel_loop3A_1285] {strides = array<i32>} : memref<3x32x1024xf32, #tpu.memory_space<vmem>>, vector<1x1x16xf32>,
        %parallel_loop3A_1287 = vector.shape_cast %parallel_loop3A_1286 : vector<1x1x16xf32> to vector<16xf32>
        %parallel_loop3A_1288 = vector.shape_cast %parallel_loop3A_1281 : vector<16xf32> to vector<1x1x16xf32>
        tpu.vector_store %arg7[%parallel_loop3A_1283, %parallel_loop3A_1284, %parallel_loop3A_1285], %parallel_loop3A_1288 {strides = array<i32>} : memref<3x32x1024xf32, #tpu.memory_space<vmem>>, vector<1x1x16xf32>,
        %parallel_loop3A_1289 = arith.constant 24 : i32
        %parallel_loop3A_1290 = arith.addi %parallel_loop3A_1289, %parallel_loop3A_1220 : i32
        %parallel_loop3A_1291 = arith.constant 2 : i32
        %parallel_loop3A_1292 = arith.index_cast %parallel_loop3A_1291 : i32 to index
        %parallel_loop3A_1293 = arith.index_cast %parallel_loop3A_1290 : i32 to index
        %parallel_loop3A_1294 = arith.index_cast %parallel_loop3A_1225 : i32 to index
        %parallel_loop3A_1295 = tpu.vector_load %arg7[%parallel_loop3A_1292, %parallel_loop3A_1293, %parallel_loop3A_1294] {strides = array<i32>} : memref<3x32x1024xf32, #tpu.memory_space<vmem>>, vector<1x1x16xf32>,
        %parallel_loop3A_1296 = vector.shape_cast %parallel_loop3A_1295 : vector<1x1x16xf32> to vector<16xf32>
        %parallel_loop3A_1297 = arith.constant 3.200000e+01 : f32
        %parallel_loop3A_1298 = vector.broadcast %parallel_loop3A_1297 : f32 to vector<16xf32>
        %parallel_loop3A_1299 = arith.mulf %parallel_loop3A_1296, %parallel_loop3A_1298 : vector<16xf32>
        %parallel_loop3A_1300 = arith.addf %parallel_loop3A_1299, %parallel_loop3A_1231 : vector<16xf32>
        %parallel_loop3A_1301 = arith.constant 2 : i32
        %parallel_loop3A_1302 = arith.index_cast %parallel_loop3A_1301 : i32 to index
        %parallel_loop3A_1303 = arith.index_cast %parallel_loop3A_1290 : i32 to index
        %parallel_loop3A_1304 = arith.index_cast %parallel_loop3A_1225 : i32 to index
        %parallel_loop3A_1305 = tpu.vector_load %arg7[%parallel_loop3A_1302, %parallel_loop3A_1303, %parallel_loop3A_1304] {strides = array<i32>} : memref<3x32x1024xf32, #tpu.memory_space<vmem>>, vector<1x1x16xf32>,
        %parallel_loop3A_1306 = vector.shape_cast %parallel_loop3A_1305 : vector<1x1x16xf32> to vector<16xf32>
        %parallel_loop3A_1307 = vector.shape_cast %parallel_loop3A_1300 : vector<16xf32> to vector<1x1x16xf32>
        tpu.vector_store %arg7[%parallel_loop3A_1302, %parallel_loop3A_1303, %parallel_loop3A_1304], %parallel_loop3A_1307 {strides = array<i32>} : memref<3x32x1024xf32, #tpu.memory_space<vmem>>, vector<1x1x16xf32>,
      } {sc.loop_unroll_factor = 4 : i64, sc.parallel_access}
      %sub3A_1038 = arith.constant 1 : i32
      %sub3A_1039 = arith.subi %add3A_963, %sub3A_1038 : i32
      %mul3A_1040 = arith.constant 8 : i32
      %mul3A_1041 = arith.muli %sub3A_1039, %mul3A_1040 : i32
      %add3A_1042 = arith.addi %mul3A_2, %mul3A_1041 : i32
      %mul3A_1043 = arith.constant 8 : i32
      %mul3A_1044 = arith.muli %sub3A_1039, %mul3A_1043 : i32
      %add3A_1045 = arith.addi %mul3A_2, %mul3A_1044 : i32
      %mul3A_1046 = arith.constant 8 : i32
      %mul3A_1047 = arith.muli %sub3A_1039, %mul3A_1046 : i32
      %add3A_1048 = arith.addi %mul3A_2, %mul3A_1047 : i32
      %mul3A_1049 = arith.constant 8 : i32
      %mul3A_1050 = arith.muli %sub3A_1039, %mul3A_1049 : i32
      %add3A_1051 = arith.addi %mul3A_2, %mul3A_1050 : i32
      %dma_wait3A_1052 = arith.constant 1 : i32
      %dma_wait3A_1053 = arith.constant 0 : i32
      %dma_wait3A_1054 = arith.constant 0 : i32
      %dma_wait3A_1055 = arith.constant 0 : i32
      %dma_wait3A_1056 = tpu.memref_slice %arg7[%dma_wait3A_1052, %dma_wait3A_1054, %dma_wait3A_1055] : memref<3x32x1024xf32, #tpu.memory_space<vmem>> -> memref<1x8x1024xf32, #tpu.memory_space<vmem>>
      %dma_wait3A_1057 = tpu.memref_squeeze %dma_wait3A_1056 : memref<1x8x1024xf32, #tpu.memory_space<vmem>> -> memref<8x1024xf32, #tpu.memory_space<vmem>>
      %dma_wait3A_1058 = arith.constant 0 : i32
      %dma_wait3A_1059 = tpu.memref_slice %arg5[%dma_wait3A_1053, %add3A_1042, %dma_wait3A_1058] : memref<4x4096x1024xf32, #tpu.memory_space<hbm>> -> memref<1x8x1024xf32, #tpu.memory_space<hbm>>
      %dma_wait3A_1060 = tpu.memref_squeeze %dma_wait3A_1059 : memref<1x8x1024xf32, #tpu.memory_space<hbm>> -> memref<8x1024xf32, #tpu.memory_space<hbm>>
      %dma_wait3A_1061 = arith.constant 0 : i32
      %dma_wait3A_1062 = tpu.memref_slice %arg5[%dma_wait3A_1053, %add3A_1042, %dma_wait3A_1061] : memref<4x4096x1024xf32, #tpu.memory_space<hbm>> -> memref<1x8x1024xf32, #tpu.memory_space<hbm>>
      %dma_wait3A_1063 = tpu.memref_squeeze %dma_wait3A_1062 : memref<1x8x1024xf32, #tpu.memory_space<hbm>> -> memref<8x1024xf32, #tpu.memory_space<hbm>>
      %dma_wait3A_1064 = arith.constant 0 : i32
      %dma_wait3A_1065 = arith.constant 0 : i32
      %dma_wait3A_1066 = tpu.memref_slice %arg7[%dma_wait3A_1052, %dma_wait3A_1064, %dma_wait3A_1065] : memref<3x32x1024xf32, #tpu.memory_space<vmem>> -> memref<1x8x1024xf32, #tpu.memory_space<vmem>>
      %dma_wait3A_1067 = tpu.memref_squeeze %dma_wait3A_1066 : memref<1x8x1024xf32, #tpu.memory_space<vmem>> -> memref<8x1024xf32, #tpu.memory_space<vmem>>
      tpu.wait_dma2 semaphore(%arg13 : memref<!tpu.dma_semaphore, #tpu.memory_space<semaphore_mem>>) src(%dma_wait3A_1067 : memref<8x1024xf32, #tpu.memory_space<vmem>>) dst(%dma_wait3A_1063 : memref<8x1024xf32, #tpu.memory_space<hbm>>)
      %dma_wait3A_1068 = arith.constant 1 : i32
      %dma_wait3A_1069 = arith.constant 1 : i32
      %dma_wait3A_1070 = arith.constant 8 : i32
      %dma_wait3A_1071 = arith.constant 0 : i32
      %dma_wait3A_1072 = tpu.memref_slice %arg7[%dma_wait3A_1068, %dma_wait3A_1070, %dma_wait3A_1071] : memref<3x32x1024xf32, #tpu.memory_space<vmem>> -> memref<1x8x1024xf32, #tpu.memory_space<vmem>>
      %dma_wait3A_1073 = tpu.memref_squeeze %dma_wait3A_1072 : memref<1x8x1024xf32, #tpu.memory_space<vmem>> -> memref<8x1024xf32, #tpu.memory_space<vmem>>
      %dma_wait3A_1074 = arith.constant 0 : i32
      %dma_wait3A_1075 = tpu.memref_slice %arg5[%dma_wait3A_1069, %add3A_1045, %dma_wait3A_1074] : memref<4x4096x1024xf32, #tpu.memory_space<hbm>> -> memref<1x8x1024xf32, #tpu.memory_space<hbm>>
      %dma_wait3A_1076 = tpu.memref_squeeze %dma_wait3A_1075 : memref<1x8x1024xf32, #tpu.memory_space<hbm>> -> memref<8x1024xf32, #tpu.memory_space<hbm>>
      %dma_wait3A_1077 = arith.constant 0 : i32
      %dma_wait3A_1078 = tpu.memref_slice %arg5[%dma_wait3A_1069, %add3A_1045, %dma_wait3A_1077] : memref<4x4096x1024xf32, #tpu.memory_space<hbm>> -> memref<1x8x1024xf32, #tpu.memory_space<hbm>>
      %dma_wait3A_1079 = tpu.memref_squeeze %dma_wait3A_1078 : memref<1x8x1024xf32, #tpu.memory_space<hbm>> -> memref<8x1024xf32, #tpu.memory_space<hbm>>
      %dma_wait3A_1080 = arith.constant 8 : i32
      %dma_wait3A_1081 = arith.constant 0 : i32
      %dma_wait3A_1082 = tpu.memref_slice %arg7[%dma_wait3A_1068, %dma_wait3A_1080, %dma_wait3A_1081] : memref<3x32x1024xf32, #tpu.memory_space<vmem>> -> memref<1x8x1024xf32, #tpu.memory_space<vmem>>
      %dma_wait3A_1083 = tpu.memref_squeeze %dma_wait3A_1082 : memref<1x8x1024xf32, #tpu.memory_space<vmem>> -> memref<8x1024xf32, #tpu.memory_space<vmem>>
      tpu.wait_dma2 semaphore(%arg13 : memref<!tpu.dma_semaphore, #tpu.memory_space<semaphore_mem>>) src(%dma_wait3A_1083 : memref<8x1024xf32, #tpu.memory_space<vmem>>) dst(%dma_wait3A_1079 : memref<8x1024xf32, #tpu.memory_space<hbm>>)
      %dma_wait3A_1084 = arith.constant 1 : i32
      %dma_wait3A_1085 = arith.constant 2 : i32
      %dma_wait3A_1086 = arith.constant 16 : i32
      %dma_wait3A_1087 = arith.constant 0 : i32
      %dma_wait3A_1088 = tpu.memref_slice %arg7[%dma_wait3A_1084, %dma_wait3A_1086, %dma_wait3A_1087] : memref<3x32x1024xf32, #tpu.memory_space<vmem>> -> memref<1x8x1024xf32, #tpu.memory_space<vmem>>
      %dma_wait3A_1089 = tpu.memref_squeeze %dma_wait3A_1088 : memref<1x8x1024xf32, #tpu.memory_space<vmem>> -> memref<8x1024xf32, #tpu.memory_space<vmem>>
      %dma_wait3A_1090 = arith.constant 0 : i32
      %dma_wait3A_1091 = tpu.memref_slice %arg5[%dma_wait3A_1085, %add3A_1048, %dma_wait3A_1090] : memref<4x4096x1024xf32, #tpu.memory_space<hbm>> -> memref<1x8x1024xf32, #tpu.memory_space<hbm>>
      %dma_wait3A_1092 = tpu.memref_squeeze %dma_wait3A_1091 : memref<1x8x1024xf32, #tpu.memory_space<hbm>> -> memref<8x1024xf32, #tpu.memory_space<hbm>>
      %dma_wait3A_1093 = arith.constant 0 : i32
      %dma_wait3A_1094 = tpu.memref_slice %arg5[%dma_wait3A_1085, %add3A_1048, %dma_wait3A_1093] : memref<4x4096x1024xf32, #tpu.memory_space<hbm>> -> memref<1x8x1024xf32, #tpu.memory_space<hbm>>
      %dma_wait3A_1095 = tpu.memref_squeeze %dma_wait3A_1094 : memref<1x8x1024xf32, #tpu.memory_space<hbm>> -> memref<8x1024xf32, #tpu.memory_space<hbm>>
      %dma_wait3A_1096 = arith.constant 16 : i32
      %dma_wait3A_1097 = arith.constant 0 : i32
      %dma_wait3A_1098 = tpu.memref_slice %arg7[%dma_wait3A_1084, %dma_wait3A_1096, %dma_wait3A_1097] : memref<3x32x1024xf32, #tpu.memory_space<vmem>> -> memref<1x8x1024xf32, #tpu.memory_space<vmem>>
      %dma_wait3A_1099 = tpu.memref_squeeze %dma_wait3A_1098 : memref<1x8x1024xf32, #tpu.memory_space<vmem>> -> memref<8x1024xf32, #tpu.memory_space<vmem>>
      tpu.wait_dma2 semaphore(%arg13 : memref<!tpu.dma_semaphore, #tpu.memory_space<semaphore_mem>>) src(%dma_wait3A_1099 : memref<8x1024xf32, #tpu.memory_space<vmem>>) dst(%dma_wait3A_1095 : memref<8x1024xf32, #tpu.memory_space<hbm>>)
      %dma_wait3A_1100 = arith.constant 1 : i32
      %dma_wait3A_1101 = arith.constant 3 : i32
      %dma_wait3A_1102 = arith.constant 24 : i32
      %dma_wait3A_1103 = arith.constant 0 : i32
      %dma_wait3A_1104 = tpu.memref_slice %arg7[%dma_wait3A_1100, %dma_wait3A_1102, %dma_wait3A_1103] : memref<3x32x1024xf32, #tpu.memory_space<vmem>> -> memref<1x8x1024xf32, #tpu.memory_space<vmem>>
      %dma_wait3A_1105 = tpu.memref_squeeze %dma_wait3A_1104 : memref<1x8x1024xf32, #tpu.memory_space<vmem>> -> memref<8x1024xf32, #tpu.memory_space<vmem>>
      %dma_wait3A_1106 = arith.constant 0 : i32
      %dma_wait3A_1107 = tpu.memref_slice %arg5[%dma_wait3A_1101, %add3A_1051, %dma_wait3A_1106] : memref<4x4096x1024xf32, #tpu.memory_space<hbm>> -> memref<1x8x1024xf32, #tpu.memory_space<hbm>>
      %dma_wait3A_1108 = tpu.memref_squeeze %dma_wait3A_1107 : memref<1x8x1024xf32, #tpu.memory_space<hbm>> -> memref<8x1024xf32, #tpu.memory_space<hbm>>
      %dma_wait3A_1109 = arith.constant 0 : i32
      %dma_wait3A_1110 = tpu.memref_slice %arg5[%dma_wait3A_1101, %add3A_1051, %dma_wait3A_1109] : memref<4x4096x1024xf32, #tpu.memory_space<hbm>> -> memref<1x8x1024xf32, #tpu.memory_space<hbm>>
      %dma_wait3A_1111 = tpu.memref_squeeze %dma_wait3A_1110 : memref<1x8x1024xf32, #tpu.memory_space<hbm>> -> memref<8x1024xf32, #tpu.memory_space<hbm>>
      %dma_wait3A_1112 = arith.constant 24 : i32
      %dma_wait3A_1113 = arith.constant 0 : i32
      %dma_wait3A_1114 = tpu.memref_slice %arg7[%dma_wait3A_1100, %dma_wait3A_1112, %dma_wait3A_1113] : memref<3x32x1024xf32, #tpu.memory_space<vmem>> -> memref<1x8x1024xf32, #tpu.memory_space<vmem>>
      %dma_wait3A_1115 = tpu.memref_squeeze %dma_wait3A_1114 : memref<1x8x1024xf32, #tpu.memory_space<vmem>> -> memref<8x1024xf32, #tpu.memory_space<vmem>>
      tpu.wait_dma2 semaphore(%arg13 : memref<!tpu.dma_semaphore, #tpu.memory_space<semaphore_mem>>) src(%dma_wait3A_1115 : memref<8x1024xf32, #tpu.memory_space<vmem>>) dst(%dma_wait3A_1111 : memref<8x1024xf32, #tpu.memory_space<hbm>>)
      %lt3A = arith.constant 4 : i32
      %lt3A_1116 = arith.cmpi slt, %scan3A_422, %lt3A : i32
      %convert_element_type3A_1117 = arith.extui %lt3A_1116 : i1 to i32
      %cond3A_1118 = arith.constant 0 : i32
      %cond3A_1119 = arith.cmpi ne, %convert_element_type3A_1117, %cond3A_1118 : i32
      scf.if %cond3A_1119 {
        %add3A_1196 = arith.constant 3 : i32
        %add3A_1197 = arith.addi %add3A_963, %add3A_1196 : i32
        %sub3A_1198 = arith.constant 1 : i32
        %sub3A_1199 = arith.subi %add3A_1197, %sub3A_1198 : i32
        %mul3A_1200 = arith.constant 8 : i32
        %mul3A_1201 = arith.muli %sub3A_1199, %mul3A_1200 : i32
        %mul3A_1202 = arith.constant 8 : i32
        %mul3A_1203 = arith.muli %sub3A_1199, %mul3A_1202 : i32
        %mul3A_1204 = arith.constant 8 : i32
        %mul3A_1205 = arith.muli %sub3A_1199, %mul3A_1204 : i32
        %mul3A_1206 = arith.constant 8 : i32
        %mul3A_1207 = arith.muli %sub3A_1199, %mul3A_1206 : i32
        %mul3A_1208 = arith.constant 8 : i32
        %mul3A_1209 = arith.muli %sub3A_1199, %mul3A_1208 : i32
        %add3A_1210 = arith.addi %mul3A_2, %mul3A_1209 : i32
        %dma_start3A_1211 = arith.constant 0 : i32
        %dma_start3A_1212 = arith.constant 1 : i32
        %dma_start3A_1213 = arith.constant 0 : i32
        %dma_start3A_1214 = arith.constant 0 : i32
        %dma_start3A_1215 = tpu.memref_slice %arg7[%dma_start3A_1212, %dma_start3A_1213, %dma_start3A_1214] : memref<3x32x1024xf32, #tpu.memory_space<vmem>> -> memref<1x8x1024xf32, #tpu.memory_space<vmem>>
        %dma_start3A_1216 = tpu.memref_squeeze %dma_start3A_1215 : memref<1x8x1024xf32, #tpu.memory_space<vmem>> -> memref<8x1024xf32, #tpu.memory_space<vmem>>
        %dma_start3A_1217 = tpu.memref_slice %arg6[%dma_start3A_1211, %mul3A_1201] : memref<4x128xi32, #tpu.memory_space<vmem>> -> memref<1x8xi32, #tpu.memory_space<vmem>>
        %dma_start3A_1218 = tpu.memref_squeeze %dma_start3A_1217 : memref<1x8xi32, #tpu.memory_space<vmem>> -> memref<8xi32, #tpu.memory_space<vmem>>
        %dma_start3A_1219 = arith.constant 0 : i32
        %dma_start3A_1220 = arith.constant 0 : i32
        %dma_start3A_1221 = tpu.memref_slice %arg3[%dma_start3A_1219, %dma_start3A_1220] : memref<100000x1024xf32, #tpu.memory_space<hbm>> -> memref<100000x1024xf32, #tpu.memory_space<hbm>>
        tpu.enqueue_indirect_dma source(%dma_start3A_1221 : memref<100000x1024xf32, #tpu.memory_space<hbm>>) target(%dma_start3A_1216 : memref<8x1024xf32, #tpu.memory_space<vmem>>) offsets(%dma_start3A_1218 : memref<8xi32, #tpu.memory_space<vmem>>) semaphore(%arg10 : memref<!tpu.dma_semaphore, #tpu.memory_space<semaphore_mem>>)
        %dma_start3A_1222 = arith.constant 1 : i32
        %dma_start3A_1223 = arith.constant 1 : i32
        %dma_start3A_1224 = arith.constant 8 : i32
        %dma_start3A_1225 = arith.constant 0 : i32
        %dma_start3A_1226 = tpu.memref_slice %arg7[%dma_start3A_1223, %dma_start3A_1224, %dma_start3A_1225] : memref<3x32x1024xf32, #tpu.memory_space<vmem>> -> memref<1x8x1024xf32, #tpu.memory_space<vmem>>
        %dma_start3A_1227 = tpu.memref_squeeze %dma_start3A_1226 : memref<1x8x1024xf32, #tpu.memory_space<vmem>> -> memref<8x1024xf32, #tpu.memory_space<vmem>>
        %dma_start3A_1228 = tpu.memref_slice %arg6[%dma_start3A_1222, %mul3A_1203] : memref<4x128xi32, #tpu.memory_space<vmem>> -> memref<1x8xi32, #tpu.memory_space<vmem>>
        %dma_start3A_1229 = tpu.memref_squeeze %dma_start3A_1228 : memref<1x8xi32, #tpu.memory_space<vmem>> -> memref<8xi32, #tpu.memory_space<vmem>>
        %dma_start3A_1230 = arith.constant 0 : i32
        %dma_start3A_1231 = arith.constant 0 : i32
        %dma_start3A_1232 = tpu.memref_slice %arg3[%dma_start3A_1230, %dma_start3A_1231] : memref<100000x1024xf32, #tpu.memory_space<hbm>> -> memref<100000x1024xf32, #tpu.memory_space<hbm>>
        tpu.enqueue_indirect_dma source(%dma_start3A_1232 : memref<100000x1024xf32, #tpu.memory_space<hbm>>) target(%dma_start3A_1227 : memref<8x1024xf32, #tpu.memory_space<vmem>>) offsets(%dma_start3A_1229 : memref<8xi32, #tpu.memory_space<vmem>>) semaphore(%arg10 : memref<!tpu.dma_semaphore, #tpu.memory_space<semaphore_mem>>)
        %dma_start3A_1233 = arith.constant 2 : i32
        %dma_start3A_1234 = arith.constant 1 : i32
        %dma_start3A_1235 = arith.constant 16 : i32
        %dma_start3A_1236 = arith.constant 0 : i32
        %dma_start3A_1237 = tpu.memref_slice %arg7[%dma_start3A_1234, %dma_start3A_1235, %dma_start3A_1236] : memref<3x32x1024xf32, #tpu.memory_space<vmem>> -> memref<1x8x1024xf32, #tpu.memory_space<vmem>>
        %dma_start3A_1238 = tpu.memref_squeeze %dma_start3A_1237 : memref<1x8x1024xf32, #tpu.memory_space<vmem>> -> memref<8x1024xf32, #tpu.memory_space<vmem>>
        %dma_start3A_1239 = tpu.memref_slice %arg6[%dma_start3A_1233, %mul3A_1205] : memref<4x128xi32, #tpu.memory_space<vmem>> -> memref<1x8xi32, #tpu.memory_space<vmem>>
        %dma_start3A_1240 = tpu.memref_squeeze %dma_start3A_1239 : memref<1x8xi32, #tpu.memory_space<vmem>> -> memref<8xi32, #tpu.memory_space<vmem>>
        %dma_start3A_1241 = arith.constant 0 : i32
        %dma_start3A_1242 = arith.constant 0 : i32
        %dma_start3A_1243 = tpu.memref_slice %arg3[%dma_start3A_1241, %dma_start3A_1242] : memref<100000x1024xf32, #tpu.memory_space<hbm>> -> memref<100000x1024xf32, #tpu.memory_space<hbm>>
        tpu.enqueue_indirect_dma source(%dma_start3A_1243 : memref<100000x1024xf32, #tpu.memory_space<hbm>>) target(%dma_start3A_1238 : memref<8x1024xf32, #tpu.memory_space<vmem>>) offsets(%dma_start3A_1240 : memref<8xi32, #tpu.memory_space<vmem>>) semaphore(%arg10 : memref<!tpu.dma_semaphore, #tpu.memory_space<semaphore_mem>>)
        %dma_start3A_1244 = arith.constant 3 : i32
        %dma_start3A_1245 = arith.constant 1 : i32
        %dma_start3A_1246 = arith.constant 24 : i32
        %dma_start3A_1247 = arith.constant 0 : i32
        %dma_start3A_1248 = tpu.memref_slice %arg7[%dma_start3A_1245, %dma_start3A_1246, %dma_start3A_1247] : memref<3x32x1024xf32, #tpu.memory_space<vmem>> -> memref<1x8x1024xf32, #tpu.memory_space<vmem>>
        %dma_start3A_1249 = tpu.memref_squeeze %dma_start3A_1248 : memref<1x8x1024xf32, #tpu.memory_space<vmem>> -> memref<8x1024xf32, #tpu.memory_space<vmem>>
        %dma_start3A_1250 = tpu.memref_slice %arg6[%dma_start3A_1244, %mul3A_1207] : memref<4x128xi32, #tpu.memory_space<vmem>> -> memref<1x8xi32, #tpu.memory_space<vmem>>
        %dma_start3A_1251 = tpu.memref_squeeze %dma_start3A_1250 : memref<1x8xi32, #tpu.memory_space<vmem>> -> memref<8xi32, #tpu.memory_space<vmem>>
        %dma_start3A_1252 = arith.constant 0 : i32
        %dma_start3A_1253 = arith.constant 0 : i32
        %dma_start3A_1254 = tpu.memref_slice %arg3[%dma_start3A_1252, %dma_start3A_1253] : memref<100000x1024xf32, #tpu.memory_space<hbm>> -> memref<100000x1024xf32, #tpu.memory_space<hbm>>
        tpu.enqueue_indirect_dma source(%dma_start3A_1254 : memref<100000x1024xf32, #tpu.memory_space<hbm>>) target(%dma_start3A_1249 : memref<8x1024xf32, #tpu.memory_space<vmem>>) offsets(%dma_start3A_1251 : memref<8xi32, #tpu.memory_space<vmem>>) semaphore(%arg10 : memref<!tpu.dma_semaphore, #tpu.memory_space<semaphore_mem>>)
        %dma_start3A_1255 = arith.constant 0 : i32
        %dma_start3A_1256 = arith.constant 1 : i32
        %dma_start3A_1257 = arith.constant 0 : i32
        %dma_start3A_1258 = arith.constant 0 : i32
        %dma_start3A_1259 = tpu.memref_slice %arg8[%dma_start3A_1256, %dma_start3A_1257, %dma_start3A_1258] : memref<3x8x1024xf32, #tpu.memory_space<vmem>> -> memref<1x8x1024xf32, #tpu.memory_space<vmem>>
        %dma_start3A_1260 = tpu.memref_squeeze %dma_start3A_1259 : memref<1x8x1024xf32, #tpu.memory_space<vmem>> -> memref<8x1024xf32, #tpu.memory_space<vmem>>
        %dma_start3A_1261 = arith.constant 0 : i32
        %dma_start3A_1262 = tpu.memref_slice %arg4[%dma_start3A_1255, %add3A_1210, %dma_start3A_1261] : memref<1x8192x1024xf32, #tpu.memory_space<hbm>> -> memref<1x8x1024xf32, #tpu.memory_space<hbm>>
        %dma_start3A_1263 = tpu.memref_squeeze %dma_start3A_1262 : memref<1x8x1024xf32, #tpu.memory_space<hbm>> -> memref<8x1024xf32, #tpu.memory_space<hbm>>
        %dma_start3A_1264 = arith.constant 0 : i32
        %dma_start3A_1265 = arith.constant 0 : i32
        %dma_start3A_1266 = tpu.memref_slice %arg8[%dma_start3A_1256, %dma_start3A_1264, %dma_start3A_1265] : memref<3x8x1024xf32, #tpu.memory_space<vmem>> -> memref<1x8x1024xf32, #tpu.memory_space<vmem>>
        %dma_start3A_1267 = tpu.memref_squeeze %dma_start3A_1266 : memref<1x8x1024xf32, #tpu.memory_space<vmem>> -> memref<8x1024xf32, #tpu.memory_space<vmem>>
        %dma_start3A_1268 = arith.constant 0 : i32
        %dma_start3A_1269 = tpu.memref_slice %arg4[%dma_start3A_1255, %add3A_1210, %dma_start3A_1268] : memref<1x8192x1024xf32, #tpu.memory_space<hbm>> -> memref<1x8x1024xf32, #tpu.memory_space<hbm>>
        %dma_start3A_1270 = tpu.memref_squeeze %dma_start3A_1269 : memref<1x8x1024xf32, #tpu.memory_space<hbm>> -> memref<8x1024xf32, #tpu.memory_space<hbm>>
        tpu.enqueue_dma source(%dma_start3A_1270 : memref<8x1024xf32, #tpu.memory_space<hbm>>) target(%dma_start3A_1267 : memref<8x1024xf32, #tpu.memory_space<vmem>>) target_semaphore(%arg10 : memref<!tpu.dma_semaphore, #tpu.memory_space<semaphore_mem>>)
      } else {
      }
      %mul3A_1120 = arith.constant 8 : i32
      %mul3A_1121 = arith.muli %add3A_963, %mul3A_1120 : i32
      %add3A_1122 = arith.addi %mul3A_2, %mul3A_1121 : i32
      %mul3A_1123 = arith.constant 8 : i32
      %mul3A_1124 = arith.muli %add3A_963, %mul3A_1123 : i32
      %add3A_1125 = arith.addi %mul3A_2, %mul3A_1124 : i32
      %mul3A_1126 = arith.constant 8 : i32
      %mul3A_1127 = arith.muli %add3A_963, %mul3A_1126 : i32
      %add3A_1128 = arith.addi %mul3A_2, %mul3A_1127 : i32
      %mul3A_1129 = arith.constant 8 : i32
      %mul3A_1130 = arith.muli %add3A_963, %mul3A_1129 : i32
      %add3A_1131 = arith.addi %mul3A_2, %mul3A_1130 : i32
      %dma_start3A_1132 = arith.constant 2 : i32
      %dma_start3A_1133 = arith.constant 0 : i32
      %dma_start3A_1134 = arith.constant 0 : i32
      %dma_start3A_1135 = arith.constant 0 : i32
      %dma_start3A_1136 = tpu.memref_slice %arg7[%dma_start3A_1132, %dma_start3A_1134, %dma_start3A_1135] : memref<3x32x1024xf32, #tpu.memory_space<vmem>> -> memref<1x8x1024xf32, #tpu.memory_space<vmem>>
      %dma_start3A_1137 = tpu.memref_squeeze %dma_start3A_1136 : memref<1x8x1024xf32, #tpu.memory_space<vmem>> -> memref<8x1024xf32, #tpu.memory_space<vmem>>
      %dma_start3A_1138 = arith.constant 0 : i32
      %dma_start3A_1139 = tpu.memref_slice %arg5[%dma_start3A_1133, %add3A_1122, %dma_start3A_1138] : memref<4x4096x1024xf32, #tpu.memory_space<hbm>> -> memref<1x8x1024xf32, #tpu.memory_space<hbm>>
      %dma_start3A_1140 = tpu.memref_squeeze %dma_start3A_1139 : memref<1x8x1024xf32, #tpu.memory_space<hbm>> -> memref<8x1024xf32, #tpu.memory_space<hbm>>
      %dma_start3A_1141 = arith.constant 0 : i32
      %dma_start3A_1142 = tpu.memref_slice %arg5[%dma_start3A_1133, %add3A_1122, %dma_start3A_1141] : memref<4x4096x1024xf32, #tpu.memory_space<hbm>> -> memref<1x8x1024xf32, #tpu.memory_space<hbm>>
      %dma_start3A_1143 = tpu.memref_squeeze %dma_start3A_1142 : memref<1x8x1024xf32, #tpu.memory_space<hbm>> -> memref<8x1024xf32, #tpu.memory_space<hbm>>
      %dma_start3A_1144 = arith.constant 0 : i32
      %dma_start3A_1145 = arith.constant 0 : i32
      %dma_start3A_1146 = tpu.memref_slice %arg7[%dma_start3A_1132, %dma_start3A_1144, %dma_start3A_1145] : memref<3x32x1024xf32, #tpu.memory_space<vmem>> -> memref<1x8x1024xf32, #tpu.memory_space<vmem>>
      %dma_start3A_1147 = tpu.memref_squeeze %dma_start3A_1146 : memref<1x8x1024xf32, #tpu.memory_space<vmem>> -> memref<8x1024xf32, #tpu.memory_space<vmem>>
      tpu.enqueue_dma source(%dma_start3A_1147 : memref<8x1024xf32, #tpu.memory_space<vmem>>) target(%dma_start3A_1143 : memref<8x1024xf32, #tpu.memory_space<hbm>>) target_semaphore(%arg14 : memref<!tpu.dma_semaphore, #tpu.memory_space<semaphore_mem>>)
      %dma_start3A_1148 = arith.constant 2 : i32
      %dma_start3A_1149 = arith.constant 1 : i32
      %dma_start3A_1150 = arith.constant 8 : i32
      %dma_start3A_1151 = arith.constant 0 : i32
      %dma_start3A_1152 = tpu.memref_slice %arg7[%dma_start3A_1148, %dma_start3A_1150, %dma_start3A_1151] : memref<3x32x1024xf32, #tpu.memory_space<vmem>> -> memref<1x8x1024xf32, #tpu.memory_space<vmem>>
      %dma_start3A_1153 = tpu.memref_squeeze %dma_start3A_1152 : memref<1x8x1024xf32, #tpu.memory_space<vmem>> -> memref<8x1024xf32, #tpu.memory_space<vmem>>
      %dma_start3A_1154 = arith.constant 0 : i32
      %dma_start3A_1155 = tpu.memref_slice %arg5[%dma_start3A_1149, %add3A_1125, %dma_start3A_1154] : memref<4x4096x1024xf32, #tpu.memory_space<hbm>> -> memref<1x8x1024xf32, #tpu.memory_space<hbm>>
      %dma_start3A_1156 = tpu.memref_squeeze %dma_start3A_1155 : memref<1x8x1024xf32, #tpu.memory_space<hbm>> -> memref<8x1024xf32, #tpu.memory_space<hbm>>
      %dma_start3A_1157 = arith.constant 0 : i32
      %dma_start3A_1158 = tpu.memref_slice %arg5[%dma_start3A_1149, %add3A_1125, %dma_start3A_1157] : memref<4x4096x1024xf32, #tpu.memory_space<hbm>> -> memref<1x8x1024xf32, #tpu.memory_space<hbm>>
      %dma_start3A_1159 = tpu.memref_squeeze %dma_start3A_1158 : memref<1x8x1024xf32, #tpu.memory_space<hbm>> -> memref<8x1024xf32, #tpu.memory_space<hbm>>
      %dma_start3A_1160 = arith.constant 8 : i32
      %dma_start3A_1161 = arith.constant 0 : i32
      %dma_start3A_1162 = tpu.memref_slice %arg7[%dma_start3A_1148, %dma_start3A_1160, %dma_start3A_1161] : memref<3x32x1024xf32, #tpu.memory_space<vmem>> -> memref<1x8x1024xf32, #tpu.memory_space<vmem>>
      %dma_start3A_1163 = tpu.memref_squeeze %dma_start3A_1162 : memref<1x8x1024xf32, #tpu.memory_space<vmem>> -> memref<8x1024xf32, #tpu.memory_space<vmem>>
      tpu.enqueue_dma source(%dma_start3A_1163 : memref<8x1024xf32, #tpu.memory_space<vmem>>) target(%dma_start3A_1159 : memref<8x1024xf32, #tpu.memory_space<hbm>>) target_semaphore(%arg14 : memref<!tpu.dma_semaphore, #tpu.memory_space<semaphore_mem>>)
      %dma_start3A_1164 = arith.constant 2 : i32
      %dma_start3A_1165 = arith.constant 2 : i32
      %dma_start3A_1166 = arith.constant 16 : i32
      %dma_start3A_1167 = arith.constant 0 : i32
      %dma_start3A_1168 = tpu.memref_slice %arg7[%dma_start3A_1164, %dma_start3A_1166, %dma_start3A_1167] : memref<3x32x1024xf32, #tpu.memory_space<vmem>> -> memref<1x8x1024xf32, #tpu.memory_space<vmem>>
      %dma_start3A_1169 = tpu.memref_squeeze %dma_start3A_1168 : memref<1x8x1024xf32, #tpu.memory_space<vmem>> -> memref<8x1024xf32, #tpu.memory_space<vmem>>
      %dma_start3A_1170 = arith.constant 0 : i32
      %dma_start3A_1171 = tpu.memref_slice %arg5[%dma_start3A_1165, %add3A_1128, %dma_start3A_1170] : memref<4x4096x1024xf32, #tpu.memory_space<hbm>> -> memref<1x8x1024xf32, #tpu.memory_space<hbm>>
      %dma_start3A_1172 = tpu.memref_squeeze %dma_start3A_1171 : memref<1x8x1024xf32, #tpu.memory_space<hbm>> -> memref<8x1024xf32, #tpu.memory_space<hbm>>
      %dma_start3A_1173 = arith.constant 0 : i32
      %dma_start3A_1174 = tpu.memref_slice %arg5[%dma_start3A_1165, %add3A_1128, %dma_start3A_1173] : memref<4x4096x1024xf32, #tpu.memory_space<hbm>> -> memref<1x8x1024xf32, #tpu.memory_space<hbm>>
      %dma_start3A_1175 = tpu.memref_squeeze %dma_start3A_1174 : memref<1x8x1024xf32, #tpu.memory_space<hbm>> -> memref<8x1024xf32, #tpu.memory_space<hbm>>
      %dma_start3A_1176 = arith.constant 16 : i32
      %dma_start3A_1177 = arith.constant 0 : i32
      %dma_start3A_1178 = tpu.memref_slice %arg7[%dma_start3A_1164, %dma_start3A_1176, %dma_start3A_1177] : memref<3x32x1024xf32, #tpu.memory_space<vmem>> -> memref<1x8x1024xf32, #tpu.memory_space<vmem>>
      %dma_start3A_1179 = tpu.memref_squeeze %dma_start3A_1178 : memref<1x8x1024xf32, #tpu.memory_space<vmem>> -> memref<8x1024xf32, #tpu.memory_space<vmem>>
      tpu.enqueue_dma source(%dma_start3A_1179 : memref<8x1024xf32, #tpu.memory_space<vmem>>) target(%dma_start3A_1175 : memref<8x1024xf32, #tpu.memory_space<hbm>>) target_semaphore(%arg14 : memref<!tpu.dma_semaphore, #tpu.memory_space<semaphore_mem>>)
      %dma_start3A_1180 = arith.constant 2 : i32
      %dma_start3A_1181 = arith.constant 3 : i32
      %dma_start3A_1182 = arith.constant 24 : i32
      %dma_start3A_1183 = arith.constant 0 : i32
      %dma_start3A_1184 = tpu.memref_slice %arg7[%dma_start3A_1180, %dma_start3A_1182, %dma_start3A_1183] : memref<3x32x1024xf32, #tpu.memory_space<vmem>> -> memref<1x8x1024xf32, #tpu.memory_space<vmem>>
      %dma_start3A_1185 = tpu.memref_squeeze %dma_start3A_1184 : memref<1x8x1024xf32, #tpu.memory_space<vmem>> -> memref<8x1024xf32, #tpu.memory_space<vmem>>
      %dma_start3A_1186 = arith.constant 0 : i32
      %dma_start3A_1187 = tpu.memref_slice %arg5[%dma_start3A_1181, %add3A_1131, %dma_start3A_1186] : memref<4x4096x1024xf32, #tpu.memory_space<hbm>> -> memref<1x8x1024xf32, #tpu.memory_space<hbm>>
      %dma_start3A_1188 = tpu.memref_squeeze %dma_start3A_1187 : memref<1x8x1024xf32, #tpu.memory_space<hbm>> -> memref<8x1024xf32, #tpu.memory_space<hbm>>
      %dma_start3A_1189 = arith.constant 0 : i32
      %dma_start3A_1190 = tpu.memref_slice %arg5[%dma_start3A_1181, %add3A_1131, %dma_start3A_1189] : memref<4x4096x1024xf32, #tpu.memory_space<hbm>> -> memref<1x8x1024xf32, #tpu.memory_space<hbm>>
      %dma_start3A_1191 = tpu.memref_squeeze %dma_start3A_1190 : memref<1x8x1024xf32, #tpu.memory_space<hbm>> -> memref<8x1024xf32, #tpu.memory_space<hbm>>
      %dma_start3A_1192 = arith.constant 24 : i32
      %dma_start3A_1193 = arith.constant 0 : i32
      %dma_start3A_1194 = tpu.memref_slice %arg7[%dma_start3A_1180, %dma_start3A_1192, %dma_start3A_1193] : memref<3x32x1024xf32, #tpu.memory_space<vmem>> -> memref<1x8x1024xf32, #tpu.memory_space<vmem>>
      %dma_start3A_1195 = tpu.memref_squeeze %dma_start3A_1194 : memref<1x8x1024xf32, #tpu.memory_space<vmem>> -> memref<8x1024xf32, #tpu.memory_space<vmem>>
      tpu.enqueue_dma source(%dma_start3A_1195 : memref<8x1024xf32, #tpu.memory_space<vmem>>) target(%dma_start3A_1191 : memref<8x1024xf32, #tpu.memory_space<hbm>>) target_semaphore(%arg14 : memref<!tpu.dma_semaphore, #tpu.memory_space<semaphore_mem>>)
    }
    %scan3A_138 = arith.constant 5 : i32
    %add3A_139 = arith.constant 120 : i32
    %add3A_140 = arith.addi %mul3A_2, %add3A_139 : i32
    %dma_wait3A = arith.constant 0 : i32
    %dma_wait3A_141 = arith.constant 0 : i32
    %dma_wait3A_142 = arith.constant 0 : i32
    %dma_wait3A_143 = arith.constant 0 : i32
    %dma_wait3A_144 = tpu.memref_slice %arg7[%dma_wait3A_141, %dma_wait3A_142, %dma_wait3A_143] : memref<3x32x1024xf32, #tpu.memory_space<vmem>> -> memref<1x8x1024xf32, #tpu.memory_space<vmem>>
    %dma_wait3A_145 = tpu.memref_squeeze %dma_wait3A_144 : memref<1x8x1024xf32, #tpu.memory_space<vmem>> -> memref<8x1024xf32, #tpu.memory_space<vmem>>
    %dma_wait3A_146 = arith.constant 120 : i32
    %dma_wait3A_147 = tpu.memref_slice %arg6[%dma_wait3A, %dma_wait3A_146] : memref<4x128xi32, #tpu.memory_space<vmem>> -> memref<1x8xi32, #tpu.memory_space<vmem>>
    %dma_wait3A_148 = tpu.memref_squeeze %dma_wait3A_147 : memref<1x8xi32, #tpu.memory_space<vmem>> -> memref<8xi32, #tpu.memory_space<vmem>>
    %dma_wait3A_149 = arith.constant 0 : i32
    %dma_wait3A_150 = arith.constant 0 : i32
    %dma_wait3A_151 = tpu.memref_slice %arg3[%dma_wait3A_149, %dma_wait3A_150] : memref<100000x1024xf32, #tpu.memory_space<hbm>> -> memref<100000x1024xf32, #tpu.memory_space<hbm>>
    tpu.wait_indirect_dma semaphore(%arg9 : memref<!tpu.dma_semaphore, #tpu.memory_space<semaphore_mem>>) src(%dma_wait3A_151 : memref<100000x1024xf32, #tpu.memory_space<hbm>>) dst(%dma_wait3A_145 : memref<8x1024xf32, #tpu.memory_space<vmem>>)
    %dma_wait3A_152 = arith.constant 1 : i32
    %dma_wait3A_153 = arith.constant 0 : i32
    %dma_wait3A_154 = arith.constant 8 : i32
    %dma_wait3A_155 = arith.constant 0 : i32
    %dma_wait3A_156 = tpu.memref_slice %arg7[%dma_wait3A_153, %dma_wait3A_154, %dma_wait3A_155] : memref<3x32x1024xf32, #tpu.memory_space<vmem>> -> memref<1x8x1024xf32, #tpu.memory_space<vmem>>
    %dma_wait3A_157 = tpu.memref_squeeze %dma_wait3A_156 : memref<1x8x1024xf32, #tpu.memory_space<vmem>> -> memref<8x1024xf32, #tpu.memory_space<vmem>>
    %dma_wait3A_158 = arith.constant 120 : i32
    %dma_wait3A_159 = tpu.memref_slice %arg6[%dma_wait3A_152, %dma_wait3A_158] : memref<4x128xi32, #tpu.memory_space<vmem>> -> memref<1x8xi32, #tpu.memory_space<vmem>>
    %dma_wait3A_160 = tpu.memref_squeeze %dma_wait3A_159 : memref<1x8xi32, #tpu.memory_space<vmem>> -> memref<8xi32, #tpu.memory_space<vmem>>
    %dma_wait3A_161 = arith.constant 0 : i32
    %dma_wait3A_162 = arith.constant 0 : i32
    %dma_wait3A_163 = tpu.memref_slice %arg3[%dma_wait3A_161, %dma_wait3A_162] : memref<100000x1024xf32, #tpu.memory_space<hbm>> -> memref<100000x1024xf32, #tpu.memory_space<hbm>>
    tpu.wait_indirect_dma semaphore(%arg9 : memref<!tpu.dma_semaphore, #tpu.memory_space<semaphore_mem>>) src(%dma_wait3A_163 : memref<100000x1024xf32, #tpu.memory_space<hbm>>) dst(%dma_wait3A_157 : memref<8x1024xf32, #tpu.memory_space<vmem>>)
    %dma_wait3A_164 = arith.constant 2 : i32
    %dma_wait3A_165 = arith.constant 0 : i32
    %dma_wait3A_166 = arith.constant 16 : i32
    %dma_wait3A_167 = arith.constant 0 : i32
    %dma_wait3A_168 = tpu.memref_slice %arg7[%dma_wait3A_165, %dma_wait3A_166, %dma_wait3A_167] : memref<3x32x1024xf32, #tpu.memory_space<vmem>> -> memref<1x8x1024xf32, #tpu.memory_space<vmem>>
    %dma_wait3A_169 = tpu.memref_squeeze %dma_wait3A_168 : memref<1x8x1024xf32, #tpu.memory_space<vmem>> -> memref<8x1024xf32, #tpu.memory_space<vmem>>
    %dma_wait3A_170 = arith.constant 120 : i32
    %dma_wait3A_171 = tpu.memref_slice %arg6[%dma_wait3A_164, %dma_wait3A_170] : memref<4x128xi32, #tpu.memory_space<vmem>> -> memref<1x8xi32, #tpu.memory_space<vmem>>
    %dma_wait3A_172 = tpu.memref_squeeze %dma_wait3A_171 : memref<1x8xi32, #tpu.memory_space<vmem>> -> memref<8xi32, #tpu.memory_space<vmem>>
    %dma_wait3A_173 = arith.constant 0 : i32
    %dma_wait3A_174 = arith.constant 0 : i32
    %dma_wait3A_175 = tpu.memref_slice %arg3[%dma_wait3A_173, %dma_wait3A_174] : memref<100000x1024xf32, #tpu.memory_space<hbm>> -> memref<100000x1024xf32, #tpu.memory_space<hbm>>
    tpu.wait_indirect_dma semaphore(%arg9 : memref<!tpu.dma_semaphore, #tpu.memory_space<semaphore_mem>>) src(%dma_wait3A_175 : memref<100000x1024xf32, #tpu.memory_space<hbm>>) dst(%dma_wait3A_169 : memref<8x1024xf32, #tpu.memory_space<vmem>>)
    %dma_wait3A_176 = arith.constant 3 : i32
    %dma_wait3A_177 = arith.constant 0 : i32
    %dma_wait3A_178 = arith.constant 24 : i32
    %dma_wait3A_179 = arith.constant 0 : i32
    %dma_wait3A_180 = tpu.memref_slice %arg7[%dma_wait3A_177, %dma_wait3A_178, %dma_wait3A_179] : memref<3x32x1024xf32, #tpu.memory_space<vmem>> -> memref<1x8x1024xf32, #tpu.memory_space<vmem>>
    %dma_wait3A_181 = tpu.memref_squeeze %dma_wait3A_180 : memref<1x8x1024xf32, #tpu.memory_space<vmem>> -> memref<8x1024xf32, #tpu.memory_space<vmem>>
    %dma_wait3A_182 = arith.constant 120 : i32
    %dma_wait3A_183 = tpu.memref_slice %arg6[%dma_wait3A_176, %dma_wait3A_182] : memref<4x128xi32, #tpu.memory_space<vmem>> -> memref<1x8xi32, #tpu.memory_space<vmem>>
    %dma_wait3A_184 = tpu.memref_squeeze %dma_wait3A_183 : memref<1x8xi32, #tpu.memory_space<vmem>> -> memref<8xi32, #tpu.memory_space<vmem>>
    %dma_wait3A_185 = arith.constant 0 : i32
    %dma_wait3A_186 = arith.constant 0 : i32
    %dma_wait3A_187 = tpu.memref_slice %arg3[%dma_wait3A_185, %dma_wait3A_186] : memref<100000x1024xf32, #tpu.memory_space<hbm>> -> memref<100000x1024xf32, #tpu.memory_space<hbm>>
    tpu.wait_indirect_dma semaphore(%arg9 : memref<!tpu.dma_semaphore, #tpu.memory_space<semaphore_mem>>) src(%dma_wait3A_187 : memref<100000x1024xf32, #tpu.memory_space<hbm>>) dst(%dma_wait3A_181 : memref<8x1024xf32, #tpu.memory_space<vmem>>)
    %dma_wait3A_188 = arith.constant 0 : i32
    %dma_wait3A_189 = arith.constant 0 : i32
    %dma_wait3A_190 = arith.constant 0 : i32
    %dma_wait3A_191 = arith.constant 0 : i32
    %dma_wait3A_192 = tpu.memref_slice %arg8[%dma_wait3A_189, %dma_wait3A_190, %dma_wait3A_191] : memref<3x8x1024xf32, #tpu.memory_space<vmem>> -> memref<1x8x1024xf32, #tpu.memory_space<vmem>>
    %dma_wait3A_193 = tpu.memref_squeeze %dma_wait3A_192 : memref<1x8x1024xf32, #tpu.memory_space<vmem>> -> memref<8x1024xf32, #tpu.memory_space<vmem>>
    %dma_wait3A_194 = arith.constant 0 : i32
    %dma_wait3A_195 = tpu.memref_slice %arg4[%dma_wait3A_188, %add3A_140, %dma_wait3A_194] : memref<1x8192x1024xf32, #tpu.memory_space<hbm>> -> memref<1x8x1024xf32, #tpu.memory_space<hbm>>
    %dma_wait3A_196 = tpu.memref_squeeze %dma_wait3A_195 : memref<1x8x1024xf32, #tpu.memory_space<hbm>> -> memref<8x1024xf32, #tpu.memory_space<hbm>>
    %dma_wait3A_197 = arith.constant 0 : i32
    %dma_wait3A_198 = arith.constant 0 : i32
    %dma_wait3A_199 = tpu.memref_slice %arg8[%dma_wait3A_189, %dma_wait3A_197, %dma_wait3A_198] : memref<3x8x1024xf32, #tpu.memory_space<vmem>> -> memref<1x8x1024xf32, #tpu.memory_space<vmem>>
    %dma_wait3A_200 = tpu.memref_squeeze %dma_wait3A_199 : memref<1x8x1024xf32, #tpu.memory_space<vmem>> -> memref<8x1024xf32, #tpu.memory_space<vmem>>
    %dma_wait3A_201 = arith.constant 0 : i32
    %dma_wait3A_202 = tpu.memref_slice %arg4[%dma_wait3A_188, %add3A_140, %dma_wait3A_201] : memref<1x8192x1024xf32, #tpu.memory_space<hbm>> -> memref<1x8x1024xf32, #tpu.memory_space<hbm>>
    %dma_wait3A_203 = tpu.memref_squeeze %dma_wait3A_202 : memref<1x8x1024xf32, #tpu.memory_space<hbm>> -> memref<8x1024xf32, #tpu.memory_space<hbm>>
    tpu.wait_dma2 semaphore(%arg9 : memref<!tpu.dma_semaphore, #tpu.memory_space<semaphore_mem>>) src(%dma_wait3A_203 : memref<8x1024xf32, #tpu.memory_space<hbm>>) dst(%dma_wait3A_200 : memref<8x1024xf32, #tpu.memory_space<vmem>>)
    %parallel_loop3A = arith.constant 0 : i32
    %parallel_loop3A_204 = arith.constant 512 : i32
    %parallel_loop3A_205 = arith.constant 1 : i32
    scf.for %parallel_loop3A_422 = %parallel_loop3A to %parallel_loop3A_204 step %parallel_loop3A_205  : i32 {
      %parallel_loop3A_423 = arith.constant 64 : i32
      %parallel_loop3A_424 = arith.divsi %parallel_loop3A_422, %parallel_loop3A_423 : i32
      %parallel_loop3A_425 = arith.constant 0 : i32
      %parallel_loop3A_426 = arith.cmpi sgt, %parallel_loop3A_422, %parallel_loop3A_425 : i32
      %parallel_loop3A_427 = arith.extui %parallel_loop3A_426 : i1 to i32
      %parallel_loop3A_428 = arith.constant 0 : i32
      %parallel_loop3A_429 = arith.cmpi slt, %parallel_loop3A_422, %parallel_loop3A_428 : i32
      %parallel_loop3A_430 = arith.extui %parallel_loop3A_429 : i1 to i32
      %parallel_loop3A_431 = arith.subi %parallel_loop3A_427, %parallel_loop3A_430 : i32
      %parallel_loop3A_432 = arith.constant 0 : i32
      %parallel_loop3A_433 = arith.cmpi sgt, %parallel_loop3A_423, %parallel_loop3A_432 : i32
      %parallel_loop3A_434 = arith.extui %parallel_loop3A_433 : i1 to i32
      %parallel_loop3A_435 = arith.constant 0 : i32
      %parallel_loop3A_436 = arith.cmpi slt, %parallel_loop3A_423, %parallel_loop3A_435 : i32
      %parallel_loop3A_437 = arith.extui %parallel_loop3A_436 : i1 to i32
      %parallel_loop3A_438 = arith.subi %parallel_loop3A_434, %parallel_loop3A_437 : i32
      %parallel_loop3A_439 = arith.cmpi ne, %parallel_loop3A_431, %parallel_loop3A_438 : i32
      %parallel_loop3A_440 = arith.remsi %parallel_loop3A_422, %parallel_loop3A_423 : i32
      %parallel_loop3A_441 = arith.constant 0 : i32
      %parallel_loop3A_442 = arith.cmpi ne, %parallel_loop3A_440, %parallel_loop3A_441 : i32
      %parallel_loop3A_443 = arith.andi %parallel_loop3A_439, %parallel_loop3A_442 : i1
      %parallel_loop3A_444 = arith.constant 1 : i32
      %parallel_loop3A_445 = arith.subi %parallel_loop3A_424, %parallel_loop3A_444 : i32
      %parallel_loop3A_446 = arith.select %parallel_loop3A_443, %parallel_loop3A_445, %parallel_loop3A_424 : i32
      %parallel_loop3A_447 = arith.constant 64 : i32
      %parallel_loop3A_448 = arith.muli %parallel_loop3A_446, %parallel_loop3A_447 : i32
      %parallel_loop3A_449 = arith.subi %parallel_loop3A_422, %parallel_loop3A_448 : i32
      %parallel_loop3A_450 = arith.constant 16 : i32
      %parallel_loop3A_451 = arith.muli %parallel_loop3A_449, %parallel_loop3A_450 : i32
      %parallel_loop3A_452 = arith.constant 0 : i32
      %parallel_loop3A_453 = arith.index_cast %parallel_loop3A_452 : i32 to index
      %parallel_loop3A_454 = arith.index_cast %parallel_loop3A_446 : i32 to index
      %parallel_loop3A_455 = arith.index_cast %parallel_loop3A_451 : i32 to index
      %parallel_loop3A_456 = tpu.vector_load %arg8[%parallel_loop3A_453, %parallel_loop3A_454, %parallel_loop3A_455] {strides = array<i32>} : memref<3x8x1024xf32, #tpu.memory_space<vmem>>, vector<1x1x16xf32>,
      %parallel_loop3A_457 = vector.shape_cast %parallel_loop3A_456 : vector<1x1x16xf32> to vector<16xf32>
      %parallel_loop3A_458 = arith.constant 0 : i32
      %parallel_loop3A_459 = arith.addi %parallel_loop3A_458, %parallel_loop3A_446 : i32
      %parallel_loop3A_460 = arith.constant 0 : i32
      %parallel_loop3A_461 = arith.index_cast %parallel_loop3A_460 : i32 to index
      %parallel_loop3A_462 = arith.index_cast %parallel_loop3A_459 : i32 to index
      %parallel_loop3A_463 = arith.index_cast %parallel_loop3A_451 : i32 to index
      %parallel_loop3A_464 = tpu.vector_load %arg7[%parallel_loop3A_461, %parallel_loop3A_462, %parallel_loop3A_463] {strides = array<i32>} : memref<3x32x1024xf32, #tpu.memory_space<vmem>>, vector<1x1x16xf32>,
      %parallel_loop3A_465 = vector.shape_cast %parallel_loop3A_464 : vector<1x1x16xf32> to vector<16xf32>
      %parallel_loop3A_466 = arith.constant 3.200000e+01 : f32
      %parallel_loop3A_467 = vector.broadcast %parallel_loop3A_466 : f32 to vector<16xf32>
      %parallel_loop3A_468 = arith.mulf %parallel_loop3A_465, %parallel_loop3A_467 : vector<16xf32>
      %parallel_loop3A_469 = arith.addf %parallel_loop3A_468, %parallel_loop3A_457 : vector<16xf32>
      %parallel_loop3A_470 = arith.constant 0 : i32
      %parallel_loop3A_471 = arith.index_cast %parallel_loop3A_470 : i32 to index
      %parallel_loop3A_472 = arith.index_cast %parallel_loop3A_459 : i32 to index
      %parallel_loop3A_473 = arith.index_cast %parallel_loop3A_451 : i32 to index
      %parallel_loop3A_474 = tpu.vector_load %arg7[%parallel_loop3A_471, %parallel_loop3A_472, %parallel_loop3A_473] {strides = array<i32>} : memref<3x32x1024xf32, #tpu.memory_space<vmem>>, vector<1x1x16xf32>,
      %parallel_loop3A_475 = vector.shape_cast %parallel_loop3A_474 : vector<1x1x16xf32> to vector<16xf32>
      %parallel_loop3A_476 = vector.shape_cast %parallel_loop3A_469 : vector<16xf32> to vector<1x1x16xf32>
      tpu.vector_store %arg7[%parallel_loop3A_471, %parallel_loop3A_472, %parallel_loop3A_473], %parallel_loop3A_476 {strides = array<i32>} : memref<3x32x1024xf32, #tpu.memory_space<vmem>>, vector<1x1x16xf32>,
      %parallel_loop3A_477 = arith.constant 8 : i32
      %parallel_loop3A_478 = arith.addi %parallel_loop3A_477, %parallel_loop3A_446 : i32
      %parallel_loop3A_479 = arith.constant 0 : i32
      %parallel_loop3A_480 = arith.index_cast %parallel_loop3A_479 : i32 to index
      %parallel_loop3A_481 = arith.index_cast %parallel_loop3A_478 : i32 to index
      %parallel_loop3A_482 = arith.index_cast %parallel_loop3A_451 : i32 to index
      %parallel_loop3A_483 = tpu.vector_load %arg7[%parallel_loop3A_480, %parallel_loop3A_481, %parallel_loop3A_482] {strides = array<i32>} : memref<3x32x1024xf32, #tpu.memory_space<vmem>>, vector<1x1x16xf32>,
      %parallel_loop3A_484 = vector.shape_cast %parallel_loop3A_483 : vector<1x1x16xf32> to vector<16xf32>
      %parallel_loop3A_485 = arith.constant 3.200000e+01 : f32
      %parallel_loop3A_486 = vector.broadcast %parallel_loop3A_485 : f32 to vector<16xf32>
      %parallel_loop3A_487 = arith.mulf %parallel_loop3A_484, %parallel_loop3A_486 : vector<16xf32>
      %parallel_loop3A_488 = arith.addf %parallel_loop3A_487, %parallel_loop3A_457 : vector<16xf32>
      %parallel_loop3A_489 = arith.constant 0 : i32
      %parallel_loop3A_490 = arith.index_cast %parallel_loop3A_489 : i32 to index
      %parallel_loop3A_491 = arith.index_cast %parallel_loop3A_478 : i32 to index
      %parallel_loop3A_492 = arith.index_cast %parallel_loop3A_451 : i32 to index
      %parallel_loop3A_493 = tpu.vector_load %arg7[%parallel_loop3A_490, %parallel_loop3A_491, %parallel_loop3A_492] {strides = array<i32>} : memref<3x32x1024xf32, #tpu.memory_space<vmem>>, vector<1x1x16xf32>,
      %parallel_loop3A_494 = vector.shape_cast %parallel_loop3A_493 : vector<1x1x16xf32> to vector<16xf32>
      %parallel_loop3A_495 = vector.shape_cast %parallel_loop3A_488 : vector<16xf32> to vector<1x1x16xf32>
      tpu.vector_store %arg7[%parallel_loop3A_490, %parallel_loop3A_491, %parallel_loop3A_492], %parallel_loop3A_495 {strides = array<i32>} : memref<3x32x1024xf32, #tpu.memory_space<vmem>>, vector<1x1x16xf32>,
      %parallel_loop3A_496 = arith.constant 16 : i32
      %parallel_loop3A_497 = arith.addi %parallel_loop3A_496, %parallel_loop3A_446 : i32
      %parallel_loop3A_498 = arith.constant 0 : i32
      %parallel_loop3A_499 = arith.index_cast %parallel_loop3A_498 : i32 to index
      %parallel_loop3A_500 = arith.index_cast %parallel_loop3A_497 : i32 to index
      %parallel_loop3A_501 = arith.index_cast %parallel_loop3A_451 : i32 to index
      %parallel_loop3A_502 = tpu.vector_load %arg7[%parallel_loop3A_499, %parallel_loop3A_500, %parallel_loop3A_501] {strides = array<i32>} : memref<3x32x1024xf32, #tpu.memory_space<vmem>>, vector<1x1x16xf32>,
      %parallel_loop3A_503 = vector.shape_cast %parallel_loop3A_502 : vector<1x1x16xf32> to vector<16xf32>
      %parallel_loop3A_504 = arith.constant 3.200000e+01 : f32
      %parallel_loop3A_505 = vector.broadcast %parallel_loop3A_504 : f32 to vector<16xf32>
      %parallel_loop3A_506 = arith.mulf %parallel_loop3A_503, %parallel_loop3A_505 : vector<16xf32>
      %parallel_loop3A_507 = arith.addf %parallel_loop3A_506, %parallel_loop3A_457 : vector<16xf32>
      %parallel_loop3A_508 = arith.constant 0 : i32
      %parallel_loop3A_509 = arith.index_cast %parallel_loop3A_508 : i32 to index
      %parallel_loop3A_510 = arith.index_cast %parallel_loop3A_497 : i32 to index
      %parallel_loop3A_511 = arith.index_cast %parallel_loop3A_451 : i32 to index
      %parallel_loop3A_512 = tpu.vector_load %arg7[%parallel_loop3A_509, %parallel_loop3A_510, %parallel_loop3A_511] {strides = array<i32>} : memref<3x32x1024xf32, #tpu.memory_space<vmem>>, vector<1x1x16xf32>,
      %parallel_loop3A_513 = vector.shape_cast %parallel_loop3A_512 : vector<1x1x16xf32> to vector<16xf32>
      %parallel_loop3A_514 = vector.shape_cast %parallel_loop3A_507 : vector<16xf32> to vector<1x1x16xf32>
      tpu.vector_store %arg7[%parallel_loop3A_509, %parallel_loop3A_510, %parallel_loop3A_511], %parallel_loop3A_514 {strides = array<i32>} : memref<3x32x1024xf32, #tpu.memory_space<vmem>>, vector<1x1x16xf32>,
      %parallel_loop3A_515 = arith.constant 24 : i32
      %parallel_loop3A_516 = arith.addi %parallel_loop3A_515, %parallel_loop3A_446 : i32
      %parallel_loop3A_517 = arith.constant 0 : i32
      %parallel_loop3A_518 = arith.index_cast %parallel_loop3A_517 : i32 to index
      %parallel_loop3A_519 = arith.index_cast %parallel_loop3A_516 : i32 to index
      %parallel_loop3A_520 = arith.index_cast %parallel_loop3A_451 : i32 to index
      %parallel_loop3A_521 = tpu.vector_load %arg7[%parallel_loop3A_518, %parallel_loop3A_519, %parallel_loop3A_520] {strides = array<i32>} : memref<3x32x1024xf32, #tpu.memory_space<vmem>>, vector<1x1x16xf32>,
      %parallel_loop3A_522 = vector.shape_cast %parallel_loop3A_521 : vector<1x1x16xf32> to vector<16xf32>
      %parallel_loop3A_523 = arith.constant 3.200000e+01 : f32
      %parallel_loop3A_524 = vector.broadcast %parallel_loop3A_523 : f32 to vector<16xf32>
      %parallel_loop3A_525 = arith.mulf %parallel_loop3A_522, %parallel_loop3A_524 : vector<16xf32>
      %parallel_loop3A_526 = arith.addf %parallel_loop3A_525, %parallel_loop3A_457 : vector<16xf32>
      %parallel_loop3A_527 = arith.constant 0 : i32
      %parallel_loop3A_528 = arith.index_cast %parallel_loop3A_527 : i32 to index
      %parallel_loop3A_529 = arith.index_cast %parallel_loop3A_516 : i32 to index
      %parallel_loop3A_530 = arith.index_cast %parallel_loop3A_451 : i32 to index
      %parallel_loop3A_531 = tpu.vector_load %arg7[%parallel_loop3A_528, %parallel_loop3A_529, %parallel_loop3A_530] {strides = array<i32>} : memref<3x32x1024xf32, #tpu.memory_space<vmem>>, vector<1x1x16xf32>,
      %parallel_loop3A_532 = vector.shape_cast %parallel_loop3A_531 : vector<1x1x16xf32> to vector<16xf32>
      %parallel_loop3A_533 = vector.shape_cast %parallel_loop3A_526 : vector<16xf32> to vector<1x1x16xf32>
      tpu.vector_store %arg7[%parallel_loop3A_528, %parallel_loop3A_529, %parallel_loop3A_530], %parallel_loop3A_533 {strides = array<i32>} : memref<3x32x1024xf32, #tpu.memory_space<vmem>>, vector<1x1x16xf32>,
    } {sc.loop_unroll_factor = 4 : i64, sc.parallel_access}
    %add3A_206 = arith.constant 120 : i32
    %add3A_207 = arith.addi %mul3A_2, %add3A_206 : i32
    %add3A_208 = arith.constant 120 : i32
    %add3A_209 = arith.addi %mul3A_2, %add3A_208 : i32
    %add3A_210 = arith.constant 120 : i32
    %add3A_211 = arith.addi %mul3A_2, %add3A_210 : i32
    %add3A_212 = arith.constant 120 : i32
    %add3A_213 = arith.addi %mul3A_2, %add3A_212 : i32
    %dma_start3A_214 = arith.constant 0 : i32
    %dma_start3A_215 = arith.constant 0 : i32
    %dma_start3A_216 = arith.constant 0 : i32
    %dma_start3A_217 = arith.constant 0 : i32
    %dma_start3A_218 = tpu.memref_slice %arg7[%dma_start3A_214, %dma_start3A_216, %dma_start3A_217] : memref<3x32x1024xf32, #tpu.memory_space<vmem>> -> memref<1x8x1024xf32, #tpu.memory_space<vmem>>
    %dma_start3A_219 = tpu.memref_squeeze %dma_start3A_218 : memref<1x8x1024xf32, #tpu.memory_space<vmem>> -> memref<8x1024xf32, #tpu.memory_space<vmem>>
    %dma_start3A_220 = arith.constant 0 : i32
    %dma_start3A_221 = tpu.memref_slice %arg5[%dma_start3A_215, %add3A_207, %dma_start3A_220] : memref<4x4096x1024xf32, #tpu.memory_space<hbm>> -> memref<1x8x1024xf32, #tpu.memory_space<hbm>>
    %dma_start3A_222 = tpu.memref_squeeze %dma_start3A_221 : memref<1x8x1024xf32, #tpu.memory_space<hbm>> -> memref<8x1024xf32, #tpu.memory_space<hbm>>
    %dma_start3A_223 = arith.constant 0 : i32
    %dma_start3A_224 = tpu.memref_slice %arg5[%dma_start3A_215, %add3A_207, %dma_start3A_223] : memref<4x4096x1024xf32, #tpu.memory_space<hbm>> -> memref<1x8x1024xf32, #tpu.memory_space<hbm>>
    %dma_start3A_225 = tpu.memref_squeeze %dma_start3A_224 : memref<1x8x1024xf32, #tpu.memory_space<hbm>> -> memref<8x1024xf32, #tpu.memory_space<hbm>>
    %dma_start3A_226 = arith.constant 0 : i32
    %dma_start3A_227 = arith.constant 0 : i32
    %dma_start3A_228 = tpu.memref_slice %arg7[%dma_start3A_214, %dma_start3A_226, %dma_start3A_227] : memref<3x32x1024xf32, #tpu.memory_space<vmem>> -> memref<1x8x1024xf32, #tpu.memory_space<vmem>>
    %dma_start3A_229 = tpu.memref_squeeze %dma_start3A_228 : memref<1x8x1024xf32, #tpu.memory_space<vmem>> -> memref<8x1024xf32, #tpu.memory_space<vmem>>
    tpu.enqueue_dma source(%dma_start3A_229 : memref<8x1024xf32, #tpu.memory_space<vmem>>) target(%dma_start3A_225 : memref<8x1024xf32, #tpu.memory_space<hbm>>) target_semaphore(%arg12 : memref<!tpu.dma_semaphore, #tpu.memory_space<semaphore_mem>>)
    %dma_start3A_230 = arith.constant 0 : i32
    %dma_start3A_231 = arith.constant 1 : i32
    %dma_start3A_232 = arith.constant 8 : i32
    %dma_start3A_233 = arith.constant 0 : i32
    %dma_start3A_234 = tpu.memref_slice %arg7[%dma_start3A_230, %dma_start3A_232, %dma_start3A_233] : memref<3x32x1024xf32, #tpu.memory_space<vmem>> -> memref<1x8x1024xf32, #tpu.memory_space<vmem>>
    %dma_start3A_235 = tpu.memref_squeeze %dma_start3A_234 : memref<1x8x1024xf32, #tpu.memory_space<vmem>> -> memref<8x1024xf32, #tpu.memory_space<vmem>>
    %dma_start3A_236 = arith.constant 0 : i32
    %dma_start3A_237 = tpu.memref_slice %arg5[%dma_start3A_231, %add3A_209, %dma_start3A_236] : memref<4x4096x1024xf32, #tpu.memory_space<hbm>> -> memref<1x8x1024xf32, #tpu.memory_space<hbm>>
    %dma_start3A_238 = tpu.memref_squeeze %dma_start3A_237 : memref<1x8x1024xf32, #tpu.memory_space<hbm>> -> memref<8x1024xf32, #tpu.memory_space<hbm>>
    %dma_start3A_239 = arith.constant 0 : i32
    %dma_start3A_240 = tpu.memref_slice %arg5[%dma_start3A_231, %add3A_209, %dma_start3A_239] : memref<4x4096x1024xf32, #tpu.memory_space<hbm>> -> memref<1x8x1024xf32, #tpu.memory_space<hbm>>
    %dma_start3A_241 = tpu.memref_squeeze %dma_start3A_240 : memref<1x8x1024xf32, #tpu.memory_space<hbm>> -> memref<8x1024xf32, #tpu.memory_space<hbm>>
    %dma_start3A_242 = arith.constant 8 : i32
    %dma_start3A_243 = arith.constant 0 : i32
    %dma_start3A_244 = tpu.memref_slice %arg7[%dma_start3A_230, %dma_start3A_242, %dma_start3A_243] : memref<3x32x1024xf32, #tpu.memory_space<vmem>> -> memref<1x8x1024xf32, #tpu.memory_space<vmem>>
    %dma_start3A_245 = tpu.memref_squeeze %dma_start3A_244 : memref<1x8x1024xf32, #tpu.memory_space<vmem>> -> memref<8x1024xf32, #tpu.memory_space<vmem>>
    tpu.enqueue_dma source(%dma_start3A_245 : memref<8x1024xf32, #tpu.memory_space<vmem>>) target(%dma_start3A_241 : memref<8x1024xf32, #tpu.memory_space<hbm>>) target_semaphore(%arg12 : memref<!tpu.dma_semaphore, #tpu.memory_space<semaphore_mem>>)
    %dma_start3A_246 = arith.constant 0 : i32
    %dma_start3A_247 = arith.constant 2 : i32
    %dma_start3A_248 = arith.constant 16 : i32
    %dma_start3A_249 = arith.constant 0 : i32
    %dma_start3A_250 = tpu.memref_slice %arg7[%dma_start3A_246, %dma_start3A_248, %dma_start3A_249] : memref<3x32x1024xf32, #tpu.memory_space<vmem>> -> memref<1x8x1024xf32, #tpu.memory_space<vmem>>
    %dma_start3A_251 = tpu.memref_squeeze %dma_start3A_250 : memref<1x8x1024xf32, #tpu.memory_space<vmem>> -> memref<8x1024xf32, #tpu.memory_space<vmem>>
    %dma_start3A_252 = arith.constant 0 : i32
    %dma_start3A_253 = tpu.memref_slice %arg5[%dma_start3A_247, %add3A_211, %dma_start3A_252] : memref<4x4096x1024xf32, #tpu.memory_space<hbm>> -> memref<1x8x1024xf32, #tpu.memory_space<hbm>>
    %dma_start3A_254 = tpu.memref_squeeze %dma_start3A_253 : memref<1x8x1024xf32, #tpu.memory_space<hbm>> -> memref<8x1024xf32, #tpu.memory_space<hbm>>
    %dma_start3A_255 = arith.constant 0 : i32
    %dma_start3A_256 = tpu.memref_slice %arg5[%dma_start3A_247, %add3A_211, %dma_start3A_255] : memref<4x4096x1024xf32, #tpu.memory_space<hbm>> -> memref<1x8x1024xf32, #tpu.memory_space<hbm>>
    %dma_start3A_257 = tpu.memref_squeeze %dma_start3A_256 : memref<1x8x1024xf32, #tpu.memory_space<hbm>> -> memref<8x1024xf32, #tpu.memory_space<hbm>>
    %dma_start3A_258 = arith.constant 16 : i32
    %dma_start3A_259 = arith.constant 0 : i32
    %dma_start3A_260 = tpu.memref_slice %arg7[%dma_start3A_246, %dma_start3A_258, %dma_start3A_259] : memref<3x32x1024xf32, #tpu.memory_space<vmem>> -> memref<1x8x1024xf32, #tpu.memory_space<vmem>>
    %dma_start3A_261 = tpu.memref_squeeze %dma_start3A_260 : memref<1x8x1024xf32, #tpu.memory_space<vmem>> -> memref<8x1024xf32, #tpu.memory_space<vmem>>
    tpu.enqueue_dma source(%dma_start3A_261 : memref<8x1024xf32, #tpu.memory_space<vmem>>) target(%dma_start3A_257 : memref<8x1024xf32, #tpu.memory_space<hbm>>) target_semaphore(%arg12 : memref<!tpu.dma_semaphore, #tpu.memory_space<semaphore_mem>>)
    %dma_start3A_262 = arith.constant 0 : i32
    %dma_start3A_263 = arith.constant 3 : i32
    %dma_start3A_264 = arith.constant 24 : i32
    %dma_start3A_265 = arith.constant 0 : i32
    %dma_start3A_266 = tpu.memref_slice %arg7[%dma_start3A_262, %dma_start3A_264, %dma_start3A_265] : memref<3x32x1024xf32, #tpu.memory_space<vmem>> -> memref<1x8x1024xf32, #tpu.memory_space<vmem>>
    %dma_start3A_267 = tpu.memref_squeeze %dma_start3A_266 : memref<1x8x1024xf32, #tpu.memory_space<vmem>> -> memref<8x1024xf32, #tpu.memory_space<vmem>>
    %dma_start3A_268 = arith.constant 0 : i32
    %dma_start3A_269 = tpu.memref_slice %arg5[%dma_start3A_263, %add3A_213, %dma_start3A_268] : memref<4x4096x1024xf32, #tpu.memory_space<hbm>> -> memref<1x8x1024xf32, #tpu.memory_space<hbm>>
    %dma_start3A_270 = tpu.memref_squeeze %dma_start3A_269 : memref<1x8x1024xf32, #tpu.memory_space<hbm>> -> memref<8x1024xf32, #tpu.memory_space<hbm>>
    %dma_start3A_271 = arith.constant 0 : i32
    %dma_start3A_272 = tpu.memref_slice %arg5[%dma_start3A_263, %add3A_213, %dma_start3A_271] : memref<4x4096x1024xf32, #tpu.memory_space<hbm>> -> memref<1x8x1024xf32, #tpu.memory_space<hbm>>
    %dma_start3A_273 = tpu.memref_squeeze %dma_start3A_272 : memref<1x8x1024xf32, #tpu.memory_space<hbm>> -> memref<8x1024xf32, #tpu.memory_space<hbm>>
    %dma_start3A_274 = arith.constant 24 : i32
    %dma_start3A_275 = arith.constant 0 : i32
    %dma_start3A_276 = tpu.memref_slice %arg7[%dma_start3A_262, %dma_start3A_274, %dma_start3A_275] : memref<3x32x1024xf32, #tpu.memory_space<vmem>> -> memref<1x8x1024xf32, #tpu.memory_space<vmem>>
    %dma_start3A_277 = tpu.memref_squeeze %dma_start3A_276 : memref<1x8x1024xf32, #tpu.memory_space<vmem>> -> memref<8x1024xf32, #tpu.memory_space<vmem>>
    tpu.enqueue_dma source(%dma_start3A_277 : memref<8x1024xf32, #tpu.memory_space<vmem>>) target(%dma_start3A_273 : memref<8x1024xf32, #tpu.memory_space<hbm>>) target_semaphore(%arg12 : memref<!tpu.dma_semaphore, #tpu.memory_space<semaphore_mem>>)
    %add3A_278 = arith.constant 112 : i32
    %add3A_279 = arith.addi %mul3A_2, %add3A_278 : i32
    %add3A_280 = arith.constant 112 : i32
    %add3A_281 = arith.addi %mul3A_2, %add3A_280 : i32
    %add3A_282 = arith.constant 112 : i32
    %add3A_283 = arith.addi %mul3A_2, %add3A_282 : i32
    %add3A_284 = arith.constant 112 : i32
    %add3A_285 = arith.addi %mul3A_2, %add3A_284 : i32
    %dma_wait3A_286 = arith.constant 2 : i32
    %dma_wait3A_287 = arith.constant 0 : i32
    %dma_wait3A_288 = arith.constant 0 : i32
    %dma_wait3A_289 = arith.constant 0 : i32
    %dma_wait3A_290 = tpu.memref_slice %arg7[%dma_wait3A_286, %dma_wait3A_288, %dma_wait3A_289] : memref<3x32x1024xf32, #tpu.memory_space<vmem>> -> memref<1x8x1024xf32, #tpu.memory_space<vmem>>
    %dma_wait3A_291 = tpu.memref_squeeze %dma_wait3A_290 : memref<1x8x1024xf32, #tpu.memory_space<vmem>> -> memref<8x1024xf32, #tpu.memory_space<vmem>>
    %dma_wait3A_292 = arith.constant 0 : i32
    %dma_wait3A_293 = tpu.memref_slice %arg5[%dma_wait3A_287, %add3A_279, %dma_wait3A_292] : memref<4x4096x1024xf32, #tpu.memory_space<hbm>> -> memref<1x8x1024xf32, #tpu.memory_space<hbm>>
    %dma_wait3A_294 = tpu.memref_squeeze %dma_wait3A_293 : memref<1x8x1024xf32, #tpu.memory_space<hbm>> -> memref<8x1024xf32, #tpu.memory_space<hbm>>
    %dma_wait3A_295 = arith.constant 0 : i32
    %dma_wait3A_296 = tpu.memref_slice %arg5[%dma_wait3A_287, %add3A_279, %dma_wait3A_295] : memref<4x4096x1024xf32, #tpu.memory_space<hbm>> -> memref<1x8x1024xf32, #tpu.memory_space<hbm>>
    %dma_wait3A_297 = tpu.memref_squeeze %dma_wait3A_296 : memref<1x8x1024xf32, #tpu.memory_space<hbm>> -> memref<8x1024xf32, #tpu.memory_space<hbm>>
    %dma_wait3A_298 = arith.constant 0 : i32
    %dma_wait3A_299 = arith.constant 0 : i32
    %dma_wait3A_300 = tpu.memref_slice %arg7[%dma_wait3A_286, %dma_wait3A_298, %dma_wait3A_299] : memref<3x32x1024xf32, #tpu.memory_space<vmem>> -> memref<1x8x1024xf32, #tpu.memory_space<vmem>>
    %dma_wait3A_301 = tpu.memref_squeeze %dma_wait3A_300 : memref<1x8x1024xf32, #tpu.memory_space<vmem>> -> memref<8x1024xf32, #tpu.memory_space<vmem>>
    tpu.wait_dma2 semaphore(%arg14 : memref<!tpu.dma_semaphore, #tpu.memory_space<semaphore_mem>>) src(%dma_wait3A_301 : memref<8x1024xf32, #tpu.memory_space<vmem>>) dst(%dma_wait3A_297 : memref<8x1024xf32, #tpu.memory_space<hbm>>)
    %dma_wait3A_302 = arith.constant 2 : i32
    %dma_wait3A_303 = arith.constant 1 : i32
    %dma_wait3A_304 = arith.constant 8 : i32
    %dma_wait3A_305 = arith.constant 0 : i32
    %dma_wait3A_306 = tpu.memref_slice %arg7[%dma_wait3A_302, %dma_wait3A_304, %dma_wait3A_305] : memref<3x32x1024xf32, #tpu.memory_space<vmem>> -> memref<1x8x1024xf32, #tpu.memory_space<vmem>>
    %dma_wait3A_307 = tpu.memref_squeeze %dma_wait3A_306 : memref<1x8x1024xf32, #tpu.memory_space<vmem>> -> memref<8x1024xf32, #tpu.memory_space<vmem>>
    %dma_wait3A_308 = arith.constant 0 : i32
    %dma_wait3A_309 = tpu.memref_slice %arg5[%dma_wait3A_303, %add3A_281, %dma_wait3A_308] : memref<4x4096x1024xf32, #tpu.memory_space<hbm>> -> memref<1x8x1024xf32, #tpu.memory_space<hbm>>
    %dma_wait3A_310 = tpu.memref_squeeze %dma_wait3A_309 : memref<1x8x1024xf32, #tpu.memory_space<hbm>> -> memref<8x1024xf32, #tpu.memory_space<hbm>>
    %dma_wait3A_311 = arith.constant 0 : i32
    %dma_wait3A_312 = tpu.memref_slice %arg5[%dma_wait3A_303, %add3A_281, %dma_wait3A_311] : memref<4x4096x1024xf32, #tpu.memory_space<hbm>> -> memref<1x8x1024xf32, #tpu.memory_space<hbm>>
    %dma_wait3A_313 = tpu.memref_squeeze %dma_wait3A_312 : memref<1x8x1024xf32, #tpu.memory_space<hbm>> -> memref<8x1024xf32, #tpu.memory_space<hbm>>
    %dma_wait3A_314 = arith.constant 8 : i32
    %dma_wait3A_315 = arith.constant 0 : i32
    %dma_wait3A_316 = tpu.memref_slice %arg7[%dma_wait3A_302, %dma_wait3A_314, %dma_wait3A_315] : memref<3x32x1024xf32, #tpu.memory_space<vmem>> -> memref<1x8x1024xf32, #tpu.memory_space<vmem>>
    %dma_wait3A_317 = tpu.memref_squeeze %dma_wait3A_316 : memref<1x8x1024xf32, #tpu.memory_space<vmem>> -> memref<8x1024xf32, #tpu.memory_space<vmem>>
    tpu.wait_dma2 semaphore(%arg14 : memref<!tpu.dma_semaphore, #tpu.memory_space<semaphore_mem>>) src(%dma_wait3A_317 : memref<8x1024xf32, #tpu.memory_space<vmem>>) dst(%dma_wait3A_313 : memref<8x1024xf32, #tpu.memory_space<hbm>>)
    %dma_wait3A_318 = arith.constant 2 : i32
    %dma_wait3A_319 = arith.constant 2 : i32
    %dma_wait3A_320 = arith.constant 16 : i32
    %dma_wait3A_321 = arith.constant 0 : i32
    %dma_wait3A_322 = tpu.memref_slice %arg7[%dma_wait3A_318, %dma_wait3A_320, %dma_wait3A_321] : memref<3x32x1024xf32, #tpu.memory_space<vmem>> -> memref<1x8x1024xf32, #tpu.memory_space<vmem>>
    %dma_wait3A_323 = tpu.memref_squeeze %dma_wait3A_322 : memref<1x8x1024xf32, #tpu.memory_space<vmem>> -> memref<8x1024xf32, #tpu.memory_space<vmem>>
    %dma_wait3A_324 = arith.constant 0 : i32
    %dma_wait3A_325 = tpu.memref_slice %arg5[%dma_wait3A_319, %add3A_283, %dma_wait3A_324] : memref<4x4096x1024xf32, #tpu.memory_space<hbm>> -> memref<1x8x1024xf32, #tpu.memory_space<hbm>>
    %dma_wait3A_326 = tpu.memref_squeeze %dma_wait3A_325 : memref<1x8x1024xf32, #tpu.memory_space<hbm>> -> memref<8x1024xf32, #tpu.memory_space<hbm>>
    %dma_wait3A_327 = arith.constant 0 : i32
    %dma_wait3A_328 = tpu.memref_slice %arg5[%dma_wait3A_319, %add3A_283, %dma_wait3A_327] : memref<4x4096x1024xf32, #tpu.memory_space<hbm>> -> memref<1x8x1024xf32, #tpu.memory_space<hbm>>
    %dma_wait3A_329 = tpu.memref_squeeze %dma_wait3A_328 : memref<1x8x1024xf32, #tpu.memory_space<hbm>> -> memref<8x1024xf32, #tpu.memory_space<hbm>>
    %dma_wait3A_330 = arith.constant 16 : i32
    %dma_wait3A_331 = arith.constant 0 : i32
    %dma_wait3A_332 = tpu.memref_slice %arg7[%dma_wait3A_318, %dma_wait3A_330, %dma_wait3A_331] : memref<3x32x1024xf32, #tpu.memory_space<vmem>> -> memref<1x8x1024xf32, #tpu.memory_space<vmem>>
    %dma_wait3A_333 = tpu.memref_squeeze %dma_wait3A_332 : memref<1x8x1024xf32, #tpu.memory_space<vmem>> -> memref<8x1024xf32, #tpu.memory_space<vmem>>
    tpu.wait_dma2 semaphore(%arg14 : memref<!tpu.dma_semaphore, #tpu.memory_space<semaphore_mem>>) src(%dma_wait3A_333 : memref<8x1024xf32, #tpu.memory_space<vmem>>) dst(%dma_wait3A_329 : memref<8x1024xf32, #tpu.memory_space<hbm>>)
    %dma_wait3A_334 = arith.constant 2 : i32
    %dma_wait3A_335 = arith.constant 3 : i32
    %dma_wait3A_336 = arith.constant 24 : i32
    %dma_wait3A_337 = arith.constant 0 : i32
    %dma_wait3A_338 = tpu.memref_slice %arg7[%dma_wait3A_334, %dma_wait3A_336, %dma_wait3A_337] : memref<3x32x1024xf32, #tpu.memory_space<vmem>> -> memref<1x8x1024xf32, #tpu.memory_space<vmem>>
    %dma_wait3A_339 = tpu.memref_squeeze %dma_wait3A_338 : memref<1x8x1024xf32, #tpu.memory_space<vmem>> -> memref<8x1024xf32, #tpu.memory_space<vmem>>
    %dma_wait3A_340 = arith.constant 0 : i32
    %dma_wait3A_341 = tpu.memref_slice %arg5[%dma_wait3A_335, %add3A_285, %dma_wait3A_340] : memref<4x4096x1024xf32, #tpu.memory_space<hbm>> -> memref<1x8x1024xf32, #tpu.memory_space<hbm>>
    %dma_wait3A_342 = tpu.memref_squeeze %dma_wait3A_341 : memref<1x8x1024xf32, #tpu.memory_space<hbm>> -> memref<8x1024xf32, #tpu.memory_space<hbm>>
    %dma_wait3A_343 = arith.constant 0 : i32
    %dma_wait3A_344 = tpu.memref_slice %arg5[%dma_wait3A_335, %add3A_285, %dma_wait3A_343] : memref<4x4096x1024xf32, #tpu.memory_space<hbm>> -> memref<1x8x1024xf32, #tpu.memory_space<hbm>>
    %dma_wait3A_345 = tpu.memref_squeeze %dma_wait3A_344 : memref<1x8x1024xf32, #tpu.memory_space<hbm>> -> memref<8x1024xf32, #tpu.memory_space<hbm>>
    %dma_wait3A_346 = arith.constant 24 : i32
    %dma_wait3A_347 = arith.constant 0 : i32
    %dma_wait3A_348 = tpu.memref_slice %arg7[%dma_wait3A_334, %dma_wait3A_346, %dma_wait3A_347] : memref<3x32x1024xf32, #tpu.memory_space<vmem>> -> memref<1x8x1024xf32, #tpu.memory_space<vmem>>
    %dma_wait3A_349 = tpu.memref_squeeze %dma_wait3A_348 : memref<1x8x1024xf32, #tpu.memory_space<vmem>> -> memref<8x1024xf32, #tpu.memory_space<vmem>>
    tpu.wait_dma2 semaphore(%arg14 : memref<!tpu.dma_semaphore, #tpu.memory_space<semaphore_mem>>) src(%dma_wait3A_349 : memref<8x1024xf32, #tpu.memory_space<vmem>>) dst(%dma_wait3A_345 : memref<8x1024xf32, #tpu.memory_space<hbm>>)
    %add3A_350 = arith.constant 120 : i32
    %add3A_351 = arith.addi %mul3A_2, %add3A_350 : i32
    %add3A_352 = arith.constant 120 : i32
    %add3A_353 = arith.addi %mul3A_2, %add3A_352 : i32
    %add3A_354 = arith.constant 120 : i32
    %add3A_355 = arith.addi %mul3A_2, %add3A_354 : i32
    %add3A_356 = arith.constant 120 : i32
    %add3A_357 = arith.addi %mul3A_2, %add3A_356 : i32
    %dma_wait3A_358 = arith.constant 0 : i32
    %dma_wait3A_359 = arith.constant 0 : i32
    %dma_wait3A_360 = arith.constant 0 : i32
    %dma_wait3A_361 = arith.constant 0 : i32
    %dma_wait3A_362 = tpu.memref_slice %arg7[%dma_wait3A_358, %dma_wait3A_360, %dma_wait3A_361] : memref<3x32x1024xf32, #tpu.memory_space<vmem>> -> memref<1x8x1024xf32, #tpu.memory_space<vmem>>
    %dma_wait3A_363 = tpu.memref_squeeze %dma_wait3A_362 : memref<1x8x1024xf32, #tpu.memory_space<vmem>> -> memref<8x1024xf32, #tpu.memory_space<vmem>>
    %dma_wait3A_364 = arith.constant 0 : i32
    %dma_wait3A_365 = tpu.memref_slice %arg5[%dma_wait3A_359, %add3A_351, %dma_wait3A_364] : memref<4x4096x1024xf32, #tpu.memory_space<hbm>> -> memref<1x8x1024xf32, #tpu.memory_space<hbm>>
    %dma_wait3A_366 = tpu.memref_squeeze %dma_wait3A_365 : memref<1x8x1024xf32, #tpu.memory_space<hbm>> -> memref<8x1024xf32, #tpu.memory_space<hbm>>
    %dma_wait3A_367 = arith.constant 0 : i32
    %dma_wait3A_368 = tpu.memref_slice %arg5[%dma_wait3A_359, %add3A_351, %dma_wait3A_367] : memref<4x4096x1024xf32, #tpu.memory_space<hbm>> -> memref<1x8x1024xf32, #tpu.memory_space<hbm>>
    %dma_wait3A_369 = tpu.memref_squeeze %dma_wait3A_368 : memref<1x8x1024xf32, #tpu.memory_space<hbm>> -> memref<8x1024xf32, #tpu.memory_space<hbm>>
    %dma_wait3A_370 = arith.constant 0 : i32
    %dma_wait3A_371 = arith.constant 0 : i32
    %dma_wait3A_372 = tpu.memref_slice %arg7[%dma_wait3A_358, %dma_wait3A_370, %dma_wait3A_371] : memref<3x32x1024xf32, #tpu.memory_space<vmem>> -> memref<1x8x1024xf32, #tpu.memory_space<vmem>>
    %dma_wait3A_373 = tpu.memref_squeeze %dma_wait3A_372 : memref<1x8x1024xf32, #tpu.memory_space<vmem>> -> memref<8x1024xf32, #tpu.memory_space<vmem>>
    tpu.wait_dma2 semaphore(%arg12 : memref<!tpu.dma_semaphore, #tpu.memory_space<semaphore_mem>>) src(%dma_wait3A_373 : memref<8x1024xf32, #tpu.memory_space<vmem>>) dst(%dma_wait3A_369 : memref<8x1024xf32, #tpu.memory_space<hbm>>)
    %dma_wait3A_374 = arith.constant 0 : i32
    %dma_wait3A_375 = arith.constant 1 : i32
    %dma_wait3A_376 = arith.constant 8 : i32
    %dma_wait3A_377 = arith.constant 0 : i32
    %dma_wait3A_378 = tpu.memref_slice %arg7[%dma_wait3A_374, %dma_wait3A_376, %dma_wait3A_377] : memref<3x32x1024xf32, #tpu.memory_space<vmem>> -> memref<1x8x1024xf32, #tpu.memory_space<vmem>>
    %dma_wait3A_379 = tpu.memref_squeeze %dma_wait3A_378 : memref<1x8x1024xf32, #tpu.memory_space<vmem>> -> memref<8x1024xf32, #tpu.memory_space<vmem>>
    %dma_wait3A_380 = arith.constant 0 : i32
    %dma_wait3A_381 = tpu.memref_slice %arg5[%dma_wait3A_375, %add3A_353, %dma_wait3A_380] : memref<4x4096x1024xf32, #tpu.memory_space<hbm>> -> memref<1x8x1024xf32, #tpu.memory_space<hbm>>
    %dma_wait3A_382 = tpu.memref_squeeze %dma_wait3A_381 : memref<1x8x1024xf32, #tpu.memory_space<hbm>> -> memref<8x1024xf32, #tpu.memory_space<hbm>>
    %dma_wait3A_383 = arith.constant 0 : i32
    %dma_wait3A_384 = tpu.memref_slice %arg5[%dma_wait3A_375, %add3A_353, %dma_wait3A_383] : memref<4x4096x1024xf32, #tpu.memory_space<hbm>> -> memref<1x8x1024xf32, #tpu.memory_space<hbm>>
    %dma_wait3A_385 = tpu.memref_squeeze %dma_wait3A_384 : memref<1x8x1024xf32, #tpu.memory_space<hbm>> -> memref<8x1024xf32, #tpu.memory_space<hbm>>
    %dma_wait3A_386 = arith.constant 8 : i32
    %dma_wait3A_387 = arith.constant 0 : i32
    %dma_wait3A_388 = tpu.memref_slice %arg7[%dma_wait3A_374, %dma_wait3A_386, %dma_wait3A_387] : memref<3x32x1024xf32, #tpu.memory_space<vmem>> -> memref<1x8x1024xf32, #tpu.memory_space<vmem>>
    %dma_wait3A_389 = tpu.memref_squeeze %dma_wait3A_388 : memref<1x8x1024xf32, #tpu.memory_space<vmem>> -> memref<8x1024xf32, #tpu.memory_space<vmem>>
    tpu.wait_dma2 semaphore(%arg12 : memref<!tpu.dma_semaphore, #tpu.memory_space<semaphore_mem>>) src(%dma_wait3A_389 : memref<8x1024xf32, #tpu.memory_space<vmem>>) dst(%dma_wait3A_385 : memref<8x1024xf32, #tpu.memory_space<hbm>>)
    %dma_wait3A_390 = arith.constant 0 : i32
    %dma_wait3A_391 = arith.constant 2 : i32
    %dma_wait3A_392 = arith.constant 16 : i32
    %dma_wait3A_393 = arith.constant 0 : i32
    %dma_wait3A_394 = tpu.memref_slice %arg7[%dma_wait3A_390, %dma_wait3A_392, %dma_wait3A_393] : memref<3x32x1024xf32, #tpu.memory_space<vmem>> -> memref<1x8x1024xf32, #tpu.memory_space<vmem>>
    %dma_wait3A_395 = tpu.memref_squeeze %dma_wait3A_394 : memref<1x8x1024xf32, #tpu.memory_space<vmem>> -> memref<8x1024xf32, #tpu.memory_space<vmem>>
    %dma_wait3A_396 = arith.constant 0 : i32
    %dma_wait3A_397 = tpu.memref_slice %arg5[%dma_wait3A_391, %add3A_355, %dma_wait3A_396] : memref<4x4096x1024xf32, #tpu.memory_space<hbm>> -> memref<1x8x1024xf32, #tpu.memory_space<hbm>>
    %dma_wait3A_398 = tpu.memref_squeeze %dma_wait3A_397 : memref<1x8x1024xf32, #tpu.memory_space<hbm>> -> memref<8x1024xf32, #tpu.memory_space<hbm>>
    %dma_wait3A_399 = arith.constant 0 : i32
    %dma_wait3A_400 = tpu.memref_slice %arg5[%dma_wait3A_391, %add3A_355, %dma_wait3A_399] : memref<4x4096x1024xf32, #tpu.memory_space<hbm>> -> memref<1x8x1024xf32, #tpu.memory_space<hbm>>
    %dma_wait3A_401 = tpu.memref_squeeze %dma_wait3A_400 : memref<1x8x1024xf32, #tpu.memory_space<hbm>> -> memref<8x1024xf32, #tpu.memory_space<hbm>>
    %dma_wait3A_402 = arith.constant 16 : i32
    %dma_wait3A_403 = arith.constant 0 : i32
    %dma_wait3A_404 = tpu.memref_slice %arg7[%dma_wait3A_390, %dma_wait3A_402, %dma_wait3A_403] : memref<3x32x1024xf32, #tpu.memory_space<vmem>> -> memref<1x8x1024xf32, #tpu.memory_space<vmem>>
    %dma_wait3A_405 = tpu.memref_squeeze %dma_wait3A_404 : memref<1x8x1024xf32, #tpu.memory_space<vmem>> -> memref<8x1024xf32, #tpu.memory_space<vmem>>
    tpu.wait_dma2 semaphore(%arg12 : memref<!tpu.dma_semaphore, #tpu.memory_space<semaphore_mem>>) src(%dma_wait3A_405 : memref<8x1024xf32, #tpu.memory_space<vmem>>) dst(%dma_wait3A_401 : memref<8x1024xf32, #tpu.memory_space<hbm>>)
    %dma_wait3A_406 = arith.constant 0 : i32
    %dma_wait3A_407 = arith.constant 3 : i32
    %dma_wait3A_408 = arith.constant 24 : i32
    %dma_wait3A_409 = arith.constant 0 : i32
    %dma_wait3A_410 = tpu.memref_slice %arg7[%dma_wait3A_406, %dma_wait3A_408, %dma_wait3A_409] : memref<3x32x1024xf32, #tpu.memory_space<vmem>> -> memref<1x8x1024xf32, #tpu.memory_space<vmem>>
    %dma_wait3A_411 = tpu.memref_squeeze %dma_wait3A_410 : memref<1x8x1024xf32, #tpu.memory_space<vmem>> -> memref<8x1024xf32, #tpu.memory_space<vmem>>
    %dma_wait3A_412 = arith.constant 0 : i32
    %dma_wait3A_413 = tpu.memref_slice %arg5[%dma_wait3A_407, %add3A_357, %dma_wait3A_412] : memref<4x4096x1024xf32, #tpu.memory_space<hbm>> -> memref<1x8x1024xf32, #tpu.memory_space<hbm>>
    %dma_wait3A_414 = tpu.memref_squeeze %dma_wait3A_413 : memref<1x8x1024xf32, #tpu.memory_space<hbm>> -> memref<8x1024xf32, #tpu.memory_space<hbm>>
    %dma_wait3A_415 = arith.constant 0 : i32
    %dma_wait3A_416 = tpu.memref_slice %arg5[%dma_wait3A_407, %add3A_357, %dma_wait3A_415] : memref<4x4096x1024xf32, #tpu.memory_space<hbm>> -> memref<1x8x1024xf32, #tpu.memory_space<hbm>>
    %dma_wait3A_417 = tpu.memref_squeeze %dma_wait3A_416 : memref<1x8x1024xf32, #tpu.memory_space<hbm>> -> memref<8x1024xf32, #tpu.memory_space<hbm>>
    %dma_wait3A_418 = arith.constant 24 : i32
    %dma_wait3A_419 = arith.constant 0 : i32
    %dma_wait3A_420 = tpu.memref_slice %arg7[%dma_wait3A_406, %dma_wait3A_418, %dma_wait3A_419] : memref<3x32x1024xf32, #tpu.memory_space<vmem>> -> memref<1x8x1024xf32, #tpu.memory_space<vmem>>
    %dma_wait3A_421 = tpu.memref_squeeze %dma_wait3A_420 : memref<1x8x1024xf32, #tpu.memory_space<vmem>> -> memref<8x1024xf32, #tpu.memory_space<vmem>>
    tpu.wait_dma2 semaphore(%arg12 : memref<!tpu.dma_semaphore, #tpu.memory_space<semaphore_mem>>) src(%dma_wait3A_421 : memref<8x1024xf32, #tpu.memory_space<vmem>>) dst(%dma_wait3A_417 : memref<8x1024xf32, #tpu.memory_space<hbm>>)
    return
  }
}

</mosaic_0001>

<sc_bundles>
// kernel: kernel.3.cloned.1.call-start
scs
__scs_entry_jumppad:
0x0: {  	(pc) =	sbr.rel $0x88, $3  }
0x1: {  	(tag) =	ssettag $0x0;
	lr =	simm.s32 $0x1  }
0x2: {  	[smem:$0x3F9E] =	sst lr;
	_ =	strace $0xD0000000  }
0x3: {  	_ = 	snop  }
0x4: {  	_ = 	snop  }
0x5: {  	_ = 	snop  }
0x6: {  	_ = 	snop  }
0x7: {  	_ = 	snop  }
__scs_overlays_trampoline_lowered:
0x8: {  	[smem:$0x3FAD] =	sst s0  }
0x9: {  	[smem:$0x3FAE] =	sst s1  }
0xa: {  	[smem:$0x3FAF] =	sst s2  }
0xb: {  	[smem:$0x3FB0] =	sst s3  }
0xc: {  	[smem:$0x3FB1] =	sst s4  }
0xd: {  	[smem:$0x3FB2] =	sst s5  }
0xe: {  	[smem:$0x3FB3] =	sst s6  }
0xf: {  	[smem:$0x3FB4] =	sst s7  }
0x10: {  	[smem:$0x3FB5] =	sst s8  }
0x11: {  	[smem:$0x3FB6] =	sst s9;
	s0 =	simm.s32 @!p0 $0x0  }
0x12: {  	s1 =	sld [smem:$0x3F9C];
	s0 =	simm.s32 @p0 $0x1  }
0x13: {  	[smem:$0x3FB7] =	sst s0;
	s0 =	simm.s32 @!p1 $0x0  }
0x14: {  	s2 =	sld [smem:$0x3F9B];
	s0 =	simm.s32 @p1 $0x1  }
0x15: {  	[smem:$0x3FB8] =	sst s0;
	s0 =	simm.s32 @!p2 $0x0  }
0x16: {  	s3 =	sld [smem:$0x3FDB];
	s0 =	simm.s32 @p2 $0x1  }
0x17: {  	s4 =	simm.s32 $0x1BF5;
	[smem:$0x3FBA] =	sst s0  }
0x18: {  	s0 =	sld [smem:$0x3F9D];
	_ =	swait.ge [sflag:s4], $0x0  }
0x19: {  	s7 =	sld [smem:$0x3F9E]  }
0x1a: {  	s8 =	sadd.s32 $0xFFFFE003, lr  }
0x1b: {  	s9 =	sadd.s32 $0xFFFFFEF7, lr;
	s5 =	simm.s32 $0xFFFFFFFF;
	p2 =	slt.u32 s8, $0xFFFFF086  }
0x1c: {  	p1 =	slt.u32 s9, $0xF7A;
	s5 =	simm.s32 @!p2 $0x0  }
0x1d: {  	s5 =	simm.s32 @p1 $0x1;
	p0 =	seq.s32 s7, s2  }
0x1e: {  	s7 =	smul.u32 @!p0 $0xF7A, s2;
	p2 =	seq.s32 @!p0 s5, $0x0  }
0x1f: {  	s9 =	smul.u32 $0xF7A, s1;
	s8 =	simm.s32 @!p0 $0x1BF5;
	p2 =	por !p2, p0  }
0x20: {  	[sflag:s8] =	ssyncset.s32 @!p0 $0xFFFFF086;
	s6 =	sadd.s32 @!p0 s3, s7;
	s7 =	simm.s32 @!p0 $0x108  }
0x21: {  	s3 =	sadd.s32 s3, s9;
	s6 =	sadd.s32 @!p0 $0x88, s6;
	s7 =	simm.s32 @p2 $0x1082  }
0x22: {  	[simem:s7], [sflag:s8] =	dma.local @!p0 [hbm:s6], $0xF7A  }
0x23: {  	s9 =	sor.u32 $0xD0000000, s2;
	s6 =	simm.s32 $0x108;
	_ =	swait.ge @!p0 [sflag:s8], $0x0  }
0x24: {  	s3 =	sadd.s32 $0x88, s3;
	s6 =	simm.s32 @!p1 $0x1082;
	[sflag:s4] =	ssyncset.s32 $0xFFFFF086  }
0x25: {  	[simem:s6], [sflag:s4] =	dma.local [hbm:s3], $0xF7A  }
0x26: {  	[smem:$0x3F9E] =	sst s1;
	(tag) =	ssettag s2;
	_ =	strace s9  }
0x27: {  	s1 =	sld [smem:$0x3FAE]  }
0x28: {  	s2 =	sld [smem:$0x3FAF]  }
0x29: {  	s4 =	sld [smem:$0x3FB1]  }
0x2a: {  	p0 =	seq.s32 s5, $0x0;
	s5 =	sld [smem:$0x3FB2]  }
0x2b: {  	s6 =	sld [smem:$0x3FB3]  }
0x2c: {  	s7 =	sld [smem:$0x3FB4]  }
0x2d: {  	s3 =	simm.s32 $0x108;
	s8 =	sld [smem:$0x3FB5]  }
0x2e: {  	s3 =	simm.s32 @!p0 $0x1082;
	s9 =	sld [smem:$0x3FB6]  }
0x2f: {  	lr =	sadd.s32 s0, s3;
	s0 =	sld [smem:$0x3FAD]  }
0x30: {  	s3 =	sld [smem:$0x3FB0]  }
0x31: {  	[smem:$0x3FB9] =	sst s10  }
0x32: {  	s10 =	sld [smem:$0x3FB7];
	_ =	sdelay $0x3  }
0x33: {  	p0 =	seq.s32 s10, $0x1;
	s10 =	sld [smem:$0x3FB9];
	_ =	sdelay $0x3  }
0x34: {  	[smem:$0x3FB9] =	sst s10  }
0x35: {  	s10 =	sld [smem:$0x3FB8];
	_ =	sdelay $0x3  }
0x36: {  	p1 =	seq.s32 s10, $0x1;
	s10 =	sld [smem:$0x3FB9];
	_ =	sdelay $0x3  }
0x37: {  	[smem:$0x3FB9] =	sst s10  }
0x38: {  	s10 =	sld [smem:$0x3FBA]  }
0x39: {  	_ = 	snop;
	(pc) =	sbr.ind lr, $3  }
0x3a: {  	_ = 	snop  }
0x3b: {  	_ = 	snop  }
0x3c: {  	p2 =	seq.s32 s10, $0x1;
	s10 =	sld [smem:$0x3FB9]  }
0x3d: {  	_ =	shalt  }
0x3e: {  	_ =	shalt  }
0x3f: {  	_ =	shalt  }
0x40: {  	_ =	shalt  }
0x41: {  	_ =	shalt  }
0x42: {  	_ =	shalt  }
0x43: {  	_ =	shalt  }
0x44: {  	_ =	shalt  }
0x45: {  	_ =	shalt  }
0x46: {  	_ =	shalt  }
0x47: {  	_ =	shalt  }
0x48: {  	_ =	shalt  }
0x49: {  	_ =	shalt  }
0x4a: {  	_ =	shalt  }
0x4b: {  	_ =	shalt  }
0x4c: {  	_ =	shalt  }
0x4d: {  	_ =	shalt  }
0x4e: {  	_ =	shalt  }
0x4f: {  	_ =	shalt  }
0x50: {  	_ =	shalt  }
0x51: {  	_ =	shalt  }
0x52: {  	_ =	shalt  }
0x53: {  	_ =	shalt  }
0x54: {  	_ =	shalt  }
0x55: {  	_ =	shalt  }
0x56: {  	_ =	shalt  }
0x57: {  	_ =	shalt  }
0x58: {  	_ =	shalt  }
0x59: {  	_ =	shalt  }
0x5a: {  	_ =	shalt  }
0x5b: {  	_ =	shalt  }
0x5c: {  	_ =	shalt  }
0x5d: {  	_ =	shalt  }
0x5e: {  	_ =	shalt  }
0x5f: {  	_ =	shalt  }
0x60: {  	_ =	shalt  }
0x61: {  	_ =	shalt  }
0x62: {  	_ =	shalt  }
0x63: {  	_ =	shalt  }
0x64: {  	_ =	shalt  }
0x65: {  	_ =	shalt  }
0x66: {  	_ =	shalt  }
0x67: {  	_ =	shalt  }
0x68: {  	_ =	shalt  }
0x69: {  	_ =	shalt  }
0x6a: {  	_ =	shalt  }
0x6b: {  	_ =	shalt  }
0x6c: {  	_ =	shalt  }
0x6d: {  	_ =	shalt  }
0x6e: {  	_ =	shalt  }
0x6f: {  	_ =	shalt  }
0x70: {  	_ =	shalt  }
0x71: {  	_ =	shalt  }
0x72: {  	_ =	shalt  }
0x73: {  	_ =	shalt  }
0x74: {  	_ =	shalt  }
0x75: {  	_ =	shalt  }
0x76: {  	_ =	shalt  }
0x77: {  	_ =	shalt  }
0x78: {  	_ =	shalt  }
0x79: {  	_ =	shalt  }
0x7a: {  	_ =	shalt  }
0x7b: {  	_ =	shalt  }
0x7c: {  	_ =	shalt  }
0x7d: {  	_ =	shalt  }
0x7e: {  	_ =	shalt  }
0x7f: {  	_ =	shalt  }
0x80: {  	_ =	shalt  }
0x81: {  	_ =	shalt  }
0x82: {  	_ =	shalt  }
0x83: {  	_ =	shalt  }
0x84: {  	_ =	shalt  }
0x85: {  	_ =	shalt  }
0x86: {  	_ =	shalt  }
0x87: {  	_ =	shalt  }
.Lfunc_end0:
.L_simem_size_0:
called_computation_lowered:
.L_overlay_start_0:
0x88: {  	s2 =	sld [smem:$0x3FD9]  }
0x89: {  	s3 =	sld [smem:$0x3FFE];
	_ =	sdelay $0x1  }
0x8a: {  	s1 =	srdreg.scid  }
0x8b: {  	s0 =	sand.u32 $0x1, s1  }
0x8c: {  	s18 =	sshll.u32 s0, $0xA;
	s2 =	sadd.s32 s3, s2  }
0x8d: {  	s2 =	sadd.s32 s2, s18  }
0x8e: {  	[smem:$0x3FC5] =	sst s2  }
0x8f: {  	_ = 	snop  }
0x90: {  	s2 =	sld [smem:$0x3FC9]  }
0x91: {  	s19 =	sld [smem:$0x3FC8]  }
0x92: {  	s4 =	sld [smem:$0x3FC7]  }
0x93: {  	s5 =	sld [smem:$0x3FD0];
	(tm) =	ssettm $0x1  }
0x94: {  	s6 =	sld [smem:$0x3FFB];
	_ =	sdelay $0x3  }
0x95: {  	_ =	strace s6  }
0x96: {  	s6 =	sld [smem:$0x3FFC];
	_ =	sdelay $0x3  }
0x97: {  	_ =	strace s6  }
0x98: {  	s6 =	sld [smem:$0x3FFD];
	_ =	sdelay $0x3  }
0x99: {  	_ =	strace s6  }
0x9a: {  	_ =	strace $0x8FFFFFFF  }
0x9b: {  	s20 =	sld [smem:$0x3FDB];
	_ =	sdelay $0x1  }
0x9c: {  	s7 =	simm.s32 $_scs_section_size  }
0x9d: {  	s8 =	simm.s32 $_size__tile_overlayer_lowered;
	s9 =	simm.s32 $_tile_overlayer_lowered  }
0x9e: {  	s23 =	simm.s32 $0x1BFF;
	s22 =	sshll.u32 s9, $0x1;
	s6 =	sadd.s32 s7, s20  }
0x9f: {  	s10 =	simm.s32 $0x0;
	s21 =	sshll.u32 s8, $0x1;
	s8 =	sadd.s32 s22, s6  }
0xa0: {  	[timem:s10], [sflag:s23] =	dma.local [hbm:s8], s21  }
0xa1: {  	_ =	swait.ge [sflag:s23], s21  }
0xa2: {  	s7 =	ssub.s32 $0x0, s21;
	[sflag:s23] =	ssyncset.done $0x0  }
0xa3: {  	[sflag:s23] =	ssyncadd.s32 s7;
	_ =	sdelay $0x1  }
0xa4: {  	s24 =	simm.s32 $0x1B8B  }
0xa5: {  	_ =	swait.ge [sflag:s24], $0x1  }
0xa6: {  	[sflag:s24] =	ssyncset.done $0x0  }
0xa7: {  	s25 =	simm.s32 $0x1B8E;
	[sflag:s24] =	ssyncadd.s32 $0xFFFFFFFF  }
0xa8: {  	s26 =	simm.s32 $execute0_lowered;
	[smem:$0x3FD2] =	sst s25  }
0xa9: {  	s7 =	sshll.u32 s26, $0x1;
	_ =	strace $0x80000046;
	[dreg:$0x1] =	wrdreg $0xFFFFFFFF  }
0xaa: {  	s28 =	simm.s32 $_size_execute0_lowered;
	s6 =	sadd.s32 s6, s7;
	[dreg:$0x0] =	wrdreg $0x0  }
0xab: {  	s7 =	sshll.u32 s28, $0x1;
	[dreg:$0x2] =	wrdreg s6  }
0xac: {  	[dreg:$0x3] =	wrdreg s7  }
0xad: {  	[dreg:$0x4] =	wrdreg $0xC0  }
0xae: {  	_ =	task [dreg:s10], $0x5FFFF  }
0xaf: {  	[dreg:$0x1] =	wrdreg $0xFFFFFFFF  }
0xb0: {  	[dreg:$0x0] =	wrdreg $0x60  }
0xb1: {  	[dreg:$0x2] =	wrdreg s2  }
0xb2: {  	[dreg:$0x3] =	wrdreg s19  }
0xb3: {  	[dreg:$0x4] =	wrdreg s4  }
0xb4: {  	[dreg:$0x5] =	wrdreg s5  }
0xb5: {  	[dreg:$0x6] =	wrdreg $0x9  }
0xb6: {  	_ =	task.clear_ibuf [dreg:s10], $0x7FFFF;
	_ =	strace $0x90000046  }
0xb7: {  	s29 =	simm.s32 $0x9;
	_ =	strace $0x80000048  }
0xb8: {  	_ =	swait.ge [sflag:s29], $0x1  }
0xb9: {  	[sflag:s29] =	ssyncadd.s32 $0xFFFFFFFF  }
0xba: {  	_ =	strace $0x90000048  }
0xbb: {  	_ =	sfence  }
0xbc: {  	s30 =	sld [smem:$0x0];
	_ =	sdelay $0x2  }
0xbd: {  	s31 =	sshll.u32 s1, $0xD;
	s1 =	sshrl.u32 s1, $0x2  }
0xbe: {  	s3 =	sand.u32 $0x4000, s31;
	s1 =	sadd.s32 s1, s30  }
0xbf: {  	s0 =	sor.u32 s3, s0;
	s1 =	sshll.u32 s1, $0x11  }
0xc0: {  	s0 =	sor.u32 s1, s0  }
0xc1: {  	s0 =	sadd.s32 $0x8F2B, s0  }
0xc2: {  	[sflag:s0] =	ssyncadd.remote.s32 $0x1  }
0xc3: {  	_ =	sfence.sel $0xFFFF  }
0xc4: {  	[dreg:$0x0] =	wrdreg $0xFFFFFFFF;
	(pc) =	sbr.abs _section_cstart, $3  }
0xc5: {  	[dreg:$0x1] =	wrdreg $0xFFFFFFFF  }
0xc6: {  	_ =	task.clear_ibuf [dreg:s10], $0x2FFFF;
	_ =	strace $0x9FFFFFFF  }
0xc7: {  	(tm) =	ssettm $0x7FFFFFFF  }
tec
execute0_lowered:
.L_overlay_start_1:
0x0: {  	(tag) =	ssettag $0x1  }
0x1: {  	s0 =	rddreg [dreg:$0x0]  }
0x2: {  	s4 =	rddreg [dreg:$0x1]  }
0x3: {  	s5 =	rddreg [dreg:$0x2]  }
0x4: {  	s6 =	rddreg [dreg:$0x3];
	s1 =	srdreg.scid  }
0x5: {  	s2 =	stileid.u32;
	s7 =	simm.s32 $0x0;
	s1 =	sand.u32 $0x1, s1  }
0x6: {  	s2 =	sshll.u32 s2, $0x8;
	[smem:$0x7FF] =	sst s7;
	s21 =	sadd.s32 $0x100, s4  }
0x7: {  	s22 =	sadd.s32 $0x200, s4;
	_ =	strace $0x80000047;
	[dreg:$0x19] =	wrdreg s21  }
0x8: {  	s24 =	sadd.s32 $0x300, s4;
	s25 =	sadd.s32 $0x100000, s6;
	[dreg:$0x1a] =	wrdreg s22  }
0x9: {  	s3 =	sshll.u32 s1, $0x7;
	s1 =	ssub.s32 $0x2, s1;
	[dreg:$0x1c] =	wrdreg s24  }
0xa: {  	[dreg:$0x1e] =	wrdreg s25;
	s8 =	sor.u32 s3, s2;
	s19 =	sshrl.u32 s1, $0x1  }
0xb: {  	s3 =	sshrl.u32 s8, $0x1;
	[dreg:$0x17] =	wrdreg s8;
	s26 =	sor.u32 $0x8, s8  }
0xc: {  	s20 =	sshll.u32 s8, $0x7;
	s0 =	sadd.s32 s0, s3;
	[dreg:$0x1f] =	wrdreg s26  }
0xd: {  	s1 =	ssub.s32 s1, s19;
	s23 =	sadd.s32 s5, s20;
	[dreg:$0x18] =	wrdreg s0  }
0xe: {  	s31 =	smax.u32 s1, $0x1;
	[dreg:$0x1b] =	wrdreg s23  }
0xf: {  	s2 =	sadd.s32 $0x400, s23;
	s0 =	sadd.s32 s20, s6;
	[smem:$0x7FD] =	sst s31  }
0x10: {  	[dreg:$0x1d] =	wrdreg s2;
	s28 =	sadd.s32 $0x83C00, s0  }
0x11: {  	s8 =	simm.s32 $0x6200;
	s29 =	sadd.s32 $0x3C00, s0;
	[smem:$0x7F9] =	sst s28  }
0x12: {  	v0 =	vlaneseq.u32;
	s1 =	simm.s32 $0x200;
	s30 =	sadd.s32 $0x103C00, s0;
	[smem:$0x7FA] =	sst s29  }
0x13: {  	v1 =	vshrl.u32 v0, $0x3;
	s5 =	simm.s32 $0x2200;
	s0 =	sadd.s32 $0x183C00, s0;
	[smem:$0x7FB] =	sst s30  }
0x14: {  	vm0 =	vmmov $0xffff;
	v0 =	vand.u32 $0x7, v0;
	v1 =	vmul.u32 $0x8, v1;
	s3 =	simm.s32 $0x0;
	s6 =	simm.s32 $0x4200;
	[smem:$0x7FC] =	sst s0  }
.LBB2_1:
0x15: {  	[smem:$0x7F8] =	sst s3  }
0x16: {  	s0 =	rddreg [dreg:$0x18];
	s24 =	simm.s32 $0x7  }
0x17: {  	[tilespmem:s7], [sflag:$0x7] =	stream.linear.gather [hbm4b:s0+s7], $0x200, $0x38;
	[tilespmem:$0x1E200] =	vst v63  }
0x18: {  	_ =	swait.ge [sflag:s24], $0x200  }
0x19: {  	[sflag:s24] =	ssyncset.done $0x0  }
0x1a: {  	[sflag:s24] =	ssyncadd.s32 $0xFFFFFE00  }
0x1b: {  	v2 =	vld.msk [tilespmem:$0x0], $0xff;
	_ =	sdelay $0x4  }
0x1c: {  	v3 =	vshll.u32 v2, $0x3  }
0x1d: {  	v2 =	vand.u32 $0x7, v2;
	v3 =	vand.u32 $0xFFFFFFC0, v3  }
0x1e: {  	v2 =	vor.u32 v2, v3  }
0x1f: {  	v2 =	vperm.xlane v2, v0;
	_ =	sdelay $0x1  }
0x20: {  	v2 =	vadd.s32 v1, v2;
	_ =	sdelay $0x3  }
0x21: {  	s0 =	rddreg [dreg:$0x1]  }
0x22: {  	[tilespmem:s1], [sflag:$0x1] =	stream.indirect_vreg.gather [hbm4b:s0+s7], $0x80, v2, vm0, $0xb8;
	[tilespmem:$0x1E200] =	vst v63  }
0x23: {  	s2 =	simm.s32 $0xA00;
	s1 =	rddreg [dreg:$0x19]  }
0x24: {  	[tilespmem:s2], [sflag:$0x1] =	stream.indirect_vreg.gather [hbm4b:s1+s7], $0x80, v2, vm0, $0xb8;
	[tilespmem:$0x1E200] =	vst v63  }
0x25: {  	s25 =	simm.s32 $0x1200;
	s2 =	rddreg [dreg:$0x1a]  }
0x26: {  	[tilespmem:s25], [sflag:$0x1] =	stream.indirect_vreg.gather [hbm4b:s2+s7], $0x80, v2, vm0, $0xb8;
	[tilespmem:$0x1E200] =	vst v63  }
0x27: {  	s26 =	simm.s32 $0x1A00;
	s4 =	rddreg [dreg:$0x1c]  }
0x28: {  	[tilespmem:s26], [sflag:$0x1] =	stream.indirect_vreg.gather [hbm4b:s4+s7], $0x80, v2, vm0, $0xb8;
	[tilespmem:$0x1E200] =	vst v63  }
0x29: {  	v2 =	vld.msk [tilespmem:$0x80], $0xff;
	_ =	sdelay $0x4  }
0x2a: {  	v3 =	vshll.u32 v2, $0x3  }
0x2b: {  	v2 =	vand.u32 $0x7, v2;
	v3 =	vand.u32 $0xFFFFFFC0, v3  }
0x2c: {  	v2 =	vor.u32 v2, v3  }
0x2d: {  	v2 =	vperm.xlane v2, v0;
	_ =	sdelay $0x1  }
0x2e: {  	v2 =	vadd.s32 v1, v2;
	_ =	sdelay $0x4  }
0x2f: {  	[tilespmem:s5], [sflag:$0x1] =	stream.indirect_vreg.gather [hbm4b:s0+s7], $0x80, v2, vm0, $0xb8;
	[tilespmem:$0x1E200] =	vst v63  }
0x30: {  	s28 =	simm.s32 $0x2A00  }
0x31: {  	[tilespmem:s28], [sflag:$0x1] =	stream.indirect_vreg.gather [hbm4b:s1+s7], $0x80, v2, vm0, $0xb8;
	[tilespmem:$0x1E200] =	vst v63  }
0x32: {  	s29 =	simm.s32 $0x3200  }
0x33: {  	[tilespmem:s29], [sflag:$0x1] =	stream.indirect_vreg.gather [hbm4b:s2+s7], $0x80, v2, vm0, $0xb8;
	[tilespmem:$0x1E200] =	vst v63  }
0x34: {  	s30 =	simm.s32 $0x3A00  }
0x35: {  	[tilespmem:s30], [sflag:$0x1] =	stream.indirect_vreg.gather [hbm4b:s4+s7], $0x80, v2, vm0, $0xb8;
	[tilespmem:$0x1E200] =	vst v63  }
0x36: {  	v2 =	vld.msk [tilespmem:$0x100], $0xff;
	_ =	sdelay $0x4  }
0x37: {  	v3 =	vshll.u32 v2, $0x3  }
0x38: {  	v2 =	vand.u32 $0x7, v2;
	v3 =	vand.u32 $0xFFFFFFC0, v3  }
0x39: {  	v2 =	vor.u32 v2, v3  }
0x3a: {  	v2 =	vperm.xlane v2, v0;
	_ =	sdelay $0x1  }
0x3b: {  	v2 =	vadd.s32 v1, v2;
	_ =	sdelay $0x4  }
0x3c: {  	[tilespmem:s6], [sflag:$0x1] =	stream.indirect_vreg.gather [hbm4b:s0+s7], $0x80, v2, vm0, $0xb8;
	[tilespmem:$0x1E200] =	vst v63  }
0x3d: {  	s31 =	simm.s32 $0x4A00  }
0x3e: {  	[tilespmem:s31], [sflag:$0x1] =	stream.indirect_vreg.gather [hbm4b:s1+s7], $0x80, v2, vm0, $0xb8;
	[tilespmem:$0x1E200] =	vst v63  }
0x3f: {  	s5 =	simm.s32 $0x5200  }
0x40: {  	[tilespmem:s5], [sflag:$0x1] =	stream.indirect_vreg.gather [hbm4b:s2+s7], $0x80, v2, vm0, $0xb8;
	[tilespmem:$0x1E200] =	vst v63  }
0x41: {  	s6 =	simm.s32 $0x5A00  }
0x42: {  	[tilespmem:s6], [sflag:$0x1] =	stream.indirect_vreg.gather [hbm4b:s4+s7], $0x80, v2, vm0, $0xb8;
	[tilespmem:$0x1E200] =	vst v63  }
0x43: {  	v2 =	vld.msk [tilespmem:$0x180], $0xff;
	_ =	sdelay $0x4  }
0x44: {  	v3 =	vshll.u32 v2, $0x3  }
0x45: {  	v2 =	vand.u32 $0x7, v2;
	v3 =	vand.u32 $0xFFFFFFC0, v3  }
0x46: {  	v2 =	vor.u32 v2, v3  }
0x47: {  	v2 =	vperm.xlane v2, v0;
	_ =	sdelay $0x1  }
0x48: {  	v2 =	vadd.s32 v1, v2;
	_ =	sdelay $0x4  }
0x49: {  	[tilespmem:s8], [sflag:$0x1] =	stream.indirect_vreg.gather [hbm4b:s0+s7], $0x80, v2, vm0, $0xb8;
	[tilespmem:$0x1E200] =	vst v63  }
0x4a: {  	s8 =	simm.s32 $0x6A00  }
0x4b: {  	[tilespmem:s8], [sflag:$0x1] =	stream.indirect_vreg.gather [hbm4b:s1+s7], $0x80, v2, vm0, $0xb8;
	[tilespmem:$0x1E200] =	vst v63  }
0x4c: {  	s9 =	simm.s32 $0x7200  }
0x4d: {  	[tilespmem:s9], [sflag:$0x1] =	stream.indirect_vreg.gather [hbm4b:s2+s7], $0x80, v2, vm0, $0xb8;
	[tilespmem:$0x1E200] =	vst v63  }
0x4e: {  	s10 =	simm.s32 $0x7A00  }
0x4f: {  	[tilespmem:s10], [sflag:$0x1] =	stream.indirect_vreg.gather [hbm4b:s4+s7], $0x80, v2, vm0, $0xb8;
	[tilespmem:$0x1E200] =	vst v63  }
0x50: {  	s12 =	simm.s32 $0x18200;
	s11 =	rddreg [dreg:$0x1b]  }
0x51: {  	[tilespmem:s12], [sflag:$0x1] =	stream.linear.gather [hbm4b:s11+s7], $0x2000, $0x38;
	[tilespmem:$0x1E200] =	vst v63  }
0x52: {  	v2 =	vld.msk [tilespmem:$0x8], $0xff;
	_ =	sdelay $0x4  }
0x53: {  	v3 =	vshll.u32 v2, $0x3  }
0x54: {  	v2 =	vand.u32 $0x7, v2;
	v3 =	vand.u32 $0xFFFFFFC0, v3  }
0x55: {  	v2 =	vor.u32 v2, v3  }
0x56: {  	v2 =	vperm.xlane v2, v0;
	_ =	sdelay $0x1  }
0x57: {  	v2 =	vadd.s32 v1, v2;
	_ =	sdelay $0x3  }
0x58: {  	s13 =	simm.s32 $0x8200  }
0x59: {  	[tilespmem:s13], [sflag:$0x2] =	stream.indirect_vreg.gather [hbm4b:s0+s7], $0x80, v2, vm0, $0xb8;
	[tilespmem:$0x1E200] =	vst v63  }
0x5a: {  	s14 =	simm.s32 $0x8A00  }
0x5b: {  	[tilespmem:s14], [sflag:$0x2] =	stream.indirect_vreg.gather [hbm4b:s1+s7], $0x80, v2, vm0, $0xb8;
	[tilespmem:$0x1E200] =	vst v63  }
0x5c: {  	s15 =	simm.s32 $0x9200  }
0x5d: {  	[tilespmem:s15], [sflag:$0x2] =	stream.indirect_vreg.gather [hbm4b:s2+s7], $0x80, v2, vm0, $0xb8;
	[tilespmem:$0x1E200] =	vst v63  }
0x5e: {  	s16 =	simm.s32 $0x9A00  }
0x5f: {  	[tilespmem:s16], [sflag:$0x2] =	stream.indirect_vreg.gather [hbm4b:s4+s7], $0x80, v2, vm0, $0xb8;
	[tilespmem:$0x1E200] =	vst v63  }
0x60: {  	v2 =	vld.msk [tilespmem:$0x88], $0xff;
	_ =	sdelay $0x4  }
0x61: {  	v3 =	vshll.u32 v2, $0x3  }
0x62: {  	v2 =	vand.u32 $0x7, v2;
	v3 =	vand.u32 $0xFFFFFFC0, v3  }
0x63: {  	v2 =	vor.u32 v2, v3  }
0x64: {  	v2 =	vperm.xlane v2, v0;
	_ =	sdelay $0x1  }
0x65: {  	v2 =	vadd.s32 v1, v2;
	_ =	sdelay $0x3  }
0x66: {  	s17 =	simm.s32 $0xA200  }
0x67: {  	[tilespmem:s17], [sflag:$0x2] =	stream.indirect_vreg.gather [hbm4b:s0+s7], $0x80, v2, vm0, $0xb8;
	[tilespmem:$0x1E200] =	vst v63  }
0x68: {  	s18 =	simm.s32 $0xAA00  }
0x69: {  	[tilespmem:s18], [sflag:$0x2] =	stream.indirect_vreg.gather [hbm4b:s1+s7], $0x80, v2, vm0, $0xb8;
	[tilespmem:$0x1E200] =	vst v63  }
0x6a: {  	s19 =	simm.s32 $0xB200  }
0x6b: {  	[tilespmem:s19], [sflag:$0x2] =	stream.indirect_vreg.gather [hbm4b:s2+s7], $0x80, v2, vm0, $0xb8;
	[tilespmem:$0x1E200] =	vst v63  }
0x6c: {  	s20 =	simm.s32 $0xBA00  }
0x6d: {  	[tilespmem:s20], [sflag:$0x2] =	stream.indirect_vreg.gather [hbm4b:s4+s7], $0x80, v2, vm0, $0xb8;
	[tilespmem:$0x1E200] =	vst v63  }
0x6e: {  	v2 =	vld.msk [tilespmem:$0x108], $0xff;
	_ =	sdelay $0x4  }
0x6f: {  	v3 =	vshll.u32 v2, $0x3  }
0x70: {  	v2 =	vand.u32 $0x7, v2;
	v3 =	vand.u32 $0xFFFFFFC0, v3  }
0x71: {  	v2 =	vor.u32 v2, v3  }
0x72: {  	v2 =	vperm.xlane v2, v0;
	_ =	sdelay $0x1  }
0x73: {  	v2 =	vadd.s32 v1, v2;
	_ =	sdelay $0x3  }
0x74: {  	s21 =	simm.s32 $0xC200  }
0x75: {  	[tilespmem:s21], [sflag:$0x2] =	stream.indirect_vreg.gather [hbm4b:s0+s7], $0x80, v2, vm0, $0xb8;
	[tilespmem:$0x1E200] =	vst v63  }
0x76: {  	s22 =	simm.s32 $0xCA00  }
0x77: {  	[tilespmem:s22], [sflag:$0x2] =	stream.indirect_vreg.gather [hbm4b:s1+s7], $0x80, v2, vm0, $0xb8;
	[tilespmem:$0x1E200] =	vst v63  }
0x78: {  	s23 =	simm.s32 $0xD200  }
0x79: {  	[tilespmem:s23], [sflag:$0x2] =	stream.indirect_vreg.gather [hbm4b:s2+s7], $0x80, v2, vm0, $0xb8;
	[tilespmem:$0x1E200] =	vst v63  }
0x7a: {  	s24 =	simm.s32 $0xDA00  }
0x7b: {  	[tilespmem:s24], [sflag:$0x2] =	stream.indirect_vreg.gather [hbm4b:s4+s7], $0x80, v2, vm0, $0xb8;
	[tilespmem:$0x1E200] =	vst v63  }
0x7c: {  	v2 =	vld.msk [tilespmem:$0x188], $0xff;
	_ =	sdelay $0x4  }
0x7d: {  	v3 =	vshll.u32 v2, $0x3  }
0x7e: {  	v2 =	vand.u32 $0x7, v2;
	v3 =	vand.u32 $0xFFFFFFC0, v3  }
0x7f: {  	v2 =	vor.u32 v2, v3  }
0x80: {  	v2 =	vperm.xlane v2, v0;
	_ =	sdelay $0x1  }
0x81: {  	v2 =	vadd.s32 v1, v2;
	_ =	sdelay $0x3  }
0x82: {  	s25 =	simm.s32 $0xE200  }
0x83: {  	[tilespmem:s25], [sflag:$0x2] =	stream.indirect_vreg.gather [hbm4b:s0+s7], $0x80, v2, vm0, $0xb8;
	[tilespmem:$0x1E200] =	vst v63  }
0x84: {  	s26 =	simm.s32 $0xEA00  }
0x85: {  	[tilespmem:s26], [sflag:$0x2] =	stream.indirect_vreg.gather [hbm4b:s1+s7], $0x80, v2, vm0, $0xb8;
	[tilespmem:$0x1E200] =	vst v63  }
0x86: {  	s28 =	simm.s32 $0xF200  }
0x87: {  	[tilespmem:s28], [sflag:$0x2] =	stream.indirect_vreg.gather [hbm4b:s2+s7], $0x80, v2, vm0, $0xb8;
	[tilespmem:$0x1E200] =	vst v63  }
.Ltmp0:
0x88: {  	_ = 	snop;
	(pc) =	sbr.rel .LBB2_2-.Ltmp0, $4  }
0x89: {  	s29 =	simm.s32 $0xFA00  }
0x8a: {  	[tilespmem:s29], [sflag:$0x2] =	stream.indirect_vreg.gather [hbm4b:s4+s7], $0x80, v2, vm0, $0xb8;
	[tilespmem:$0x1E200] =	vst v63  }
0x8b: {  	s30 =	rddreg [dreg:$0x1d];
	s31 =	simm.s32 $0x1A200;
	s8 =	simm.s32 $0x0  }
0x8c: {  	[tilespmem:s31], [sflag:$0x2] =	stream.linear.gather [hbm4b:s30+s7], $0x2000, $0x38;
	[tilespmem:$0x1E200] =	vst v63  }
.LBB2_10:
0x8d: {  	s0 =	sld [smem:$0x7F3]  }
0x8e: {  	s5 =	sld [smem:$0x7F5];
	_ =	sdelay $0x1  }
0x8f: {  	s2 =	rddreg [dreg:$0x3]  }
0x90: {  	s4 =	simm.s32 $0x10200;
	s0 =	sshll.u32 s0, $0xA;
	s1 =	sadd.s32 s2, s5  }
0x91: {  	[hbm4b:s1+s3] =	stream.linear.scatter [tilespmem:s4], [sflag:$0x6], $0x2000, $0x38;
	[tilespmem:$0x1E200] =	vst v63  }
0x92: {  	s0 =	sshrl.u32 s0, $0x3  }
0x93: {  	s8 =	sadd.s32 $0x1, s8;
	s0 =	sadd.s32 s2, s0  }
0x94: {  	s28 =	simm.s32 $0x12200;
	p0 =	sne.s32 s8, $0x5;
	s26 =	sadd.s32 $0x80000, s0  }
0x95: {  	[hbm4b:s26+s3] =	stream.linear.scatter [tilespmem:s28], [sflag:$0x6], $0x2000, $0x38;
	[tilespmem:$0x1E200] =	vst v63  }
.Ltmp1:
0x96: {  	s29 =	rddreg [dreg:$0x1e];
	(pc) =	sbr.rel @!p0 .LBB2_11-.Ltmp1, $4  }
0x97: {  	s30 =	simm.s32 $0x14200;
	s1 =	sadd.s32 s5, s29  }
0x98: {  	[hbm4b:s1+s3] =	stream.linear.scatter [tilespmem:s30], [sflag:$0x6], $0x2000, $0x38;
	[tilespmem:$0x1E200] =	vst v63  }
0x99: {  	s31 =	simm.s32 $0x16200;
	s0 =	sadd.s32 $0x180000, s0  }
0x9a: {  	[hbm4b:s0+s3] =	stream.linear.scatter [tilespmem:s31], [sflag:$0x6], $0x2000, $0x38;
	[tilespmem:$0x1E200] =	vst v63  }
.LBB2_2:
0x9b: {  	[smem:$0x7F7] =	sst s8;
	s3 =	simm.s32 $0x1  }
0x9c: {  	_ =	swait.ge [sflag:s3], $0x2000  }
0x9d: {  	[sflag:s3] =	ssyncset.done $0x0  }
0x9e: {  	[sflag:s3] =	ssyncadd.s32 $0xFFFFE000  }
0x9f: {  	_ =	swait.ge [sflag:s3], $0x2000  }
0xa0: {  	[sflag:s3] =	ssyncset.done $0x0  }
0xa1: {  	[sflag:s3] =	ssyncadd.s32 $0xFFFFE000  }
0xa2: {  	_ =	swait.ge [sflag:s3], $0x2000  }
0xa3: {  	[sflag:s3] =	ssyncset.done $0x0  }
0xa4: {  	[sflag:s3] =	ssyncadd.s32 $0xFFFFE000  }
0xa5: {  	s0 =	simm.s32 $0x0;
	s1 =	simm.s32 $0x0;
	_ =	swait.ge [sflag:s3], $0x2000  }
0xa6: {  	s2 =	simm.s32 $0x0;
	s0 =	sand.u32 $0xFFFFE000, s0;
	[sflag:s3] =	ssyncset.done $0x0  }
0xa7: {  	s6 =	sand.u32 $0x40, s1;
	s0 =	ssub.s32 $0x0, s0;
	[sflag:s3] =	ssyncadd.s32 $0xFFFFE000  }
0xa8: {  	s22 =	sand.u32 $0xFFFFFF80, s2;
	s0 =	sand.u32 $0xFFFFFC00, s0;
	_ =	swait.ge [sflag:s3], $0x2000  }
0xa9: {  	s7 =	sor.u32 $0x30, s6;
	s1 =	sadd.s32 s22, s0;
	[sflag:s3] =	ssyncset.done $0x0  }
0xaa: {  	s5 =	sor.u32 s7, s1;
	[sflag:s3] =	ssyncadd.s32 $0xFFFFE000  }
0xab: {  	v2 =	vld [tilespmem:s5+$0x200];
	_ =	sdelay $0x1  }
0xac: {  	s9 =	sor.u32 s6, s1;
	v8 =	vld [tilespmem:s5+$0x18200]  }
0xad: {  	v4 =	vld [tilespmem:s9+$0x200]  }
0xae: {  	s4 =	sor.u32 $0x10, s6  }
0xaf: {  	s11 =	sor.u32 s4, s1;
	v12 =	vld [tilespmem:s9+$0x18200];
	v2 =	vmul.f32 $3.200000000e+01, v2  }
0xb0: {  	s23 =	sand.u32 $0x3FFFFF80, s2;
	s3 =	sor.u32 $0x20, s6;
	v5 =	vld [tilespmem:s11+$0x200]  }
0xb1: {  	s24 =	sadd.s32 s23, s0;
	s12 =	sor.u32 s3, s1;
	v3 =	vld [tilespmem:s11+$0x18200];
	v7 =	vadd.f32 v2, v8  }
0xb2: {  	s0 =	sadd.s32 $0x2200, s24;
	v6 =	vld [tilespmem:s12+$0x200];
	v4 =	vmul.f32 $3.200000000e+01, v4  }
0xb3: {  	s25 =	sor.u32 s7, s0;
	v2 =	vld [tilespmem:s12+$0x18200];
	[tilespmem:s5+$0x200] =	vst v7  }
0xb4: {  	v4 =	vadd.f32 v4, v12;
	v7 =	vld [tilespmem:s25+$0x0]  }
0xb5: {  	s26 =	simm.s32 $0x200;
	v5 =	vmul.f32 $3.200000000e+01, v5  }
0xb6: {  	s13 =	sor.u32 s6, s0;
	s1 =	sand.u32 $0xFFFFE000, s26;
	[tilespmem:s9+$0x200] =	vst v4  }
0xb7: {  	s30 =	simm.s32 $0x8;
	s20 =	simm.s32 $0x40;
	s29 =	ssub.s32 $0x200, s1;
	v6 =	vmul.f32 $3.200000000e+01, v6;
	v5 =	vadd.f32 v5, v3;
	v9 =	vld [tilespmem:s13+$0x0]  }
0xb8: {  	s22 =	sand.u32 $0xFFFFFF80, s30;
	s1 =	sand.u32 $0x40, s20;
	s21 =	sand.u32 $0xFFFFFC00, s29  }
0xb9: {  	s10 =	sor.u32 s4, s0;
	s23 =	sadd.s32 s22, s21;
	[tilespmem:s11+$0x200] =	vst v5;
	s5 =	sor.u32 $0x30, s1;
	v4 =	vadd.f32 v6, v2;
	v6 =	vmul.f32 $3.200000000e+01, v7  }
0xba: {  	v10 =	vld [tilespmem:s10+$0x0];
	s15 =	sor.u32 s5, s23  }
0xbb: {  	s18 =	sor.u32 s1, s23;
	[tilespmem:s12+$0x200] =	vst v4;
	v7 =	vld [tilespmem:s15+$0x18200];
	v4 =	vadd.f32 v6, v8  }
0xbc: {  	s16 =	sadd.s32 $0x4200, s24;
	v5 =	vmul.f32 $3.200000000e+01, v9;
	v9 =	vld [tilespmem:s18+$0x200]  }
0xbd: {  	s17 =	sor.u32 s7, s16;
	[tilespmem:s25+$0x0] =	vst v4;
	v4 =	vld [tilespmem:s15+$0x200]  }
0xbe: {  	s14 =	sor.u32 s3, s0;
	s0 =	sor.u32 $0x10, s1;
	v11 =	vld [tilespmem:s17+$0x0]  }
0xbf: {  	s19 =	sor.u32 s0, s23;
	v6 =	vld [tilespmem:s14+$0x0]  }
0xc0: {  	s2 =	sor.u32 $0x20, s1;
	v13 =	vld [tilespmem:s19+$0x200]  }
0xc1: {  	s12 =	sor.u32 s2, s23;
	v10 =	vmul.f32 $3.200000000e+01, v10;
	v14 =	vadd.f32 v5, v12;
	v5 =	vld [tilespmem:s18+$0x18200]  }
0xc2: {  	v15 =	vld [tilespmem:s12+$0x200];
	v16 =	vmul.f32 $3.200000000e+01, v4  }
0xc3: {  	s9 =	sand.u32 $0x3FFFFF80, s30;
	v10 =	vadd.f32 v10, v3;
	v4 =	vld [tilespmem:s19+$0x18200];
	v11 =	vmul.f32 $3.200000000e+01, v11  }
0xc4: {  	s20 =	sor.u32 s6, s16;
	s9 =	sadd.s32 s9, s21;
	[tilespmem:s13+$0x0] =	vst v14;
	v9 =	vmul.f32 $3.200000000e+01, v9;
	v17 =	vmul.f32 $3.200000000e+01, v6;
	v6 =	vld [tilespmem:s12+$0x18200];
	v14 =	vadd.f32 v16, v7  }
0xc5: {  	s11 =	sadd.s32 $0x2200, s9;
	[tilespmem:s10+$0x0] =	vst v10;
	v16 =	vld [tilespmem:s20+$0x0];
	v11 =	vadd.f32 v11, v8  }
0xc6: {  	s8 =	sadd.s32 $0x6200, s24;
	v13 =	vmul.f32 $3.200000000e+01, v13;
	s21 =	sor.u32 s5, s11;
	v9 =	vadd.f32 v9, v5;
	[tilespmem:s15+$0x200] =	vst v14  }
0xc7: {  	v17 =	vadd.f32 v17, v2;
	v14 =	vld [tilespmem:s21+$0x0];
	[tilespmem:s17+$0x0] =	vst v11;
	s17 =	sor.u32 s7, s8  }
0xc8: {  	s24 =	simm.s32 $0x400;
	s22 =	sor.u32 s4, s16;
	s23 =	sor.u32 s3, s16;
	v10 =	vmul.f32 $3.200000000e+01, v15;
	[tilespmem:s18+$0x200] =	vst v9;
	v13 =	vadd.f32 v13, v4;
	v11 =	vld [tilespmem:s17+$0x0]  }
0xc9: {  	s13 =	sor.u32 s0, s11;
	v15 =	vld [tilespmem:s22+$0x0];
	s18 =	simm.s32 $0x10;
	[tilespmem:s14+$0x0] =	vst v17;
	s7 =	sand.u32 $0xFFFFE000, s24  }
0xca: {  	v9 =	vadd.f32 v10, v6;
	v10 =	vld [tilespmem:s23+$0x0];
	s15 =	sor.u32 s1, s11;
	s7 =	ssub.s32 $0x400, s7;
	v16 =	vmul.f32 $3.200000000e+01, v16;
	[tilespmem:s19+$0x200] =	vst v13;
	s19 =	simm.s32 $0x80  }
0xcb: {  	s25 =	sand.u32 $0xFFFFFF80, s18;
	v17 =	vld [tilespmem:s15+$0x0];
	s24 =	sand.u32 $0xFFFFFC00, s7;
	s31 =	sand.u32 $0x40, s19  }
0xcc: {  	s11 =	sor.u32 s2, s11;
	[tilespmem:s12+$0x200] =	vst v9;
	s26 =	sadd.s32 s25, s24;
	s16 =	sor.u32 $0x30, s31;
	v13 =	vmul.f32 $3.200000000e+01, v14;
	v14 =	vadd.f32 v16, v12;
	v16 =	vld [tilespmem:s13+$0x0]  }
0xcd: {  	v18 =	vld [tilespmem:s11+$0x0];
	s25 =	sor.u32 s16, s26;
	v11 =	vmul.f32 $3.200000000e+01, v11  }
0xce: {  	s12 =	sor.u32 s6, s8;
	v9 =	vadd.f32 v13, v7;
	[tilespmem:s20+$0x0] =	vst v14;
	v14 =	vld [tilespmem:s25+$0x200]  }
0xcf: {  	s29 =	sadd.s32 $0x4200, s9;
	v15 =	vmul.f32 $3.200000000e+01, v15;
	v13 =	vld [tilespmem:s12+$0x0];
	v8 =	vadd.f32 v11, v8  }
0xd0: {  	v10 =	vmul.f32 $3.200000000e+01, v10;
	[tilespmem:s21+$0x0] =	vst v9;
	s21 =	sor.u32 s5, s29;
	v9 =	vld [tilespmem:s25+$0x18200]  }
0xd1: {  	v15 =	vadd.f32 v15, v3;
	s10 =	sor.u32 $0x10, s31;
	v19 =	vld [tilespmem:s21+$0x0];
	[tilespmem:s17+$0x0] =	vst v8;
	v8 =	vmul.f32 $3.200000000e+01, v16  }
0xd2: {  	s7 =	sor.u32 s10, s26;
	v10 =	vadd.f32 v10, v2;
	v18 =	vmul.f32 $3.200000000e+01, v18  }
0xd3: {  	[tilespmem:s22+$0x0] =	vst v15;
	s30 =	sor.u32 s31, s26;
	s14 =	sor.u32 $0x20, s31;
	v20 =	vld [tilespmem:s7+$0x200];
	v14 =	vmul.f32 $3.200000000e+01, v14;
	v16 =	vadd.f32 v8, v4  }
0xd4: {  	s6 =	sor.u32 s14, s26;
	[tilespmem:s23+$0x0] =	vst v10;
	v11 =	vmul.f32 $3.200000000e+01, v17;
	v17 =	vld [tilespmem:s30+$0x200];
	v18 =	vadd.f32 v18, v6  }
0xd5: {  	v15 =	vld [tilespmem:s6+$0x200];
	v14 =	vadd.f32 v14, v9;
	[tilespmem:s13+$0x0] =	vst v16;
	v16 =	vmul.f32 $3.200000000e+01, v13  }
0xd6: {  	s23 =	sand.u32 $0x3FFFFF80, s18;
	v11 =	vadd.f32 v11, v5;
	[tilespmem:s11+$0x0] =	vst v18;
	v8 =	vld [tilespmem:s30+$0x18200];
	v19 =	vmul.f32 $3.200000000e+01, v19  }
0xd7: {  	s9 =	sadd.s32 $0x6200, s9;
	s28 =	sor.u32 s1, s29;
	v10 =	vld [tilespmem:s7+$0x18200];
	s26 =	sadd.s32 s23, s24;
	[tilespmem:s25+$0x200] =	vst v14;
	v14 =	vadd.f32 v16, v12  }
0xd8: {  	s18 =	sor.u32 s4, s8;
	s20 =	sor.u32 s3, s8;
	s24 =	sadd.s32 $0x2200, s26;
	[tilespmem:s15+$0x0] =	vst v11;
	v11 =	vld [tilespmem:s6+$0x18200];
	v19 =	vadd.f32 v19, v7  }
0xd9: {  	s3 =	simm.s32 $0x8;
	s4 =	simm.s32 $0x400;
	s8 =	sor.u32 s16, s24;
	v17 =	vmul.f32 $3.200000000e+01, v17;
	v13 =	vld [tilespmem:s28+$0x0];
	[tilespmem:s12+$0x0] =	vst v14  }
0xda: {  	s13 =	sor.u32 s5, s9;
	s25 =	sor.u32 s0, s29;
	s0 =	sor.u32 s0, s9;
	v16 =	vld [tilespmem:s8+$0x0];
	[tilespmem:s21+$0x0] =	vst v19  }
0xdb: {  	s23 =	sor.u32 s2, s29;
	s17 =	sor.u32 s1, s9;
	v18 =	vmul.f32 $3.200000000e+01, v20;
	v15 =	vmul.f32 $3.200000000e+01, v15;
	v19 =	vadd.f32 v17, v8;
	v12 =	vld [tilespmem:s13+$0x0];
	[dreg:$0x5] =	wrdreg s0  }
0xdc: {  	s1 =	sor.u32 s14, s24;
	s5 =	sor.u32 s31, s24;
	s21 =	smov.u32 s16;
	v14 =	vld [tilespmem:s25+$0x0]  }
0xdd: {  	s16 =	sor.u32 s2, s9;
	s2 =	sor.u32 s10, s24;
	v17 =	vadd.f32 v18, v10;
	v18 =	vadd.f32 v15, v11;
	s0 =	simm.s32 $0xC;
	[tilespmem:s30+$0x200] =	vst v19;
	v15 =	vld [tilespmem:s23+$0x0]  }
.LBB2_3:
0xde: {  	[dreg:$0x7] =	wrdreg s16;
	s9 =	sshll.u32 s0, $0x7  }
0xdf: {  	v19 =	vld [tilespmem:s5+$0x0];
	s3 =	sadd.s32 $0x4, s3;
	s4 =	sadd.s32 $0x200, s4;
	s16 =	smov.u32 s14;
	[tilespmem:s7+$0x200] =	vst v17;
	v13 =	vmul.f32 $3.200000000e+01, v13  }
0xe0: {  	s14 =	smov.u32 s10;
	s10 =	smov.u32 s31;
	s9 =	sand.u32 $0xFFFFE000, s9;
	[tilespmem:s6+$0x200] =	vst v18;
	v17 =	vld [tilespmem:s2+$0x0];
	v16 =	vmul.f32 $3.200000000e+01, v16  }
0xe1: {  	s19 =	sadd.s32 $0x40, s19;
	s31 =	sshll.u32 s3, $0x1;
	s11 =	ssub.s32 s4, s9;
	v18 =	vld [tilespmem:s1+$0x0];
	v12 =	vmul.f32 $3.200000000e+01, v12;
	v13 =	vadd.f32 v13, v5  }
0xe2: {  	s9 =	sand.u32 $0x40, s19;
	s12 =	sand.u32 $0xFFFFFF80, s31;
	v20 =	vld [tilespmem:s18+$0x0];
	s30 =	sand.u32 $0xFFFFFC00, s11;
	v16 =	vadd.f32 v16, v9;
	v14 =	vmul.f32 $3.200000000e+01, v14  }
0xe3: {  	s22 =	sor.u32 $0x30, s9;
	s6 =	sadd.s32 s12, s30;
	v12 =	vadd.f32 v12, v7;
	[tilespmem:s28+$0x0] =	vst v13;
	v13 =	vmul.f32 $3.200000000e+01, v15;
	v15 =	vld [tilespmem:s20+$0x0]  }
0xe4: {  	s24 =	sadd.s32 $0x4200, s26;
	s15 =	sor.u32 s22, s6;
	v7 =	vmov v9;
	v9 =	vmul.f32 $3.200000000e+01, v19;
	[tilespmem:s8+$0x0] =	vst v16;
	v14 =	vadd.f32 v14, v4;
	v16 =	vld [tilespmem:s17+$0x0]  }
0xe5: {  	s8 =	smov.u32 s17;
	v19 =	vld [tilespmem:s15+$0x200];
	v17 =	vmul.f32 $3.200000000e+01, v17;
	[tilespmem:s13+$0x0] =	vst v12;
	s17 =	smov.u32 s21;
	s21 =	sor.u32 s21, s24;
	v13 =	vadd.f32 v13, v6  }
0xe6: {  	v18 =	vmul.f32 $3.200000000e+01, v18;
	v12 =	vadd.f32 v9, v8;
	[tilespmem:s25+$0x0] =	vst v14;
	v21 =	vld [tilespmem:s21+$0x0]  }
0xe7: {  	s11 =	sor.u32 $0x10, s9;
	s12 =	sor.u32 s9, s6;
	v9 =	vld [tilespmem:s15+$0x18200];
	v14 =	vadd.f32 v17, v10;
	[tilespmem:s23+$0x0] =	vst v13;
	v13 =	vmul.f32 $3.200000000e+01, v20  }
0xe8: {  	s29 =	sor.u32 $0x20, s9;
	s7 =	sor.u32 s11, s6;
	v17 =	vld [tilespmem:s12+$0x200];
	[tilespmem:s5+$0x0] =	vst v12;
	v12 =	vadd.f32 v18, v11;
	v15 =	vmul.f32 $3.200000000e+01, v15  }
0xe9: {  	s26 =	sadd.s32 $0x6200, s26;
	s6 =	sor.u32 s29, s6;
	v18 =	vld [tilespmem:s7+$0x200];
	[tilespmem:s2+$0x0] =	vst v14;
	v14 =	vmul.f32 $3.200000000e+01, v16;
	v13 =	vadd.f32 v13, v3  }
0xea: {  	s0 =	sadd.s32 $0x4, s0;
	s28 =	sor.u32 s10, s24;
	s25 =	sor.u32 s14, s24;
	v19 =	vmul.f32 $3.200000000e+01, v19;
	v16 =	vld [tilespmem:s6+$0x200];
	[tilespmem:s1+$0x0] =	vst v12;
	v12 =	vadd.f32 v15, v2  }
0xeb: {  	s13 =	sand.u32 $0x3FFFFF80, s31;
	s23 =	sor.u32 s16, s24;
	s24 =	rddreg [dreg:$0x5];
	v15 =	vmul.f32 $3.200000000e+01, v21;
	v14 =	vadd.f32 v14, v5;
	[tilespmem:s18+$0x0] =	vst v13;
	v5 =	vmov v8;
	v8 =	vld [tilespmem:s12+$0x18200]  }
0xec: {  	s5 =	rddreg [dreg:$0x7];
	v3 =	vmov v4;
	v4 =	vmov v10;
	s18 =	smov.u32 s24;
	s24 =	sadd.s32 s13, s30;
	v13 =	vadd.f32 v19, v9;
	v10 =	vld [tilespmem:s7+$0x18200];
	[tilespmem:s20+$0x0] =	vst v12  }
0xed: {  	p0 =	slt.u32 s3, $0x1FC;
	v2 =	vmov v6;
	v6 =	vmov v11;
	s20 =	smov.u32 s5;
	s13 =	sadd.s32 $0x2200, s24;
	v15 =	vadd.f32 v15, v7;
	v11 =	vld [tilespmem:s6+$0x18200];
	[tilespmem:s8+$0x0] =	vst v14  }
.Ltmp2:
0xee: {  	v12 =	vmul.f32 $3.200000000e+01, v17;
	s5 =	sor.u32 s9, s13;
	[tilespmem:s15+$0x200] =	vst v13;
	s8 =	sor.u32 s22, s13;
	v13 =	vld [tilespmem:s28+$0x0];
	(pc) =	sbr.rel @p0 .LBB2_3-.Ltmp2, $4  }
0xef: {  	v14 =	vmul.f32 $3.200000000e+01, v18;
	s2 =	sor.u32 s11, s13;
	s1 =	sor.u32 s29, s13;
	s13 =	sor.u32 s17, s26;
	v18 =	vmul.f32 $3.200000000e+01, v16;
	v16 =	vld [tilespmem:s8+$0x0];
	[tilespmem:s21+$0x0] =	vst v15  }
0xf0: {  	s31 =	smov.u32 s9;
	s16 =	sor.u32 s16, s26;
	s30 =	sor.u32 s14, s26;
	v15 =	vadd.f32 v12, v8;
	v12 =	vld [tilespmem:s13+$0x0]  }
0xf1: {  	s14 =	smov.u32 s29;
	[dreg:$0x5] =	wrdreg s30;
	s17 =	sor.u32 s10, s26;
	v17 =	vadd.f32 v14, v10;
	v14 =	vld [tilespmem:s25+$0x0]  }
0xf2: {  	s10 =	smov.u32 s11;
	s26 =	smov.u32 s24;
	s21 =	smov.u32 s22;
	[tilespmem:s12+$0x200] =	vst v15;
	v18 =	vadd.f32 v18, v11;
	v15 =	vld [tilespmem:s23+$0x0]  }
0xf3: {  	v19 =	vld [tilespmem:s5+$0x0];
	[tilespmem:s7+$0x200] =	vst v17  }
0xf4: {  	v17 =	vld [tilespmem:s2+$0x0];
	[tilespmem:s6+$0x200] =	vst v18  }
0xf5: {  	v16 =	vmul.f32 $3.200000000e+01, v16;
	v18 =	vld [tilespmem:s1+$0x0];
	_ =	sdelay $0x1  }
0xf6: {  	v16 =	vadd.f32 v16, v9  }
0xf7: {  	s0 =	sadd.s32 $0x4200, s26;
	v19 =	vmul.f32 $3.200000000e+01, v19  }
0xf8: {  	s3 =	sor.u32 s21, s0;
	[tilespmem:s8+$0x0] =	vst v16;
	v16 =	vmul.f32 $3.200000000e+01, v17  }
0xf9: {  	v17 =	vadd.f32 v19, v8;
	v18 =	vmul.f32 $3.200000000e+01, v18;
	v19 =	vld [tilespmem:s3+$0x0]  }
0xfa: {  	v16 =	vadd.f32 v16, v10  }
0xfb: {  	v13 =	vmul.f32 $3.200000000e+01, v13;
	s4 =	sor.u32 s31, s0;
	[tilespmem:s5+$0x0] =	vst v17;
	v17 =	vadd.f32 v18, v11  }
0xfc: {  	s19 =	sor.u32 s10, s0;
	v14 =	vmul.f32 $3.200000000e+01, v14;
	[tilespmem:s2+$0x0] =	vst v16;
	v16 =	vld [tilespmem:s4+$0x0]  }
0xfd: {  	v13 =	vadd.f32 v13, v5;
	v15 =	vmul.f32 $3.200000000e+01, v15;
	[tilespmem:s1+$0x0] =	vst v17;
	v17 =	vld [tilespmem:s19+$0x0]  }
0xfe: {  	v14 =	vadd.f32 v14, v4;
	v18 =	vmul.f32 $3.200000000e+01, v19  }
0xff: {  	v20 =	vld [tilespmem:s18+$0x0];
	[tilespmem:s28+$0x0] =	vst v13;
	v15 =	vadd.f32 v15, v6  }
0x100: {  	s0 =	sor.u32 s14, s0;
	v13 =	vld [tilespmem:s20+$0x0];
	[tilespmem:s25+$0x0] =	vst v14;
	v18 =	vadd.f32 v18, v9  }
0x101: {  	s22 =	sadd.s32 $0x6200, s26;
	[tilespmem:s23+$0x0] =	vst v15;
	v19 =	vld [tilespmem:s0+$0x0];
	v16 =	vmul.f32 $3.200000000e+01, v16  }
0x102: {  	s24 =	sor.u32 s21, s22;
	[tilespmem:s3+$0x0] =	vst v18;
	v18 =	vld [tilespmem:s17+$0x0];
	v17 =	vmul.f32 $3.200000000e+01, v17  }
0x103: {  	v12 =	vmul.f32 $3.200000000e+01, v12;
	v14 =	vld [tilespmem:s24+$0x0];
	v16 =	vadd.f32 v16, v8;
	s6 =	rddreg [dreg:$0x5]  }
0x104: {  	v20 =	vmul.f32 $3.200000000e+01, v20;
	v15 =	vld [tilespmem:s6+$0x0];
	v17 =	vadd.f32 v17, v10  }
0x105: {  	v7 =	vadd.f32 v12, v7;
	s25 =	sor.u32 s31, s22;
	v12 =	vmul.f32 $3.200000000e+01, v13;
	[tilespmem:s4+$0x0] =	vst v16;
	v16 =	vld [tilespmem:s16+$0x0]  }
0x106: {  	s26 =	sor.u32 s10, s22;
	v3 =	vadd.f32 v20, v3;
	v19 =	vmul.f32 $3.200000000e+01, v19;
	v13 =	vld [tilespmem:s25+$0x0];
	[tilespmem:s19+$0x0] =	vst v17  }
0x107: {  	v2 =	vadd.f32 v12, v2;
	[tilespmem:s13+$0x0] =	vst v7;
	v17 =	vmul.f32 $3.200000000e+01, v18;
	v18 =	vld [tilespmem:s26+$0x0]  }
0x108: {  	[tilespmem:s18+$0x0] =	vst v3;
	v19 =	vadd.f32 v19, v11;
	v7 =	vmul.f32 $3.200000000e+01, v14  }
0x109: {  	[tilespmem:s20+$0x0] =	vst v2;
	v5 =	vadd.f32 v17, v5;
	v3 =	vmul.f32 $3.200000000e+01, v15  }
0x10a: {  	[tilespmem:s0+$0x0] =	vst v19;
	v2 =	vadd.f32 v7, v9;
	v7 =	vmul.f32 $3.200000000e+01, v16  }
0x10b: {  	s1 =	sor.u32 s14, s22;
	[tilespmem:s17+$0x0] =	vst v5;
	v5 =	vmul.f32 $3.200000000e+01, v13;
	v3 =	vadd.f32 v3, v4  }
0x10c: {  	v12 =	vld [tilespmem:s1+$0x0];
	[tilespmem:s24+$0x0] =	vst v2;
	v2 =	vadd.f32 v7, v6;
	v4 =	vmul.f32 $3.200000000e+01, v18  }
0x10d: {  	v5 =	vadd.f32 v5, v8;
	[tilespmem:s6+$0x0] =	vst v3  }
0x10e: {  	[tilespmem:s16+$0x0] =	vst v2;
	v2 =	vadd.f32 v4, v10  }
0x10f: {  	[tilespmem:s25+$0x0] =	vst v5  }
0x110: {  	[tilespmem:s26+$0x0] =	vst v2  }
0x111: {  	v3 =	vmul.f32 $3.200000000e+01, v12;
	s2 =	sld [smem:$0x7F7];
	_ =	sdelay $0x1  }
0x112: {  	v3 =	vadd.f32 v3, v11  }
0x113: {  	p0 =	seq.s32 s2, $0x0  }
0x114: {  	[tilespmem:s1+$0x0] =	vst v3;
	s0 =	simm.s32 @!p0 $0x6  }
0x115: {  	_ =	swait.ge @!p0 [sflag:s0], $0x2000  }
0x116: {  	[sflag:s0] =	ssyncset.done @!p0 $0x0  }
0x117: {  	[sflag:s0] =	ssyncadd.s32 @!p0 $0xFFFFE000  }
0x118: {  	_ =	swait.ge @!p0 [sflag:s0], $0x2000  }
0x119: {  	[sflag:s0] =	ssyncset.done @!p0 $0x0  }
0x11a: {  	[sflag:s0] =	ssyncadd.s32 @!p0 $0xFFFFE000  }
0x11b: {  	_ =	swait.ge @!p0 [sflag:s0], $0x2000  }
0x11c: {  	[sflag:s0] =	ssyncset.done @!p0 $0x0  }
0x11d: {  	[sflag:s0] =	ssyncadd.s32 @!p0 $0xFFFFE000  }
0x11e: {  	_ =	swait.ge @!p0 [sflag:s0], $0x2000  }
0x11f: {  	s8 =	smul.u32 $0x18, s2;
	[sflag:s0] =	ssyncset.done @!p0 $0x0  }
0x120: {  	[sflag:s0] =	ssyncadd.s32 @!p0 $0xFFFFE000  }
0x121: {  	v2 =	vld.msk [tilespmem:s8+$0x10], $0xff;
	_ =	sdelay $0x4  }
0x122: {  	v3 =	vshll.u32 v2, $0x3  }
0x123: {  	v2 =	vand.u32 $0x7, v2;
	v3 =	vand.u32 $0xFFFFFFC0, v3  }
0x124: {  	v2 =	vor.u32 v2, v3  }
0x125: {  	v2 =	vperm.xlane v2, v0;
	_ =	sdelay $0x1  }
0x126: {  	v2 =	vadd.s32 v1, v2;
	_ =	sdelay $0x3  }
0x127: {  	s16 =	simm.s32 $0x10200;
	s0 =	simm.s32 $0x0;
	s6 =	rddreg [dreg:$0x1]  }
0x128: {  	[tilespmem:s16], [sflag:$0x3] =	stream.indirect_vreg.gather [hbm4b:s6+s0], $0x80, v2, vm0, $0xb8;
	[tilespmem:$0x1E200] =	vst v63  }
0x129: {  	s18 =	simm.s32 $0x10A00;
	s19 =	sadd.s32 $0x10, s8;
	s17 =	rddreg [dreg:$0x19]  }
0x12a: {  	[tilespmem:s18], [sflag:$0x3] =	stream.indirect_vreg.gather [hbm4b:s17+s0], $0x80, v2, vm0, $0xb8;
	[tilespmem:$0x1E200] =	vst v63  }
0x12b: {  	s21 =	simm.s32 $0x11200;
	s22 =	sand.u32 $0x180, s19;
	s20 =	rddreg [dreg:$0x1a]  }
0x12c: {  	[tilespmem:s21], [sflag:$0x3] =	stream.indirect_vreg.gather [hbm4b:s20+s0], $0x80, v2, vm0, $0xb8;
	[tilespmem:$0x1E200] =	vst v63  }
0x12d: {  	s24 =	simm.s32 $0x11A00;
	s2 =	sadd.s32 s19, s22;
	s23 =	rddreg [dreg:$0x1c]  }
0x12e: {  	[tilespmem:s24], [sflag:$0x3] =	stream.indirect_vreg.gather [hbm4b:s23+s0], $0x80, v2, vm0, $0xb8;
	[tilespmem:$0x1E200] =	vst v63  }
0x12f: {  	v2 =	vld.msk [tilespmem:s2+$0x80], $0xff;
	_ =	sdelay $0x4  }
0x130: {  	v3 =	vshll.u32 v2, $0x3  }
0x131: {  	v2 =	vand.u32 $0x7, v2;
	v3 =	vand.u32 $0xFFFFFFC0, v3  }
0x132: {  	v2 =	vor.u32 v2, v3  }
0x133: {  	v2 =	vperm.xlane v2, v0;
	_ =	sdelay $0x1  }
0x134: {  	v2 =	vadd.s32 v1, v2;
	_ =	sdelay $0x3  }
0x135: {  	s25 =	simm.s32 $0x12200  }
0x136: {  	[tilespmem:s25], [sflag:$0x3] =	stream.indirect_vreg.gather [hbm4b:s6+s0], $0x80, v2, vm0, $0xb8;
	[tilespmem:$0x1E200] =	vst v63  }
0x137: {  	s26 =	simm.s32 $0x12A00  }
0x138: {  	[tilespmem:s26], [sflag:$0x3] =	stream.indirect_vreg.gather [hbm4b:s17+s0], $0x80, v2, vm0, $0xb8;
	[tilespmem:$0x1E200] =	vst v63  }
0x139: {  	s9 =	simm.s32 $0x13200  }
0x13a: {  	[tilespmem:s9], [sflag:$0x3] =	stream.indirect_vreg.gather [hbm4b:s20+s0], $0x80, v2, vm0, $0xb8;
	[tilespmem:$0x1E200] =	vst v63  }
0x13b: {  	s10 =	simm.s32 $0x13A00  }
0x13c: {  	[tilespmem:s10], [sflag:$0x3] =	stream.indirect_vreg.gather [hbm4b:s23+s0], $0x80, v2, vm0, $0xb8;
	[tilespmem:$0x1E200] =	vst v63  }
0x13d: {  	v2 =	vld.msk [tilespmem:s2+$0x100], $0xff;
	_ =	sdelay $0x4  }
0x13e: {  	v3 =	vshll.u32 v2, $0x3  }
0x13f: {  	v2 =	vand.u32 $0x7, v2;
	v3 =	vand.u32 $0xFFFFFFC0, v3  }
0x140: {  	v2 =	vor.u32 v2, v3  }
0x141: {  	v2 =	vperm.xlane v2, v0;
	_ =	sdelay $0x1  }
0x142: {  	v2 =	vadd.s32 v1, v2;
	_ =	sdelay $0x3  }
0x143: {  	s11 =	simm.s32 $0x14200  }
0x144: {  	[tilespmem:s11], [sflag:$0x3] =	stream.indirect_vreg.gather [hbm4b:s6+s0], $0x80, v2, vm0, $0xb8;
	[tilespmem:$0x1E200] =	vst v63  }
0x145: {  	s12 =	simm.s32 $0x14A00  }
0x146: {  	[tilespmem:s12], [sflag:$0x3] =	stream.indirect_vreg.gather [hbm4b:s17+s0], $0x80, v2, vm0, $0xb8;
	[tilespmem:$0x1E200] =	vst v63  }
0x147: {  	s13 =	simm.s32 $0x15200  }
0x148: {  	[tilespmem:s13], [sflag:$0x3] =	stream.indirect_vreg.gather [hbm4b:s20+s0], $0x80, v2, vm0, $0xb8;
	[tilespmem:$0x1E200] =	vst v63  }
0x149: {  	s14 =	simm.s32 $0x15A00  }
0x14a: {  	[tilespmem:s14], [sflag:$0x3] =	stream.indirect_vreg.gather [hbm4b:s23+s0], $0x80, v2, vm0, $0xb8;
	[tilespmem:$0x1E200] =	vst v63  }
0x14b: {  	v2 =	vld.msk [tilespmem:s2+$0x180], $0xff;
	_ =	sdelay $0x4  }
0x14c: {  	v3 =	vshll.u32 v2, $0x3  }
0x14d: {  	v2 =	vand.u32 $0x7, v2;
	v3 =	vand.u32 $0xFFFFFFC0, v3  }
0x14e: {  	v2 =	vor.u32 v2, v3  }
0x14f: {  	v2 =	vperm.xlane v2, v0;
	_ =	sdelay $0x1  }
0x150: {  	v2 =	vadd.s32 v1, v2;
	_ =	sdelay $0x2  }
0x151: {  	s18 =	rddreg [dreg:$0x17]  }
0x152: {  	s15 =	simm.s32 $0x16200;
	[smem:$0x7F4] =	sst s8;
	s19 =	sadd.s32 s18, s19  }
0x153: {  	[tilespmem:s15], [sflag:$0x3] =	stream.indirect_vreg.gather [hbm4b:s6+s0], $0x80, v2, vm0, $0xb8;
	[tilespmem:$0x1E200] =	vst v63  }
0x154: {  	s22 =	rddreg [dreg:$0x2];
	s16 =	simm.s32 $0x16A00;
	s3 =	sshll.u32 s19, $0x7  }
0x155: {  	[tilespmem:s16], [sflag:$0x3] =	stream.indirect_vreg.gather [hbm4b:s17+s0], $0x80, v2, vm0, $0xb8;
	[tilespmem:$0x1E200] =	vst v63  }
0x156: {  	s21 =	sadd.s32 s18, s8;
	[smem:$0x7F5] =	sst s3;
	s17 =	simm.s32 $0x17200  }
0x157: {  	[tilespmem:s17], [sflag:$0x3] =	stream.indirect_vreg.gather [hbm4b:s20+s0], $0x80, v2, vm0, $0xb8;
	[tilespmem:$0x1E200] =	vst v63  }
0x158: {  	s1 =	sshll.u32 s21, $0x7;
	s24 =	rddreg [dreg:$0x3];
	s20 =	simm.s32 $0x17A00  }
0x159: {  	[tilespmem:s20], [sflag:$0x3] =	stream.indirect_vreg.gather [hbm4b:s23+s0], $0x80, v2, vm0, $0xb8;
	[tilespmem:$0x1E200] =	vst v63  }
0x15a: {  	s4 =	sand.u32 $0x1FFFFF80, s1;
	s2 =	sadd.s32 s22, s3;
	s23 =	simm.s32 $0x1C200  }
0x15b: {  	[tilespmem:s23], [sflag:$0x3] =	stream.linear.gather [hbm4b:s2+s0], $0x2000, $0x38;
	[tilespmem:$0x1E200] =	vst v63  }
0x15c: {  	s25 =	sadd.s32 s24, s1;
	s26 =	simm.s32 $0x200;
	s2 =	sadd.s32 s24, s4  }
0x15d: {  	[hbm4b:s25+s0] =	stream.linear.scatter [tilespmem:s26], [sflag:$0x4], $0x2000, $0x38;
	[tilespmem:$0x1E200] =	vst v63  }
0x15e: {  	s5 =	simm.s32 $0x2200;
	s6 =	rddreg [dreg:$0x1e];
	s3 =	sadd.s32 $0x80000, s2  }
0x15f: {  	[hbm4b:s3+s0] =	stream.linear.scatter [tilespmem:s5], [sflag:$0x4], $0x2000, $0x38;
	[tilespmem:$0x1E200] =	vst v63  }
0x160: {  	s7 =	simm.s32 $0x4200;
	[smem:$0x7F3] =	sst s19;
	s1 =	sadd.s32 s1, s6  }
0x161: {  	[hbm4b:s1+s0] =	stream.linear.scatter [tilespmem:s7], [sflag:$0x4], $0x2000, $0x38;
	[tilespmem:$0x1E200] =	vst v63  }
0x162: {  	s9 =	simm.s32 $0x6200;
	s10 =	simm.s32 $0x2;
	s8 =	sadd.s32 $0x180000, s2  }
0x163: {  	[hbm4b:s8+s0] =	stream.linear.scatter [tilespmem:s9], [sflag:$0x4], $0x2000, $0x38;
	[tilespmem:$0x1E200] =	vst v63  }
0x164: {  	_ =	swait.ge [sflag:s10], $0x2000  }
0x165: {  	[sflag:s10] =	ssyncset.done $0x0  }
0x166: {  	[sflag:s10] =	ssyncadd.s32 $0xFFFFE000  }
0x167: {  	_ =	swait.ge [sflag:s10], $0x2000  }
0x168: {  	[sflag:s10] =	ssyncset.done $0x0  }
0x169: {  	[sflag:s10] =	ssyncadd.s32 $0xFFFFE000  }
0x16a: {  	_ =	swait.ge [sflag:s10], $0x2000  }
0x16b: {  	[sflag:s10] =	ssyncset.done $0x0  }
0x16c: {  	s11 =	simm.s32 $0x0;
	[sflag:s10] =	ssyncadd.s32 $0xFFFFE000  }
0x16d: {  	s1 =	sand.u32 $0xFFFFE000, s11;
	_ =	swait.ge [sflag:s10], $0x2000  }
0x16e: {  	s12 =	simm.s32 $0x0;
	s1 =	ssub.s32 $0x0, s1;
	[sflag:s10] =	ssyncset.done $0x0  }
0x16f: {  	s15 =	sand.u32 $0xFFFFFF80, s12;
	s14 =	sand.u32 $0xFFFFFC00, s1;
	[sflag:s10] =	ssyncadd.s32 $0xFFFFE000  }
0x170: {  	s1 =	sand.u32 $0x40, s0;
	s3 =	sadd.s32 s15, s14;
	_ =	swait.ge [sflag:s10], $0x2000  }
0x171: {  	s0 =	sor.u32 $0x30, s1;
	s16 =	sadd.s32 $0x8200, s3;
	[sflag:s10] =	ssyncset.done $0x0  }
0x172: {  	s17 =	sor.u32 s0, s16;
	[sflag:s10] =	ssyncadd.s32 $0xFFFFE000  }
0x173: {  	s18 =	sadd.s32 $0x1A200, s3;
	v2 =	vld [tilespmem:s17+$0x0]  }
0x174: {  	s3 =	sor.u32 s0, s18  }
0x175: {  	v10 =	vld [tilespmem:s3+$0x0]  }
0x176: {  	s4 =	sor.u32 $0x10, s1;
	s9 =	sor.u32 s1, s16  }
0x177: {  	s11 =	sor.u32 s4, s16;
	v4 =	vld [tilespmem:s9+$0x0]  }
0x178: {  	s19 =	sor.u32 s1, s18;
	v5 =	vld [tilespmem:s11+$0x0];
	v2 =	vmul.f32 $3.200000000e+01, v2  }
0x179: {  	s2 =	sand.u32 $0x3FFFFF80, s12;
	s20 =	sor.u32 s4, s18;
	s3 =	sor.u32 $0x20, s1;
	v12 =	vld [tilespmem:s19+$0x0]  }
0x17a: {  	s6 =	sadd.s32 s2, s14;
	v3 =	vld [tilespmem:s20+$0x0];
	s13 =	sor.u32 s3, s16;
	v7 =	vadd.f32 v2, v10  }
0x17b: {  	s22 =	sadd.s32 $0xA200, s6;
	s21 =	sor.u32 s3, s18;
	v6 =	vld [tilespmem:s13+$0x0]  }
0x17c: {  	s23 =	simm.s32 $0x200;
	s15 =	sor.u32 s0, s22;
	v4 =	vmul.f32 $3.200000000e+01, v4;
	v2 =	vld [tilespmem:s21+$0x0];
	[tilespmem:s17+$0x0] =	vst v7  }
0x17d: {  	s2 =	sand.u32 $0xFFFFE000, s23;
	v5 =	vmul.f32 $3.200000000e+01, v5;
	v7 =	vld [tilespmem:s15+$0x0]  }
0x17e: {  	s2 =	ssub.s32 $0x200, s2;
	s16 =	simm.s32 $0x8;
	v4 =	vadd.f32 v4, v12  }
0x17f: {  	s24 =	sand.u32 $0xFFFFFF80, s16;
	v5 =	vadd.f32 v5, v3;
	s17 =	sand.u32 $0xFFFFFC00, s2  }
0x180: {  	s25 =	simm.s32 $0x40;
	s14 =	sor.u32 s1, s22;
	v6 =	vmul.f32 $3.200000000e+01, v6;
	[tilespmem:s9+$0x0] =	vst v4;
	s26 =	sadd.s32 s24, s17  }
0x181: {  	s7 =	sand.u32 $0x40, s25;
	s10 =	sor.u32 s4, s22;
	[tilespmem:s11+$0x0] =	vst v5;
	v8 =	vld [tilespmem:s14+$0x0];
	s19 =	sadd.s32 $0x1A200, s26  }
0x182: {  	s5 =	sor.u32 $0x30, s7;
	v11 =	vld [tilespmem:s10+$0x0];
	s18 =	sadd.s32 $0x8200, s26;
	v4 =	vadd.f32 v6, v2;
	s20 =	sor.u32 s7, s19;
	v5 =	vmul.f32 $3.200000000e+01, v7  }
0x183: {  	s28 =	sor.u32 $0x20, s7;
	s21 =	sor.u32 s5, s18;
	v6 =	vld [tilespmem:s20+$0x0]  }
0x184: {  	s12 =	sor.u32 s3, s22;
	s24 =	simm.s32 $0x400;
	s9 =	sor.u32 s5, s19;
	[tilespmem:s13+$0x0] =	vst v4;
	v4 =	vadd.f32 v5, v10;
	v5 =	vld [tilespmem:s21+$0x0]  }
0x185: {  	s25 =	sand.u32 $0x3FFFFF80, s16;
	s13 =	sadd.s32 $0xC200, s6;
	v7 =	vld [tilespmem:s9+$0x0];
	s9 =	sand.u32 $0xFFFFE000, s24  }
0x186: {  	s2 =	sor.u32 $0x10, s7;
	v13 =	vld [tilespmem:s12+$0x0];
	s22 =	sor.u32 s0, s13;
	s9 =	ssub.s32 $0x400, s9;
	[tilespmem:s15+$0x0] =	vst v4  }
0x187: {  	s8 =	sadd.s32 s25, s17;
	s23 =	sor.u32 s2, s19;
	s9 =	sand.u32 $0xFFFFFC00, s9;
	v14 =	vld [tilespmem:s22+$0x0]  }
0x188: {  	s26 =	simm.s32 $0x10;
	v4 =	vld [tilespmem:s23+$0x0];
	s15 =	sor.u32 s7, s18;
	[smem:$0x7F6] =	sst s9  }
0x189: {  	s11 =	sand.u32 $0xFFFFFF80, s26;
	s20 =	simm.s32 $0x80;
	s23 =	sor.u32 s2, s18;
	v15 =	vld [tilespmem:s15+$0x0];
	v9 =	vmul.f32 $3.200000000e+01, v5  }
0x18a: {  	s19 =	sor.u32 s28, s19;
	s26 =	sand.u32 $0x40, s20;
	v8 =	vmul.f32 $3.200000000e+01, v8;
	s17 =	sadd.s32 s11, s9;
	v16 =	vld [tilespmem:s23+$0x0]  }
0x18b: {  	s11 =	sadd.s32 $0x1A200, s17;
	s18 =	sor.u32 s28, s18;
	v5 =	vld [tilespmem:s19+$0x0];
	s19 =	sor.u32 $0x30, s26;
	v9 =	vadd.f32 v9, v7  }
0x18c: {  	s24 =	sadd.s32 $0xA200, s8;
	v8 =	vadd.f32 v8, v12;
	v18 =	vld [tilespmem:s18+$0x0];
	s16 =	sor.u32 s19, s11;
	v14 =	vmul.f32 $3.200000000e+01, v14  }
0x18d: {  	v11 =	vmul.f32 $3.200000000e+01, v11;
	[tilespmem:s21+$0x0] =	vst v9;
	v9 =	vld [tilespmem:s16+$0x0];
	s21 =	sor.u32 s5, s24  }
0x18e: {  	v13 =	vmul.f32 $3.200000000e+01, v13;
	[tilespmem:s14+$0x0] =	vst v8;
	s14 =	sor.u32 s1, s13;
	v17 =	vld [tilespmem:s21+$0x0];
	v8 =	vadd.f32 v14, v10  }
0x18f: {  	s25 =	sadd.s32 $0xE200, s6;
	v11 =	vadd.f32 v11, v3;
	s16 =	sor.u32 s26, s11;
	v14 =	vmul.f32 $3.200000000e+01, v15;
	v15 =	vld [tilespmem:s14+$0x0]  }
0x190: {  	s0 =	sor.u32 s0, s25;
	v13 =	vadd.f32 v13, v2;
	v16 =	vmul.f32 $3.200000000e+01, v16;
	[tilespmem:s22+$0x0] =	vst v8;
	v8 =	vld [tilespmem:s16+$0x0]  }
0x191: {  	[tilespmem:s10+$0x0] =	vst v11;
	v11 =	vadd.f32 v14, v6;
	s16 =	sor.u32 s4, s13;
	v14 =	vld [tilespmem:s0+$0x0]  }
0x192: {  	[tilespmem:s12+$0x0] =	vst v13;
	v13 =	vadd.f32 v16, v4;
	v16 =	vld [tilespmem:s16+$0x0]  }
0x193: {  	s6 =	sor.u32 s3, s13;
	[tilespmem:s15+$0x0] =	vst v11;
	v11 =	vmul.f32 $3.200000000e+01, v18  }
0x194: {  	s22 =	sor.u32 s7, s24;
	v18 =	vld [tilespmem:s6+$0x0];
	v17 =	vmul.f32 $3.200000000e+01, v17  }
0x195: {  	s17 =	sadd.s32 $0x8200, s17;
	s13 =	sor.u32 s2, s24;
	[tilespmem:s23+$0x0] =	vst v13;
	s23 =	sor.u32 $0x10, s26;
	v13 =	vld [tilespmem:s22+$0x0];
	v15 =	vmul.f32 $3.200000000e+01, v15;
	v11 =	vadd.f32 v11, v5  }
0x196: {  	v19 =	vld [tilespmem:s13+$0x0];
	s12 =	sor.u32 s23, s17;
	v17 =	vadd.f32 v17, v7;
	v14 =	vmul.f32 $3.200000000e+01, v14  }
0x197: {  	s31 =	sadd.s32 $0xC200, s8;
	s29 =	sor.u32 s19, s17;
	v20 =	vld [tilespmem:s12+$0x0];
	v15 =	vadd.f32 v15, v12;
	[tilespmem:s18+$0x0] =	vst v11;
	v11 =	vmul.f32 $3.200000000e+01, v16  }
0x198: {  	[tilespmem:s21+$0x0] =	vst v17;
	v17 =	vld [tilespmem:s29+$0x0];
	s21 =	sor.u32 s5, s31;
	v10 =	vadd.f32 v14, v10  }
0x199: {  	s9 =	smov.u32 s8;
	s8 =	sor.u32 s1, s25;
	[tilespmem:s14+$0x0] =	vst v15;
	v18 =	vmul.f32 $3.200000000e+01, v18;
	v16 =	vld [tilespmem:s21+$0x0];
	v11 =	vadd.f32 v11, v3  }
0x19a: {  	s18 =	sor.u32 s28, s24;
	v13 =	vmul.f32 $3.200000000e+01, v13;
	v14 =	vld [tilespmem:s8+$0x0];
	[tilespmem:s0+$0x0] =	vst v10  }
0x19b: {  	s3 =	sor.u32 s3, s25;
	s30 =	sor.u32 s26, s17;
	v15 =	vld [tilespmem:s18+$0x0];
	v10 =	vadd.f32 v18, v2;
	[tilespmem:s16+$0x0] =	vst v11  }
0x19c: {  	s24 =	smov.u32 s26;
	s26 =	sor.u32 $0x20, s26;
	v19 =	vmul.f32 $3.200000000e+01, v19;
	v18 =	vld [tilespmem:s30+$0x0];
	v11 =	vadd.f32 v13, v6;
	[dreg:$0x6] =	wrdreg s3  }
0x19d: {  	s14 =	sor.u32 s23, s11;
	s1 =	sor.u32 s26, s17;
	v13 =	vmul.f32 $3.200000000e+01, v17;
	[tilespmem:s6+$0x0] =	vst v10  }
0x19e: {  	s10 =	sor.u32 s26, s11;
	s11 =	sor.u32 s7, s31;
	s16 =	sor.u32 s4, s25;
	v17 =	vadd.f32 v19, v4;
	[tilespmem:s22+$0x0] =	vst v11;
	v16 =	vmul.f32 $3.200000000e+01, v16  }
0x19f: {  	s4 =	simm.s32 $0x10;
	s25 =	sor.u32 s2, s31;
	v10 =	vld [tilespmem:s14+$0x0];
	s6 =	sld [smem:$0x7F6];
	v14 =	vmul.f32 $3.200000000e+01, v14;
	v13 =	vadd.f32 v13, v9  }
0x1a0: {  	s0 =	sand.u32 $0x3FFFFF80, s4;
	v19 =	vld [tilespmem:s1+$0x0];
	s22 =	smov.u32 s19;
	[tilespmem:s13+$0x0] =	vst v17;
	s13 =	sadd.s32 $0xE200, s9;
	v16 =	vadd.f32 v16, v7  }
0x1a1: {  	v15 =	vmul.f32 $3.200000000e+01, v15;
	v11 =	vld [tilespmem:s10+$0x0];
	s19 =	sor.u32 s28, s31;
	s4 =	sor.u32 s5, s13;
	v14 =	vadd.f32 v14, v12;
	s14 =	sor.u32 s2, s13;
	[tilespmem:s29+$0x0] =	vst v13  }
0x1a2: {  	s2 =	simm.s32 $0x400;
	s5 =	simm.s32 $0xC;
	s17 =	sadd.s32 s0, s6;
	v13 =	vld [tilespmem:s11+$0x0];
	[tilespmem:s21+$0x0] =	vst v16  }
0x1a3: {  	v20 =	vmul.f32 $3.200000000e+01, v20;
	v17 =	vadd.f32 v15, v5;
	v18 =	vmul.f32 $3.200000000e+01, v18;
	s15 =	sadd.s32 $0xA200, s17;
	s21 =	sor.u32 s7, s13;
	s7 =	simm.s32 $0x8;
	[tilespmem:s8+$0x0] =	vst v14;
	v14 =	vld [tilespmem:s25+$0x0]  }
0x1a4: {  	s13 =	sor.u32 s28, s13;
	s28 =	smov.u32 s11;
	s9 =	sor.u32 s22, s15;
	v12 =	vld [tilespmem:s4+$0x0]  }
0x1a5: {  	[tilespmem:s18+$0x0] =	vst v17;
	v16 =	vmul.f32 $3.200000000e+01, v19;
	v18 =	vadd.f32 v18, v8;
	v17 =	vadd.f32 v20, v10;
	s29 =	sor.u32 s24, s15;
	s0 =	sor.u32 s23, s15;
	s31 =	sor.u32 s26, s15;
	v15 =	vld [tilespmem:s9+$0x0]  }
.LBB2_5:
0x1a6: {  	[dreg:$0x15] =	wrdreg s21  }
0x1a7: {  	[dreg:$0xc] =	wrdreg s13  }
0x1a8: {  	[dreg:$0x9] =	wrdreg s14;
	[tilespmem:s30+$0x0] =	vst v18;
	v18 =	vld [tilespmem:s19+$0x0]  }
0x1a9: {  	s8 =	sshll.u32 s5, $0x7;
	s14 =	smov.u32 s22;
	s3 =	smov.u32 s26;
	[tilespmem:s12+$0x0] =	vst v17;
	v19 =	vld [tilespmem:s29+$0x0];
	v16 =	vadd.f32 v16, v11  }
0x1aa: {  	s7 =	sadd.s32 $0x4, s7;
	s2 =	sadd.s32 $0x200, s2;
	s6 =	sand.u32 $0xFFFFE000, s8;
	v17 =	vld [tilespmem:s0+$0x0];
	v13 =	vmul.f32 $3.200000000e+01, v13  }
0x1ab: {  	s5 =	sadd.s32 $0x4, s5;
	s18 =	sshll.u32 s7, $0x1;
	s6 =	ssub.s32 s2, s6;
	v15 =	vmul.f32 $3.200000000e+01, v15;
	[tilespmem:s1+$0x0] =	vst v16  }
0x1ac: {  	s11 =	sand.u32 $0xFFFFFF80, s18;
	s15 =	sand.u32 $0xFFFFFC00, s6;
	s6 =	sadd.s32 $0x40, s20;
	v14 =	vmul.f32 $3.200000000e+01, v14;
	v16 =	vld [tilespmem:s31+$0x0];
	v13 =	vadd.f32 v13, v6  }
0x1ad: {  	v20 =	vld [tilespmem:s16+$0x0];
	s20 =	rddreg [dreg:$0x6];
	v12 =	vmul.f32 $3.200000000e+01, v12;
	s8 =	sand.u32 $0x40, s6;
	v15 =	vadd.f32 v15, v9;
	s1 =	sadd.s32 s11, s15  }
0x1ae: {  	[dreg:$0x11] =	wrdreg s14;
	s22 =	sor.u32 $0x30, s8;
	s13 =	sadd.s32 $0x8200, s1;
	v14 =	vadd.f32 v14, v4;
	[tilespmem:s28+$0x0] =	vst v13;
	v13 =	vmul.f32 $3.200000000e+01, v18;
	v18 =	vld [tilespmem:s20+$0x0]  }
0x1af: {  	[dreg:$0xd] =	wrdreg s3;
	s12 =	smov.u32 s17;
	v12 =	vadd.f32 v12, v7;
	v7 =	vmovc v9;
	[tilespmem:s9+$0x0] =	vst v15;
	v9 =	vmul.f32 $3.200000000e+01, v19;
	v17 =	vmul.f32 $3.200000000e+01, v17;
	s28 =	sor.u32 s22, s13;
	v15 =	vld [tilespmem:s21+$0x0]  }
0x1b0: {  	p0 =	slt.u32 s7, $0x1FC;
	s10 =	sadd.s32 $0xC200, s12;
	s30 =	sor.u32 s8, s13;
	[tilespmem:s25+$0x0] =	vst v14;
	v19 =	vld [tilespmem:s28+$0x0];
	v13 =	vadd.f32 v13, v5  }
0x1b1: {  	[dreg:$0xf] =	wrdreg s12;
	s3 =	sadd.s32 $0x1A200, s1;
	s21 =	sor.u32 s14, s10;
	[tilespmem:s4+$0x0] =	vst v12;
	v12 =	vadd.f32 v9, v8;
	v14 =	vadd.f32 v17, v10;
	v17 =	vld [tilespmem:s30+$0x0];
	v16 =	vmul.f32 $3.200000000e+01, v16  }
0x1b2: {  	s11 =	sor.u32 $0x10, s8;
	s26 =	sor.u32 $0x20, s8;
	s17 =	sor.u32 s22, s3;
	v21 =	vld [tilespmem:s21+$0x0];
	[tilespmem:s19+$0x0] =	vst v13;
	v13 =	vmul.f32 $3.200000000e+01, v20  }
0x1b3: {  	s12 =	sor.u32 s11, s13;
	s1 =	sor.u32 s26, s13;
	s9 =	sor.u32 s8, s3;
	v9 =	vld [tilespmem:s17+$0x0];
	[tilespmem:s29+$0x0] =	vst v12;
	v12 =	vadd.f32 v16, v11;
	v16 =	vmul.f32 $3.200000000e+01, v18  }
0x1b4: {  	s25 =	sor.u32 s26, s3;
	s14 =	sor.u32 s11, s3;
	s3 =	rddreg [dreg:$0xd];
	v18 =	vld [tilespmem:s12+$0x0];
	[tilespmem:s0+$0x0] =	vst v14;
	v13 =	vadd.f32 v13, v3  }
0x1b5: {  	s20 =	smov.u32 s20;
	s17 =	sand.u32 $0x3FFFFF80, s18;
	s18 =	rddreg [dreg:$0x9];
	v14 =	vmul.f32 $3.200000000e+01, v15;
	v15 =	vld [tilespmem:s1+$0x0];
	[tilespmem:s31+$0x0] =	vst v12;
	v12 =	vadd.f32 v16, v2  }
0x1b6: {  	s13 =	sor.u32 s24, s10;
	s17 =	sadd.s32 s17, s15;
	s15 =	rddreg [dreg:$0xf];
	v19 =	vmul.f32 $3.200000000e+01, v19;
	[tilespmem:s16+$0x0] =	vst v13  }
0x1b7: {  	s29 =	sor.u32 s23, s10;
	v16 =	vmul.f32 $3.200000000e+01, v21;
	v14 =	vadd.f32 v14, v6;
	v6 =	vmov v8;
	v8 =	vld [tilespmem:s9+$0x0];
	[tilespmem:s20+$0x0] =	vst v12;
	s20 =	smov.u32 s6;
	s6 =	rddreg [dreg:$0xc]  }
0x1b8: {  	s19 =	sor.u32 s3, s10;
	s10 =	sadd.s32 $0xA200, s17;
	v3 =	vmov v4;
	v4 =	vmov v10;
	v13 =	vadd.f32 v19, v9;
	v10 =	vld [tilespmem:s14+$0x0];
	s14 =	rddreg [dreg:$0x15]  }
0x1b9: {  	s0 =	sor.u32 s11, s10;
	s31 =	sor.u32 s26, s10;
	v12 =	vmul.f32 $3.200000000e+01, v17;
	v17 =	vadd.f32 v16, v7;
	s9 =	smov.u32 s6;
	[tilespmem:s14+$0x0] =	vst v14  }
.Ltmp3:
0x1ba: {  	v2 =	vmov v5;
	v5 =	vmov v11;
	v11 =	vld [tilespmem:s25+$0x0];
	[tilespmem:s28+$0x0] =	vst v13;
	[dreg:$0x6] =	wrdreg s9;
	s9 =	sor.u32 s22, s10;
	(pc) =	sbr.rel @p0 .LBB2_5-.Ltmp3, $4  }
0x1bb: {  	s16 =	smov.u32 s18;
	s18 =	sadd.s32 $0xE200, s15;
	v16 =	vmul.f32 $3.200000000e+01, v15;
	v15 =	vld [tilespmem:s9+$0x0];
	[tilespmem:s21+$0x0] =	vst v17;
	s21 =	rddreg [dreg:$0x11]  }
0x1bc: {  	s25 =	smov.u32 s29;
	s29 =	sor.u32 s8, s10;
	v14 =	vmul.f32 $3.200000000e+01, v18;
	v13 =	vld [tilespmem:s13+$0x0];
	s4 =	sor.u32 s21, s18  }
0x1bd: {  	s28 =	smov.u32 s13;
	s14 =	sor.u32 s23, s18;
	s23 =	smov.u32 s11;
	v18 =	vadd.f32 v12, v8;
	v12 =	vld [tilespmem:s4+$0x0]  }
0x1be: {  	s13 =	sor.u32 s3, s18;
	s21 =	sor.u32 s24, s18;
	s24 =	smov.u32 s8;
	v17 =	vadd.f32 v14, v10;
	v14 =	vld [tilespmem:s25+$0x0]  }
0x1bf: {  	[tilespmem:s30+$0x0] =	vst v18;
	v16 =	vadd.f32 v16, v11  }
0x1c0: {  	v18 =	vld [tilespmem:s29+$0x0];
	[tilespmem:s12+$0x0] =	vst v17  }
0x1c1: {  	v17 =	vld [tilespmem:s0+$0x0];
	[tilespmem:s1+$0x0] =	vst v16  }
0x1c2: {  	v15 =	vmul.f32 $3.200000000e+01, v15;
	v16 =	vld [tilespmem:s31+$0x0];
	_ =	sdelay $0x1  }
0x1c3: {  	v15 =	vadd.f32 v15, v9  }
0x1c4: {  	s15 =	sadd.s32 $0xC200, s17;
	v18 =	vmul.f32 $3.200000000e+01, v18  }
0x1c5: {  	s2 =	sor.u32 s22, s15;
	[tilespmem:s9+$0x0] =	vst v15;
	v15 =	vmul.f32 $3.200000000e+01, v17  }
0x1c6: {  	v17 =	vadd.f32 v18, v8;
	v16 =	vmul.f32 $3.200000000e+01, v16;
	v18 =	vld [tilespmem:s2+$0x0]  }
0x1c7: {  	v15 =	vadd.f32 v15, v10  }
0x1c8: {  	v19 =	vld [tilespmem:s19+$0x0];
	s5 =	sor.u32 s24, s15;
	v13 =	vmul.f32 $3.200000000e+01, v13;
	[tilespmem:s29+$0x0] =	vst v17;
	v16 =	vadd.f32 v16, v11  }
0x1c9: {  	s6 =	sor.u32 s23, s15;
	[tilespmem:s0+$0x0] =	vst v15;
	v15 =	vld [tilespmem:s5+$0x0]  }
0x1ca: {  	s18 =	sor.u32 s26, s15;
	v13 =	vadd.f32 v13, v6;
	[tilespmem:s31+$0x0] =	vst v16;
	v16 =	vld [tilespmem:s6+$0x0]  }
0x1cb: {  	v17 =	vmul.f32 $3.200000000e+01, v18;
	v18 =	vld [tilespmem:s18+$0x0]  }
0x1cc: {  	v14 =	vmul.f32 $3.200000000e+01, v14;
	[tilespmem:s28+$0x0] =	vst v13  }
0x1cd: {  	v20 =	vld [tilespmem:s16+$0x0];
	v19 =	vmul.f32 $3.200000000e+01, v19;
	s7 =	rddreg [dreg:$0x6];
	v17 =	vadd.f32 v17, v9  }
0x1ce: {  	s20 =	sadd.s32 $0xE200, s17;
	v14 =	vadd.f32 v14, v4;
	v13 =	vld [tilespmem:s7+$0x0];
	v15 =	vmul.f32 $3.200000000e+01, v15  }
0x1cf: {  	s22 =	sor.u32 s22, s20;
	v19 =	vadd.f32 v19, v5;
	[tilespmem:s2+$0x0] =	vst v17;
	v17 =	vld [tilespmem:s21+$0x0];
	v16 =	vmul.f32 $3.200000000e+01, v16  }
0x1d0: {  	[tilespmem:s25+$0x0] =	vst v14;
	v14 =	vld [tilespmem:s22+$0x0];
	v15 =	vadd.f32 v15, v8;
	v18 =	vmul.f32 $3.200000000e+01, v18  }
0x1d1: {  	v12 =	vmul.f32 $3.200000000e+01, v12;
	[tilespmem:s19+$0x0] =	vst v19;
	v19 =	vld [tilespmem:s14+$0x0];
	v16 =	vadd.f32 v16, v10  }
0x1d2: {  	s3 =	sor.u32 s24, s20;
	v20 =	vmul.f32 $3.200000000e+01, v20;
	[tilespmem:s5+$0x0] =	vst v15;
	v15 =	vld [tilespmem:s13+$0x0];
	v18 =	vadd.f32 v18, v11  }
0x1d3: {  	v7 =	vadd.f32 v12, v7;
	s28 =	sor.u32 s23, s20;
	v12 =	vmul.f32 $3.200000000e+01, v13;
	v13 =	vld [tilespmem:s3+$0x0];
	[tilespmem:s6+$0x0] =	vst v16  }
0x1d4: {  	s1 =	sor.u32 s26, s20;
	v3 =	vadd.f32 v20, v3;
	v16 =	vmul.f32 $3.200000000e+01, v17;
	[tilespmem:s18+$0x0] =	vst v18;
	v17 =	vld [tilespmem:s28+$0x0]  }
0x1d5: {  	[tilespmem:s4+$0x0] =	vst v7;
	v2 =	vadd.f32 v12, v2;
	v7 =	vmul.f32 $3.200000000e+01, v14;
	v12 =	vld [tilespmem:s1+$0x0]  }
0x1d6: {  	[tilespmem:s16+$0x0] =	vst v3;
	v3 =	vmul.f32 $3.200000000e+01, v19;
	v6 =	vadd.f32 v16, v6  }
0x1d7: {  	[tilespmem:s7+$0x0] =	vst v2;
	v2 =	vadd.f32 v7, v9;
	v7 =	vmul.f32 $3.200000000e+01, v15  }
0x1d8: {  	v3 =	vadd.f32 v3, v4;
	[tilespmem:s21+$0x0] =	vst v6;
	v6 =	vmul.f32 $3.200000000e+01, v13  }
0x1d9: {  	[tilespmem:s22+$0x0] =	vst v2;
	v2 =	vadd.f32 v7, v5;
	v4 =	vmul.f32 $3.200000000e+01, v17  }
0x1da: {  	[tilespmem:s14+$0x0] =	vst v3;
	v5 =	vadd.f32 v6, v8;
	v3 =	vmul.f32 $3.200000000e+01, v12  }
0x1db: {  	[tilespmem:s13+$0x0] =	vst v2;
	v2 =	vadd.f32 v4, v10  }
0x1dc: {  	[tilespmem:s3+$0x0] =	vst v5;
	v3 =	vadd.f32 v3, v11  }
0x1dd: {  	[tilespmem:s28+$0x0] =	vst v2  }
0x1de: {  	s5 =	simm.s32 $0x4;
	[tilespmem:s1+$0x0] =	vst v3  }
0x1df: {  	_ =	swait.ge [sflag:s5], $0x2000  }
0x1e0: {  	[sflag:s5] =	ssyncset.done $0x0  }
0x1e1: {  	[sflag:s5] =	ssyncadd.s32 $0xFFFFE000  }
0x1e2: {  	_ =	swait.ge [sflag:s5], $0x2000  }
0x1e3: {  	[sflag:s5] =	ssyncset.done $0x0  }
0x1e4: {  	[sflag:s5] =	ssyncadd.s32 $0xFFFFE000  }
0x1e5: {  	_ =	swait.ge [sflag:s5], $0x2000  }
0x1e6: {  	[sflag:s5] =	ssyncset.done $0x0  }
0x1e7: {  	[sflag:s5] =	ssyncadd.s32 $0xFFFFE000  }
0x1e8: {  	_ =	swait.ge [sflag:s5], $0x2000  }
0x1e9: {  	s8 =	sld [smem:$0x7F4]  }
0x1ea: {  	[sflag:s5] =	ssyncset.done $0x0  }
0x1eb: {  	[sflag:s5] =	ssyncadd.s32 $0xFFFFE000  }
0x1ec: {  	v2 =	vld.msk [tilespmem:s8+$0x18], $0xff;
	_ =	sdelay $0x4  }
0x1ed: {  	v3 =	vshll.u32 v2, $0x3  }
0x1ee: {  	v2 =	vand.u32 $0x7, v2;
	v3 =	vand.u32 $0xFFFFFFC0, v3  }
0x1ef: {  	v2 =	vor.u32 v2, v3  }
0x1f0: {  	v2 =	vperm.xlane v2, v0;
	_ =	sdelay $0x1  }
0x1f1: {  	v2 =	vadd.s32 v1, v2;
	_ =	sdelay $0x3  }
0x1f2: {  	s0 =	simm.s32 $0x0;
	s7 =	simm.s32 $0x200;
	s6 =	rddreg [dreg:$0x1]  }
0x1f3: {  	[tilespmem:s7], [sflag:$0x1] =	stream.indirect_vreg.gather [hbm4b:s6+s0], $0x80, v2, vm0, $0xb8;
	[tilespmem:$0x1E200] =	vst v63  }
0x1f4: {  	s10 =	simm.s32 $0xA00;
	s9 =	rddreg [dreg:$0x19];
	s11 =	sadd.s32 $0x18, s8  }
0x1f5: {  	[tilespmem:s10], [sflag:$0x1] =	stream.indirect_vreg.gather [hbm4b:s9+s0], $0x80, v2, vm0, $0xb8;
	[tilespmem:$0x1E200] =	vst v63  }
0x1f6: {  	s13 =	simm.s32 $0x1200;
	s12 =	rddreg [dreg:$0x1a];
	s14 =	sand.u32 $0x180, s11  }
0x1f7: {  	[tilespmem:s13], [sflag:$0x1] =	stream.indirect_vreg.gather [hbm4b:s12+s0], $0x80, v2, vm0, $0xb8;
	[tilespmem:$0x1E200] =	vst v63  }
0x1f8: {  	s16 =	simm.s32 $0x1A00;
	s15 =	rddreg [dreg:$0x1c];
	s2 =	sadd.s32 s11, s14  }
0x1f9: {  	[tilespmem:s16], [sflag:$0x1] =	stream.indirect_vreg.gather [hbm4b:s15+s0], $0x80, v2, vm0, $0xb8;
	[tilespmem:$0x1E200] =	vst v63  }
0x1fa: {  	v2 =	vld.msk [tilespmem:s2+$0x80], $0xff;
	_ =	sdelay $0x4  }
0x1fb: {  	v3 =	vshll.u32 v2, $0x3  }
0x1fc: {  	v2 =	vand.u32 $0x7, v2;
	v3 =	vand.u32 $0xFFFFFFC0, v3  }
0x1fd: {  	v2 =	vor.u32 v2, v3  }
0x1fe: {  	v2 =	vperm.xlane v2, v0;
	_ =	sdelay $0x1  }
0x1ff: {  	v2 =	vadd.s32 v1, v2;
	_ =	sdelay $0x3  }
0x200: {  	s17 =	simm.s32 $0x2200  }
0x201: {  	[tilespmem:s17], [sflag:$0x1] =	stream.indirect_vreg.gather [hbm4b:s6+s0], $0x80, v2, vm0, $0xb8;
	[tilespmem:$0x1E200] =	vst v63  }
0x202: {  	s18 =	simm.s32 $0x2A00  }
0x203: {  	[tilespmem:s18], [sflag:$0x1] =	stream.indirect_vreg.gather [hbm4b:s9+s0], $0x80, v2, vm0, $0xb8;
	[tilespmem:$0x1E200] =	vst v63  }
0x204: {  	s19 =	simm.s32 $0x3200  }
0x205: {  	[tilespmem:s19], [sflag:$0x1] =	stream.indirect_vreg.gather [hbm4b:s12+s0], $0x80, v2, vm0, $0xb8;
	[tilespmem:$0x1E200] =	vst v63  }
0x206: {  	s20 =	simm.s32 $0x3A00  }
0x207: {  	[tilespmem:s20], [sflag:$0x1] =	stream.indirect_vreg.gather [hbm4b:s15+s0], $0x80, v2, vm0, $0xb8;
	[tilespmem:$0x1E200] =	vst v63  }
0x208: {  	v2 =	vld.msk [tilespmem:s2+$0x100], $0xff;
	_ =	sdelay $0x4  }
0x209: {  	v3 =	vshll.u32 v2, $0x3  }
0x20a: {  	v2 =	vand.u32 $0x7, v2;
	v3 =	vand.u32 $0xFFFFFFC0, v3  }
0x20b: {  	v2 =	vor.u32 v2, v3  }
0x20c: {  	v2 =	vperm.xlane v2, v0;
	_ =	sdelay $0x1  }
0x20d: {  	v2 =	vadd.s32 v1, v2;
	_ =	sdelay $0x3  }
0x20e: {  	s21 =	simm.s32 $0x4200  }
0x20f: {  	[tilespmem:s21], [sflag:$0x1] =	stream.indirect_vreg.gather [hbm4b:s6+s0], $0x80, v2, vm0, $0xb8;
	[tilespmem:$0x1E200] =	vst v63  }
0x210: {  	s22 =	simm.s32 $0x4A00  }
0x211: {  	[tilespmem:s22], [sflag:$0x1] =	stream.indirect_vreg.gather [hbm4b:s9+s0], $0x80, v2, vm0, $0xb8;
	[tilespmem:$0x1E200] =	vst v63  }
0x212: {  	s23 =	simm.s32 $0x5200  }
0x213: {  	[tilespmem:s23], [sflag:$0x1] =	stream.indirect_vreg.gather [hbm4b:s12+s0], $0x80, v2, vm0, $0xb8;
	[tilespmem:$0x1E200] =	vst v63  }
0x214: {  	s24 =	simm.s32 $0x5A00  }
0x215: {  	[tilespmem:s24], [sflag:$0x1] =	stream.indirect_vreg.gather [hbm4b:s15+s0], $0x80, v2, vm0, $0xb8;
	[tilespmem:$0x1E200] =	vst v63  }
0x216: {  	v2 =	vld.msk [tilespmem:s2+$0x180], $0xff;
	_ =	sdelay $0x4  }
0x217: {  	v3 =	vshll.u32 v2, $0x3  }
0x218: {  	v2 =	vand.u32 $0x7, v2;
	v3 =	vand.u32 $0xFFFFFFC0, v3  }
0x219: {  	v2 =	vor.u32 v2, v3  }
0x21a: {  	v2 =	vperm.xlane v2, v0;
	_ =	sdelay $0x1  }
0x21b: {  	v2 =	vadd.s32 v1, v2;
	_ =	sdelay $0x3  }
0x21c: {  	s25 =	simm.s32 $0x6200;
	s4 =	rddreg [dreg:$0x17]  }
0x21d: {  	[tilespmem:s25], [sflag:$0x1] =	stream.indirect_vreg.gather [hbm4b:s6+s0], $0x80, v2, vm0, $0xb8;
	[tilespmem:$0x1E200] =	vst v63  }
0x21e: {  	s26 =	simm.s32 $0x6A00;
	s3 =	simm.s32 $0x7A00;
	s1 =	sadd.s32 s4, s11  }
0x21f: {  	[tilespmem:s26], [sflag:$0x1] =	stream.indirect_vreg.gather [hbm4b:s9+s0], $0x80, v2, vm0, $0xb8;
	[tilespmem:$0x1E200] =	vst v63  }
0x220: {  	s28 =	simm.s32 $0x7200;
	s5 =	rddreg [dreg:$0x1f];
	s1 =	sshll.u32 s1, $0x7  }
0x221: {  	[tilespmem:s28], [sflag:$0x1] =	stream.indirect_vreg.gather [hbm4b:s12+s0], $0x80, v2, vm0, $0xb8;
	[tilespmem:$0x1E200] =	vst v63  }
0x222: {  	s7 =	simm.s32 $0x18200;
	s2 =	sadd.s32 s8, s5;
	s6 =	rddreg [dreg:$0x2]  }
0x223: {  	[tilespmem:s3], [sflag:$0x1] =	stream.indirect_vreg.gather [hbm4b:s15+s0], $0x80, v2, vm0, $0xb8;
	[tilespmem:$0x1E200] =	vst v63  }
0x224: {  	s8 =	sshll.u32 s2, $0x7;
	s1 =	sadd.s32 s6, s1;
	s9 =	rddreg [dreg:$0x3]  }
0x225: {  	[tilespmem:s7], [sflag:$0x1] =	stream.linear.gather [hbm4b:s1+s0], $0x2000, $0x38;
	[tilespmem:$0x1E200] =	vst v63  }
0x226: {  	s10 =	simm.s32 $0x8200;
	s11 =	sand.u32 $0x1FFFFF80, s8;
	s2 =	sadd.s32 s9, s8  }
0x227: {  	[hbm4b:s2+s0] =	stream.linear.scatter [tilespmem:s10], [sflag:$0x5], $0x2000, $0x38;
	[tilespmem:$0x1E200] =	vst v63  }
0x228: {  	s2 =	sadd.s32 s9, s11  }
0x229: {  	s13 =	rddreg [dreg:$0x1e];
	s12 =	simm.s32 $0xA200;
	s3 =	sadd.s32 $0x80000, s2  }
0x22a: {  	[hbm4b:s3+s0] =	stream.linear.scatter [tilespmem:s12], [sflag:$0x5], $0x2000, $0x38;
	[tilespmem:$0x1E200] =	vst v63  }
0x22b: {  	s14 =	simm.s32 $0xC200;
	s1 =	sadd.s32 s8, s13  }
0x22c: {  	[hbm4b:s1+s0] =	stream.linear.scatter [tilespmem:s14], [sflag:$0x5], $0x2000, $0x38;
	[tilespmem:$0x1E200] =	vst v63  }
0x22d: {  	s16 =	simm.s32 $0xE200;
	s17 =	simm.s32 $0x3;
	s15 =	sadd.s32 $0x180000, s2  }
0x22e: {  	[hbm4b:s15+s0] =	stream.linear.scatter [tilespmem:s16], [sflag:$0x5], $0x2000, $0x38;
	[tilespmem:$0x1E200] =	vst v63  }
0x22f: {  	_ =	swait.ge [sflag:s17], $0x2000  }
0x230: {  	[sflag:s17] =	ssyncset.done $0x0  }
0x231: {  	[sflag:s17] =	ssyncadd.s32 $0xFFFFE000  }
0x232: {  	_ =	swait.ge [sflag:s17], $0x2000  }
0x233: {  	[sflag:s17] =	ssyncset.done $0x0  }
0x234: {  	[sflag:s17] =	ssyncadd.s32 $0xFFFFE000  }
0x235: {  	_ =	swait.ge [sflag:s17], $0x2000  }
0x236: {  	[sflag:s17] =	ssyncset.done $0x0  }
0x237: {  	s18 =	simm.s32 $0x0;
	[sflag:s17] =	ssyncadd.s32 $0xFFFFE000  }
0x238: {  	s1 =	sand.u32 $0xFFFFE000, s18;
	_ =	swait.ge [sflag:s17], $0x2000  }
0x239: {  	s19 =	simm.s32 $0x0;
	s1 =	ssub.s32 $0x0, s1;
	[sflag:s17] =	ssyncset.done $0x0  }
0x23a: {  	s21 =	sand.u32 $0xFFFFFF80, s19;
	s20 =	sand.u32 $0xFFFFFC00, s1;
	[sflag:s17] =	ssyncadd.s32 $0xFFFFE000  }
0x23b: {  	s1 =	sand.u32 $0x40, s0;
	s22 =	sadd.s32 s21, s20;
	_ =	swait.ge [sflag:s17], $0x2000  }
0x23c: {  	s4 =	sor.u32 $0x30, s1;
	s23 =	sadd.s32 $0x10200, s22;
	[sflag:s17] =	ssyncset.done $0x0  }
0x23d: {  	s24 =	sor.u32 s4, s23;
	[sflag:s17] =	ssyncadd.s32 $0xFFFFE000  }
0x23e: {  	s0 =	sadd.s32 $0x1C200, s22;
	v2 =	vld [tilespmem:s24+$0x0]  }
0x23f: {  	s25 =	sor.u32 s4, s0  }
0x240: {  	v8 =	vld [tilespmem:s25+$0x0];
	_ =	sdelay $0x2  }
0x241: {  	s3 =	sor.u32 $0x10, s1;
	s26 =	sor.u32 s1, s23;
	v2 =	vmul.f32 $3.200000000e+01, v2  }
0x242: {  	s2 =	sand.u32 $0x3FFFFF80, s19;
	s10 =	sor.u32 s3, s23;
	v3 =	vld [tilespmem:s26+$0x0]  }
0x243: {  	s7 =	sadd.s32 s2, s20;
	s11 =	sor.u32 s1, s0;
	v4 =	vld [tilespmem:s10+$0x0];
	v5 =	vadd.f32 v2, v8  }
0x244: {  	s5 =	sadd.s32 $0x12200, s7;
	s28 =	sor.u32 s3, s0;
	v12 =	vld [tilespmem:s11+$0x0]  }
0x245: {  	s2 =	sor.u32 $0x20, s1;
	s11 =	sor.u32 s4, s5;
	v2 =	vld [tilespmem:s28+$0x0];
	[tilespmem:s24+$0x0] =	vst v5  }
0x246: {  	s18 =	simm.s32 $0x200;
	s17 =	sor.u32 s2, s23;
	v5 =	vld [tilespmem:s11+$0x0]  }
0x247: {  	s12 =	simm.s32 $0x8;
	s6 =	sand.u32 $0xFFFFE000, s18;
	v6 =	vld [tilespmem:s17+$0x0];
	v7 =	vmul.f32 $3.200000000e+01, v3  }
0x248: {  	s19 =	ssub.s32 $0x200, s6;
	s21 =	simm.s32 $0x40;
	s0 =	sor.u32 s2, s0  }
0x249: {  	s20 =	sand.u32 $0xFFFFFF80, s12;
	s21 =	sand.u32 $0x40, s21;
	v4 =	vmul.f32 $3.200000000e+01, v4;
	v3 =	vld [tilespmem:s0+$0x0];
	s0 =	sand.u32 $0xFFFFFC00, s19;
	v7 =	vadd.f32 v7, v12  }
0x24a: {  	s14 =	sor.u32 s1, s5;
	s13 =	sor.u32 s3, s5;
	s22 =	sadd.s32 s20, s0  }
0x24b: {  	s18 =	sor.u32 s2, s5;
	s5 =	sor.u32 $0x20, s21;
	s23 =	sadd.s32 $0x10200, s22;
	[tilespmem:s26+$0x0] =	vst v7;
	v4 =	vadd.f32 v4, v2;
	v5 =	vmul.f32 $3.200000000e+01, v5  }
0x24c: {  	v6 =	vmul.f32 $3.200000000e+01, v6;
	s26 =	sor.u32 s5, s23;
	v7 =	vld [tilespmem:s14+$0x0]  }
0x24d: {  	s6 =	sor.u32 $0x30, s21;
	v15 =	vld [tilespmem:s26+$0x0];
	[tilespmem:s10+$0x0] =	vst v4;
	v4 =	vadd.f32 v5, v8  }
0x24e: {  	s15 =	sor.u32 s6, s23;
	s24 =	sadd.s32 $0x1C200, s22;
	v9 =	vld [tilespmem:s13+$0x0];
	v5 =	vadd.f32 v6, v3  }
0x24f: {  	s16 =	sadd.s32 $0x14200, s7;
	s28 =	sor.u32 s6, s24;
	[tilespmem:s11+$0x0] =	vst v4;
	v4 =	vld [tilespmem:s15+$0x0]  }
0x250: {  	s25 =	sor.u32 s4, s16;
	[tilespmem:s17+$0x0] =	vst v5;
	v5 =	vld [tilespmem:s28+$0x0]  }
0x251: {  	v6 =	vld [tilespmem:s25+$0x0]  }
0x252: {  	s28 =	sor.u32 $0x10, s21;
	s17 =	sor.u32 s21, s23;
	v10 =	vld [tilespmem:s18+$0x0]  }
0x253: {  	v14 =	vmul.f32 $3.200000000e+01, v7;
	s19 =	sor.u32 s28, s23;
	v11 =	vld [tilespmem:s17+$0x0]  }
0x254: {  	s23 =	sor.u32 s21, s24;
	v13 =	vld [tilespmem:s19+$0x0];
	v4 =	vmul.f32 $3.200000000e+01, v4  }
0x255: {  	s12 =	sand.u32 $0x3FFFFF80, s12;
	s8 =	sor.u32 s5, s24;
	v14 =	vadd.f32 v14, v12;
	v9 =	vmul.f32 $3.200000000e+01, v9;
	v7 =	vld [tilespmem:s23+$0x0]  }
0x256: {  	s30 =	sadd.s32 s12, s0;
	s20 =	sor.u32 s28, s24;
	v16 =	vmul.f32 $3.200000000e+01, v6;
	v6 =	vld [tilespmem:s8+$0x0];
	v17 =	vadd.f32 v4, v5  }
0x257: {  	s12 =	sadd.s32 $0x12200, s30;
	[tilespmem:s14+$0x0] =	vst v14;
	v9 =	vadd.f32 v9, v2;
	v10 =	vmul.f32 $3.200000000e+01, v10;
	v4 =	vld [tilespmem:s20+$0x0]  }
0x258: {  	s24 =	sor.u32 s6, s12;
	v11 =	vmul.f32 $3.200000000e+01, v11;
	v16 =	vadd.f32 v16, v8;
	[tilespmem:s15+$0x0] =	vst v17  }
0x259: {  	s7 =	sadd.s32 $0x16200, s7;
	s14 =	sor.u32 s1, s16;
	[tilespmem:s13+$0x0] =	vst v9;
	v9 =	vmul.f32 $3.200000000e+01, v15;
	v10 =	vadd.f32 v10, v3;
	v14 =	vld [tilespmem:s24+$0x0]  }
0x25a: {  	s22 =	sor.u32 s4, s7;
	s10 =	simm.s32 $0x400;
	v13 =	vmul.f32 $3.200000000e+01, v13;
	v11 =	vadd.f32 v11, v7;
	v17 =	vld [tilespmem:s14+$0x0];
	[tilespmem:s25+$0x0] =	vst v16  }
0x25b: {  	s0 =	sor.u32 s2, s16;
	s9 =	sor.u32 s21, s12;
	s8 =	sand.u32 $0xFFFFE000, s10;
	[tilespmem:s18+$0x0] =	vst v10;
	v15 =	vld [tilespmem:s22+$0x0];
	v9 =	vadd.f32 v9, v6  }
0x25c: {  	s23 =	simm.s32 $0x80;
	s13 =	simm.s32 $0x10;
	s8 =	ssub.s32 $0x400, s8;
	[tilespmem:s17+$0x0] =	vst v11;
	v11 =	vld [tilespmem:s0+$0x0];
	v10 =	vadd.f32 v13, v4  }
0x25d: {  	s11 =	sand.u32 $0xFFFFFC00, s8;
	s25 =	sor.u32 s3, s16;
	s16 =	sand.u32 $0xFFFFFF80, s13;
	v16 =	vld [tilespmem:s9+$0x0];
	[tilespmem:s26+$0x0] =	vst v9  }
0x25e: {  	s31 =	sand.u32 $0x40, s23;
	s8 =	sor.u32 s5, s12;
	s17 =	sadd.s32 s16, s11;
	v13 =	vld [tilespmem:s25+$0x0];
	[tilespmem:s19+$0x0] =	vst v10;
	v10 =	vmul.f32 $3.200000000e+01, v14  }
0x25f: {  	s10 =	sor.u32 s28, s12;
	s20 =	sor.u32 $0x30, s31;
	s19 =	sadd.s32 $0x10200, s17;
	v9 =	vmul.f32 $3.200000000e+01, v17;
	v17 =	vld [tilespmem:s8+$0x0]  }
0x260: {  	s26 =	sadd.s32 $0x1C200, s17;
	v14 =	vld [tilespmem:s10+$0x0];
	s18 =	sor.u32 s20, s19;
	v10 =	vadd.f32 v10, v5  }
0x261: {  	s29 =	sadd.s32 $0x14200, s30;
	s13 =	sor.u32 s20, s26;
	v18 =	vld [tilespmem:s18+$0x0]  }
0x262: {  	s15 =	sor.u32 s6, s29;
	v15 =	vmul.f32 $3.200000000e+01, v15;
	[tilespmem:s24+$0x0] =	vst v10;
	v10 =	vadd.f32 v9, v12;
	v9 =	vld [tilespmem:s13+$0x0]  }
0x263: {  	v13 =	vmul.f32 $3.200000000e+01, v13;
	s24 =	sor.u32 s31, s26;
	v19 =	vld [tilespmem:s15+$0x0]  }
0x264: {  	s4 =	sor.u32 s1, s7;
	s16 =	sor.u32 $0x10, s31;
	[tilespmem:s14+$0x0] =	vst v10;
	v10 =	vmul.f32 $3.200000000e+01, v11;
	v11 =	vadd.f32 v15, v8;
	v8 =	vld [tilespmem:s24+$0x0]  }
0x265: {  	s12 =	smov.u32 s31;
	s1 =	sor.u32 s31, s19;
	s17 =	sor.u32 s16, s19;
	v13 =	vadd.f32 v13, v2;
	v15 =	vmul.f32 $3.200000000e+01, v16;
	v16 =	vld [tilespmem:s4+$0x0]  }
0x266: {  	s13 =	simm.s32 $0x10;
	s24 =	sor.u32 $0x20, s31;
	s14 =	sor.u32 s2, s7;
	[tilespmem:s22+$0x0] =	vst v11;
	v11 =	vmul.f32 $3.200000000e+01, v14;
	v10 =	vadd.f32 v10, v3;
	v14 =	vld [tilespmem:s1+$0x0]  }
0x267: {  	[tilespmem:s25+$0x0] =	vst v13;
	v18 =	vmul.f32 $3.200000000e+01, v18;
	s2 =	sor.u32 s16, s26;
	s25 =	sand.u32 $0x3FFFFF80, s13;
	s19 =	sor.u32 s24, s19;
	v13 =	vadd.f32 v15, v7;
	v15 =	vld [tilespmem:s17+$0x0]  }
0x268: {  	s31 =	sadd.s32 s25, s11;
	s11 =	sor.u32 s21, s29;
	s25 =	sadd.s32 $0x16200, s30;
	v20 =	vld [tilespmem:s19+$0x0];
	[tilespmem:s0+$0x0] =	vst v10;
	v11 =	vadd.f32 v11, v4;
	v19 =	vmul.f32 $3.200000000e+01, v19  }
0x269: {  	s30 =	sor.u32 s5, s29;
	s22 =	sor.u32 s3, s7;
	[tilespmem:s9+$0x0] =	vst v13;
	v13 =	vmul.f32 $3.200000000e+01, v17;
	s0 =	sor.u32 s24, s26;
	v10 =	vld [tilespmem:s2+$0x0];
	v17 =	vadd.f32 v18, v9  }
0x26a: {  	s7 =	simm.s32 $0x8;
	s3 =	simm.s32 $0x400;
	s13 =	sadd.s32 $0x12200, s31;
	[tilespmem:s10+$0x0] =	vst v11;
	v16 =	vmul.f32 $3.200000000e+01, v16;
	v11 =	vld [tilespmem:s0+$0x0];
	v18 =	vadd.f32 v19, v5  }
0x26b: {  	s6 =	sor.u32 s6, s25;
	s26 =	sor.u32 s28, s29;
	s9 =	sor.u32 s20, s13;
	v19 =	vadd.f32 v13, v6;
	[tilespmem:s18+$0x0] =	vst v17;
	v13 =	vld [tilespmem:s11+$0x0]  }
0x26c: {  	s29 =	sor.u32 s12, s13;
	s2 =	sor.u32 s24, s13;
	s0 =	sor.u32 s16, s13;
	v14 =	vmul.f32 $3.200000000e+01, v14;
	v17 =	vmul.f32 $3.200000000e+01, v15;
	v15 =	vld [tilespmem:s9+$0x0];
	v16 =	vadd.f32 v16, v12;
	[tilespmem:s15+$0x0] =	vst v18  }
0x26d: {  	s13 =	sor.u32 s28, s25;
	s10 =	sor.u32 s5, s25;
	s5 =	simm.s32 $0xC;
	[tilespmem:s8+$0x0] =	vst v19;
	v12 =	vld [tilespmem:s6+$0x0]  }
0x26e: {  	s8 =	smov.u32 s16;
	s16 =	sor.u32 s21, s25;
	s21 =	smov.u32 s11;
	v18 =	vadd.f32 v14, v8;
	v17 =	vadd.f32 v17, v10;
	v14 =	vld [tilespmem:s26+$0x0];
	[tilespmem:s4+$0x0] =	vst v16;
	v16 =	vmul.f32 $3.200000000e+01, v20  }
.LBB2_7:
0x26f: {  	[dreg:$0x14] =	wrdreg s16  }
0x270: {  	[dreg:$0xb] =	wrdreg s8  }
0x271: {  	[dreg:$0xa] =	wrdreg s13;
	s11 =	sshll.u32 s5, $0x7;
	s25 =	smov.u32 s20  }
0x272: {  	s13 =	smov.u32 s24;
	s7 =	sadd.s32 $0x4, s7;
	s3 =	sadd.s32 $0x200, s3  }
0x273: {  	s23 =	sadd.s32 $0x40, s23;
	[dreg:$0x16] =	wrdreg s12;
	[tilespmem:s1+$0x0] =	vst v18;
	v18 =	vld [tilespmem:s30+$0x0];
	s15 =	sand.u32 $0xFFFFE000, s11;
	v16 =	vadd.f32 v16, v11;
	v15 =	vmul.f32 $3.200000000e+01, v15  }
0x274: {  	s4 =	smov.u32 s31;
	[tilespmem:s17+$0x0] =	vst v17;
	s18 =	sshll.u32 s7, $0x1;
	v19 =	vld [tilespmem:s29+$0x0];
	s1 =	ssub.s32 s3, s15;
	v13 =	vmul.f32 $3.200000000e+01, v13  }
0x275: {  	s5 =	sadd.s32 $0x4, s5;
	v17 =	vld [tilespmem:s0+$0x0];
	s17 =	sand.u32 $0xFFFFFF80, s18;
	s15 =	sand.u32 $0xFFFFFC00, s1;
	[tilespmem:s19+$0x0] =	vst v16;
	v15 =	vadd.f32 v15, v9  }
0x276: {  	[dreg:$0x12] =	wrdreg s25;
	s8 =	sand.u32 $0x40, s23;
	v12 =	vmul.f32 $3.200000000e+01, v12;
	s1 =	sadd.s32 s17, s15;
	v16 =	vld [tilespmem:s2+$0x0];
	v13 =	vadd.f32 v13, v7  }
0x277: {  	[dreg:$0xe] =	wrdreg s13;
	v20 =	vld [tilespmem:s22+$0x0];
	s20 =	sor.u32 $0x30, s8;
	v14 =	vmul.f32 $3.200000000e+01, v14;
	s19 =	sadd.s32 $0x10200, s1;
	[tilespmem:s9+$0x0] =	vst v15  }
0x278: {  	p0 =	slt.u32 s7, $0x1FC;
	[dreg:$0x10] =	wrdreg s4;
	v12 =	vadd.f32 v12, v5;
	[tilespmem:s21+$0x0] =	vst v13;
	v13 =	vmul.f32 $3.200000000e+01, v18;
	v18 =	vld [tilespmem:s14+$0x0];
	s21 =	sor.u32 s20, s19  }
0x279: {  	s31 =	sadd.s32 $0x14200, s4;
	s13 =	smov.u32 s23;
	s28 =	sadd.s32 $0x1C200, s1;
	v5 =	vmov v9;
	v14 =	vadd.f32 v14, v4;
	v9 =	vmul.f32 $3.200000000e+01, v19;
	v19 =	vld [tilespmem:s21+$0x0]  }
0x27a: {  	v17 =	vmul.f32 $3.200000000e+01, v17;
	v15 =	vld [tilespmem:s16+$0x0];
	s16 =	smov.u32 s10;
	s10 =	sor.u32 s25, s31;
	[tilespmem:s6+$0x0] =	vst v12;
	s25 =	sor.u32 s20, s28;
	v13 =	vadd.f32 v13, v6  }
0x27b: {  	s4 =	rddreg [dreg:$0xb];
	s11 =	sor.u32 $0x10, s8;
	s24 =	sor.u32 $0x20, s8;
	[tilespmem:s26+$0x0] =	vst v14;
	v12 =	vadd.f32 v9, v8;
	v9 =	vld [tilespmem:s25+$0x0];
	v16 =	vmul.f32 $3.200000000e+01, v16  }
0x27c: {  	s23 =	sor.u32 s12, s31;
	s12 =	sand.u32 $0x3FFFFF80, s18;
	s1 =	sor.u32 s8, s19;
	v14 =	vadd.f32 v17, v10;
	v21 =	vld [tilespmem:s10+$0x0];
	[tilespmem:s30+$0x0] =	vst v13;
	v13 =	vmul.f32 $3.200000000e+01, v20  }
0x27d: {  	s18 =	rddreg [dreg:$0xa];
	s17 =	sor.u32 s11, s19;
	s9 =	sor.u32 s8, s28;
	v17 =	vld [tilespmem:s1+$0x0];
	[tilespmem:s29+$0x0] =	vst v12;
	v12 =	vadd.f32 v16, v11;
	v16 =	vmul.f32 $3.200000000e+01, v18  }
0x27e: {  	s19 =	sor.u32 s24, s19;
	s26 =	smov.u32 s14;
	s14 =	sor.u32 s11, s28;
	v18 =	vld [tilespmem:s17+$0x0];
	[tilespmem:s0+$0x0] =	vst v14;
	v13 =	vadd.f32 v13, v2;
	v19 =	vmul.f32 $3.200000000e+01, v19  }
0x27f: {  	s28 =	sor.u32 s24, s28;
	s6 =	sor.u32 s4, s31;
	s25 =	rddreg [dreg:$0xe];
	v14 =	vmul.f32 $3.200000000e+01, v15;
	v15 =	vld [tilespmem:s19+$0x0];
	[tilespmem:s2+$0x0] =	vst v12;
	v12 =	vadd.f32 v16, v3  }
0x280: {  	s30 =	sor.u32 s25, s31;
	s31 =	sadd.s32 s12, s15;
	s12 =	rddreg [dreg:$0x14];
	[tilespmem:s22+$0x0] =	vst v13;
	v13 =	vadd.f32 v19, v9  }
0x281: {  	v16 =	vmul.f32 $3.200000000e+01, v21;
	v14 =	vadd.f32 v14, v7;
	v7 =	vmov v8;
	v8 =	vld [tilespmem:s9+$0x0];
	s22 =	smov.u32 s18;
	s18 =	rddreg [dreg:$0x12];
	[tilespmem:s26+$0x0] =	vst v12;
	s26 =	smov.u32 s6  }
0x282: {  	v2 =	vmov v4;
	v4 =	vmov v10;
	v10 =	vld [tilespmem:s14+$0x0];
	s14 =	smov.u32 s16;
	s6 =	sadd.s32 $0x12200, s31;
	[tilespmem:s21+$0x0] =	vst v13;
	s21 =	smov.u32 s23  }
.Ltmp4:
0x283: {  	v3 =	vmovc v6;
	v6 =	vmov v11;
	v12 =	vmul.f32 $3.200000000e+01, v17;
	v17 =	vadd.f32 v16, v5;
	v11 =	vld [tilespmem:s28+$0x0];
	[tilespmem:s12+$0x0] =	vst v14;
	s23 =	smov.u32 s13;
	s13 =	rddreg [dreg:$0x10];
	(pc) =	sbr.rel @p0 .LBB2_7-.Ltmp4, $4  }
0x284: {  	s29 =	sor.u32 s8, s6;
	s9 =	sor.u32 s20, s6;
	v13 =	vld [tilespmem:s21+$0x0];
	s15 =	sadd.s32 $0x16200, s13  }
0x285: {  	v14 =	vmul.f32 $3.200000000e+01, v18;
	s0 =	sor.u32 s11, s6;
	s2 =	sor.u32 s24, s6;
	v16 =	vmul.f32 $3.200000000e+01, v15;
	v15 =	vld [tilespmem:s9+$0x0];
	[tilespmem:s10+$0x0] =	vst v17;
	s6 =	sor.u32 s18, s15  }
0x286: {  	s28 =	rddreg [dreg:$0x16];
	s12 =	smov.u32 s8;
	s8 =	smov.u32 s11;
	v18 =	vadd.f32 v12, v8;
	v12 =	vld [tilespmem:s6+$0x0]  }
0x287: {  	s16 =	sor.u32 s28, s15;
	s13 =	sor.u32 s4, s15;
	s10 =	sor.u32 s25, s15;
	v17 =	vadd.f32 v14, v10;
	v14 =	vld [tilespmem:s26+$0x0]  }
0x288: {  	[tilespmem:s1+$0x0] =	vst v18;
	v16 =	vadd.f32 v16, v11  }
0x289: {  	v18 =	vld [tilespmem:s29+$0x0];
	[tilespmem:s17+$0x0] =	vst v17  }
0x28a: {  	v17 =	vld [tilespmem:s0+$0x0];
	[tilespmem:s19+$0x0] =	vst v16  }
0x28b: {  	v15 =	vmul.f32 $3.200000000e+01, v15;
	v16 =	vld [tilespmem:s2+$0x0];
	_ =	sdelay $0x1  }
0x28c: {  	v15 =	vadd.f32 v15, v9  }
0x28d: {  	s23 =	sadd.s32 $0x14200, s31;
	v18 =	vmul.f32 $3.200000000e+01, v18  }
0x28e: {  	s3 =	sor.u32 s20, s23;
	[tilespmem:s9+$0x0] =	vst v15;
	v41 =	vmul.f32 $3.200000000e+01, v17  }
0x28f: {  	v43 =	vld [tilespmem:s3+$0x0];
	v42 =	vadd.f32 v18, v8;
	v16 =	vmul.f32 $3.200000000e+01, v16  }
0x290: {  	v15 =	vadd.f32 v41, v10  }
0x291: {  	v19 =	vld [tilespmem:s30+$0x0];
	s5 =	sor.u32 s12, s23;
	[tilespmem:s29+$0x0] =	vst v42;
	v16 =	vadd.f32 v16, v11  }
0x292: {  	s7 =	sor.u32 s8, s23;
	[tilespmem:s0+$0x0] =	vst v15;
	v44 =	vld [tilespmem:s5+$0x0]  }
0x293: {  	v13 =	vmul.f32 $3.200000000e+01, v13;
	s25 =	sor.u32 s24, s23;
	[tilespmem:s2+$0x0] =	vst v16;
	v45 =	vld [tilespmem:s7+$0x0]  }
0x294: {  	v46 =	vmul.f32 $3.200000000e+01, v43;
	v47 =	vld [tilespmem:s25+$0x0]  }
0x295: {  	v13 =	vadd.f32 v13, v7;
	v14 =	vmul.f32 $3.200000000e+01, v14  }
0x296: {  	v20 =	vld [tilespmem:s22+$0x0];
	v19 =	vmul.f32 $3.200000000e+01, v19;
	v17 =	vadd.f32 v46, v9  }
0x297: {  	v48 =	vld [tilespmem:s14+$0x0];
	s28 =	sadd.s32 $0x16200, s31;
	[tilespmem:s21+$0x0] =	vst v13;
	v14 =	vadd.f32 v14, v4;
	v15 =	vmul.f32 $3.200000000e+01, v44  }
0x298: {  	v49 =	vld [tilespmem:s16+$0x0];
	v19 =	vadd.f32 v19, v6;
	s29 =	sor.u32 s20, s28;
	[tilespmem:s3+$0x0] =	vst v17;
	v16 =	vmul.f32 $3.200000000e+01, v45  }
0x299: {  	[tilespmem:s26+$0x0] =	vst v14;
	v50 =	vld [tilespmem:s29+$0x0];
	v15 =	vadd.f32 v15, v8;
	v18 =	vmul.f32 $3.200000000e+01, v47  }
0x29a: {  	v12 =	vmul.f32 $3.200000000e+01, v12;
	[tilespmem:s30+$0x0] =	vst v19;
	v51 =	vld [tilespmem:s13+$0x0];
	v16 =	vadd.f32 v16, v10  }
0x29b: {  	v20 =	vmul.f32 $3.200000000e+01, v20;
	s30 =	sor.u32 s12, s28;
	v52 =	vld [tilespmem:s10+$0x0];
	[tilespmem:s5+$0x0] =	vst v15;
	v18 =	vadd.f32 v18, v11  }
0x29c: {  	s4 =	sor.u32 s8, s28;
	v5 =	vadd.f32 v12, v5;
	v53 =	vmul.f32 $3.200000000e+01, v48;
	v54 =	vld [tilespmem:s30+$0x0];
	[tilespmem:s7+$0x0] =	vst v16  }
0x29d: {  	s1 =	sor.u32 s24, s28;
	v2 =	vadd.f32 v20, v2;
	v55 =	vmul.f32 $3.200000000e+01, v49;
	[tilespmem:s25+$0x0] =	vst v18;
	v56 =	vld [tilespmem:s4+$0x0]  }
0x29e: {  	[tilespmem:s6+$0x0] =	vst v5;
	v3 =	vadd.f32 v53, v3;
	v57 =	vmul.f32 $3.200000000e+01, v50;
	v58 =	vld [tilespmem:s1+$0x0]  }
0x29f: {  	[tilespmem:s22+$0x0] =	vst v2;
	v59 =	vadd.f32 v55, v7;
	v2 =	vmul.f32 $3.200000000e+01, v51  }
0x2a0: {  	[tilespmem:s14+$0x0] =	vst v3;
	v60 =	vmul.f32 $3.200000000e+01, v52;
	v3 =	vadd.f32 v57, v9  }
0x2a1: {  	[tilespmem:s16+$0x0] =	vst v59;
	v2 =	vadd.f32 v2, v4;
	v61 =	vmul.f32 $3.200000000e+01, v54  }
0x2a2: {  	[tilespmem:s29+$0x0] =	vst v3;
	v3 =	vadd.f32 v60, v6;
	v62 =	vmul.f32 $3.200000000e+01, v56  }
0x2a3: {  	[tilespmem:s13+$0x0] =	vst v2;
	v63 =	vadd.f32 v61, v8;
	v2 =	vmul.f32 $3.200000000e+01, v58  }
0x2a4: {  	[tilespmem:s10+$0x0] =	vst v3;
	v3 =	vadd.f32 v62, v10  }
0x2a5: {  	[tilespmem:s30+$0x0] =	vst v63;
	v2 =	vadd.f32 v2, v11  }
0x2a6: {  	[tilespmem:s4+$0x0] =	vst v3  }
0x2a7: {  	s31 =	simm.s32 $0x5;
	[tilespmem:s1+$0x0] =	vst v2  }
0x2a8: {  	_ =	swait.ge [sflag:s31], $0x2000  }
0x2a9: {  	[sflag:s31] =	ssyncset.done $0x0  }
0x2aa: {  	[sflag:s31] =	ssyncadd.s32 $0xFFFFE000  }
0x2ab: {  	_ =	swait.ge [sflag:s31], $0x2000  }
0x2ac: {  	[sflag:s31] =	ssyncset.done $0x0  }
0x2ad: {  	[sflag:s31] =	ssyncadd.s32 $0xFFFFE000  }
0x2ae: {  	_ =	swait.ge [sflag:s31], $0x2000  }
0x2af: {  	[sflag:s31] =	ssyncset.done $0x0  }
0x2b0: {  	[sflag:s31] =	ssyncadd.s32 $0xFFFFE000  }
0x2b1: {  	_ =	swait.ge [sflag:s31], $0x2000  }
0x2b2: {  	s8 =	sld [smem:$0x7F7];
	_ =	sdelay $0x2  }
0x2b3: {  	p0 =	seq.s32 s8, $0x4  }
.Ltmp5:
0x2b4: {  	_ = 	snop;
	(pc) =	sbr.rel @p0 .LBB2_10-.Ltmp5, $3  }
0x2b5: {  	_ =	sdelay $0x1  }
0x2b6: {  	[sflag:s31] =	ssyncset.done $0x0  }
0x2b7: {  	s3 =	simm.s32 $0x0;
	[sflag:s31] =	ssyncadd.s32 $0xFFFFE000  }
0x2b8: {  	s1 =	sld [smem:$0x7F4];
	_ =	sdelay $0x2  }
0x2b9: {  	v2 =	vld.msk [tilespmem:s1+$0x20], $0xff;
	_ =	sdelay $0x4  }
0x2ba: {  	v3 =	vshll.u32 v2, $0x3  }
0x2bb: {  	v2 =	vand.u32 $0x7, v2;
	v3 =	vand.u32 $0xFFFFFFC0, v3  }
0x2bc: {  	v2 =	vor.u32 v2, v3  }
0x2bd: {  	v2 =	vperm.xlane v2, v0;
	_ =	sdelay $0x1  }
0x2be: {  	v2 =	vadd.s32 v1, v2;
	_ =	sdelay $0x3  }
0x2bf: {  	s2 =	rddreg [dreg:$0x1];
	s0 =	simm.s32 $0x8200  }
0x2c0: {  	[tilespmem:s0], [sflag:$0x2] =	stream.indirect_vreg.gather [hbm4b:s2+s3], $0x80, v2, vm0, $0xb8;
	[tilespmem:$0x1E200] =	vst v63  }
0x2c1: {  	s4 =	rddreg [dreg:$0x19];
	s12 =	simm.s32 $0x8A00  }
0x2c2: {  	[tilespmem:s12], [sflag:$0x2] =	stream.indirect_vreg.gather [hbm4b:s4+s3], $0x80, v2, vm0, $0xb8;
	[tilespmem:$0x1E200] =	vst v63  }
0x2c3: {  	s5 =	rddreg [dreg:$0x1a];
	s13 =	simm.s32 $0x9200;
	s14 =	sadd.s32 $0x20, s1  }
0x2c4: {  	[tilespmem:s13], [sflag:$0x2] =	stream.indirect_vreg.gather [hbm4b:s5+s3], $0x80, v2, vm0, $0xb8;
	[tilespmem:$0x1E200] =	vst v63  }
0x2c5: {  	s6 =	rddreg [dreg:$0x1c];
	s15 =	simm.s32 $0x9A00;
	s16 =	sand.u32 $0x1F8, s14  }
0x2c6: {  	[tilespmem:s15], [sflag:$0x2] =	stream.indirect_vreg.gather [hbm4b:s6+s3], $0x80, v2, vm0, $0xb8;
	[tilespmem:$0x1E200] =	vst v63  }
0x2c7: {  	v2 =	vld.msk [tilespmem:s16+$0x80], $0xff;
	_ =	sdelay $0x4  }
0x2c8: {  	v3 =	vshll.u32 v2, $0x3  }
0x2c9: {  	v2 =	vand.u32 $0x7, v2;
	v3 =	vand.u32 $0xFFFFFFC0, v3  }
0x2ca: {  	v2 =	vor.u32 v2, v3  }
0x2cb: {  	v2 =	vperm.xlane v2, v0;
	_ =	sdelay $0x1  }
0x2cc: {  	v2 =	vadd.s32 v1, v2;
	_ =	sdelay $0x3  }
0x2cd: {  	s7 =	simm.s32 $0xA200  }
0x2ce: {  	[tilespmem:s7], [sflag:$0x2] =	stream.indirect_vreg.gather [hbm4b:s2+s3], $0x80, v2, vm0, $0xb8;
	[tilespmem:$0x1E200] =	vst v63  }
0x2cf: {  	s17 =	simm.s32 $0xAA00  }
0x2d0: {  	[tilespmem:s17], [sflag:$0x2] =	stream.indirect_vreg.gather [hbm4b:s4+s3], $0x80, v2, vm0, $0xb8;
	[tilespmem:$0x1E200] =	vst v63  }
0x2d1: {  	s18 =	simm.s32 $0xB200  }
0x2d2: {  	[tilespmem:s18], [sflag:$0x2] =	stream.indirect_vreg.gather [hbm4b:s5+s3], $0x80, v2, vm0, $0xb8;
	[tilespmem:$0x1E200] =	vst v63  }
0x2d3: {  	s19 =	simm.s32 $0xBA00  }
0x2d4: {  	[tilespmem:s19], [sflag:$0x2] =	stream.indirect_vreg.gather [hbm4b:s6+s3], $0x80, v2, vm0, $0xb8;
	[tilespmem:$0x1E200] =	vst v63  }
0x2d5: {  	v2 =	vld.msk [tilespmem:s16+$0x100], $0xff;
	_ =	sdelay $0x4  }
0x2d6: {  	v3 =	vshll.u32 v2, $0x3  }
0x2d7: {  	v2 =	vand.u32 $0x7, v2;
	v3 =	vand.u32 $0xFFFFFFC0, v3  }
0x2d8: {  	v2 =	vor.u32 v2, v3  }
0x2d9: {  	v2 =	vperm.xlane v2, v0;
	_ =	sdelay $0x1  }
0x2da: {  	v2 =	vadd.s32 v1, v2;
	_ =	sdelay $0x3  }
0x2db: {  	s20 =	simm.s32 $0xC200  }
0x2dc: {  	[tilespmem:s20], [sflag:$0x2] =	stream.indirect_vreg.gather [hbm4b:s2+s3], $0x80, v2, vm0, $0xb8;
	[tilespmem:$0x1E200] =	vst v63  }
0x2dd: {  	s21 =	simm.s32 $0xCA00  }
0x2de: {  	[tilespmem:s21], [sflag:$0x2] =	stream.indirect_vreg.gather [hbm4b:s4+s3], $0x80, v2, vm0, $0xb8;
	[tilespmem:$0x1E200] =	vst v63  }
0x2df: {  	s22 =	simm.s32 $0xD200  }
0x2e0: {  	[tilespmem:s22], [sflag:$0x2] =	stream.indirect_vreg.gather [hbm4b:s5+s3], $0x80, v2, vm0, $0xb8;
	[tilespmem:$0x1E200] =	vst v63  }
0x2e1: {  	s23 =	simm.s32 $0xDA00  }
0x2e2: {  	[tilespmem:s23], [sflag:$0x2] =	stream.indirect_vreg.gather [hbm4b:s6+s3], $0x80, v2, vm0, $0xb8;
	[tilespmem:$0x1E200] =	vst v63  }
0x2e3: {  	v2 =	vld.msk [tilespmem:s16+$0x180], $0xff;
	_ =	sdelay $0x4  }
0x2e4: {  	v3 =	vshll.u32 v2, $0x3  }
0x2e5: {  	v2 =	vand.u32 $0x7, v2;
	v3 =	vand.u32 $0xFFFFFFC0, v3  }
0x2e6: {  	v2 =	vor.u32 v2, v3  }
0x2e7: {  	v2 =	vperm.xlane v2, v0;
	_ =	sdelay $0x1  }
0x2e8: {  	v2 =	vadd.s32 v1, v2;
	_ =	sdelay $0x3  }
0x2e9: {  	s24 =	simm.s32 $0xE200  }
0x2ea: {  	[tilespmem:s24], [sflag:$0x2] =	stream.indirect_vreg.gather [hbm4b:s2+s3], $0x80, v2, vm0, $0xb8;
	[tilespmem:$0x1E200] =	vst v63  }
0x2eb: {  	s25 =	simm.s32 $0xEA00  }
0x2ec: {  	[tilespmem:s25], [sflag:$0x2] =	stream.indirect_vreg.gather [hbm4b:s4+s3], $0x80, v2, vm0, $0xb8;
	[tilespmem:$0x1E200] =	vst v63  }
0x2ed: {  	s26 =	simm.s32 $0xF200;
	s29 =	rddreg [dreg:$0x17]  }
0x2ee: {  	[tilespmem:s26], [sflag:$0x2] =	stream.indirect_vreg.gather [hbm4b:s5+s3], $0x80, v2, vm0, $0xb8;
	[tilespmem:$0x1E200] =	vst v63  }
.Ltmp6:
0x2ef: {  	s0 =	sadd.s32 s29, s14;
	(pc) =	sbr.rel .LBB2_10-.Ltmp6, $4  }
0x2f0: {  	s28 =	simm.s32 $0xFA00;
	s30 =	rddreg [dreg:$0x2];
	s0 =	sshll.u32 s0, $0x7  }
0x2f1: {  	[tilespmem:s28], [sflag:$0x2] =	stream.indirect_vreg.gather [hbm4b:s6+s3], $0x80, v2, vm0, $0xb8;
	[tilespmem:$0x1E200] =	vst v63  }
0x2f2: {  	s31 =	simm.s32 $0x1A200;
	s0 =	sadd.s32 s30, s0  }
0x2f3: {  	[tilespmem:s31], [sflag:$0x2] =	stream.linear.gather [hbm4b:s0+s3], $0x2000, $0x38;
	[tilespmem:$0x1E200] =	vst v63  }
.LBB2_11:
0x2f4: {  	s3 =	simm.s32 $0x1  }
0x2f5: {  	_ =	swait.ge [sflag:s3], $0x2000  }
0x2f6: {  	[sflag:s3] =	ssyncset.done $0x0  }
0x2f7: {  	[sflag:s3] =	ssyncadd.s32 $0xFFFFE000  }
0x2f8: {  	_ =	swait.ge [sflag:s3], $0x2000  }
0x2f9: {  	[sflag:s3] =	ssyncset.done $0x0  }
0x2fa: {  	[sflag:s3] =	ssyncadd.s32 $0xFFFFE000  }
0x2fb: {  	_ =	swait.ge [sflag:s3], $0x2000  }
0x2fc: {  	[sflag:s3] =	ssyncset.done $0x0  }
0x2fd: {  	[sflag:s3] =	ssyncadd.s32 $0xFFFFE000  }
0x2fe: {  	s0 =	simm.s32 $0x0;
	s1 =	simm.s32 $0x0;
	_ =	swait.ge [sflag:s3], $0x2000  }
0x2ff: {  	s2 =	simm.s32 $0x0;
	s0 =	sand.u32 $0xFFFFE000, s0;
	[sflag:s3] =	ssyncset.done $0x0  }
0x300: {  	s6 =	sand.u32 $0x40, s1;
	s0 =	ssub.s32 $0x0, s0;
	[sflag:s3] =	ssyncadd.s32 $0xFFFFE000  }
0x301: {  	s18 =	sand.u32 $0xFFFFFF80, s2;
	s0 =	sand.u32 $0xFFFFFC00, s0;
	_ =	swait.ge [sflag:s3], $0x2000  }
0x302: {  	s8 =	sor.u32 $0x30, s6;
	s1 =	sadd.s32 s18, s0;
	[sflag:s3] =	ssyncset.done $0x0  }
0x303: {  	s5 =	sor.u32 s8, s1;
	[sflag:s3] =	ssyncadd.s32 $0xFFFFE000  }
0x304: {  	v2 =	vld [tilespmem:s5+$0x200];
	_ =	sdelay $0x1  }
0x305: {  	s7 =	sor.u32 s6, s1;
	v8 =	vld [tilespmem:s5+$0x18200]  }
0x306: {  	v4 =	vld [tilespmem:s7+$0x200]  }
0x307: {  	s4 =	sor.u32 $0x10, s6  }
0x308: {  	s11 =	sor.u32 s4, s1;
	v12 =	vld [tilespmem:s7+$0x18200];
	v2 =	vmul.f32 $3.200000000e+01, v2  }
0x309: {  	s19 =	sand.u32 $0x3FFFFF80, s2;
	s3 =	sor.u32 $0x20, s6;
	v5 =	vld [tilespmem:s11+$0x200]  }
0x30a: {  	s9 =	sadd.s32 s19, s0;
	s12 =	sor.u32 s3, s1;
	v3 =	vld [tilespmem:s11+$0x18200];
	v7 =	vadd.f32 v2, v8  }
0x30b: {  	s0 =	sadd.s32 $0x2200, s9;
	v6 =	vld [tilespmem:s12+$0x200];
	v4 =	vmul.f32 $3.200000000e+01, v4  }
0x30c: {  	s20 =	sor.u32 s8, s0;
	v2 =	vld [tilespmem:s12+$0x18200];
	[tilespmem:s5+$0x200] =	vst v7  }
0x30d: {  	v4 =	vadd.f32 v4, v12;
	v7 =	vld [tilespmem:s20+$0x0]  }
0x30e: {  	s21 =	simm.s32 $0x200;
	v5 =	vmul.f32 $3.200000000e+01, v5  }
0x30f: {  	s13 =	sor.u32 s6, s0;
	s1 =	sand.u32 $0xFFFFE000, s21;
	[tilespmem:s7+$0x200] =	vst v4  }
0x310: {  	s23 =	simm.s32 $0x8;
	s24 =	simm.s32 $0x40;
	s22 =	ssub.s32 $0x200, s1;
	v6 =	vmul.f32 $3.200000000e+01, v6;
	v5 =	vadd.f32 v5, v3;
	v9 =	vld [tilespmem:s13+$0x0]  }
0x311: {  	s26 =	sand.u32 $0xFFFFFF80, s23;
	s1 =	sand.u32 $0x40, s24;
	s25 =	sand.u32 $0xFFFFFC00, s22  }
0x312: {  	s10 =	sor.u32 s4, s0;
	s28 =	sadd.s32 s26, s25;
	[tilespmem:s11+$0x200] =	vst v5;
	s5 =	sor.u32 $0x30, s1;
	v4 =	vadd.f32 v6, v2;
	v6 =	vmul.f32 $3.200000000e+01, v7  }
0x313: {  	v10 =	vld [tilespmem:s10+$0x0];
	s15 =	sor.u32 s5, s28  }
0x314: {  	s18 =	sor.u32 s1, s28;
	[tilespmem:s12+$0x200] =	vst v4;
	v7 =	vld [tilespmem:s15+$0x18200];
	v4 =	vadd.f32 v6, v8  }
0x315: {  	v5 =	vmul.f32 $3.200000000e+01, v9;
	v9 =	vld [tilespmem:s18+$0x200]  }
0x316: {  	s14 =	sor.u32 s3, s0;
	[tilespmem:s20+$0x0] =	vst v4;
	v4 =	vld [tilespmem:s15+$0x200]  }
0x317: {  	s16 =	sadd.s32 $0x4200, s9;
	v6 =	vld [tilespmem:s14+$0x0]  }
0x318: {  	s17 =	sor.u32 s8, s16;
	s2 =	sor.u32 $0x20, s1;
	v14 =	vadd.f32 v5, v12;
	v5 =	vld [tilespmem:s18+$0x18200]  }
0x319: {  	s0 =	sor.u32 $0x10, s1;
	s20 =	sor.u32 s2, s28;
	v11 =	vld [tilespmem:s17+$0x0]  }
0x31a: {  	s19 =	sor.u32 s0, s28;
	v10 =	vmul.f32 $3.200000000e+01, v10;
	v15 =	vld [tilespmem:s20+$0x200]  }
0x31b: {  	v13 =	vld [tilespmem:s19+$0x200];
	v16 =	vmul.f32 $3.200000000e+01, v4  }
0x31c: {  	s7 =	sand.u32 $0x3FFFFF80, s23;
	v10 =	vadd.f32 v10, v3;
	v9 =	vmul.f32 $3.200000000e+01, v9;
	v17 =	vmul.f32 $3.200000000e+01, v6;
	v6 =	vld [tilespmem:s20+$0x18200]  }
0x31d: {  	s21 =	sor.u32 s6, s16;
	s7 =	sadd.s32 s7, s25;
	[tilespmem:s13+$0x0] =	vst v14;
	v4 =	vld [tilespmem:s19+$0x18200];
	v14 =	vadd.f32 v16, v7  }
0x31e: {  	s11 =	sadd.s32 $0x2200, s7;
	[tilespmem:s10+$0x0] =	vst v10;
	v9 =	vadd.f32 v9, v5;
	v11 =	vmul.f32 $3.200000000e+01, v11;
	v16 =	vld [tilespmem:s21+$0x0]  }
0x31f: {  	s9 =	sadd.s32 $0x6200, s9;
	s24 =	simm.s32 $0x400;
	s29 =	sor.u32 s5, s11;
	v17 =	vadd.f32 v17, v2;
	v10 =	vmul.f32 $3.200000000e+01, v15;
	[tilespmem:s15+$0x200] =	vst v14  }
0x320: {  	s22 =	sor.u32 s4, s16;
	s16 =	sor.u32 s3, s16;
	s23 =	simm.s32 $0x10;
	[tilespmem:s18+$0x200] =	vst v9;
	v11 =	vadd.f32 v11, v8;
	v14 =	vld [tilespmem:s29+$0x0]  }
0x321: {  	v13 =	vmul.f32 $3.200000000e+01, v13;
	s12 =	sor.u32 s1, s11;
	s10 =	sand.u32 $0xFFFFE000, s24;
	s18 =	simm.s32 $0x80;
	v15 =	vld [tilespmem:s22+$0x0];
	[tilespmem:s14+$0x0] =	vst v17;
	v9 =	vadd.f32 v10, v6  }
0x322: {  	s10 =	ssub.s32 $0x400, s10;
	s30 =	sand.u32 $0x40, s18;
	v17 =	vld [tilespmem:s12+$0x0];
	[tilespmem:s17+$0x0] =	vst v11;
	s17 =	sor.u32 s8, s9  }
0x323: {  	s25 =	sand.u32 $0xFFFFFF80, s23;
	s31 =	sor.u32 $0x10, s30;
	v13 =	vadd.f32 v13, v4;
	[tilespmem:s20+$0x200] =	vst v9;
	s20 =	sand.u32 $0xFFFFFC00, s10;
	v11 =	vld [tilespmem:s17+$0x0];
	v16 =	vmul.f32 $3.200000000e+01, v16  }
0x324: {  	v10 =	vld [tilespmem:s16+$0x0];
	s8 =	sor.u32 s0, s11;
	s11 =	sor.u32 s2, s11;
	s26 =	sadd.s32 s25, s20  }
0x325: {  	v18 =	vld [tilespmem:s11+$0x0];
	[tilespmem:s19+$0x200] =	vst v13;
	s13 =	sor.u32 s31, s26;
	v13 =	vmul.f32 $3.200000000e+01, v14;
	v14 =	vadd.f32 v16, v12  }
0x326: {  	v20 =	vld [tilespmem:s13+$0x200]  }
0x327: {  	s15 =	sor.u32 s6, s9;
	s10 =	sor.u32 $0x30, s30;
	v15 =	vmul.f32 $3.200000000e+01, v15;
	v16 =	vld [tilespmem:s8+$0x0];
	v9 =	vadd.f32 v13, v7;
	[tilespmem:s21+$0x0] =	vst v14  }
0x328: {  	s24 =	sadd.s32 $0x4200, s7;
	v11 =	vmul.f32 $3.200000000e+01, v11;
	s21 =	sor.u32 s10, s26;
	v13 =	vld [tilespmem:s15+$0x0]  }
0x329: {  	s28 =	sor.u32 s5, s24;
	v15 =	vadd.f32 v15, v3;
	v14 =	vld [tilespmem:s21+$0x200];
	[tilespmem:s29+$0x0] =	vst v9  }
0x32a: {  	s14 =	sor.u32 $0x20, s30;
	v10 =	vmul.f32 $3.200000000e+01, v10;
	v8 =	vadd.f32 v11, v8;
	v19 =	vld [tilespmem:s28+$0x0]  }
0x32b: {  	s6 =	sor.u32 s14, s26;
	[tilespmem:s22+$0x0] =	vst v15;
	v11 =	vmul.f32 $3.200000000e+01, v17;
	v9 =	vld [tilespmem:s21+$0x18200]  }
0x32c: {  	v10 =	vadd.f32 v10, v2;
	v15 =	vld [tilespmem:s6+$0x200];
	s29 =	sor.u32 s30, s26;
	[tilespmem:s17+$0x0] =	vst v8;
	v8 =	vmul.f32 $3.200000000e+01, v16  }
0x32d: {  	v18 =	vmul.f32 $3.200000000e+01, v18;
	v17 =	vld [tilespmem:s29+$0x200];
	v11 =	vadd.f32 v11, v5  }
0x32e: {  	[tilespmem:s16+$0x0] =	vst v10;
	v10 =	vld [tilespmem:s13+$0x18200];
	v16 =	vadd.f32 v8, v4;
	v14 =	vmul.f32 $3.200000000e+01, v14  }
0x32f: {  	s19 =	sand.u32 $0x3FFFFF80, s23;
	v18 =	vadd.f32 v18, v6;
	v8 =	vld [tilespmem:s29+$0x18200];
	[tilespmem:s12+$0x0] =	vst v11;
	v19 =	vmul.f32 $3.200000000e+01, v19  }
0x330: {  	s23 =	sor.u32 s0, s24;
	s25 =	sadd.s32 s19, s20;
	v11 =	vld [tilespmem:s6+$0x18200];
	[tilespmem:s8+$0x0] =	vst v16;
	v16 =	vmul.f32 $3.200000000e+01, v13;
	v14 =	vadd.f32 v14, v9  }
0x331: {  	s20 =	smov.u32 s10;
	s26 =	sor.u32 s1, s24;
	[tilespmem:s11+$0x0] =	vst v18;
	s12 =	sadd.s32 $0x2200, s25;
	v19 =	vadd.f32 v19, v7  }
0x332: {  	s19 =	sor.u32 s3, s9;
	s22 =	sadd.s32 $0x6200, s7;
	s8 =	sor.u32 s10, s12;
	v13 =	vld [tilespmem:s26+$0x0];
	v17 =	vmul.f32 $3.200000000e+01, v17;
	[tilespmem:s21+$0x200] =	vst v14;
	v14 =	vadd.f32 v16, v12  }
0x333: {  	s3 =	simm.s32 $0x8;
	s7 =	sor.u32 s5, s22;
	s16 =	sor.u32 s2, s22;
	v18 =	vmul.f32 $3.200000000e+01, v20;
	v15 =	vmul.f32 $3.200000000e+01, v15;
	v16 =	vld [tilespmem:s8+$0x0];
	[tilespmem:s28+$0x0] =	vst v19  }
0x334: {  	s17 =	sor.u32 s4, s9;
	s4 =	simm.s32 $0x400;
	s21 =	sor.u32 s2, s24;
	v19 =	vadd.f32 v17, v8;
	[tilespmem:s15+$0x0] =	vst v14;
	v14 =	vld [tilespmem:s23+$0x0]  }
0x335: {  	s5 =	sor.u32 s30, s12;
	s24 =	sor.u32 s0, s22;
	s2 =	sor.u32 s31, s12;
	v17 =	vadd.f32 v18, v10;
	v18 =	vadd.f32 v15, v11;
	v15 =	vld [tilespmem:s21+$0x0]  }
0x336: {  	s0 =	simm.s32 $0xC;
	s15 =	sor.u32 s1, s22;
	s1 =	sor.u32 s14, s12;
	v12 =	vld [tilespmem:s7+$0x0];
	[tilespmem:s29+$0x200] =	vst v19  }
.LBB2_12:
0x337: {  	[dreg:$0x13] =	wrdreg s24  }
0x338: {  	[dreg:$0x8] =	wrdreg s16;
	s9 =	sshll.u32 s0, $0x7  }
0x339: {  	v19 =	vld [tilespmem:s5+$0x0];
	s3 =	sadd.s32 $0x4, s3;
	s4 =	sadd.s32 $0x200, s4;
	s16 =	smov.u32 s14;
	[tilespmem:s13+$0x200] =	vst v17;
	v13 =	vmul.f32 $3.200000000e+01, v13  }
0x33a: {  	s14 =	smov.u32 s31;
	s18 =	sadd.s32 $0x40, s18;
	s9 =	sand.u32 $0xFFFFE000, s9;
	[tilespmem:s6+$0x200] =	vst v18;
	v17 =	vld [tilespmem:s2+$0x0];
	v16 =	vmul.f32 $3.200000000e+01, v16  }
0x33b: {  	s24 =	smov.u32 s30;
	s31 =	sshll.u32 s3, $0x1;
	s28 =	ssub.s32 s4, s9;
	v18 =	vld [tilespmem:s1+$0x0];
	v12 =	vmul.f32 $3.200000000e+01, v12;
	v13 =	vadd.f32 v13, v5  }
0x33c: {  	s9 =	sand.u32 $0x40, s18;
	s29 =	sand.u32 $0xFFFFFF80, s31;
	v20 =	vld [tilespmem:s17+$0x0];
	s30 =	sand.u32 $0xFFFFFC00, s28;
	v16 =	vadd.f32 v16, v9;
	v14 =	vmul.f32 $3.200000000e+01, v14  }
0x33d: {  	s22 =	sor.u32 $0x30, s9;
	s6 =	sadd.s32 s29, s30;
	v12 =	vadd.f32 v12, v7;
	[tilespmem:s26+$0x0] =	vst v13;
	v13 =	vmul.f32 $3.200000000e+01, v15;
	v15 =	vld [tilespmem:s19+$0x0]  }
0x33e: {  	s10 =	sadd.s32 $0x4200, s25;
	s12 =	sor.u32 s22, s6;
	v7 =	vmov v9;
	v9 =	vmul.f32 $3.200000000e+01, v19;
	[tilespmem:s8+$0x0] =	vst v16;
	v14 =	vadd.f32 v14, v4;
	v16 =	vld [tilespmem:s15+$0x0]  }
0x33f: {  	s8 =	smov.u32 s15;
	v19 =	vld [tilespmem:s12+$0x200];
	v17 =	vmul.f32 $3.200000000e+01, v17;
	[tilespmem:s7+$0x0] =	vst v12;
	s15 =	smov.u32 s20;
	s20 =	sor.u32 s20, s10;
	v13 =	vadd.f32 v13, v6  }
0x340: {  	v18 =	vmul.f32 $3.200000000e+01, v18;
	v12 =	vadd.f32 v9, v8;
	[tilespmem:s23+$0x0] =	vst v14;
	v21 =	vld [tilespmem:s20+$0x0]  }
0x341: {  	s11 =	sor.u32 $0x10, s9;
	s29 =	sor.u32 s9, s6;
	v9 =	vld [tilespmem:s12+$0x18200];
	v14 =	vadd.f32 v17, v10;
	[tilespmem:s21+$0x0] =	vst v13;
	v13 =	vmul.f32 $3.200000000e+01, v20  }
0x342: {  	s28 =	sor.u32 $0x20, s9;
	s13 =	sor.u32 s11, s6;
	v17 =	vld [tilespmem:s29+$0x200];
	[tilespmem:s5+$0x0] =	vst v12;
	v12 =	vadd.f32 v18, v11;
	v15 =	vmul.f32 $3.200000000e+01, v15  }
0x343: {  	s6 =	sor.u32 s28, s6;
	v18 =	vld [tilespmem:s13+$0x200];
	[tilespmem:s2+$0x0] =	vst v14;
	v14 =	vmul.f32 $3.200000000e+01, v16;
	v13 =	vadd.f32 v13, v3  }
0x344: {  	s25 =	sadd.s32 $0x6200, s25;
	s26 =	sor.u32 s24, s10;
	s23 =	sor.u32 s14, s10;
	v19 =	vmul.f32 $3.200000000e+01, v19;
	v16 =	vld [tilespmem:s6+$0x200];
	[tilespmem:s1+$0x0] =	vst v12;
	v12 =	vadd.f32 v15, v2  }
0x345: {  	s7 =	sand.u32 $0x3FFFFF80, s31;
	s21 =	sor.u32 s16, s10;
	s10 =	rddreg [dreg:$0x13];
	v15 =	vmul.f32 $3.200000000e+01, v21;
	v14 =	vadd.f32 v14, v5;
	[tilespmem:s17+$0x0] =	vst v13;
	v5 =	vmov v8;
	v8 =	vld [tilespmem:s29+$0x18200]  }
0x346: {  	s5 =	rddreg [dreg:$0x8];
	v3 =	vmov v4;
	v4 =	vmov v10;
	s17 =	smov.u32 s10;
	s10 =	sadd.s32 s7, s30;
	v13 =	vadd.f32 v19, v9;
	v10 =	vld [tilespmem:s13+$0x18200];
	[tilespmem:s19+$0x0] =	vst v12  }
0x347: {  	p0 =	slt.u32 s3, $0x1FC;
	v2 =	vmov v6;
	v6 =	vmov v11;
	s19 =	smov.u32 s5;
	s7 =	sadd.s32 $0x2200, s10;
	v15 =	vadd.f32 v15, v7;
	v11 =	vld [tilespmem:s6+$0x18200];
	[tilespmem:s8+$0x0] =	vst v14  }
.Ltmp7:
0x348: {  	v12 =	vmul.f32 $3.200000000e+01, v17;
	s5 =	sor.u32 s9, s7;
	[tilespmem:s12+$0x200] =	vst v13;
	s8 =	sor.u32 s22, s7;
	v13 =	vld [tilespmem:s26+$0x0];
	(pc) =	sbr.rel @p0 .LBB2_12-.Ltmp7, $4  }
0x349: {  	v14 =	vmul.f32 $3.200000000e+01, v18;
	s2 =	sor.u32 s11, s7;
	s1 =	sor.u32 s28, s7;
	s7 =	sor.u32 s15, s25;
	v18 =	vmul.f32 $3.200000000e+01, v16;
	v16 =	vld [tilespmem:s8+$0x0];
	[tilespmem:s20+$0x0] =	vst v15  }
0x34a: {  	s0 =	sadd.s32 $0x4, s0;
	s31 =	smov.u32 s11;
	s16 =	sor.u32 s16, s25;
	v15 =	vadd.f32 v12, v8;
	v12 =	vld [tilespmem:s7+$0x0]  }
0x34b: {  	s30 =	smov.u32 s9;
	s15 =	sor.u32 s24, s25;
	s24 =	sor.u32 s14, s25;
	v17 =	vadd.f32 v14, v10;
	v14 =	vld [tilespmem:s23+$0x0]  }
0x34c: {  	s14 =	smov.u32 s28;
	s25 =	smov.u32 s10;
	s20 =	smov.u32 s22;
	[tilespmem:s29+$0x200] =	vst v15;
	v18 =	vadd.f32 v18, v11;
	v15 =	vld [tilespmem:s21+$0x0]  }
0x34d: {  	[tilespmem:s13+$0x200] =	vst v17;
	v39 =	vld [tilespmem:s5+$0x0]  }
0x34e: {  	v19 =	vld [tilespmem:s2+$0x0];
	[tilespmem:s6+$0x200] =	vst v18  }
0x34f: {  	v16 =	vmul.f32 $3.200000000e+01, v16;
	v18 =	vld [tilespmem:s1+$0x0];
	_ =	sdelay $0x1  }
0x350: {  	v16 =	vadd.f32 v16, v9  }
0x351: {  	s0 =	sadd.s32 $0x4200, s25;
	v17 =	vmul.f32 $3.200000000e+01, v39  }
0x352: {  	s3 =	sor.u32 s20, s0;
	[tilespmem:s8+$0x0] =	vst v16;
	v40 =	vmul.f32 $3.200000000e+01, v19  }
0x353: {  	v41 =	vld [tilespmem:s3+$0x0];
	v17 =	vadd.f32 v17, v8;
	v18 =	vmul.f32 $3.200000000e+01, v18  }
0x354: {  	v16 =	vadd.f32 v40, v10  }
0x355: {  	s4 =	sor.u32 s30, s0;
	[tilespmem:s5+$0x0] =	vst v17;
	v42 =	vadd.f32 v18, v11  }
0x356: {  	s13 =	sor.u32 s31, s0;
	[tilespmem:s2+$0x0] =	vst v16;
	v43 =	vld [tilespmem:s4+$0x0]  }
0x357: {  	v13 =	vmul.f32 $3.200000000e+01, v13;
	s0 =	sor.u32 s14, s0;
	[tilespmem:s1+$0x0] =	vst v42;
	v44 =	vld [tilespmem:s13+$0x0]  }
0x358: {  	v45 =	vmul.f32 $3.200000000e+01, v41;
	v46 =	vld [tilespmem:s0+$0x0]  }
0x359: {  	v13 =	vadd.f32 v13, v5;
	v14 =	vmul.f32 $3.200000000e+01, v14  }
0x35a: {  	v20 =	vld [tilespmem:s17+$0x0];
	v15 =	vmul.f32 $3.200000000e+01, v15;
	v18 =	vadd.f32 v45, v9  }
0x35b: {  	v47 =	vld [tilespmem:s19+$0x0];
	s18 =	sadd.s32 $0x6200, s25;
	[tilespmem:s26+$0x0] =	vst v13;
	v14 =	vadd.f32 v14, v4;
	v16 =	vmul.f32 $3.200000000e+01, v43  }
0x35c: {  	s20 =	sor.u32 s20, s18;
	v48 =	vld [tilespmem:s15+$0x0];
	v15 =	vadd.f32 v15, v6;
	[tilespmem:s3+$0x0] =	vst v18;
	v17 =	vmul.f32 $3.200000000e+01, v44  }
0x35d: {  	[tilespmem:s23+$0x0] =	vst v14;
	v49 =	vld [tilespmem:s20+$0x0];
	v16 =	vadd.f32 v16, v8;
	v19 =	vmul.f32 $3.200000000e+01, v46  }
0x35e: {  	v12 =	vmul.f32 $3.200000000e+01, v12;
	[tilespmem:s21+$0x0] =	vst v15;
	v50 =	vld [tilespmem:s24+$0x0];
	v17 =	vadd.f32 v17, v10  }
0x35f: {  	s22 =	sor.u32 s30, s18;
	v51 =	vmul.f32 $3.200000000e+01, v20;
	v52 =	vld [tilespmem:s16+$0x0];
	[tilespmem:s4+$0x0] =	vst v16;
	v19 =	vadd.f32 v19, v11  }
0x360: {  	v7 =	vadd.f32 v12, v7;
	v53 =	vmul.f32 $3.200000000e+01, v47;
	s23 =	sor.u32 s31, s18;
	[tilespmem:s13+$0x0] =	vst v17;
	v54 =	vld [tilespmem:s22+$0x0]  }
0x361: {  	v3 =	vadd.f32 v51, v3;
	v55 =	vmul.f32 $3.200000000e+01, v48;
	s1 =	sor.u32 s14, s18;
	[tilespmem:s0+$0x0] =	vst v19;
	v56 =	vld [tilespmem:s23+$0x0]  }
0x362: {  	[tilespmem:s7+$0x0] =	vst v7;
	v2 =	vadd.f32 v53, v2;
	v57 =	vmul.f32 $3.200000000e+01, v49;
	v58 =	vld [tilespmem:s1+$0x0]  }
0x363: {  	[tilespmem:s17+$0x0] =	vst v3;
	v3 =	vadd.f32 v55, v5;
	v59 =	vmul.f32 $3.200000000e+01, v50  }
0x364: {  	[tilespmem:s19+$0x0] =	vst v2;
	v60 =	vmul.f32 $3.200000000e+01, v52;
	v2 =	vadd.f32 v57, v9  }
0x365: {  	[tilespmem:s15+$0x0] =	vst v3;
	v61 =	vadd.f32 v59, v4;
	v3 =	vmul.f32 $3.200000000e+01, v54  }
0x366: {  	[tilespmem:s20+$0x0] =	vst v2;
	v2 =	vadd.f32 v60, v6;
	v62 =	vmul.f32 $3.200000000e+01, v56  }
0x367: {  	[tilespmem:s24+$0x0] =	vst v61;
	v3 =	vadd.f32 v3, v8;
	v63 =	vmul.f32 $3.200000000e+01, v58  }
0x368: {  	[tilespmem:s16+$0x0] =	vst v2;
	v2 =	vadd.f32 v62, v10  }
0x369: {  	[tilespmem:s22+$0x0] =	vst v3;
	v3 =	vadd.f32 v63, v11  }
0x36a: {  	[tilespmem:s23+$0x0] =	vst v2  }
0x36b: {  	[tilespmem:s1+$0x0] =	vst v3  }
0x36c: {  	s0 =	sld [smem:$0x7FA];
	_ =	sdelay $0x1  }
0x36d: {  	s7 =	simm.s32 $0x0;
	s1 =	simm.s32 $0x200;
	s24 =	sld [smem:$0x7F9]  }
0x36e: {  	[hbm4b:s0+s7] =	stream.linear.scatter [tilespmem:s1], [sflag:$0x4], $0x2000, $0x38;
	[tilespmem:$0x1E200] =	vst v63  }
0x36f: {  	s5 =	simm.s32 $0x2200;
	s25 =	sld [smem:$0x7FB]  }
0x370: {  	[hbm4b:s24+s7] =	stream.linear.scatter [tilespmem:s5], [sflag:$0x4], $0x2000, $0x38;
	[tilespmem:$0x1E200] =	vst v63  }
0x371: {  	s6 =	simm.s32 $0x4200;
	s26 =	sld [smem:$0x7FC]  }
0x372: {  	[hbm4b:s25+s7] =	stream.linear.scatter [tilespmem:s6], [sflag:$0x4], $0x2000, $0x38;
	[tilespmem:$0x1E200] =	vst v63  }
0x373: {  	s28 =	simm.s32 $0x6;
	s8 =	simm.s32 $0x6200  }
0x374: {  	[hbm4b:s26+s7] =	stream.linear.scatter [tilespmem:s8], [sflag:$0x4], $0x2000, $0x38;
	[tilespmem:$0x1E200] =	vst v63  }
0x375: {  	_ =	swait.ge [sflag:s28], $0x2000  }
0x376: {  	[sflag:s28] =	ssyncset.done $0x0  }
0x377: {  	[sflag:s28] =	ssyncadd.s32 $0xFFFFE000  }
0x378: {  	_ =	swait.ge [sflag:s28], $0x2000  }
0x379: {  	[sflag:s28] =	ssyncset.done $0x0  }
0x37a: {  	[sflag:s28] =	ssyncadd.s32 $0xFFFFE000  }
0x37b: {  	_ =	swait.ge [sflag:s28], $0x2000  }
0x37c: {  	[sflag:s28] =	ssyncset.done $0x0  }
0x37d: {  	[sflag:s28] =	ssyncadd.s32 $0xFFFFE000  }
0x37e: {  	_ =	swait.ge [sflag:s28], $0x2000  }
0x37f: {  	[sflag:s28] =	ssyncset.done $0x0  }
0x380: {  	s29 =	simm.s32 $0x4;
	[sflag:s28] =	ssyncadd.s32 $0xFFFFE000  }
0x381: {  	_ =	swait.ge [sflag:s29], $0x2000  }
0x382: {  	[sflag:s29] =	ssyncset.done $0x0  }
0x383: {  	[sflag:s29] =	ssyncadd.s32 $0xFFFFE000  }
0x384: {  	_ =	swait.ge [sflag:s29], $0x2000  }
0x385: {  	[sflag:s29] =	ssyncset.done $0x0  }
0x386: {  	[sflag:s29] =	ssyncadd.s32 $0xFFFFE000  }
0x387: {  	_ =	swait.ge [sflag:s29], $0x2000  }
0x388: {  	[sflag:s29] =	ssyncset.done $0x0  }
0x389: {  	[sflag:s29] =	ssyncadd.s32 $0xFFFFE000  }
0x38a: {  	_ =	swait.ge [sflag:s29], $0x2000  }
0x38b: {  	s30 =	sld [smem:$0x7F8]  }
0x38c: {  	s31 =	sld [smem:$0x7FD];
	_ =	sdelay $0x1  }
0x38d: {  	s3 =	sadd.s32 $0x1, s30  }
0x38e: {  	p0 =	sne.s32 s3, s31  }
.Ltmp8:
0x38f: {  	_ = 	snop;
	(pc) =	sbr.rel @p0 .LBB2_1-.Ltmp8, $3  }
0x390: {  	_ =	sdelay $0x1  }
0x391: {  	[sflag:s29] =	ssyncset.done $0x0  }
0x392: {  	[sflag:s29] =	ssyncadd.s32 $0xFFFFE000  }
0x393: {  	_ =	sfence.sel $0x180000  }
0x394: {  	[bflag:$0x0] =	sbarrier.arrive $0xFFFF  }
0x395: {  	_ =	strace $0x90000047  }
0x396: {  	s0 =	stileid.u32;
	[bflag:$0x2] =	sbarrier.arrive $0xFFFF  }
0x397: {  	p0 =	sne.s32 s0, $0x0;
	s0 =	rddreg [dreg:$0x4]  }
0x398: {  	s0 =	sadd.s32 @!p0 $0x100000, s0  }
0x399: {  	[sflag:s0] =	ssyncadd.tile.s32 @!p0 $0x1;
	_ =	shalt  }
.Lfunc_end2:
_tile_overlayer_lowered:
.L_overlay_start_2:
0x39a: {  	(tag) =	ssettag $0x2  }
0x39b: {  	s0 =	rddreg [dreg:$0x0];
	s2 =	stileid.u32  }
0x39c: {  	s1 =	rddreg [dreg:$0x1];
	p0 =	sne.s32 s2, $0x0  }
0x39d: {  	s3 =	rddreg [dreg:$0x2];
	[bflag:$0x3] =	sbarrier.arrive $0xFFFF;
	s2 =	simm.s32 @!p0 $0x1C07  }
0x39e: {  	[timem:s3], [sflag:s2] =	dma.local @!p0 [hbm:s0], s1  }
0x39f: {  	s0 =	simm.s32 @!p0 $0x7  }
0x3a0: {  	_ =	swait.ge @!p0 [sflag:s0], s1  }
0x3a1: {  	s1 =	ssub.s32 @!p0 $0x0, s1;
	[sflag:s0] =	ssyncset.done @!p0 $0x0  }
0x3a2: {  	[sflag:s0] =	ssyncadd.s32 @!p0 s1  }
0x3a3: {  	[bflag:$0x3] =	sbarrier.arrive $0xFFFF  }
0x3a4: {  	_ =	shalt  }

</sc_bundles>
